<compile_context>
chip_gen: v7x
topology: tpu7x:2x2x1
jax: 0.10.2.dev20260603
libtpu: 0.0.44.dev20260713+nightly
codegen_flags: <defaults>
</compile_context>

<pallas_src>
import functools

import jax
import jax.numpy as jnp
from jax import lax
from jax.experimental import pallas as pl
from jax.experimental.pallas import tpu as pltpu
from jax.experimental.pallas import tpu_sc as plsc

NUM_FIELDS = 26
VOCAB = 1000
EMB = 32
BATCH = 4096

_INFO = plsc.get_sparse_core_info()
_NC, _NS, _L = _INFO.num_cores, _INFO.num_subcores, _INFO.num_lanes
_NW = _NC * _NS
_EROWS = NUM_FIELDS * EMB
_G = 8
_NGROUPS = _EROWS // _G
_BH = BATCH // 2
_NTASKS = _NGROUPS * 2
_SLOTS = 7


def _make_kernel():
  mesh = plsc.VectorSubcoreMesh(core_axis_name="c", subcore_axis_name="s")

  @functools.partial(
      pl.kernel,
      out_type=jax.ShapeDtypeStruct((_EROWS, BATCH), jnp.float32),
      mesh=mesh,
      scratch_types=[
          [pltpu.VMEM((_G, VOCAB), jnp.float32)] * 2,
          [pltpu.VMEM((_BH,), jnp.int32)] * 2,
          [pltpu.VMEM((_G, _BH), jnp.float32)] * 2,
          [pltpu.SemaphoreType.DMA] * 2,
          [pltpu.SemaphoreType.DMA] * 2,
      ],
      compiler_params=pltpu.CompilerParams(
          use_tc_tiling_on_sc=False, needs_layout_passes=False
      ),
  )
  def body(tabT_hbm, sfT_hbm, outT_hbm, tabbufs, idxbufs, rowbufs, lsems, wsems):
    wid = lax.axis_index("s") * _NC + lax.axis_index("c")

    esplat = [jnp.full((_L,), e, jnp.int32) for e in range(_G)]

    def task_of(slot):
      t = jnp.minimum(wid + slot * _NW, _NTASKS - 1)
      return t // 2, t % 2

    def prefetch(slot):
      g, h = task_of(slot)
      f = g // (EMB // _G)
      e8 = (g % (EMB // _G)) * _G
      p = slot % 2
      return (
          pltpu.async_copy(
              tabT_hbm.at[f, pl.ds(e8, _G)], tabbufs[p], lsems[p]
          ),
          pltpu.async_copy(
              sfT_hbm.at[f, pl.ds(h * _BH, _BH)], idxbufs[p], lsems[p]
          ),
      )

    writes = [None, None]
    loads = prefetch(0)

    for slot in range(_SLOTS):
      g, h = task_of(slot)
      p = slot % 2
      tabbuf, idxbuf, rowbuf = tabbufs[p], idxbufs[p], rowbufs[p]

      for c in loads:
        c.wait()
      if slot + 1 < _SLOTS:
        loads = prefetch(slot + 1)

      if writes[p] is not None:
        writes[p].wait()

      @plsc.parallel_loop(0, _BH // _L, unroll=8)
      def _gather_loop(i):
        off = i * _L
        idx16 = idxbuf[pl.ds(off, _L)]
        for e in range(_G):
          rowbuf[e, pl.ds(off, _L)] = plsc.load_gather(
              tabbuf, [esplat[e], idx16]
          )

      writes[p] = pltpu.async_copy(
          rowbuf,
          outT_hbm.at[pl.ds(g * _G, _G), pl.ds(h * _BH, _BH)],
          wsems[p],
      )

    for wcopy in writes:
      if wcopy is not None:
        wcopy.wait()

  return body


_gather_kernel = _make_kernel()


@jax.jit
def kernel(sparse_features, tables):
  tabT = jnp.swapaxes(tables, 1, 2)
  sfT = sparse_features.T
  outT = _gather_kernel(tabT, sfT)
  return outT.T

# --- scband reference (transcript-rebuilt; emitter-appended) ---
"""Pipeline reference for scband-wide-component-68908455297654 (READ-ONLY COPY).

The authoritative reference and input builder live on the scoring server;
editing this copy changes nothing except your own understanding.
"""

import jax, jax.numpy as jnp
import numpy as np

NUM_FIELDS = 26
VOCAB = 1000
EMB = 32
BATCH = 4096


def setup_inputs(seed: int = 0) -> dict:
    key = jax.random.key(seed)
    k_idx, k_tab = jax.random.split(key)
    sparse_features = jax.random.randint(k_idx, (BATCH, NUM_FIELDS), 0, VOCAB, dtype=jnp.int32)
    # Stacked embedding tables: one table of shape (VOCAB, EMB) per sparse field.
    tables = jax.random.normal(k_tab, (NUM_FIELDS, VOCAB, EMB), dtype=jnp.float32) * 0.02
    return {"sparse_features": sparse_features, "tables": tables}


def reference(sparse_features, tables):
    # Faithful translation of WideComponent.forward: per-field embedding lookup + concat.
    embedded = []
    for i in range(NUM_FIELDS):
        embedded.append(jnp.take(tables[i], sparse_features[:, i], axis=0))
    wide_out = jnp.concatenate(embedded, axis=1)  # (BATCH, NUM_FIELDS * EMB)
    return wide_out

if __name__ == "__main__":
    import jax
    _d = setup_inputs()
    print(jax.jit(kernel)(*tuple(_d.values())))

</pallas_src>

<mosaic_0001>
#map = affine_map<(d0, d1) -> (0, 0, 0)>
#map1 = affine_map<(d0, d1) -> (0, 0)>
module attributes {stable_mosaic.version = 14 : i64} {
  func.func @body(%arg0: i32, %arg1: i32, %arg2: memref<26x32x1000xf32, #tpu.memory_space<hbm>>, %arg3: memref<26x4096xi32, #tpu.memory_space<hbm>>, %arg4: memref<832x4096xf32, #tpu.memory_space<hbm>>, %arg5: memref<8x1000xf32, #tpu.memory_space<vmem>>, %arg6: memref<8x1000xf32, #tpu.memory_space<vmem>>, %arg7: memref<2048xi32, #tpu.memory_space<vmem>>, %arg8: memref<2048xi32, #tpu.memory_space<vmem>>, %arg9: memref<8x2048xf32, #tpu.memory_space<vmem>>, %arg10: memref<8x2048xf32, #tpu.memory_space<vmem>>, %arg11: memref<!tpu.dma_semaphore, #tpu.memory_space<semaphore_mem>>, %arg12: memref<!tpu.dma_semaphore, #tpu.memory_space<semaphore_mem>>, %arg13: memref<!tpu.dma_semaphore, #tpu.memory_space<semaphore_mem>>, %arg14: memref<!tpu.dma_semaphore, #tpu.memory_space<semaphore_mem>>) attributes {dimension_semantics = [#tpu.dimension_semantics<core_parallel>, #tpu.dimension_semantics<subcore_parallel>], iteration_bounds = array<i64: 2, 16>, scalar_prefetch = 0 : i64, scratch_operands = 10 : i64, tpu.core_type = #tpu.core_type<sc_vector_subcore>, window_params = [{transform_indices = #map}, {transform_indices = #map1}, {transform_indices = #map1}]} {
    %mul3A = arith.constant 2 : i32
    %mul3A_0 = arith.muli %arg1, %mul3A : i32
    %add3A = arith.addi %mul3A_0, %arg0 : i32
    %broadcast_in_dim3A = arith.constant 0 : i32
    %broadcast_in_dim3A_1 = vector.broadcast %broadcast_in_dim3A : i32 to vector<16xi32>
    %broadcast_in_dim3A_2 = arith.constant 1 : i32
    %broadcast_in_dim3A_3 = vector.broadcast %broadcast_in_dim3A_2 : i32 to vector<16xi32>
    %broadcast_in_dim3A_4 = arith.constant 2 : i32
    %broadcast_in_dim3A_5 = vector.broadcast %broadcast_in_dim3A_4 : i32 to vector<16xi32>
    %broadcast_in_dim3A_6 = arith.constant 3 : i32
    %broadcast_in_dim3A_7 = vector.broadcast %broadcast_in_dim3A_6 : i32 to vector<16xi32>
    %broadcast_in_dim3A_8 = arith.constant 4 : i32
    %broadcast_in_dim3A_9 = vector.broadcast %broadcast_in_dim3A_8 : i32 to vector<16xi32>
    %broadcast_in_dim3A_10 = arith.constant 5 : i32
    %broadcast_in_dim3A_11 = vector.broadcast %broadcast_in_dim3A_10 : i32 to vector<16xi32>
    %broadcast_in_dim3A_12 = arith.constant 6 : i32
    %broadcast_in_dim3A_13 = vector.broadcast %broadcast_in_dim3A_12 : i32 to vector<16xi32>
    %broadcast_in_dim3A_14 = arith.constant 7 : i32
    %broadcast_in_dim3A_15 = vector.broadcast %broadcast_in_dim3A_14 : i32 to vector<16xi32>
    %add3A_16 = arith.constant 0 : i32
    %add3A_17 = arith.addi %add3A, %add3A_16 : i32
    %min3A = arith.constant 207 : i32
    %min3A_18 = arith.minsi %add3A_17, %min3A : i32
    %jit3A = arith.constant 2 : i32
    %div3A = arith.divsi %min3A_18, %jit3A : i32
    %sign3A = arith.constant 0 : i32
    %sign3A_19 = arith.cmpi sgt, %min3A_18, %sign3A : i32
    %sign3A_20 = arith.extui %sign3A_19 : i1 to i32
    %sign3A_21 = arith.constant 0 : i32
    %sign3A_22 = arith.cmpi slt, %min3A_18, %sign3A_21 : i32
    %sign3A_23 = arith.extui %sign3A_22 : i1 to i32
    %sign3A_24 = arith.subi %sign3A_20, %sign3A_23 : i32
    %sign3A_25 = arith.constant 0 : i32
    %sign3A_26 = arith.cmpi sgt, %jit3A, %sign3A_25 : i32
    %sign3A_27 = arith.extui %sign3A_26 : i1 to i32
    %sign3A_28 = arith.constant 0 : i32
    %sign3A_29 = arith.cmpi slt, %jit3A, %sign3A_28 : i32
    %sign3A_30 = arith.extui %sign3A_29 : i1 to i32
    %sign3A_31 = arith.subi %sign3A_27, %sign3A_30 : i32
    %ne3A = arith.cmpi ne, %sign3A_24, %sign3A_31 : i32
    %rem3A = arith.remsi %min3A_18, %jit3A : i32
    %ne3A_32 = arith.constant 0 : i32
    %ne3A_33 = arith.cmpi ne, %rem3A, %ne3A_32 : i32
    %and3A = arith.andi %ne3A, %ne3A_33 : i1
    %sub3A = arith.constant 1 : i32
    %sub3A_34 = arith.subi %div3A, %sub3A : i32
    %select_n3A = arith.select %and3A, %sub3A_34, %div3A : i32
    %jit3A_35 = arith.constant 2 : i32
    %eq3A = arith.constant 0 : i32
    %eq3A_36 = arith.cmpi eq, %jit3A_35, %eq3A : i32
    %jit3A_37 = arith.constant 1 : i32
    %select_n3A_38 = arith.select %eq3A_36, %jit3A_37, %jit3A_35 : i32
    %rem3A_39 = arith.remsi %min3A_18, %select_n3A_38 : i32
    %ne3A_40 = arith.constant 0 : i32
    %ne3A_41 = arith.cmpi ne, %rem3A_39, %ne3A_40 : i32
    %lt3A = arith.constant 0 : i32
    %lt3A_42 = arith.cmpi slt, %rem3A_39, %lt3A : i32
    %lt3A_43 = arith.constant 0 : i32
    %lt3A_44 = arith.cmpi slt, %select_n3A_38, %lt3A_43 : i32
    %ne3A_45 = arith.xori %lt3A_42, %lt3A_44 : i1
    %and3A_46 = arith.andi %ne3A_45, %ne3A_41 : i1
    %add3A_47 = arith.addi %rem3A_39, %select_n3A_38 : i32
    %select_n3A_48 = arith.select %and3A_46, %add3A_47, %rem3A_39 : i32
    %jit3A_49 = arith.constant 4 : i32
    %div3A_50 = arith.divsi %select_n3A, %jit3A_49 : i32
    %sign3A_51 = arith.constant 0 : i32
    %sign3A_52 = arith.cmpi sgt, %select_n3A, %sign3A_51 : i32
    %sign3A_53 = arith.extui %sign3A_52 : i1 to i32
    %sign3A_54 = arith.constant 0 : i32
    %sign3A_55 = arith.cmpi slt, %select_n3A, %sign3A_54 : i32
    %sign3A_56 = arith.extui %sign3A_55 : i1 to i32
    %sign3A_57 = arith.subi %sign3A_53, %sign3A_56 : i32
    %sign3A_58 = arith.constant 0 : i32
    %sign3A_59 = arith.cmpi sgt, %jit3A_49, %sign3A_58 : i32
    %sign3A_60 = arith.extui %sign3A_59 : i1 to i32
    %sign3A_61 = arith.constant 0 : i32
    %sign3A_62 = arith.cmpi slt, %jit3A_49, %sign3A_61 : i32
    %sign3A_63 = arith.extui %sign3A_62 : i1 to i32
    %sign3A_64 = arith.subi %sign3A_60, %sign3A_63 : i32
    %ne3A_65 = arith.cmpi ne, %sign3A_57, %sign3A_64 : i32
    %rem3A_66 = arith.remsi %select_n3A, %jit3A_49 : i32
    %ne3A_67 = arith.constant 0 : i32
    %ne3A_68 = arith.cmpi ne, %rem3A_66, %ne3A_67 : i32
    %and3A_69 = arith.andi %ne3A_65, %ne3A_68 : i1
    %sub3A_70 = arith.constant 1 : i32
    %sub3A_71 = arith.subi %div3A_50, %sub3A_70 : i32
    %select_n3A_72 = arith.select %and3A_69, %sub3A_71, %div3A_50 : i32
    %jit3A_73 = arith.constant 4 : i32
    %eq3A_74 = arith.constant 0 : i32
    %eq3A_75 = arith.cmpi eq, %jit3A_73, %eq3A_74 : i32
    %jit3A_76 = arith.constant 1 : i32
    %select_n3A_77 = arith.select %eq3A_75, %jit3A_76, %jit3A_73 : i32
    %rem3A_78 = arith.remsi %select_n3A, %select_n3A_77 : i32
    %ne3A_79 = arith.constant 0 : i32
    %ne3A_80 = arith.cmpi ne, %rem3A_78, %ne3A_79 : i32
    %lt3A_81 = arith.constant 0 : i32
    %lt3A_82 = arith.cmpi slt, %rem3A_78, %lt3A_81 : i32
    %lt3A_83 = arith.constant 0 : i32
    %lt3A_84 = arith.cmpi slt, %select_n3A_77, %lt3A_83 : i32
    %ne3A_85 = arith.xori %lt3A_82, %lt3A_84 : i1
    %and3A_86 = arith.andi %ne3A_85, %ne3A_80 : i1
    %add3A_87 = arith.addi %rem3A_78, %select_n3A_77 : i32
    %select_n3A_88 = arith.select %and3A_86, %add3A_87, %rem3A_78 : i32
    %mul3A_89 = arith.constant 8 : i32
    %mul3A_90 = arith.muli %select_n3A_88, %mul3A_89 : i32
    %dma_start3A = arith.constant 0 : i32
    %dma_start3A_91 = tpu.memref_slice %arg2[%select_n3A_72, %mul3A_90, %dma_start3A] : memref<26x32x1000xf32, #tpu.memory_space<hbm>> -> memref<1x8x1000xf32, #tpu.memory_space<hbm>>
    %dma_start3A_92 = tpu.memref_squeeze %dma_start3A_91 : memref<1x8x1000xf32, #tpu.memory_space<hbm>> -> memref<8x1000xf32, #tpu.memory_space<hbm>>
    %dma_start3A_93 = arith.constant 0 : i32
    %dma_start3A_94 = tpu.memref_slice %arg2[%select_n3A_72, %mul3A_90, %dma_start3A_93] : memref<26x32x1000xf32, #tpu.memory_space<hbm>> -> memref<1x8x1000xf32, #tpu.memory_space<hbm>>
    %dma_start3A_95 = tpu.memref_squeeze %dma_start3A_94 : memref<1x8x1000xf32, #tpu.memory_space<hbm>> -> memref<8x1000xf32, #tpu.memory_space<hbm>>
    tpu.enqueue_dma source(%dma_start3A_95 : memref<8x1000xf32, #tpu.memory_space<hbm>>) target(%arg5 : memref<8x1000xf32, #tpu.memory_space<vmem>>) target_semaphore(%arg11 : memref<!tpu.dma_semaphore, #tpu.memory_space<semaphore_mem>>)
    %mul3A_96 = arith.constant 2048 : i32
    %mul3A_97 = arith.muli %select_n3A_48, %mul3A_96 : i32
    %dma_start3A_98 = tpu.memref_slice %arg3[%select_n3A_72, %mul3A_97] : memref<26x4096xi32, #tpu.memory_space<hbm>> -> memref<1x2048xi32, #tpu.memory_space<hbm>>
    %dma_start3A_99 = tpu.memref_squeeze %dma_start3A_98 : memref<1x2048xi32, #tpu.memory_space<hbm>> -> memref<2048xi32, #tpu.memory_space<hbm>>
    %dma_start3A_100 = tpu.memref_slice %arg3[%select_n3A_72, %mul3A_97] : memref<26x4096xi32, #tpu.memory_space<hbm>> -> memref<1x2048xi32, #tpu.memory_space<hbm>>
    %dma_start3A_101 = tpu.memref_squeeze %dma_start3A_100 : memref<1x2048xi32, #tpu.memory_space<hbm>> -> memref<2048xi32, #tpu.memory_space<hbm>>
    tpu.enqueue_dma source(%dma_start3A_101 : memref<2048xi32, #tpu.memory_space<hbm>>) target(%arg7 : memref<2048xi32, #tpu.memory_space<vmem>>) target_semaphore(%arg11 : memref<!tpu.dma_semaphore, #tpu.memory_space<semaphore_mem>>)
    %add3A_102 = arith.constant 0 : i32
    %add3A_103 = arith.addi %add3A, %add3A_102 : i32
    %min3A_104 = arith.constant 207 : i32
    %min3A_105 = arith.minsi %add3A_103, %min3A_104 : i32
    %jit3A_106 = arith.constant 2 : i32
    %div3A_107 = arith.divsi %min3A_105, %jit3A_106 : i32
    %sign3A_108 = arith.constant 0 : i32
    %sign3A_109 = arith.cmpi sgt, %min3A_105, %sign3A_108 : i32
    %sign3A_110 = arith.extui %sign3A_109 : i1 to i32
    %sign3A_111 = arith.constant 0 : i32
    %sign3A_112 = arith.cmpi slt, %min3A_105, %sign3A_111 : i32
    %sign3A_113 = arith.extui %sign3A_112 : i1 to i32
    %sign3A_114 = arith.subi %sign3A_110, %sign3A_113 : i32
    %sign3A_115 = arith.constant 0 : i32
    %sign3A_116 = arith.cmpi sgt, %jit3A_106, %sign3A_115 : i32
    %sign3A_117 = arith.extui %sign3A_116 : i1 to i32
    %sign3A_118 = arith.constant 0 : i32
    %sign3A_119 = arith.cmpi slt, %jit3A_106, %sign3A_118 : i32
    %sign3A_120 = arith.extui %sign3A_119 : i1 to i32
    %sign3A_121 = arith.subi %sign3A_117, %sign3A_120 : i32
    %ne3A_122 = arith.cmpi ne, %sign3A_114, %sign3A_121 : i32
    %rem3A_123 = arith.remsi %min3A_105, %jit3A_106 : i32
    %ne3A_124 = arith.constant 0 : i32
    %ne3A_125 = arith.cmpi ne, %rem3A_123, %ne3A_124 : i32
    %and3A_126 = arith.andi %ne3A_122, %ne3A_125 : i1
    %sub3A_127 = arith.constant 1 : i32
    %sub3A_128 = arith.subi %div3A_107, %sub3A_127 : i32
    %select_n3A_129 = arith.select %and3A_126, %sub3A_128, %div3A_107 : i32
    %jit3A_130 = arith.constant 2 : i32
    %eq3A_131 = arith.constant 0 : i32
    %eq3A_132 = arith.cmpi eq, %jit3A_130, %eq3A_131 : i32
    %jit3A_133 = arith.constant 1 : i32
    %select_n3A_134 = arith.select %eq3A_132, %jit3A_133, %jit3A_130 : i32
    %rem3A_135 = arith.remsi %min3A_105, %select_n3A_134 : i32
    %ne3A_136 = arith.constant 0 : i32
    %ne3A_137 = arith.cmpi ne, %rem3A_135, %ne3A_136 : i32
    %lt3A_138 = arith.constant 0 : i32
    %lt3A_139 = arith.cmpi slt, %rem3A_135, %lt3A_138 : i32
    %lt3A_140 = arith.constant 0 : i32
    %lt3A_141 = arith.cmpi slt, %select_n3A_134, %lt3A_140 : i32
    %ne3A_142 = arith.xori %lt3A_139, %lt3A_141 : i1
    %and3A_143 = arith.andi %ne3A_142, %ne3A_137 : i1
    %add3A_144 = arith.addi %rem3A_135, %select_n3A_134 : i32
    %select_n3A_145 = arith.select %and3A_143, %add3A_144, %rem3A_135 : i32
    %dma_wait3A = arith.constant 0 : i32
    %dma_wait3A_146 = tpu.memref_slice %arg2[%select_n3A_72, %mul3A_90, %dma_wait3A] : memref<26x32x1000xf32, #tpu.memory_space<hbm>> -> memref<1x8x1000xf32, #tpu.memory_space<hbm>>
    %dma_wait3A_147 = tpu.memref_squeeze %dma_wait3A_146 : memref<1x8x1000xf32, #tpu.memory_space<hbm>> -> memref<8x1000xf32, #tpu.memory_space<hbm>>
    %dma_wait3A_148 = arith.constant 0 : i32
    %dma_wait3A_149 = tpu.memref_slice %arg2[%select_n3A_72, %mul3A_90, %dma_wait3A_148] : memref<26x32x1000xf32, #tpu.memory_space<hbm>> -> memref<1x8x1000xf32, #tpu.memory_space<hbm>>
    %dma_wait3A_150 = tpu.memref_squeeze %dma_wait3A_149 : memref<1x8x1000xf32, #tpu.memory_space<hbm>> -> memref<8x1000xf32, #tpu.memory_space<hbm>>
    tpu.wait_dma2 semaphore(%arg11 : memref<!tpu.dma_semaphore, #tpu.memory_space<semaphore_mem>>) src(%dma_wait3A_150 : memref<8x1000xf32, #tpu.memory_space<hbm>>) dst(%arg5 : memref<8x1000xf32, #tpu.memory_space<vmem>>)
    %dma_wait3A_151 = tpu.memref_slice %arg3[%select_n3A_72, %mul3A_97] : memref<26x4096xi32, #tpu.memory_space<hbm>> -> memref<1x2048xi32, #tpu.memory_space<hbm>>
    %dma_wait3A_152 = tpu.memref_squeeze %dma_wait3A_151 : memref<1x2048xi32, #tpu.memory_space<hbm>> -> memref<2048xi32, #tpu.memory_space<hbm>>
    %dma_wait3A_153 = tpu.memref_slice %arg3[%select_n3A_72, %mul3A_97] : memref<26x4096xi32, #tpu.memory_space<hbm>> -> memref<1x2048xi32, #tpu.memory_space<hbm>>
    %dma_wait3A_154 = tpu.memref_squeeze %dma_wait3A_153 : memref<1x2048xi32, #tpu.memory_space<hbm>> -> memref<2048xi32, #tpu.memory_space<hbm>>
    tpu.wait_dma2 semaphore(%arg11 : memref<!tpu.dma_semaphore, #tpu.memory_space<semaphore_mem>>) src(%dma_wait3A_154 : memref<2048xi32, #tpu.memory_space<hbm>>) dst(%arg7 : memref<2048xi32, #tpu.memory_space<vmem>>)
    %add3A_155 = arith.constant 32 : i32
    %add3A_156 = arith.addi %add3A, %add3A_155 : i32
    %min3A_157 = arith.constant 207 : i32
    %min3A_158 = arith.minsi %add3A_156, %min3A_157 : i32
    %jit3A_159 = arith.constant 2 : i32
    %div3A_160 = arith.divsi %min3A_158, %jit3A_159 : i32
    %sign3A_161 = arith.constant 0 : i32
    %sign3A_162 = arith.cmpi sgt, %min3A_158, %sign3A_161 : i32
    %sign3A_163 = arith.extui %sign3A_162 : i1 to i32
    %sign3A_164 = arith.constant 0 : i32
    %sign3A_165 = arith.cmpi slt, %min3A_158, %sign3A_164 : i32
    %sign3A_166 = arith.extui %sign3A_165 : i1 to i32
    %sign3A_167 = arith.subi %sign3A_163, %sign3A_166 : i32
    %sign3A_168 = arith.constant 0 : i32
    %sign3A_169 = arith.cmpi sgt, %jit3A_159, %sign3A_168 : i32
    %sign3A_170 = arith.extui %sign3A_169 : i1 to i32
    %sign3A_171 = arith.constant 0 : i32
    %sign3A_172 = arith.cmpi slt, %jit3A_159, %sign3A_171 : i32
    %sign3A_173 = arith.extui %sign3A_172 : i1 to i32
    %sign3A_174 = arith.subi %sign3A_170, %sign3A_173 : i32
    %ne3A_175 = arith.cmpi ne, %sign3A_167, %sign3A_174 : i32
    %rem3A_176 = arith.remsi %min3A_158, %jit3A_159 : i32
    %ne3A_177 = arith.constant 0 : i32
    %ne3A_178 = arith.cmpi ne, %rem3A_176, %ne3A_177 : i32
    %and3A_179 = arith.andi %ne3A_175, %ne3A_178 : i1
    %sub3A_180 = arith.constant 1 : i32
    %sub3A_181 = arith.subi %div3A_160, %sub3A_180 : i32
    %select_n3A_182 = arith.select %and3A_179, %sub3A_181, %div3A_160 : i32
    %jit3A_183 = arith.constant 2 : i32
    %eq3A_184 = arith.constant 0 : i32
    %eq3A_185 = arith.cmpi eq, %jit3A_183, %eq3A_184 : i32
    %jit3A_186 = arith.constant 1 : i32
    %select_n3A_187 = arith.select %eq3A_185, %jit3A_186, %jit3A_183 : i32
    %rem3A_188 = arith.remsi %min3A_158, %select_n3A_187 : i32
    %ne3A_189 = arith.constant 0 : i32
    %ne3A_190 = arith.cmpi ne, %rem3A_188, %ne3A_189 : i32
    %lt3A_191 = arith.constant 0 : i32
    %lt3A_192 = arith.cmpi slt, %rem3A_188, %lt3A_191 : i32
    %lt3A_193 = arith.constant 0 : i32
    %lt3A_194 = arith.cmpi slt, %select_n3A_187, %lt3A_193 : i32
    %ne3A_195 = arith.xori %lt3A_192, %lt3A_194 : i1
    %and3A_196 = arith.andi %ne3A_195, %ne3A_190 : i1
    %add3A_197 = arith.addi %rem3A_188, %select_n3A_187 : i32
    %select_n3A_198 = arith.select %and3A_196, %add3A_197, %rem3A_188 : i32
    %jit3A_199 = arith.constant 4 : i32
    %div3A_200 = arith.divsi %select_n3A_182, %jit3A_199 : i32
    %sign3A_201 = arith.constant 0 : i32
    %sign3A_202 = arith.cmpi sgt, %select_n3A_182, %sign3A_201 : i32
    %sign3A_203 = arith.extui %sign3A_202 : i1 to i32
    %sign3A_204 = arith.constant 0 : i32
    %sign3A_205 = arith.cmpi slt, %select_n3A_182, %sign3A_204 : i32
    %sign3A_206 = arith.extui %sign3A_205 : i1 to i32
    %sign3A_207 = arith.subi %sign3A_203, %sign3A_206 : i32
    %sign3A_208 = arith.constant 0 : i32
    %sign3A_209 = arith.cmpi sgt, %jit3A_199, %sign3A_208 : i32
    %sign3A_210 = arith.extui %sign3A_209 : i1 to i32
    %sign3A_211 = arith.constant 0 : i32
    %sign3A_212 = arith.cmpi slt, %jit3A_199, %sign3A_211 : i32
    %sign3A_213 = arith.extui %sign3A_212 : i1 to i32
    %sign3A_214 = arith.subi %sign3A_210, %sign3A_213 : i32
    %ne3A_215 = arith.cmpi ne, %sign3A_207, %sign3A_214 : i32
    %rem3A_216 = arith.remsi %select_n3A_182, %jit3A_199 : i32
    %ne3A_217 = arith.constant 0 : i32
    %ne3A_218 = arith.cmpi ne, %rem3A_216, %ne3A_217 : i32
    %and3A_219 = arith.andi %ne3A_215, %ne3A_218 : i1
    %sub3A_220 = arith.constant 1 : i32
    %sub3A_221 = arith.subi %div3A_200, %sub3A_220 : i32
    %select_n3A_222 = arith.select %and3A_219, %sub3A_221, %div3A_200 : i32
    %jit3A_223 = arith.constant 4 : i32
    %eq3A_224 = arith.constant 0 : i32
    %eq3A_225 = arith.cmpi eq, %jit3A_223, %eq3A_224 : i32
    %jit3A_226 = arith.constant 1 : i32
    %select_n3A_227 = arith.select %eq3A_225, %jit3A_226, %jit3A_223 : i32
    %rem3A_228 = arith.remsi %select_n3A_182, %select_n3A_227 : i32
    %ne3A_229 = arith.constant 0 : i32
    %ne3A_230 = arith.cmpi ne, %rem3A_228, %ne3A_229 : i32
    %lt3A_231 = arith.constant 0 : i32
    %lt3A_232 = arith.cmpi slt, %rem3A_228, %lt3A_231 : i32
    %lt3A_233 = arith.constant 0 : i32
    %lt3A_234 = arith.cmpi slt, %select_n3A_227, %lt3A_233 : i32
    %ne3A_235 = arith.xori %lt3A_232, %lt3A_234 : i1
    %and3A_236 = arith.andi %ne3A_235, %ne3A_230 : i1
    %add3A_237 = arith.addi %rem3A_228, %select_n3A_227 : i32
    %select_n3A_238 = arith.select %and3A_236, %add3A_237, %rem3A_228 : i32
    %mul3A_239 = arith.constant 8 : i32
    %mul3A_240 = arith.muli %select_n3A_238, %mul3A_239 : i32
    %dma_start3A_241 = arith.constant 0 : i32
    %dma_start3A_242 = tpu.memref_slice %arg2[%select_n3A_222, %mul3A_240, %dma_start3A_241] : memref<26x32x1000xf32, #tpu.memory_space<hbm>> -> memref<1x8x1000xf32, #tpu.memory_space<hbm>>
    %dma_start3A_243 = tpu.memref_squeeze %dma_start3A_242 : memref<1x8x1000xf32, #tpu.memory_space<hbm>> -> memref<8x1000xf32, #tpu.memory_space<hbm>>
    %dma_start3A_244 = arith.constant 0 : i32
    %dma_start3A_245 = tpu.memref_slice %arg2[%select_n3A_222, %mul3A_240, %dma_start3A_244] : memref<26x32x1000xf32, #tpu.memory_space<hbm>> -> memref<1x8x1000xf32, #tpu.memory_space<hbm>>
    %dma_start3A_246 = tpu.memref_squeeze %dma_start3A_245 : memref<1x8x1000xf32, #tpu.memory_space<hbm>> -> memref<8x1000xf32, #tpu.memory_space<hbm>>
    tpu.enqueue_dma source(%dma_start3A_246 : memref<8x1000xf32, #tpu.memory_space<hbm>>) target(%arg6 : memref<8x1000xf32, #tpu.memory_space<vmem>>) target_semaphore(%arg12 : memref<!tpu.dma_semaphore, #tpu.memory_space<semaphore_mem>>)
    %mul3A_247 = arith.constant 2048 : i32
    %mul3A_248 = arith.muli %select_n3A_198, %mul3A_247 : i32
    %dma_start3A_249 = tpu.memref_slice %arg3[%select_n3A_222, %mul3A_248] : memref<26x4096xi32, #tpu.memory_space<hbm>> -> memref<1x2048xi32, #tpu.memory_space<hbm>>
    %dma_start3A_250 = tpu.memref_squeeze %dma_start3A_249 : memref<1x2048xi32, #tpu.memory_space<hbm>> -> memref<2048xi32, #tpu.memory_space<hbm>>
    %dma_start3A_251 = tpu.memref_slice %arg3[%select_n3A_222, %mul3A_248] : memref<26x4096xi32, #tpu.memory_space<hbm>> -> memref<1x2048xi32, #tpu.memory_space<hbm>>
    %dma_start3A_252 = tpu.memref_squeeze %dma_start3A_251 : memref<1x2048xi32, #tpu.memory_space<hbm>> -> memref<2048xi32, #tpu.memory_space<hbm>>
    tpu.enqueue_dma source(%dma_start3A_252 : memref<2048xi32, #tpu.memory_space<hbm>>) target(%arg8 : memref<2048xi32, #tpu.memory_space<vmem>>) target_semaphore(%arg12 : memref<!tpu.dma_semaphore, #tpu.memory_space<semaphore_mem>>)
    %parallel_loop3A = arith.constant 0 : i32
    %parallel_loop3A_253 = arith.constant 128 : i32
    %parallel_loop3A_254 = arith.constant 1 : i32
    scf.for %parallel_loop3A_1143 = %parallel_loop3A to %parallel_loop3A_253 step %parallel_loop3A_254  : i32 {
      %parallel_loop3A_1144 = arith.constant 16 : i32
      %parallel_loop3A_1145 = arith.muli %parallel_loop3A_1143, %parallel_loop3A_1144 : i32
      %parallel_loop3A_1146 = arith.index_cast %parallel_loop3A_1145 : i32 to index
      %parallel_loop3A_1147 = tpu.vector_load %arg7[%parallel_loop3A_1146] {strides = array<i32>} : memref<2048xi32, #tpu.memory_space<vmem>>, vector<16xi32>,
      %parallel_loop3A_1148 = tpu.vector_load_idx %arg5[%broadcast_in_dim3A_1, %parallel_loop3A_1147] : memref<8x1000xf32, #tpu.memory_space<vmem>>[vector<16xi32>, vector<16xi32>], vector<16xf32>,
      %parallel_loop3A_1149 = arith.constant 0 : i32
      %parallel_loop3A_1150 = arith.index_cast %parallel_loop3A_1149 : i32 to index
      %parallel_loop3A_1151 = arith.index_cast %parallel_loop3A_1145 : i32 to index
      %parallel_loop3A_1152 = tpu.vector_load %arg9[%parallel_loop3A_1150, %parallel_loop3A_1151] {strides = array<i32>} : memref<8x2048xf32, #tpu.memory_space<vmem>>, vector<16xf32>,
      tpu.vector_store %arg9[%parallel_loop3A_1150, %parallel_loop3A_1151], %parallel_loop3A_1148 {strides = array<i32>} : memref<8x2048xf32, #tpu.memory_space<vmem>>, vector<16xf32>,
      %parallel_loop3A_1153 = tpu.vector_load_idx %arg5[%broadcast_in_dim3A_3, %parallel_loop3A_1147] : memref<8x1000xf32, #tpu.memory_space<vmem>>[vector<16xi32>, vector<16xi32>], vector<16xf32>,
      %parallel_loop3A_1154 = arith.constant 1 : i32
      %parallel_loop3A_1155 = arith.index_cast %parallel_loop3A_1154 : i32 to index
      %parallel_loop3A_1156 = arith.index_cast %parallel_loop3A_1145 : i32 to index
      %parallel_loop3A_1157 = tpu.vector_load %arg9[%parallel_loop3A_1155, %parallel_loop3A_1156] {strides = array<i32>} : memref<8x2048xf32, #tpu.memory_space<vmem>>, vector<16xf32>,
      tpu.vector_store %arg9[%parallel_loop3A_1155, %parallel_loop3A_1156], %parallel_loop3A_1153 {strides = array<i32>} : memref<8x2048xf32, #tpu.memory_space<vmem>>, vector<16xf32>,
      %parallel_loop3A_1158 = tpu.vector_load_idx %arg5[%broadcast_in_dim3A_5, %parallel_loop3A_1147] : memref<8x1000xf32, #tpu.memory_space<vmem>>[vector<16xi32>, vector<16xi32>], vector<16xf32>,
      %parallel_loop3A_1159 = arith.constant 2 : i32
      %parallel_loop3A_1160 = arith.index_cast %parallel_loop3A_1159 : i32 to index
      %parallel_loop3A_1161 = arith.index_cast %parallel_loop3A_1145 : i32 to index
      %parallel_loop3A_1162 = tpu.vector_load %arg9[%parallel_loop3A_1160, %parallel_loop3A_1161] {strides = array<i32>} : memref<8x2048xf32, #tpu.memory_space<vmem>>, vector<16xf32>,
      tpu.vector_store %arg9[%parallel_loop3A_1160, %parallel_loop3A_1161], %parallel_loop3A_1158 {strides = array<i32>} : memref<8x2048xf32, #tpu.memory_space<vmem>>, vector<16xf32>,
      %parallel_loop3A_1163 = tpu.vector_load_idx %arg5[%broadcast_in_dim3A_7, %parallel_loop3A_1147] : memref<8x1000xf32, #tpu.memory_space<vmem>>[vector<16xi32>, vector<16xi32>], vector<16xf32>,
      %parallel_loop3A_1164 = arith.constant 3 : i32
      %parallel_loop3A_1165 = arith.index_cast %parallel_loop3A_1164 : i32 to index
      %parallel_loop3A_1166 = arith.index_cast %parallel_loop3A_1145 : i32 to index
      %parallel_loop3A_1167 = tpu.vector_load %arg9[%parallel_loop3A_1165, %parallel_loop3A_1166] {strides = array<i32>} : memref<8x2048xf32, #tpu.memory_space<vmem>>, vector<16xf32>,
      tpu.vector_store %arg9[%parallel_loop3A_1165, %parallel_loop3A_1166], %parallel_loop3A_1163 {strides = array<i32>} : memref<8x2048xf32, #tpu.memory_space<vmem>>, vector<16xf32>,
      %parallel_loop3A_1168 = tpu.vector_load_idx %arg5[%broadcast_in_dim3A_9, %parallel_loop3A_1147] : memref<8x1000xf32, #tpu.memory_space<vmem>>[vector<16xi32>, vector<16xi32>], vector<16xf32>,
      %parallel_loop3A_1169 = arith.constant 4 : i32
      %parallel_loop3A_1170 = arith.index_cast %parallel_loop3A_1169 : i32 to index
      %parallel_loop3A_1171 = arith.index_cast %parallel_loop3A_1145 : i32 to index
      %parallel_loop3A_1172 = tpu.vector_load %arg9[%parallel_loop3A_1170, %parallel_loop3A_1171] {strides = array<i32>} : memref<8x2048xf32, #tpu.memory_space<vmem>>, vector<16xf32>,
      tpu.vector_store %arg9[%parallel_loop3A_1170, %parallel_loop3A_1171], %parallel_loop3A_1168 {strides = array<i32>} : memref<8x2048xf32, #tpu.memory_space<vmem>>, vector<16xf32>,
      %parallel_loop3A_1173 = tpu.vector_load_idx %arg5[%broadcast_in_dim3A_11, %parallel_loop3A_1147] : memref<8x1000xf32, #tpu.memory_space<vmem>>[vector<16xi32>, vector<16xi32>], vector<16xf32>,
      %parallel_loop3A_1174 = arith.constant 5 : i32
      %parallel_loop3A_1175 = arith.index_cast %parallel_loop3A_1174 : i32 to index
      %parallel_loop3A_1176 = arith.index_cast %parallel_loop3A_1145 : i32 to index
      %parallel_loop3A_1177 = tpu.vector_load %arg9[%parallel_loop3A_1175, %parallel_loop3A_1176] {strides = array<i32>} : memref<8x2048xf32, #tpu.memory_space<vmem>>, vector<16xf32>,
      tpu.vector_store %arg9[%parallel_loop3A_1175, %parallel_loop3A_1176], %parallel_loop3A_1173 {strides = array<i32>} : memref<8x2048xf32, #tpu.memory_space<vmem>>, vector<16xf32>,
      %parallel_loop3A_1178 = tpu.vector_load_idx %arg5[%broadcast_in_dim3A_13, %parallel_loop3A_1147] : memref<8x1000xf32, #tpu.memory_space<vmem>>[vector<16xi32>, vector<16xi32>], vector<16xf32>,
      %parallel_loop3A_1179 = arith.constant 6 : i32
      %parallel_loop3A_1180 = arith.index_cast %parallel_loop3A_1179 : i32 to index
      %parallel_loop3A_1181 = arith.index_cast %parallel_loop3A_1145 : i32 to index
      %parallel_loop3A_1182 = tpu.vector_load %arg9[%parallel_loop3A_1180, %parallel_loop3A_1181] {strides = array<i32>} : memref<8x2048xf32, #tpu.memory_space<vmem>>, vector<16xf32>,
      tpu.vector_store %arg9[%parallel_loop3A_1180, %parallel_loop3A_1181], %parallel_loop3A_1178 {strides = array<i32>} : memref<8x2048xf32, #tpu.memory_space<vmem>>, vector<16xf32>,
      %parallel_loop3A_1183 = tpu.vector_load_idx %arg5[%broadcast_in_dim3A_15, %parallel_loop3A_1147] : memref<8x1000xf32, #tpu.memory_space<vmem>>[vector<16xi32>, vector<16xi32>], vector<16xf32>,
      %parallel_loop3A_1184 = arith.constant 7 : i32
      %parallel_loop3A_1185 = arith.index_cast %parallel_loop3A_1184 : i32 to index
      %parallel_loop3A_1186 = arith.index_cast %parallel_loop3A_1145 : i32 to index
      %parallel_loop3A_1187 = tpu.vector_load %arg9[%parallel_loop3A_1185, %parallel_loop3A_1186] {strides = array<i32>} : memref<8x2048xf32, #tpu.memory_space<vmem>>, vector<16xf32>,
      tpu.vector_store %arg9[%parallel_loop3A_1185, %parallel_loop3A_1186], %parallel_loop3A_1183 {strides = array<i32>} : memref<8x2048xf32, #tpu.memory_space<vmem>>, vector<16xf32>,
    } {sc.loop_unroll_factor = 8 : i64, sc.parallel_access}
    %mul3A_255 = arith.constant 8 : i32
    %mul3A_256 = arith.muli %select_n3A_129, %mul3A_255 : i32
    %mul3A_257 = arith.constant 2048 : i32
    %mul3A_258 = arith.muli %select_n3A_145, %mul3A_257 : i32
    %dma_start3A_259 = tpu.memref_slice %arg4[%mul3A_256, %mul3A_258] : memref<832x4096xf32, #tpu.memory_space<hbm>> -> memref<8x2048xf32, #tpu.memory_space<hbm>>
    %dma_start3A_260 = tpu.memref_slice %arg4[%mul3A_256, %mul3A_258] : memref<832x4096xf32, #tpu.memory_space<hbm>> -> memref<8x2048xf32, #tpu.memory_space<hbm>>
    tpu.enqueue_dma source(%arg9 : memref<8x2048xf32, #tpu.memory_space<vmem>>) target(%dma_start3A_260 : memref<8x2048xf32, #tpu.memory_space<hbm>>) target_semaphore(%arg13 : memref<!tpu.dma_semaphore, #tpu.memory_space<semaphore_mem>>)
    %add3A_261 = arith.constant 32 : i32
    %add3A_262 = arith.addi %add3A, %add3A_261 : i32
    %min3A_263 = arith.constant 207 : i32
    %min3A_264 = arith.minsi %add3A_262, %min3A_263 : i32
    %jit3A_265 = arith.constant 2 : i32
    %div3A_266 = arith.divsi %min3A_264, %jit3A_265 : i32
    %sign3A_267 = arith.constant 0 : i32
    %sign3A_268 = arith.cmpi sgt, %min3A_264, %sign3A_267 : i32
    %sign3A_269 = arith.extui %sign3A_268 : i1 to i32
    %sign3A_270 = arith.constant 0 : i32
    %sign3A_271 = arith.cmpi slt, %min3A_264, %sign3A_270 : i32
    %sign3A_272 = arith.extui %sign3A_271 : i1 to i32
    %sign3A_273 = arith.subi %sign3A_269, %sign3A_272 : i32
    %sign3A_274 = arith.constant 0 : i32
    %sign3A_275 = arith.cmpi sgt, %jit3A_265, %sign3A_274 : i32
    %sign3A_276 = arith.extui %sign3A_275 : i1 to i32
    %sign3A_277 = arith.constant 0 : i32
    %sign3A_278 = arith.cmpi slt, %jit3A_265, %sign3A_277 : i32
    %sign3A_279 = arith.extui %sign3A_278 : i1 to i32
    %sign3A_280 = arith.subi %sign3A_276, %sign3A_279 : i32
    %ne3A_281 = arith.cmpi ne, %sign3A_273, %sign3A_280 : i32
    %rem3A_282 = arith.remsi %min3A_264, %jit3A_265 : i32
    %ne3A_283 = arith.constant 0 : i32
    %ne3A_284 = arith.cmpi ne, %rem3A_282, %ne3A_283 : i32
    %and3A_285 = arith.andi %ne3A_281, %ne3A_284 : i1
    %sub3A_286 = arith.constant 1 : i32
    %sub3A_287 = arith.subi %div3A_266, %sub3A_286 : i32
    %select_n3A_288 = arith.select %and3A_285, %sub3A_287, %div3A_266 : i32
    %jit3A_289 = arith.constant 2 : i32
    %eq3A_290 = arith.constant 0 : i32
    %eq3A_291 = arith.cmpi eq, %jit3A_289, %eq3A_290 : i32
    %jit3A_292 = arith.constant 1 : i32
    %select_n3A_293 = arith.select %eq3A_291, %jit3A_292, %jit3A_289 : i32
    %rem3A_294 = arith.remsi %min3A_264, %select_n3A_293 : i32
    %ne3A_295 = arith.constant 0 : i32
    %ne3A_296 = arith.cmpi ne, %rem3A_294, %ne3A_295 : i32
    %lt3A_297 = arith.constant 0 : i32
    %lt3A_298 = arith.cmpi slt, %rem3A_294, %lt3A_297 : i32
    %lt3A_299 = arith.constant 0 : i32
    %lt3A_300 = arith.cmpi slt, %select_n3A_293, %lt3A_299 : i32
    %ne3A_301 = arith.xori %lt3A_298, %lt3A_300 : i1
    %and3A_302 = arith.andi %ne3A_301, %ne3A_296 : i1
    %add3A_303 = arith.addi %rem3A_294, %select_n3A_293 : i32
    %select_n3A_304 = arith.select %and3A_302, %add3A_303, %rem3A_294 : i32
    %dma_wait3A_305 = arith.constant 0 : i32
    %dma_wait3A_306 = tpu.memref_slice %arg2[%select_n3A_222, %mul3A_240, %dma_wait3A_305] : memref<26x32x1000xf32, #tpu.memory_space<hbm>> -> memref<1x8x1000xf32, #tpu.memory_space<hbm>>
    %dma_wait3A_307 = tpu.memref_squeeze %dma_wait3A_306 : memref<1x8x1000xf32, #tpu.memory_space<hbm>> -> memref<8x1000xf32, #tpu.memory_space<hbm>>
    %dma_wait3A_308 = arith.constant 0 : i32
    %dma_wait3A_309 = tpu.memref_slice %arg2[%select_n3A_222, %mul3A_240, %dma_wait3A_308] : memref<26x32x1000xf32, #tpu.memory_space<hbm>> -> memref<1x8x1000xf32, #tpu.memory_space<hbm>>
    %dma_wait3A_310 = tpu.memref_squeeze %dma_wait3A_309 : memref<1x8x1000xf32, #tpu.memory_space<hbm>> -> memref<8x1000xf32, #tpu.memory_space<hbm>>
    tpu.wait_dma2 semaphore(%arg12 : memref<!tpu.dma_semaphore, #tpu.memory_space<semaphore_mem>>) src(%dma_wait3A_310 : memref<8x1000xf32, #tpu.memory_space<hbm>>) dst(%arg6 : memref<8x1000xf32, #tpu.memory_space<vmem>>)
    %dma_wait3A_311 = tpu.memref_slice %arg3[%select_n3A_222, %mul3A_248] : memref<26x4096xi32, #tpu.memory_space<hbm>> -> memref<1x2048xi32, #tpu.memory_space<hbm>>
    %dma_wait3A_312 = tpu.memref_squeeze %dma_wait3A_311 : memref<1x2048xi32, #tpu.memory_space<hbm>> -> memref<2048xi32, #tpu.memory_space<hbm>>
    %dma_wait3A_313 = tpu.memref_slice %arg3[%select_n3A_222, %mul3A_248] : memref<26x4096xi32, #tpu.memory_space<hbm>> -> memref<1x2048xi32, #tpu.memory_space<hbm>>
    %dma_wait3A_314 = tpu.memref_squeeze %dma_wait3A_313 : memref<1x2048xi32, #tpu.memory_space<hbm>> -> memref<2048xi32, #tpu.memory_space<hbm>>
    tpu.wait_dma2 semaphore(%arg12 : memref<!tpu.dma_semaphore, #tpu.memory_space<semaphore_mem>>) src(%dma_wait3A_314 : memref<2048xi32, #tpu.memory_space<hbm>>) dst(%arg8 : memref<2048xi32, #tpu.memory_space<vmem>>)
    %add3A_315 = arith.constant 64 : i32
    %add3A_316 = arith.addi %add3A, %add3A_315 : i32
    %min3A_317 = arith.constant 207 : i32
    %min3A_318 = arith.minsi %add3A_316, %min3A_317 : i32
    %jit3A_319 = arith.constant 2 : i32
    %div3A_320 = arith.divsi %min3A_318, %jit3A_319 : i32
    %sign3A_321 = arith.constant 0 : i32
    %sign3A_322 = arith.cmpi sgt, %min3A_318, %sign3A_321 : i32
    %sign3A_323 = arith.extui %sign3A_322 : i1 to i32
    %sign3A_324 = arith.constant 0 : i32
    %sign3A_325 = arith.cmpi slt, %min3A_318, %sign3A_324 : i32
    %sign3A_326 = arith.extui %sign3A_325 : i1 to i32
    %sign3A_327 = arith.subi %sign3A_323, %sign3A_326 : i32
    %sign3A_328 = arith.constant 0 : i32
    %sign3A_329 = arith.cmpi sgt, %jit3A_319, %sign3A_328 : i32
    %sign3A_330 = arith.extui %sign3A_329 : i1 to i32
    %sign3A_331 = arith.constant 0 : i32
    %sign3A_332 = arith.cmpi slt, %jit3A_319, %sign3A_331 : i32
    %sign3A_333 = arith.extui %sign3A_332 : i1 to i32
    %sign3A_334 = arith.subi %sign3A_330, %sign3A_333 : i32
    %ne3A_335 = arith.cmpi ne, %sign3A_327, %sign3A_334 : i32
    %rem3A_336 = arith.remsi %min3A_318, %jit3A_319 : i32
    %ne3A_337 = arith.constant 0 : i32
    %ne3A_338 = arith.cmpi ne, %rem3A_336, %ne3A_337 : i32
    %and3A_339 = arith.andi %ne3A_335, %ne3A_338 : i1
    %sub3A_340 = arith.constant 1 : i32
    %sub3A_341 = arith.subi %div3A_320, %sub3A_340 : i32
    %select_n3A_342 = arith.select %and3A_339, %sub3A_341, %div3A_320 : i32
    %jit3A_343 = arith.constant 2 : i32
    %eq3A_344 = arith.constant 0 : i32
    %eq3A_345 = arith.cmpi eq, %jit3A_343, %eq3A_344 : i32
    %jit3A_346 = arith.constant 1 : i32
    %select_n3A_347 = arith.select %eq3A_345, %jit3A_346, %jit3A_343 : i32
    %rem3A_348 = arith.remsi %min3A_318, %select_n3A_347 : i32
    %ne3A_349 = arith.constant 0 : i32
    %ne3A_350 = arith.cmpi ne, %rem3A_348, %ne3A_349 : i32
    %lt3A_351 = arith.constant 0 : i32
    %lt3A_352 = arith.cmpi slt, %rem3A_348, %lt3A_351 : i32
    %lt3A_353 = arith.constant 0 : i32
    %lt3A_354 = arith.cmpi slt, %select_n3A_347, %lt3A_353 : i32
    %ne3A_355 = arith.xori %lt3A_352, %lt3A_354 : i1
    %and3A_356 = arith.andi %ne3A_355, %ne3A_350 : i1
    %add3A_357 = arith.addi %rem3A_348, %select_n3A_347 : i32
    %select_n3A_358 = arith.select %and3A_356, %add3A_357, %rem3A_348 : i32
    %jit3A_359 = arith.constant 4 : i32
    %div3A_360 = arith.divsi %select_n3A_342, %jit3A_359 : i32
    %sign3A_361 = arith.constant 0 : i32
    %sign3A_362 = arith.cmpi sgt, %select_n3A_342, %sign3A_361 : i32
    %sign3A_363 = arith.extui %sign3A_362 : i1 to i32
    %sign3A_364 = arith.constant 0 : i32
    %sign3A_365 = arith.cmpi slt, %select_n3A_342, %sign3A_364 : i32
    %sign3A_366 = arith.extui %sign3A_365 : i1 to i32
    %sign3A_367 = arith.subi %sign3A_363, %sign3A_366 : i32
    %sign3A_368 = arith.constant 0 : i32
    %sign3A_369 = arith.cmpi sgt, %jit3A_359, %sign3A_368 : i32
    %sign3A_370 = arith.extui %sign3A_369 : i1 to i32
    %sign3A_371 = arith.constant 0 : i32
    %sign3A_372 = arith.cmpi slt, %jit3A_359, %sign3A_371 : i32
    %sign3A_373 = arith.extui %sign3A_372 : i1 to i32
    %sign3A_374 = arith.subi %sign3A_370, %sign3A_373 : i32
    %ne3A_375 = arith.cmpi ne, %sign3A_367, %sign3A_374 : i32
    %rem3A_376 = arith.remsi %select_n3A_342, %jit3A_359 : i32
    %ne3A_377 = arith.constant 0 : i32
    %ne3A_378 = arith.cmpi ne, %rem3A_376, %ne3A_377 : i32
    %and3A_379 = arith.andi %ne3A_375, %ne3A_378 : i1
    %sub3A_380 = arith.constant 1 : i32
    %sub3A_381 = arith.subi %div3A_360, %sub3A_380 : i32
    %select_n3A_382 = arith.select %and3A_379, %sub3A_381, %div3A_360 : i32
    %jit3A_383 = arith.constant 4 : i32
    %eq3A_384 = arith.constant 0 : i32
    %eq3A_385 = arith.cmpi eq, %jit3A_383, %eq3A_384 : i32
    %jit3A_386 = arith.constant 1 : i32
    %select_n3A_387 = arith.select %eq3A_385, %jit3A_386, %jit3A_383 : i32
    %rem3A_388 = arith.remsi %select_n3A_342, %select_n3A_387 : i32
    %ne3A_389 = arith.constant 0 : i32
    %ne3A_390 = arith.cmpi ne, %rem3A_388, %ne3A_389 : i32
    %lt3A_391 = arith.constant 0 : i32
    %lt3A_392 = arith.cmpi slt, %rem3A_388, %lt3A_391 : i32
    %lt3A_393 = arith.constant 0 : i32
    %lt3A_394 = arith.cmpi slt, %select_n3A_387, %lt3A_393 : i32
    %ne3A_395 = arith.xori %lt3A_392, %lt3A_394 : i1
    %and3A_396 = arith.andi %ne3A_395, %ne3A_390 : i1
    %add3A_397 = arith.addi %rem3A_388, %select_n3A_387 : i32
    %select_n3A_398 = arith.select %and3A_396, %add3A_397, %rem3A_388 : i32
    %mul3A_399 = arith.constant 8 : i32
    %mul3A_400 = arith.muli %select_n3A_398, %mul3A_399 : i32
    %dma_start3A_401 = arith.constant 0 : i32
    %dma_start3A_402 = tpu.memref_slice %arg2[%select_n3A_382, %mul3A_400, %dma_start3A_401] : memref<26x32x1000xf32, #tpu.memory_space<hbm>> -> memref<1x8x1000xf32, #tpu.memory_space<hbm>>
    %dma_start3A_403 = tpu.memref_squeeze %dma_start3A_402 : memref<1x8x1000xf32, #tpu.memory_space<hbm>> -> memref<8x1000xf32, #tpu.memory_space<hbm>>
    %dma_start3A_404 = arith.constant 0 : i32
    %dma_start3A_405 = tpu.memref_slice %arg2[%select_n3A_382, %mul3A_400, %dma_start3A_404] : memref<26x32x1000xf32, #tpu.memory_space<hbm>> -> memref<1x8x1000xf32, #tpu.memory_space<hbm>>
    %dma_start3A_406 = tpu.memref_squeeze %dma_start3A_405 : memref<1x8x1000xf32, #tpu.memory_space<hbm>> -> memref<8x1000xf32, #tpu.memory_space<hbm>>
    tpu.enqueue_dma source(%dma_start3A_406 : memref<8x1000xf32, #tpu.memory_space<hbm>>) target(%arg5 : memref<8x1000xf32, #tpu.memory_space<vmem>>) target_semaphore(%arg11 : memref<!tpu.dma_semaphore, #tpu.memory_space<semaphore_mem>>)
    %mul3A_407 = arith.constant 2048 : i32
    %mul3A_408 = arith.muli %select_n3A_358, %mul3A_407 : i32
    %dma_start3A_409 = tpu.memref_slice %arg3[%select_n3A_382, %mul3A_408] : memref<26x4096xi32, #tpu.memory_space<hbm>> -> memref<1x2048xi32, #tpu.memory_space<hbm>>
    %dma_start3A_410 = tpu.memref_squeeze %dma_start3A_409 : memref<1x2048xi32, #tpu.memory_space<hbm>> -> memref<2048xi32, #tpu.memory_space<hbm>>
    %dma_start3A_411 = tpu.memref_slice %arg3[%select_n3A_382, %mul3A_408] : memref<26x4096xi32, #tpu.memory_space<hbm>> -> memref<1x2048xi32, #tpu.memory_space<hbm>>
    %dma_start3A_412 = tpu.memref_squeeze %dma_start3A_411 : memref<1x2048xi32, #tpu.memory_space<hbm>> -> memref<2048xi32, #tpu.memory_space<hbm>>
    tpu.enqueue_dma source(%dma_start3A_412 : memref<2048xi32, #tpu.memory_space<hbm>>) target(%arg7 : memref<2048xi32, #tpu.memory_space<vmem>>) target_semaphore(%arg11 : memref<!tpu.dma_semaphore, #tpu.memory_space<semaphore_mem>>)
    %parallel_loop3A_413 = arith.constant 0 : i32
    %parallel_loop3A_414 = arith.constant 128 : i32
    %parallel_loop3A_415 = arith.constant 1 : i32
    scf.for %parallel_loop3A_1143 = %parallel_loop3A_413 to %parallel_loop3A_414 step %parallel_loop3A_415  : i32 {
      %parallel_loop3A_1144 = arith.constant 16 : i32
      %parallel_loop3A_1145 = arith.muli %parallel_loop3A_1143, %parallel_loop3A_1144 : i32
      %parallel_loop3A_1146 = arith.index_cast %parallel_loop3A_1145 : i32 to index
      %parallel_loop3A_1147 = tpu.vector_load %arg8[%parallel_loop3A_1146] {strides = array<i32>} : memref<2048xi32, #tpu.memory_space<vmem>>, vector<16xi32>,
      %parallel_loop3A_1148 = tpu.vector_load_idx %arg6[%broadcast_in_dim3A_1, %parallel_loop3A_1147] : memref<8x1000xf32, #tpu.memory_space<vmem>>[vector<16xi32>, vector<16xi32>], vector<16xf32>,
      %parallel_loop3A_1149 = arith.constant 0 : i32
      %parallel_loop3A_1150 = arith.index_cast %parallel_loop3A_1149 : i32 to index
      %parallel_loop3A_1151 = arith.index_cast %parallel_loop3A_1145 : i32 to index
      %parallel_loop3A_1152 = tpu.vector_load %arg10[%parallel_loop3A_1150, %parallel_loop3A_1151] {strides = array<i32>} : memref<8x2048xf32, #tpu.memory_space<vmem>>, vector<16xf32>,
      tpu.vector_store %arg10[%parallel_loop3A_1150, %parallel_loop3A_1151], %parallel_loop3A_1148 {strides = array<i32>} : memref<8x2048xf32, #tpu.memory_space<vmem>>, vector<16xf32>,
      %parallel_loop3A_1153 = tpu.vector_load_idx %arg6[%broadcast_in_dim3A_3, %parallel_loop3A_1147] : memref<8x1000xf32, #tpu.memory_space<vmem>>[vector<16xi32>, vector<16xi32>], vector<16xf32>,
      %parallel_loop3A_1154 = arith.constant 1 : i32
      %parallel_loop3A_1155 = arith.index_cast %parallel_loop3A_1154 : i32 to index
      %parallel_loop3A_1156 = arith.index_cast %parallel_loop3A_1145 : i32 to index
      %parallel_loop3A_1157 = tpu.vector_load %arg10[%parallel_loop3A_1155, %parallel_loop3A_1156] {strides = array<i32>} : memref<8x2048xf32, #tpu.memory_space<vmem>>, vector<16xf32>,
      tpu.vector_store %arg10[%parallel_loop3A_1155, %parallel_loop3A_1156], %parallel_loop3A_1153 {strides = array<i32>} : memref<8x2048xf32, #tpu.memory_space<vmem>>, vector<16xf32>,
      %parallel_loop3A_1158 = tpu.vector_load_idx %arg6[%broadcast_in_dim3A_5, %parallel_loop3A_1147] : memref<8x1000xf32, #tpu.memory_space<vmem>>[vector<16xi32>, vector<16xi32>], vector<16xf32>,
      %parallel_loop3A_1159 = arith.constant 2 : i32
      %parallel_loop3A_1160 = arith.index_cast %parallel_loop3A_1159 : i32 to index
      %parallel_loop3A_1161 = arith.index_cast %parallel_loop3A_1145 : i32 to index
      %parallel_loop3A_1162 = tpu.vector_load %arg10[%parallel_loop3A_1160, %parallel_loop3A_1161] {strides = array<i32>} : memref<8x2048xf32, #tpu.memory_space<vmem>>, vector<16xf32>,
      tpu.vector_store %arg10[%parallel_loop3A_1160, %parallel_loop3A_1161], %parallel_loop3A_1158 {strides = array<i32>} : memref<8x2048xf32, #tpu.memory_space<vmem>>, vector<16xf32>,
      %parallel_loop3A_1163 = tpu.vector_load_idx %arg6[%broadcast_in_dim3A_7, %parallel_loop3A_1147] : memref<8x1000xf32, #tpu.memory_space<vmem>>[vector<16xi32>, vector<16xi32>], vector<16xf32>,
      %parallel_loop3A_1164 = arith.constant 3 : i32
      %parallel_loop3A_1165 = arith.index_cast %parallel_loop3A_1164 : i32 to index
      %parallel_loop3A_1166 = arith.index_cast %parallel_loop3A_1145 : i32 to index
      %parallel_loop3A_1167 = tpu.vector_load %arg10[%parallel_loop3A_1165, %parallel_loop3A_1166] {strides = array<i32>} : memref<8x2048xf32, #tpu.memory_space<vmem>>, vector<16xf32>,
      tpu.vector_store %arg10[%parallel_loop3A_1165, %parallel_loop3A_1166], %parallel_loop3A_1163 {strides = array<i32>} : memref<8x2048xf32, #tpu.memory_space<vmem>>, vector<16xf32>,
      %parallel_loop3A_1168 = tpu.vector_load_idx %arg6[%broadcast_in_dim3A_9, %parallel_loop3A_1147] : memref<8x1000xf32, #tpu.memory_space<vmem>>[vector<16xi32>, vector<16xi32>], vector<16xf32>,
      %parallel_loop3A_1169 = arith.constant 4 : i32
      %parallel_loop3A_1170 = arith.index_cast %parallel_loop3A_1169 : i32 to index
      %parallel_loop3A_1171 = arith.index_cast %parallel_loop3A_1145 : i32 to index
      %parallel_loop3A_1172 = tpu.vector_load %arg10[%parallel_loop3A_1170, %parallel_loop3A_1171] {strides = array<i32>} : memref<8x2048xf32, #tpu.memory_space<vmem>>, vector<16xf32>,
      tpu.vector_store %arg10[%parallel_loop3A_1170, %parallel_loop3A_1171], %parallel_loop3A_1168 {strides = array<i32>} : memref<8x2048xf32, #tpu.memory_space<vmem>>, vector<16xf32>,
      %parallel_loop3A_1173 = tpu.vector_load_idx %arg6[%broadcast_in_dim3A_11, %parallel_loop3A_1147] : memref<8x1000xf32, #tpu.memory_space<vmem>>[vector<16xi32>, vector<16xi32>], vector<16xf32>,
      %parallel_loop3A_1174 = arith.constant 5 : i32
      %parallel_loop3A_1175 = arith.index_cast %parallel_loop3A_1174 : i32 to index
      %parallel_loop3A_1176 = arith.index_cast %parallel_loop3A_1145 : i32 to index
      %parallel_loop3A_1177 = tpu.vector_load %arg10[%parallel_loop3A_1175, %parallel_loop3A_1176] {strides = array<i32>} : memref<8x2048xf32, #tpu.memory_space<vmem>>, vector<16xf32>,
      tpu.vector_store %arg10[%parallel_loop3A_1175, %parallel_loop3A_1176], %parallel_loop3A_1173 {strides = array<i32>} : memref<8x2048xf32, #tpu.memory_space<vmem>>, vector<16xf32>,
      %parallel_loop3A_1178 = tpu.vector_load_idx %arg6[%broadcast_in_dim3A_13, %parallel_loop3A_1147] : memref<8x1000xf32, #tpu.memory_space<vmem>>[vector<16xi32>, vector<16xi32>], vector<16xf32>,
      %parallel_loop3A_1179 = arith.constant 6 : i32
      %parallel_loop3A_1180 = arith.index_cast %parallel_loop3A_1179 : i32 to index
      %parallel_loop3A_1181 = arith.index_cast %parallel_loop3A_1145 : i32 to index
      %parallel_loop3A_1182 = tpu.vector_load %arg10[%parallel_loop3A_1180, %parallel_loop3A_1181] {strides = array<i32>} : memref<8x2048xf32, #tpu.memory_space<vmem>>, vector<16xf32>,
      tpu.vector_store %arg10[%parallel_loop3A_1180, %parallel_loop3A_1181], %parallel_loop3A_1178 {strides = array<i32>} : memref<8x2048xf32, #tpu.memory_space<vmem>>, vector<16xf32>,
      %parallel_loop3A_1183 = tpu.vector_load_idx %arg6[%broadcast_in_dim3A_15, %parallel_loop3A_1147] : memref<8x1000xf32, #tpu.memory_space<vmem>>[vector<16xi32>, vector<16xi32>], vector<16xf32>,
      %parallel_loop3A_1184 = arith.constant 7 : i32
      %parallel_loop3A_1185 = arith.index_cast %parallel_loop3A_1184 : i32 to index
      %parallel_loop3A_1186 = arith.index_cast %parallel_loop3A_1145 : i32 to index
      %parallel_loop3A_1187 = tpu.vector_load %arg10[%parallel_loop3A_1185, %parallel_loop3A_1186] {strides = array<i32>} : memref<8x2048xf32, #tpu.memory_space<vmem>>, vector<16xf32>,
      tpu.vector_store %arg10[%parallel_loop3A_1185, %parallel_loop3A_1186], %parallel_loop3A_1183 {strides = array<i32>} : memref<8x2048xf32, #tpu.memory_space<vmem>>, vector<16xf32>,
    } {sc.loop_unroll_factor = 8 : i64, sc.parallel_access}
    %mul3A_416 = arith.constant 8 : i32
    %mul3A_417 = arith.muli %select_n3A_288, %mul3A_416 : i32
    %mul3A_418 = arith.constant 2048 : i32
    %mul3A_419 = arith.muli %select_n3A_304, %mul3A_418 : i32
    %dma_start3A_420 = tpu.memref_slice %arg4[%mul3A_417, %mul3A_419] : memref<832x4096xf32, #tpu.memory_space<hbm>> -> memref<8x2048xf32, #tpu.memory_space<hbm>>
    %dma_start3A_421 = tpu.memref_slice %arg4[%mul3A_417, %mul3A_419] : memref<832x4096xf32, #tpu.memory_space<hbm>> -> memref<8x2048xf32, #tpu.memory_space<hbm>>
    tpu.enqueue_dma source(%arg10 : memref<8x2048xf32, #tpu.memory_space<vmem>>) target(%dma_start3A_421 : memref<8x2048xf32, #tpu.memory_space<hbm>>) target_semaphore(%arg14 : memref<!tpu.dma_semaphore, #tpu.memory_space<semaphore_mem>>)
    %add3A_422 = arith.constant 64 : i32
    %add3A_423 = arith.addi %add3A, %add3A_422 : i32
    %min3A_424 = arith.constant 207 : i32
    %min3A_425 = arith.minsi %add3A_423, %min3A_424 : i32
    %jit3A_426 = arith.constant 2 : i32
    %div3A_427 = arith.divsi %min3A_425, %jit3A_426 : i32
    %sign3A_428 = arith.constant 0 : i32
    %sign3A_429 = arith.cmpi sgt, %min3A_425, %sign3A_428 : i32
    %sign3A_430 = arith.extui %sign3A_429 : i1 to i32
    %sign3A_431 = arith.constant 0 : i32
    %sign3A_432 = arith.cmpi slt, %min3A_425, %sign3A_431 : i32
    %sign3A_433 = arith.extui %sign3A_432 : i1 to i32
    %sign3A_434 = arith.subi %sign3A_430, %sign3A_433 : i32
    %sign3A_435 = arith.constant 0 : i32
    %sign3A_436 = arith.cmpi sgt, %jit3A_426, %sign3A_435 : i32
    %sign3A_437 = arith.extui %sign3A_436 : i1 to i32
    %sign3A_438 = arith.constant 0 : i32
    %sign3A_439 = arith.cmpi slt, %jit3A_426, %sign3A_438 : i32
    %sign3A_440 = arith.extui %sign3A_439 : i1 to i32
    %sign3A_441 = arith.subi %sign3A_437, %sign3A_440 : i32
    %ne3A_442 = arith.cmpi ne, %sign3A_434, %sign3A_441 : i32
    %rem3A_443 = arith.remsi %min3A_425, %jit3A_426 : i32
    %ne3A_444 = arith.constant 0 : i32
    %ne3A_445 = arith.cmpi ne, %rem3A_443, %ne3A_444 : i32
    %and3A_446 = arith.andi %ne3A_442, %ne3A_445 : i1
    %sub3A_447 = arith.constant 1 : i32
    %sub3A_448 = arith.subi %div3A_427, %sub3A_447 : i32
    %select_n3A_449 = arith.select %and3A_446, %sub3A_448, %div3A_427 : i32
    %jit3A_450 = arith.constant 2 : i32
    %eq3A_451 = arith.constant 0 : i32
    %eq3A_452 = arith.cmpi eq, %jit3A_450, %eq3A_451 : i32
    %jit3A_453 = arith.constant 1 : i32
    %select_n3A_454 = arith.select %eq3A_452, %jit3A_453, %jit3A_450 : i32
    %rem3A_455 = arith.remsi %min3A_425, %select_n3A_454 : i32
    %ne3A_456 = arith.constant 0 : i32
    %ne3A_457 = arith.cmpi ne, %rem3A_455, %ne3A_456 : i32
    %lt3A_458 = arith.constant 0 : i32
    %lt3A_459 = arith.cmpi slt, %rem3A_455, %lt3A_458 : i32
    %lt3A_460 = arith.constant 0 : i32
    %lt3A_461 = arith.cmpi slt, %select_n3A_454, %lt3A_460 : i32
    %ne3A_462 = arith.xori %lt3A_459, %lt3A_461 : i1
    %and3A_463 = arith.andi %ne3A_462, %ne3A_457 : i1
    %add3A_464 = arith.addi %rem3A_455, %select_n3A_454 : i32
    %select_n3A_465 = arith.select %and3A_463, %add3A_464, %rem3A_455 : i32
    %dma_wait3A_466 = arith.constant 0 : i32
    %dma_wait3A_467 = tpu.memref_slice %arg2[%select_n3A_382, %mul3A_400, %dma_wait3A_466] : memref<26x32x1000xf32, #tpu.memory_space<hbm>> -> memref<1x8x1000xf32, #tpu.memory_space<hbm>>
    %dma_wait3A_468 = tpu.memref_squeeze %dma_wait3A_467 : memref<1x8x1000xf32, #tpu.memory_space<hbm>> -> memref<8x1000xf32, #tpu.memory_space<hbm>>
    %dma_wait3A_469 = arith.constant 0 : i32
    %dma_wait3A_470 = tpu.memref_slice %arg2[%select_n3A_382, %mul3A_400, %dma_wait3A_469] : memref<26x32x1000xf32, #tpu.memory_space<hbm>> -> memref<1x8x1000xf32, #tpu.memory_space<hbm>>
    %dma_wait3A_471 = tpu.memref_squeeze %dma_wait3A_470 : memref<1x8x1000xf32, #tpu.memory_space<hbm>> -> memref<8x1000xf32, #tpu.memory_space<hbm>>
    tpu.wait_dma2 semaphore(%arg11 : memref<!tpu.dma_semaphore, #tpu.memory_space<semaphore_mem>>) src(%dma_wait3A_471 : memref<8x1000xf32, #tpu.memory_space<hbm>>) dst(%arg5 : memref<8x1000xf32, #tpu.memory_space<vmem>>)
    %dma_wait3A_472 = tpu.memref_slice %arg3[%select_n3A_382, %mul3A_408] : memref<26x4096xi32, #tpu.memory_space<hbm>> -> memref<1x2048xi32, #tpu.memory_space<hbm>>
    %dma_wait3A_473 = tpu.memref_squeeze %dma_wait3A_472 : memref<1x2048xi32, #tpu.memory_space<hbm>> -> memref<2048xi32, #tpu.memory_space<hbm>>
    %dma_wait3A_474 = tpu.memref_slice %arg3[%select_n3A_382, %mul3A_408] : memref<26x4096xi32, #tpu.memory_space<hbm>> -> memref<1x2048xi32, #tpu.memory_space<hbm>>
    %dma_wait3A_475 = tpu.memref_squeeze %dma_wait3A_474 : memref<1x2048xi32, #tpu.memory_space<hbm>> -> memref<2048xi32, #tpu.memory_space<hbm>>
    tpu.wait_dma2 semaphore(%arg11 : memref<!tpu.dma_semaphore, #tpu.memory_space<semaphore_mem>>) src(%dma_wait3A_475 : memref<2048xi32, #tpu.memory_space<hbm>>) dst(%arg7 : memref<2048xi32, #tpu.memory_space<vmem>>)
    %add3A_476 = arith.constant 96 : i32
    %add3A_477 = arith.addi %add3A, %add3A_476 : i32
    %min3A_478 = arith.constant 207 : i32
    %min3A_479 = arith.minsi %add3A_477, %min3A_478 : i32
    %jit3A_480 = arith.constant 2 : i32
    %div3A_481 = arith.divsi %min3A_479, %jit3A_480 : i32
    %sign3A_482 = arith.constant 0 : i32
    %sign3A_483 = arith.cmpi sgt, %min3A_479, %sign3A_482 : i32
    %sign3A_484 = arith.extui %sign3A_483 : i1 to i32
    %sign3A_485 = arith.constant 0 : i32
    %sign3A_486 = arith.cmpi slt, %min3A_479, %sign3A_485 : i32
    %sign3A_487 = arith.extui %sign3A_486 : i1 to i32
    %sign3A_488 = arith.subi %sign3A_484, %sign3A_487 : i32
    %sign3A_489 = arith.constant 0 : i32
    %sign3A_490 = arith.cmpi sgt, %jit3A_480, %sign3A_489 : i32
    %sign3A_491 = arith.extui %sign3A_490 : i1 to i32
    %sign3A_492 = arith.constant 0 : i32
    %sign3A_493 = arith.cmpi slt, %jit3A_480, %sign3A_492 : i32
    %sign3A_494 = arith.extui %sign3A_493 : i1 to i32
    %sign3A_495 = arith.subi %sign3A_491, %sign3A_494 : i32
    %ne3A_496 = arith.cmpi ne, %sign3A_488, %sign3A_495 : i32
    %rem3A_497 = arith.remsi %min3A_479, %jit3A_480 : i32
    %ne3A_498 = arith.constant 0 : i32
    %ne3A_499 = arith.cmpi ne, %rem3A_497, %ne3A_498 : i32
    %and3A_500 = arith.andi %ne3A_496, %ne3A_499 : i1
    %sub3A_501 = arith.constant 1 : i32
    %sub3A_502 = arith.subi %div3A_481, %sub3A_501 : i32
    %select_n3A_503 = arith.select %and3A_500, %sub3A_502, %div3A_481 : i32
    %jit3A_504 = arith.constant 2 : i32
    %eq3A_505 = arith.constant 0 : i32
    %eq3A_506 = arith.cmpi eq, %jit3A_504, %eq3A_505 : i32
    %jit3A_507 = arith.constant 1 : i32
    %select_n3A_508 = arith.select %eq3A_506, %jit3A_507, %jit3A_504 : i32
    %rem3A_509 = arith.remsi %min3A_479, %select_n3A_508 : i32
    %ne3A_510 = arith.constant 0 : i32
    %ne3A_511 = arith.cmpi ne, %rem3A_509, %ne3A_510 : i32
    %lt3A_512 = arith.constant 0 : i32
    %lt3A_513 = arith.cmpi slt, %rem3A_509, %lt3A_512 : i32
    %lt3A_514 = arith.constant 0 : i32
    %lt3A_515 = arith.cmpi slt, %select_n3A_508, %lt3A_514 : i32
    %ne3A_516 = arith.xori %lt3A_513, %lt3A_515 : i1
    %and3A_517 = arith.andi %ne3A_516, %ne3A_511 : i1
    %add3A_518 = arith.addi %rem3A_509, %select_n3A_508 : i32
    %select_n3A_519 = arith.select %and3A_517, %add3A_518, %rem3A_509 : i32
    %jit3A_520 = arith.constant 4 : i32
    %div3A_521 = arith.divsi %select_n3A_503, %jit3A_520 : i32
    %sign3A_522 = arith.constant 0 : i32
    %sign3A_523 = arith.cmpi sgt, %select_n3A_503, %sign3A_522 : i32
    %sign3A_524 = arith.extui %sign3A_523 : i1 to i32
    %sign3A_525 = arith.constant 0 : i32
    %sign3A_526 = arith.cmpi slt, %select_n3A_503, %sign3A_525 : i32
    %sign3A_527 = arith.extui %sign3A_526 : i1 to i32
    %sign3A_528 = arith.subi %sign3A_524, %sign3A_527 : i32
    %sign3A_529 = arith.constant 0 : i32
    %sign3A_530 = arith.cmpi sgt, %jit3A_520, %sign3A_529 : i32
    %sign3A_531 = arith.extui %sign3A_530 : i1 to i32
    %sign3A_532 = arith.constant 0 : i32
    %sign3A_533 = arith.cmpi slt, %jit3A_520, %sign3A_532 : i32
    %sign3A_534 = arith.extui %sign3A_533 : i1 to i32
    %sign3A_535 = arith.subi %sign3A_531, %sign3A_534 : i32
    %ne3A_536 = arith.cmpi ne, %sign3A_528, %sign3A_535 : i32
    %rem3A_537 = arith.remsi %select_n3A_503, %jit3A_520 : i32
    %ne3A_538 = arith.constant 0 : i32
    %ne3A_539 = arith.cmpi ne, %rem3A_537, %ne3A_538 : i32
    %and3A_540 = arith.andi %ne3A_536, %ne3A_539 : i1
    %sub3A_541 = arith.constant 1 : i32
    %sub3A_542 = arith.subi %div3A_521, %sub3A_541 : i32
    %select_n3A_543 = arith.select %and3A_540, %sub3A_542, %div3A_521 : i32
    %jit3A_544 = arith.constant 4 : i32
    %eq3A_545 = arith.constant 0 : i32
    %eq3A_546 = arith.cmpi eq, %jit3A_544, %eq3A_545 : i32
    %jit3A_547 = arith.constant 1 : i32
    %select_n3A_548 = arith.select %eq3A_546, %jit3A_547, %jit3A_544 : i32
    %rem3A_549 = arith.remsi %select_n3A_503, %select_n3A_548 : i32
    %ne3A_550 = arith.constant 0 : i32
    %ne3A_551 = arith.cmpi ne, %rem3A_549, %ne3A_550 : i32
    %lt3A_552 = arith.constant 0 : i32
    %lt3A_553 = arith.cmpi slt, %rem3A_549, %lt3A_552 : i32
    %lt3A_554 = arith.constant 0 : i32
    %lt3A_555 = arith.cmpi slt, %select_n3A_548, %lt3A_554 : i32
    %ne3A_556 = arith.xori %lt3A_553, %lt3A_555 : i1
    %and3A_557 = arith.andi %ne3A_556, %ne3A_551 : i1
    %add3A_558 = arith.addi %rem3A_549, %select_n3A_548 : i32
    %select_n3A_559 = arith.select %and3A_557, %add3A_558, %rem3A_549 : i32
    %mul3A_560 = arith.constant 8 : i32
    %mul3A_561 = arith.muli %select_n3A_559, %mul3A_560 : i32
    %dma_start3A_562 = arith.constant 0 : i32
    %dma_start3A_563 = tpu.memref_slice %arg2[%select_n3A_543, %mul3A_561, %dma_start3A_562] : memref<26x32x1000xf32, #tpu.memory_space<hbm>> -> memref<1x8x1000xf32, #tpu.memory_space<hbm>>
    %dma_start3A_564 = tpu.memref_squeeze %dma_start3A_563 : memref<1x8x1000xf32, #tpu.memory_space<hbm>> -> memref<8x1000xf32, #tpu.memory_space<hbm>>
    %dma_start3A_565 = arith.constant 0 : i32
    %dma_start3A_566 = tpu.memref_slice %arg2[%select_n3A_543, %mul3A_561, %dma_start3A_565] : memref<26x32x1000xf32, #tpu.memory_space<hbm>> -> memref<1x8x1000xf32, #tpu.memory_space<hbm>>
    %dma_start3A_567 = tpu.memref_squeeze %dma_start3A_566 : memref<1x8x1000xf32, #tpu.memory_space<hbm>> -> memref<8x1000xf32, #tpu.memory_space<hbm>>
    tpu.enqueue_dma source(%dma_start3A_567 : memref<8x1000xf32, #tpu.memory_space<hbm>>) target(%arg6 : memref<8x1000xf32, #tpu.memory_space<vmem>>) target_semaphore(%arg12 : memref<!tpu.dma_semaphore, #tpu.memory_space<semaphore_mem>>)
    %mul3A_568 = arith.constant 2048 : i32
    %mul3A_569 = arith.muli %select_n3A_519, %mul3A_568 : i32
    %dma_start3A_570 = tpu.memref_slice %arg3[%select_n3A_543, %mul3A_569] : memref<26x4096xi32, #tpu.memory_space<hbm>> -> memref<1x2048xi32, #tpu.memory_space<hbm>>
    %dma_start3A_571 = tpu.memref_squeeze %dma_start3A_570 : memref<1x2048xi32, #tpu.memory_space<hbm>> -> memref<2048xi32, #tpu.memory_space<hbm>>
    %dma_start3A_572 = tpu.memref_slice %arg3[%select_n3A_543, %mul3A_569] : memref<26x4096xi32, #tpu.memory_space<hbm>> -> memref<1x2048xi32, #tpu.memory_space<hbm>>
    %dma_start3A_573 = tpu.memref_squeeze %dma_start3A_572 : memref<1x2048xi32, #tpu.memory_space<hbm>> -> memref<2048xi32, #tpu.memory_space<hbm>>
    tpu.enqueue_dma source(%dma_start3A_573 : memref<2048xi32, #tpu.memory_space<hbm>>) target(%arg8 : memref<2048xi32, #tpu.memory_space<vmem>>) target_semaphore(%arg12 : memref<!tpu.dma_semaphore, #tpu.memory_space<semaphore_mem>>)
    %dma_wait3A_574 = tpu.memref_slice %arg4[%mul3A_256, %mul3A_258] : memref<832x4096xf32, #tpu.memory_space<hbm>> -> memref<8x2048xf32, #tpu.memory_space<hbm>>
    %dma_wait3A_575 = tpu.memref_slice %arg4[%mul3A_256, %mul3A_258] : memref<832x4096xf32, #tpu.memory_space<hbm>> -> memref<8x2048xf32, #tpu.memory_space<hbm>>
    tpu.wait_dma2 semaphore(%arg13 : memref<!tpu.dma_semaphore, #tpu.memory_space<semaphore_mem>>) src(%arg9 : memref<8x2048xf32, #tpu.memory_space<vmem>>) dst(%dma_wait3A_575 : memref<8x2048xf32, #tpu.memory_space<hbm>>)
    %parallel_loop3A_576 = arith.constant 0 : i32
    %parallel_loop3A_577 = arith.constant 128 : i32
    %parallel_loop3A_578 = arith.constant 1 : i32
    scf.for %parallel_loop3A_1143 = %parallel_loop3A_576 to %parallel_loop3A_577 step %parallel_loop3A_578  : i32 {
      %parallel_loop3A_1144 = arith.constant 16 : i32
      %parallel_loop3A_1145 = arith.muli %parallel_loop3A_1143, %parallel_loop3A_1144 : i32
      %parallel_loop3A_1146 = arith.index_cast %parallel_loop3A_1145 : i32 to index
      %parallel_loop3A_1147 = tpu.vector_load %arg7[%parallel_loop3A_1146] {strides = array<i32>} : memref<2048xi32, #tpu.memory_space<vmem>>, vector<16xi32>,
      %parallel_loop3A_1148 = tpu.vector_load_idx %arg5[%broadcast_in_dim3A_1, %parallel_loop3A_1147] : memref<8x1000xf32, #tpu.memory_space<vmem>>[vector<16xi32>, vector<16xi32>], vector<16xf32>,
      %parallel_loop3A_1149 = arith.constant 0 : i32
      %parallel_loop3A_1150 = arith.index_cast %parallel_loop3A_1149 : i32 to index
      %parallel_loop3A_1151 = arith.index_cast %parallel_loop3A_1145 : i32 to index
      %parallel_loop3A_1152 = tpu.vector_load %arg9[%parallel_loop3A_1150, %parallel_loop3A_1151] {strides = array<i32>} : memref<8x2048xf32, #tpu.memory_space<vmem>>, vector<16xf32>,
      tpu.vector_store %arg9[%parallel_loop3A_1150, %parallel_loop3A_1151], %parallel_loop3A_1148 {strides = array<i32>} : memref<8x2048xf32, #tpu.memory_space<vmem>>, vector<16xf32>,
      %parallel_loop3A_1153 = tpu.vector_load_idx %arg5[%broadcast_in_dim3A_3, %parallel_loop3A_1147] : memref<8x1000xf32, #tpu.memory_space<vmem>>[vector<16xi32>, vector<16xi32>], vector<16xf32>,
      %parallel_loop3A_1154 = arith.constant 1 : i32
      %parallel_loop3A_1155 = arith.index_cast %parallel_loop3A_1154 : i32 to index
      %parallel_loop3A_1156 = arith.index_cast %parallel_loop3A_1145 : i32 to index
      %parallel_loop3A_1157 = tpu.vector_load %arg9[%parallel_loop3A_1155, %parallel_loop3A_1156] {strides = array<i32>} : memref<8x2048xf32, #tpu.memory_space<vmem>>, vector<16xf32>,
      tpu.vector_store %arg9[%parallel_loop3A_1155, %parallel_loop3A_1156], %parallel_loop3A_1153 {strides = array<i32>} : memref<8x2048xf32, #tpu.memory_space<vmem>>, vector<16xf32>,
      %parallel_loop3A_1158 = tpu.vector_load_idx %arg5[%broadcast_in_dim3A_5, %parallel_loop3A_1147] : memref<8x1000xf32, #tpu.memory_space<vmem>>[vector<16xi32>, vector<16xi32>], vector<16xf32>,
      %parallel_loop3A_1159 = arith.constant 2 : i32
      %parallel_loop3A_1160 = arith.index_cast %parallel_loop3A_1159 : i32 to index
      %parallel_loop3A_1161 = arith.index_cast %parallel_loop3A_1145 : i32 to index
      %parallel_loop3A_1162 = tpu.vector_load %arg9[%parallel_loop3A_1160, %parallel_loop3A_1161] {strides = array<i32>} : memref<8x2048xf32, #tpu.memory_space<vmem>>, vector<16xf32>,
      tpu.vector_store %arg9[%parallel_loop3A_1160, %parallel_loop3A_1161], %parallel_loop3A_1158 {strides = array<i32>} : memref<8x2048xf32, #tpu.memory_space<vmem>>, vector<16xf32>,
      %parallel_loop3A_1163 = tpu.vector_load_idx %arg5[%broadcast_in_dim3A_7, %parallel_loop3A_1147] : memref<8x1000xf32, #tpu.memory_space<vmem>>[vector<16xi32>, vector<16xi32>], vector<16xf32>,
      %parallel_loop3A_1164 = arith.constant 3 : i32
      %parallel_loop3A_1165 = arith.index_cast %parallel_loop3A_1164 : i32 to index
      %parallel_loop3A_1166 = arith.index_cast %parallel_loop3A_1145 : i32 to index
      %parallel_loop3A_1167 = tpu.vector_load %arg9[%parallel_loop3A_1165, %parallel_loop3A_1166] {strides = array<i32>} : memref<8x2048xf32, #tpu.memory_space<vmem>>, vector<16xf32>,
      tpu.vector_store %arg9[%parallel_loop3A_1165, %parallel_loop3A_1166], %parallel_loop3A_1163 {strides = array<i32>} : memref<8x2048xf32, #tpu.memory_space<vmem>>, vector<16xf32>,
      %parallel_loop3A_1168 = tpu.vector_load_idx %arg5[%broadcast_in_dim3A_9, %parallel_loop3A_1147] : memref<8x1000xf32, #tpu.memory_space<vmem>>[vector<16xi32>, vector<16xi32>], vector<16xf32>,
      %parallel_loop3A_1169 = arith.constant 4 : i32
      %parallel_loop3A_1170 = arith.index_cast %parallel_loop3A_1169 : i32 to index
      %parallel_loop3A_1171 = arith.index_cast %parallel_loop3A_1145 : i32 to index
      %parallel_loop3A_1172 = tpu.vector_load %arg9[%parallel_loop3A_1170, %parallel_loop3A_1171] {strides = array<i32>} : memref<8x2048xf32, #tpu.memory_space<vmem>>, vector<16xf32>,
      tpu.vector_store %arg9[%parallel_loop3A_1170, %parallel_loop3A_1171], %parallel_loop3A_1168 {strides = array<i32>} : memref<8x2048xf32, #tpu.memory_space<vmem>>, vector<16xf32>,
      %parallel_loop3A_1173 = tpu.vector_load_idx %arg5[%broadcast_in_dim3A_11, %parallel_loop3A_1147] : memref<8x1000xf32, #tpu.memory_space<vmem>>[vector<16xi32>, vector<16xi32>], vector<16xf32>,
      %parallel_loop3A_1174 = arith.constant 5 : i32
      %parallel_loop3A_1175 = arith.index_cast %parallel_loop3A_1174 : i32 to index
      %parallel_loop3A_1176 = arith.index_cast %parallel_loop3A_1145 : i32 to index
      %parallel_loop3A_1177 = tpu.vector_load %arg9[%parallel_loop3A_1175, %parallel_loop3A_1176] {strides = array<i32>} : memref<8x2048xf32, #tpu.memory_space<vmem>>, vector<16xf32>,
      tpu.vector_store %arg9[%parallel_loop3A_1175, %parallel_loop3A_1176], %parallel_loop3A_1173 {strides = array<i32>} : memref<8x2048xf32, #tpu.memory_space<vmem>>, vector<16xf32>,
      %parallel_loop3A_1178 = tpu.vector_load_idx %arg5[%broadcast_in_dim3A_13, %parallel_loop3A_1147] : memref<8x1000xf32, #tpu.memory_space<vmem>>[vector<16xi32>, vector<16xi32>], vector<16xf32>,
      %parallel_loop3A_1179 = arith.constant 6 : i32
      %parallel_loop3A_1180 = arith.index_cast %parallel_loop3A_1179 : i32 to index
      %parallel_loop3A_1181 = arith.index_cast %parallel_loop3A_1145 : i32 to index
      %parallel_loop3A_1182 = tpu.vector_load %arg9[%parallel_loop3A_1180, %parallel_loop3A_1181] {strides = array<i32>} : memref<8x2048xf32, #tpu.memory_space<vmem>>, vector<16xf32>,
      tpu.vector_store %arg9[%parallel_loop3A_1180, %parallel_loop3A_1181], %parallel_loop3A_1178 {strides = array<i32>} : memref<8x2048xf32, #tpu.memory_space<vmem>>, vector<16xf32>,
      %parallel_loop3A_1183 = tpu.vector_load_idx %arg5[%broadcast_in_dim3A_15, %parallel_loop3A_1147] : memref<8x1000xf32, #tpu.memory_space<vmem>>[vector<16xi32>, vector<16xi32>], vector<16xf32>,
      %parallel_loop3A_1184 = arith.constant 7 : i32
      %parallel_loop3A_1185 = arith.index_cast %parallel_loop3A_1184 : i32 to index
      %parallel_loop3A_1186 = arith.index_cast %parallel_loop3A_1145 : i32 to index
      %parallel_loop3A_1187 = tpu.vector_load %arg9[%parallel_loop3A_1185, %parallel_loop3A_1186] {strides = array<i32>} : memref<8x2048xf32, #tpu.memory_space<vmem>>, vector<16xf32>,
      tpu.vector_store %arg9[%parallel_loop3A_1185, %parallel_loop3A_1186], %parallel_loop3A_1183 {strides = array<i32>} : memref<8x2048xf32, #tpu.memory_space<vmem>>, vector<16xf32>,
    } {sc.loop_unroll_factor = 8 : i64, sc.parallel_access}
    %mul3A_579 = arith.constant 8 : i32
    %mul3A_580 = arith.muli %select_n3A_449, %mul3A_579 : i32
    %mul3A_581 = arith.constant 2048 : i32
    %mul3A_582 = arith.muli %select_n3A_465, %mul3A_581 : i32
    %dma_start3A_583 = tpu.memref_slice %arg4[%mul3A_580, %mul3A_582] : memref<832x4096xf32, #tpu.memory_space<hbm>> -> memref<8x2048xf32, #tpu.memory_space<hbm>>
    %dma_start3A_584 = tpu.memref_slice %arg4[%mul3A_580, %mul3A_582] : memref<832x4096xf32, #tpu.memory_space<hbm>> -> memref<8x2048xf32, #tpu.memory_space<hbm>>
    tpu.enqueue_dma source(%arg9 : memref<8x2048xf32, #tpu.memory_space<vmem>>) target(%dma_start3A_584 : memref<8x2048xf32, #tpu.memory_space<hbm>>) target_semaphore(%arg13 : memref<!tpu.dma_semaphore, #tpu.memory_space<semaphore_mem>>)
    %add3A_585 = arith.constant 96 : i32
    %add3A_586 = arith.addi %add3A, %add3A_585 : i32
    %min3A_587 = arith.constant 207 : i32
    %min3A_588 = arith.minsi %add3A_586, %min3A_587 : i32
    %jit3A_589 = arith.constant 2 : i32
    %div3A_590 = arith.divsi %min3A_588, %jit3A_589 : i32
    %sign3A_591 = arith.constant 0 : i32
    %sign3A_592 = arith.cmpi sgt, %min3A_588, %sign3A_591 : i32
    %sign3A_593 = arith.extui %sign3A_592 : i1 to i32
    %sign3A_594 = arith.constant 0 : i32
    %sign3A_595 = arith.cmpi slt, %min3A_588, %sign3A_594 : i32
    %sign3A_596 = arith.extui %sign3A_595 : i1 to i32
    %sign3A_597 = arith.subi %sign3A_593, %sign3A_596 : i32
    %sign3A_598 = arith.constant 0 : i32
    %sign3A_599 = arith.cmpi sgt, %jit3A_589, %sign3A_598 : i32
    %sign3A_600 = arith.extui %sign3A_599 : i1 to i32
    %sign3A_601 = arith.constant 0 : i32
    %sign3A_602 = arith.cmpi slt, %jit3A_589, %sign3A_601 : i32
    %sign3A_603 = arith.extui %sign3A_602 : i1 to i32
    %sign3A_604 = arith.subi %sign3A_600, %sign3A_603 : i32
    %ne3A_605 = arith.cmpi ne, %sign3A_597, %sign3A_604 : i32
    %rem3A_606 = arith.remsi %min3A_588, %jit3A_589 : i32
    %ne3A_607 = arith.constant 0 : i32
    %ne3A_608 = arith.cmpi ne, %rem3A_606, %ne3A_607 : i32
    %and3A_609 = arith.andi %ne3A_605, %ne3A_608 : i1
    %sub3A_610 = arith.constant 1 : i32
    %sub3A_611 = arith.subi %div3A_590, %sub3A_610 : i32
    %select_n3A_612 = arith.select %and3A_609, %sub3A_611, %div3A_590 : i32
    %jit3A_613 = arith.constant 2 : i32
    %eq3A_614 = arith.constant 0 : i32
    %eq3A_615 = arith.cmpi eq, %jit3A_613, %eq3A_614 : i32
    %jit3A_616 = arith.constant 1 : i32
    %select_n3A_617 = arith.select %eq3A_615, %jit3A_616, %jit3A_613 : i32
    %rem3A_618 = arith.remsi %min3A_588, %select_n3A_617 : i32
    %ne3A_619 = arith.constant 0 : i32
    %ne3A_620 = arith.cmpi ne, %rem3A_618, %ne3A_619 : i32
    %lt3A_621 = arith.constant 0 : i32
    %lt3A_622 = arith.cmpi slt, %rem3A_618, %lt3A_621 : i32
    %lt3A_623 = arith.constant 0 : i32
    %lt3A_624 = arith.cmpi slt, %select_n3A_617, %lt3A_623 : i32
    %ne3A_625 = arith.xori %lt3A_622, %lt3A_624 : i1
    %and3A_626 = arith.andi %ne3A_625, %ne3A_620 : i1
    %add3A_627 = arith.addi %rem3A_618, %select_n3A_617 : i32
    %select_n3A_628 = arith.select %and3A_626, %add3A_627, %rem3A_618 : i32
    %dma_wait3A_629 = arith.constant 0 : i32
    %dma_wait3A_630 = tpu.memref_slice %arg2[%select_n3A_543, %mul3A_561, %dma_wait3A_629] : memref<26x32x1000xf32, #tpu.memory_space<hbm>> -> memref<1x8x1000xf32, #tpu.memory_space<hbm>>
    %dma_wait3A_631 = tpu.memref_squeeze %dma_wait3A_630 : memref<1x8x1000xf32, #tpu.memory_space<hbm>> -> memref<8x1000xf32, #tpu.memory_space<hbm>>
    %dma_wait3A_632 = arith.constant 0 : i32
    %dma_wait3A_633 = tpu.memref_slice %arg2[%select_n3A_543, %mul3A_561, %dma_wait3A_632] : memref<26x32x1000xf32, #tpu.memory_space<hbm>> -> memref<1x8x1000xf32, #tpu.memory_space<hbm>>
    %dma_wait3A_634 = tpu.memref_squeeze %dma_wait3A_633 : memref<1x8x1000xf32, #tpu.memory_space<hbm>> -> memref<8x1000xf32, #tpu.memory_space<hbm>>
    tpu.wait_dma2 semaphore(%arg12 : memref<!tpu.dma_semaphore, #tpu.memory_space<semaphore_mem>>) src(%dma_wait3A_634 : memref<8x1000xf32, #tpu.memory_space<hbm>>) dst(%arg6 : memref<8x1000xf32, #tpu.memory_space<vmem>>)
    %dma_wait3A_635 = tpu.memref_slice %arg3[%select_n3A_543, %mul3A_569] : memref<26x4096xi32, #tpu.memory_space<hbm>> -> memref<1x2048xi32, #tpu.memory_space<hbm>>
    %dma_wait3A_636 = tpu.memref_squeeze %dma_wait3A_635 : memref<1x2048xi32, #tpu.memory_space<hbm>> -> memref<2048xi32, #tpu.memory_space<hbm>>
    %dma_wait3A_637 = tpu.memref_slice %arg3[%select_n3A_543, %mul3A_569] : memref<26x4096xi32, #tpu.memory_space<hbm>> -> memref<1x2048xi32, #tpu.memory_space<hbm>>
    %dma_wait3A_638 = tpu.memref_squeeze %dma_wait3A_637 : memref<1x2048xi32, #tpu.memory_space<hbm>> -> memref<2048xi32, #tpu.memory_space<hbm>>
    tpu.wait_dma2 semaphore(%arg12 : memref<!tpu.dma_semaphore, #tpu.memory_space<semaphore_mem>>) src(%dma_wait3A_638 : memref<2048xi32, #tpu.memory_space<hbm>>) dst(%arg8 : memref<2048xi32, #tpu.memory_space<vmem>>)
    %add3A_639 = arith.constant 128 : i32
    %add3A_640 = arith.addi %add3A, %add3A_639 : i32
    %min3A_641 = arith.constant 207 : i32
    %min3A_642 = arith.minsi %add3A_640, %min3A_641 : i32
    %jit3A_643 = arith.constant 2 : i32
    %div3A_644 = arith.divsi %min3A_642, %jit3A_643 : i32
    %sign3A_645 = arith.constant 0 : i32
    %sign3A_646 = arith.cmpi sgt, %min3A_642, %sign3A_645 : i32
    %sign3A_647 = arith.extui %sign3A_646 : i1 to i32
    %sign3A_648 = arith.constant 0 : i32
    %sign3A_649 = arith.cmpi slt, %min3A_642, %sign3A_648 : i32
    %sign3A_650 = arith.extui %sign3A_649 : i1 to i32
    %sign3A_651 = arith.subi %sign3A_647, %sign3A_650 : i32
    %sign3A_652 = arith.constant 0 : i32
    %sign3A_653 = arith.cmpi sgt, %jit3A_643, %sign3A_652 : i32
    %sign3A_654 = arith.extui %sign3A_653 : i1 to i32
    %sign3A_655 = arith.constant 0 : i32
    %sign3A_656 = arith.cmpi slt, %jit3A_643, %sign3A_655 : i32
    %sign3A_657 = arith.extui %sign3A_656 : i1 to i32
    %sign3A_658 = arith.subi %sign3A_654, %sign3A_657 : i32
    %ne3A_659 = arith.cmpi ne, %sign3A_651, %sign3A_658 : i32
    %rem3A_660 = arith.remsi %min3A_642, %jit3A_643 : i32
    %ne3A_661 = arith.constant 0 : i32
    %ne3A_662 = arith.cmpi ne, %rem3A_660, %ne3A_661 : i32
    %and3A_663 = arith.andi %ne3A_659, %ne3A_662 : i1
    %sub3A_664 = arith.constant 1 : i32
    %sub3A_665 = arith.subi %div3A_644, %sub3A_664 : i32
    %select_n3A_666 = arith.select %and3A_663, %sub3A_665, %div3A_644 : i32
    %jit3A_667 = arith.constant 2 : i32
    %eq3A_668 = arith.constant 0 : i32
    %eq3A_669 = arith.cmpi eq, %jit3A_667, %eq3A_668 : i32
    %jit3A_670 = arith.constant 1 : i32
    %select_n3A_671 = arith.select %eq3A_669, %jit3A_670, %jit3A_667 : i32
    %rem3A_672 = arith.remsi %min3A_642, %select_n3A_671 : i32
    %ne3A_673 = arith.constant 0 : i32
    %ne3A_674 = arith.cmpi ne, %rem3A_672, %ne3A_673 : i32
    %lt3A_675 = arith.constant 0 : i32
    %lt3A_676 = arith.cmpi slt, %rem3A_672, %lt3A_675 : i32
    %lt3A_677 = arith.constant 0 : i32
    %lt3A_678 = arith.cmpi slt, %select_n3A_671, %lt3A_677 : i32
    %ne3A_679 = arith.xori %lt3A_676, %lt3A_678 : i1
    %and3A_680 = arith.andi %ne3A_679, %ne3A_674 : i1
    %add3A_681 = arith.addi %rem3A_672, %select_n3A_671 : i32
    %select_n3A_682 = arith.select %and3A_680, %add3A_681, %rem3A_672 : i32
    %jit3A_683 = arith.constant 4 : i32
    %div3A_684 = arith.divsi %select_n3A_666, %jit3A_683 : i32
    %sign3A_685 = arith.constant 0 : i32
    %sign3A_686 = arith.cmpi sgt, %select_n3A_666, %sign3A_685 : i32
    %sign3A_687 = arith.extui %sign3A_686 : i1 to i32
    %sign3A_688 = arith.constant 0 : i32
    %sign3A_689 = arith.cmpi slt, %select_n3A_666, %sign3A_688 : i32
    %sign3A_690 = arith.extui %sign3A_689 : i1 to i32
    %sign3A_691 = arith.subi %sign3A_687, %sign3A_690 : i32
    %sign3A_692 = arith.constant 0 : i32
    %sign3A_693 = arith.cmpi sgt, %jit3A_683, %sign3A_692 : i32
    %sign3A_694 = arith.extui %sign3A_693 : i1 to i32
    %sign3A_695 = arith.constant 0 : i32
    %sign3A_696 = arith.cmpi slt, %jit3A_683, %sign3A_695 : i32
    %sign3A_697 = arith.extui %sign3A_696 : i1 to i32
    %sign3A_698 = arith.subi %sign3A_694, %sign3A_697 : i32
    %ne3A_699 = arith.cmpi ne, %sign3A_691, %sign3A_698 : i32
    %rem3A_700 = arith.remsi %select_n3A_666, %jit3A_683 : i32
    %ne3A_701 = arith.constant 0 : i32
    %ne3A_702 = arith.cmpi ne, %rem3A_700, %ne3A_701 : i32
    %and3A_703 = arith.andi %ne3A_699, %ne3A_702 : i1
    %sub3A_704 = arith.constant 1 : i32
    %sub3A_705 = arith.subi %div3A_684, %sub3A_704 : i32
    %select_n3A_706 = arith.select %and3A_703, %sub3A_705, %div3A_684 : i32
    %jit3A_707 = arith.constant 4 : i32
    %eq3A_708 = arith.constant 0 : i32
    %eq3A_709 = arith.cmpi eq, %jit3A_707, %eq3A_708 : i32
    %jit3A_710 = arith.constant 1 : i32
    %select_n3A_711 = arith.select %eq3A_709, %jit3A_710, %jit3A_707 : i32
    %rem3A_712 = arith.remsi %select_n3A_666, %select_n3A_711 : i32
    %ne3A_713 = arith.constant 0 : i32
    %ne3A_714 = arith.cmpi ne, %rem3A_712, %ne3A_713 : i32
    %lt3A_715 = arith.constant 0 : i32
    %lt3A_716 = arith.cmpi slt, %rem3A_712, %lt3A_715 : i32
    %lt3A_717 = arith.constant 0 : i32
    %lt3A_718 = arith.cmpi slt, %select_n3A_711, %lt3A_717 : i32
    %ne3A_719 = arith.xori %lt3A_716, %lt3A_718 : i1
    %and3A_720 = arith.andi %ne3A_719, %ne3A_714 : i1
    %add3A_721 = arith.addi %rem3A_712, %select_n3A_711 : i32
    %select_n3A_722 = arith.select %and3A_720, %add3A_721, %rem3A_712 : i32
    %mul3A_723 = arith.constant 8 : i32
    %mul3A_724 = arith.muli %select_n3A_722, %mul3A_723 : i32
    %dma_start3A_725 = arith.constant 0 : i32
    %dma_start3A_726 = tpu.memref_slice %arg2[%select_n3A_706, %mul3A_724, %dma_start3A_725] : memref<26x32x1000xf32, #tpu.memory_space<hbm>> -> memref<1x8x1000xf32, #tpu.memory_space<hbm>>
    %dma_start3A_727 = tpu.memref_squeeze %dma_start3A_726 : memref<1x8x1000xf32, #tpu.memory_space<hbm>> -> memref<8x1000xf32, #tpu.memory_space<hbm>>
    %dma_start3A_728 = arith.constant 0 : i32
    %dma_start3A_729 = tpu.memref_slice %arg2[%select_n3A_706, %mul3A_724, %dma_start3A_728] : memref<26x32x1000xf32, #tpu.memory_space<hbm>> -> memref<1x8x1000xf32, #tpu.memory_space<hbm>>
    %dma_start3A_730 = tpu.memref_squeeze %dma_start3A_729 : memref<1x8x1000xf32, #tpu.memory_space<hbm>> -> memref<8x1000xf32, #tpu.memory_space<hbm>>
    tpu.enqueue_dma source(%dma_start3A_730 : memref<8x1000xf32, #tpu.memory_space<hbm>>) target(%arg5 : memref<8x1000xf32, #tpu.memory_space<vmem>>) target_semaphore(%arg11 : memref<!tpu.dma_semaphore, #tpu.memory_space<semaphore_mem>>)
    %mul3A_731 = arith.constant 2048 : i32
    %mul3A_732 = arith.muli %select_n3A_682, %mul3A_731 : i32
    %dma_start3A_733 = tpu.memref_slice %arg3[%select_n3A_706, %mul3A_732] : memref<26x4096xi32, #tpu.memory_space<hbm>> -> memref<1x2048xi32, #tpu.memory_space<hbm>>
    %dma_start3A_734 = tpu.memref_squeeze %dma_start3A_733 : memref<1x2048xi32, #tpu.memory_space<hbm>> -> memref<2048xi32, #tpu.memory_space<hbm>>
    %dma_start3A_735 = tpu.memref_slice %arg3[%select_n3A_706, %mul3A_732] : memref<26x4096xi32, #tpu.memory_space<hbm>> -> memref<1x2048xi32, #tpu.memory_space<hbm>>
    %dma_start3A_736 = tpu.memref_squeeze %dma_start3A_735 : memref<1x2048xi32, #tpu.memory_space<hbm>> -> memref<2048xi32, #tpu.memory_space<hbm>>
    tpu.enqueue_dma source(%dma_start3A_736 : memref<2048xi32, #tpu.memory_space<hbm>>) target(%arg7 : memref<2048xi32, #tpu.memory_space<vmem>>) target_semaphore(%arg11 : memref<!tpu.dma_semaphore, #tpu.memory_space<semaphore_mem>>)
    %dma_wait3A_737 = tpu.memref_slice %arg4[%mul3A_417, %mul3A_419] : memref<832x4096xf32, #tpu.memory_space<hbm>> -> memref<8x2048xf32, #tpu.memory_space<hbm>>
    %dma_wait3A_738 = tpu.memref_slice %arg4[%mul3A_417, %mul3A_419] : memref<832x4096xf32, #tpu.memory_space<hbm>> -> memref<8x2048xf32, #tpu.memory_space<hbm>>
    tpu.wait_dma2 semaphore(%arg14 : memref<!tpu.dma_semaphore, #tpu.memory_space<semaphore_mem>>) src(%arg10 : memref<8x2048xf32, #tpu.memory_space<vmem>>) dst(%dma_wait3A_738 : memref<8x2048xf32, #tpu.memory_space<hbm>>)
    %parallel_loop3A_739 = arith.constant 0 : i32
    %parallel_loop3A_740 = arith.constant 128 : i32
    %parallel_loop3A_741 = arith.constant 1 : i32
    scf.for %parallel_loop3A_1143 = %parallel_loop3A_739 to %parallel_loop3A_740 step %parallel_loop3A_741  : i32 {
      %parallel_loop3A_1144 = arith.constant 16 : i32
      %parallel_loop3A_1145 = arith.muli %parallel_loop3A_1143, %parallel_loop3A_1144 : i32
      %parallel_loop3A_1146 = arith.index_cast %parallel_loop3A_1145 : i32 to index
      %parallel_loop3A_1147 = tpu.vector_load %arg8[%parallel_loop3A_1146] {strides = array<i32>} : memref<2048xi32, #tpu.memory_space<vmem>>, vector<16xi32>,
      %parallel_loop3A_1148 = tpu.vector_load_idx %arg6[%broadcast_in_dim3A_1, %parallel_loop3A_1147] : memref<8x1000xf32, #tpu.memory_space<vmem>>[vector<16xi32>, vector<16xi32>], vector<16xf32>,
      %parallel_loop3A_1149 = arith.constant 0 : i32
      %parallel_loop3A_1150 = arith.index_cast %parallel_loop3A_1149 : i32 to index
      %parallel_loop3A_1151 = arith.index_cast %parallel_loop3A_1145 : i32 to index
      %parallel_loop3A_1152 = tpu.vector_load %arg10[%parallel_loop3A_1150, %parallel_loop3A_1151] {strides = array<i32>} : memref<8x2048xf32, #tpu.memory_space<vmem>>, vector<16xf32>,
      tpu.vector_store %arg10[%parallel_loop3A_1150, %parallel_loop3A_1151], %parallel_loop3A_1148 {strides = array<i32>} : memref<8x2048xf32, #tpu.memory_space<vmem>>, vector<16xf32>,
      %parallel_loop3A_1153 = tpu.vector_load_idx %arg6[%broadcast_in_dim3A_3, %parallel_loop3A_1147] : memref<8x1000xf32, #tpu.memory_space<vmem>>[vector<16xi32>, vector<16xi32>], vector<16xf32>,
      %parallel_loop3A_1154 = arith.constant 1 : i32
      %parallel_loop3A_1155 = arith.index_cast %parallel_loop3A_1154 : i32 to index
      %parallel_loop3A_1156 = arith.index_cast %parallel_loop3A_1145 : i32 to index
      %parallel_loop3A_1157 = tpu.vector_load %arg10[%parallel_loop3A_1155, %parallel_loop3A_1156] {strides = array<i32>} : memref<8x2048xf32, #tpu.memory_space<vmem>>, vector<16xf32>,
      tpu.vector_store %arg10[%parallel_loop3A_1155, %parallel_loop3A_1156], %parallel_loop3A_1153 {strides = array<i32>} : memref<8x2048xf32, #tpu.memory_space<vmem>>, vector<16xf32>,
      %parallel_loop3A_1158 = tpu.vector_load_idx %arg6[%broadcast_in_dim3A_5, %parallel_loop3A_1147] : memref<8x1000xf32, #tpu.memory_space<vmem>>[vector<16xi32>, vector<16xi32>], vector<16xf32>,
      %parallel_loop3A_1159 = arith.constant 2 : i32
      %parallel_loop3A_1160 = arith.index_cast %parallel_loop3A_1159 : i32 to index
      %parallel_loop3A_1161 = arith.index_cast %parallel_loop3A_1145 : i32 to index
      %parallel_loop3A_1162 = tpu.vector_load %arg10[%parallel_loop3A_1160, %parallel_loop3A_1161] {strides = array<i32>} : memref<8x2048xf32, #tpu.memory_space<vmem>>, vector<16xf32>,
      tpu.vector_store %arg10[%parallel_loop3A_1160, %parallel_loop3A_1161], %parallel_loop3A_1158 {strides = array<i32>} : memref<8x2048xf32, #tpu.memory_space<vmem>>, vector<16xf32>,
      %parallel_loop3A_1163 = tpu.vector_load_idx %arg6[%broadcast_in_dim3A_7, %parallel_loop3A_1147] : memref<8x1000xf32, #tpu.memory_space<vmem>>[vector<16xi32>, vector<16xi32>], vector<16xf32>,
      %parallel_loop3A_1164 = arith.constant 3 : i32
      %parallel_loop3A_1165 = arith.index_cast %parallel_loop3A_1164 : i32 to index
      %parallel_loop3A_1166 = arith.index_cast %parallel_loop3A_1145 : i32 to index
      %parallel_loop3A_1167 = tpu.vector_load %arg10[%parallel_loop3A_1165, %parallel_loop3A_1166] {strides = array<i32>} : memref<8x2048xf32, #tpu.memory_space<vmem>>, vector<16xf32>,
      tpu.vector_store %arg10[%parallel_loop3A_1165, %parallel_loop3A_1166], %parallel_loop3A_1163 {strides = array<i32>} : memref<8x2048xf32, #tpu.memory_space<vmem>>, vector<16xf32>,
      %parallel_loop3A_1168 = tpu.vector_load_idx %arg6[%broadcast_in_dim3A_9, %parallel_loop3A_1147] : memref<8x1000xf32, #tpu.memory_space<vmem>>[vector<16xi32>, vector<16xi32>], vector<16xf32>,
      %parallel_loop3A_1169 = arith.constant 4 : i32
      %parallel_loop3A_1170 = arith.index_cast %parallel_loop3A_1169 : i32 to index
      %parallel_loop3A_1171 = arith.index_cast %parallel_loop3A_1145 : i32 to index
      %parallel_loop3A_1172 = tpu.vector_load %arg10[%parallel_loop3A_1170, %parallel_loop3A_1171] {strides = array<i32>} : memref<8x2048xf32, #tpu.memory_space<vmem>>, vector<16xf32>,
      tpu.vector_store %arg10[%parallel_loop3A_1170, %parallel_loop3A_1171], %parallel_loop3A_1168 {strides = array<i32>} : memref<8x2048xf32, #tpu.memory_space<vmem>>, vector<16xf32>,
      %parallel_loop3A_1173 = tpu.vector_load_idx %arg6[%broadcast_in_dim3A_11, %parallel_loop3A_1147] : memref<8x1000xf32, #tpu.memory_space<vmem>>[vector<16xi32>, vector<16xi32>], vector<16xf32>,
      %parallel_loop3A_1174 = arith.constant 5 : i32
      %parallel_loop3A_1175 = arith.index_cast %parallel_loop3A_1174 : i32 to index
      %parallel_loop3A_1176 = arith.index_cast %parallel_loop3A_1145 : i32 to index
      %parallel_loop3A_1177 = tpu.vector_load %arg10[%parallel_loop3A_1175, %parallel_loop3A_1176] {strides = array<i32>} : memref<8x2048xf32, #tpu.memory_space<vmem>>, vector<16xf32>,
      tpu.vector_store %arg10[%parallel_loop3A_1175, %parallel_loop3A_1176], %parallel_loop3A_1173 {strides = array<i32>} : memref<8x2048xf32, #tpu.memory_space<vmem>>, vector<16xf32>,
      %parallel_loop3A_1178 = tpu.vector_load_idx %arg6[%broadcast_in_dim3A_13, %parallel_loop3A_1147] : memref<8x1000xf32, #tpu.memory_space<vmem>>[vector<16xi32>, vector<16xi32>], vector<16xf32>,
      %parallel_loop3A_1179 = arith.constant 6 : i32
      %parallel_loop3A_1180 = arith.index_cast %parallel_loop3A_1179 : i32 to index
      %parallel_loop3A_1181 = arith.index_cast %parallel_loop3A_1145 : i32 to index
      %parallel_loop3A_1182 = tpu.vector_load %arg10[%parallel_loop3A_1180, %parallel_loop3A_1181] {strides = array<i32>} : memref<8x2048xf32, #tpu.memory_space<vmem>>, vector<16xf32>,
      tpu.vector_store %arg10[%parallel_loop3A_1180, %parallel_loop3A_1181], %parallel_loop3A_1178 {strides = array<i32>} : memref<8x2048xf32, #tpu.memory_space<vmem>>, vector<16xf32>,
      %parallel_loop3A_1183 = tpu.vector_load_idx %arg6[%broadcast_in_dim3A_15, %parallel_loop3A_1147] : memref<8x1000xf32, #tpu.memory_space<vmem>>[vector<16xi32>, vector<16xi32>], vector<16xf32>,
      %parallel_loop3A_1184 = arith.constant 7 : i32
      %parallel_loop3A_1185 = arith.index_cast %parallel_loop3A_1184 : i32 to index
      %parallel_loop3A_1186 = arith.index_cast %parallel_loop3A_1145 : i32 to index
      %parallel_loop3A_1187 = tpu.vector_load %arg10[%parallel_loop3A_1185, %parallel_loop3A_1186] {strides = array<i32>} : memref<8x2048xf32, #tpu.memory_space<vmem>>, vector<16xf32>,
      tpu.vector_store %arg10[%parallel_loop3A_1185, %parallel_loop3A_1186], %parallel_loop3A_1183 {strides = array<i32>} : memref<8x2048xf32, #tpu.memory_space<vmem>>, vector<16xf32>,
    } {sc.loop_unroll_factor = 8 : i64, sc.parallel_access}
    %mul3A_742 = arith.constant 8 : i32
    %mul3A_743 = arith.muli %select_n3A_612, %mul3A_742 : i32
    %mul3A_744 = arith.constant 2048 : i32
    %mul3A_745 = arith.muli %select_n3A_628, %mul3A_744 : i32
    %dma_start3A_746 = tpu.memref_slice %arg4[%mul3A_743, %mul3A_745] : memref<832x4096xf32, #tpu.memory_space<hbm>> -> memref<8x2048xf32, #tpu.memory_space<hbm>>
    %dma_start3A_747 = tpu.memref_slice %arg4[%mul3A_743, %mul3A_745] : memref<832x4096xf32, #tpu.memory_space<hbm>> -> memref<8x2048xf32, #tpu.memory_space<hbm>>
    tpu.enqueue_dma source(%arg10 : memref<8x2048xf32, #tpu.memory_space<vmem>>) target(%dma_start3A_747 : memref<8x2048xf32, #tpu.memory_space<hbm>>) target_semaphore(%arg14 : memref<!tpu.dma_semaphore, #tpu.memory_space<semaphore_mem>>)
    %add3A_748 = arith.constant 128 : i32
    %add3A_749 = arith.addi %add3A, %add3A_748 : i32
    %min3A_750 = arith.constant 207 : i32
    %min3A_751 = arith.minsi %add3A_749, %min3A_750 : i32
    %jit3A_752 = arith.constant 2 : i32
    %div3A_753 = arith.divsi %min3A_751, %jit3A_752 : i32
    %sign3A_754 = arith.constant 0 : i32
    %sign3A_755 = arith.cmpi sgt, %min3A_751, %sign3A_754 : i32
    %sign3A_756 = arith.extui %sign3A_755 : i1 to i32
    %sign3A_757 = arith.constant 0 : i32
    %sign3A_758 = arith.cmpi slt, %min3A_751, %sign3A_757 : i32
    %sign3A_759 = arith.extui %sign3A_758 : i1 to i32
    %sign3A_760 = arith.subi %sign3A_756, %sign3A_759 : i32
    %sign3A_761 = arith.constant 0 : i32
    %sign3A_762 = arith.cmpi sgt, %jit3A_752, %sign3A_761 : i32
    %sign3A_763 = arith.extui %sign3A_762 : i1 to i32
    %sign3A_764 = arith.constant 0 : i32
    %sign3A_765 = arith.cmpi slt, %jit3A_752, %sign3A_764 : i32
    %sign3A_766 = arith.extui %sign3A_765 : i1 to i32
    %sign3A_767 = arith.subi %sign3A_763, %sign3A_766 : i32
    %ne3A_768 = arith.cmpi ne, %sign3A_760, %sign3A_767 : i32
    %rem3A_769 = arith.remsi %min3A_751, %jit3A_752 : i32
    %ne3A_770 = arith.constant 0 : i32
    %ne3A_771 = arith.cmpi ne, %rem3A_769, %ne3A_770 : i32
    %and3A_772 = arith.andi %ne3A_768, %ne3A_771 : i1
    %sub3A_773 = arith.constant 1 : i32
    %sub3A_774 = arith.subi %div3A_753, %sub3A_773 : i32
    %select_n3A_775 = arith.select %and3A_772, %sub3A_774, %div3A_753 : i32
    %jit3A_776 = arith.constant 2 : i32
    %eq3A_777 = arith.constant 0 : i32
    %eq3A_778 = arith.cmpi eq, %jit3A_776, %eq3A_777 : i32
    %jit3A_779 = arith.constant 1 : i32
    %select_n3A_780 = arith.select %eq3A_778, %jit3A_779, %jit3A_776 : i32
    %rem3A_781 = arith.remsi %min3A_751, %select_n3A_780 : i32
    %ne3A_782 = arith.constant 0 : i32
    %ne3A_783 = arith.cmpi ne, %rem3A_781, %ne3A_782 : i32
    %lt3A_784 = arith.constant 0 : i32
    %lt3A_785 = arith.cmpi slt, %rem3A_781, %lt3A_784 : i32
    %lt3A_786 = arith.constant 0 : i32
    %lt3A_787 = arith.cmpi slt, %select_n3A_780, %lt3A_786 : i32
    %ne3A_788 = arith.xori %lt3A_785, %lt3A_787 : i1
    %and3A_789 = arith.andi %ne3A_788, %ne3A_783 : i1
    %add3A_790 = arith.addi %rem3A_781, %select_n3A_780 : i32
    %select_n3A_791 = arith.select %and3A_789, %add3A_790, %rem3A_781 : i32
    %dma_wait3A_792 = arith.constant 0 : i32
    %dma_wait3A_793 = tpu.memref_slice %arg2[%select_n3A_706, %mul3A_724, %dma_wait3A_792] : memref<26x32x1000xf32, #tpu.memory_space<hbm>> -> memref<1x8x1000xf32, #tpu.memory_space<hbm>>
    %dma_wait3A_794 = tpu.memref_squeeze %dma_wait3A_793 : memref<1x8x1000xf32, #tpu.memory_space<hbm>> -> memref<8x1000xf32, #tpu.memory_space<hbm>>
    %dma_wait3A_795 = arith.constant 0 : i32
    %dma_wait3A_796 = tpu.memref_slice %arg2[%select_n3A_706, %mul3A_724, %dma_wait3A_795] : memref<26x32x1000xf32, #tpu.memory_space<hbm>> -> memref<1x8x1000xf32, #tpu.memory_space<hbm>>
    %dma_wait3A_797 = tpu.memref_squeeze %dma_wait3A_796 : memref<1x8x1000xf32, #tpu.memory_space<hbm>> -> memref<8x1000xf32, #tpu.memory_space<hbm>>
    tpu.wait_dma2 semaphore(%arg11 : memref<!tpu.dma_semaphore, #tpu.memory_space<semaphore_mem>>) src(%dma_wait3A_797 : memref<8x1000xf32, #tpu.memory_space<hbm>>) dst(%arg5 : memref<8x1000xf32, #tpu.memory_space<vmem>>)
    %dma_wait3A_798 = tpu.memref_slice %arg3[%select_n3A_706, %mul3A_732] : memref<26x4096xi32, #tpu.memory_space<hbm>> -> memref<1x2048xi32, #tpu.memory_space<hbm>>
    %dma_wait3A_799 = tpu.memref_squeeze %dma_wait3A_798 : memref<1x2048xi32, #tpu.memory_space<hbm>> -> memref<2048xi32, #tpu.memory_space<hbm>>
    %dma_wait3A_800 = tpu.memref_slice %arg3[%select_n3A_706, %mul3A_732] : memref<26x4096xi32, #tpu.memory_space<hbm>> -> memref<1x2048xi32, #tpu.memory_space<hbm>>
    %dma_wait3A_801 = tpu.memref_squeeze %dma_wait3A_800 : memref<1x2048xi32, #tpu.memory_space<hbm>> -> memref<2048xi32, #tpu.memory_space<hbm>>
    tpu.wait_dma2 semaphore(%arg11 : memref<!tpu.dma_semaphore, #tpu.memory_space<semaphore_mem>>) src(%dma_wait3A_801 : memref<2048xi32, #tpu.memory_space<hbm>>) dst(%arg7 : memref<2048xi32, #tpu.memory_space<vmem>>)
    %add3A_802 = arith.constant 160 : i32
    %add3A_803 = arith.addi %add3A, %add3A_802 : i32
    %min3A_804 = arith.constant 207 : i32
    %min3A_805 = arith.minsi %add3A_803, %min3A_804 : i32
    %jit3A_806 = arith.constant 2 : i32
    %div3A_807 = arith.divsi %min3A_805, %jit3A_806 : i32
    %sign3A_808 = arith.constant 0 : i32
    %sign3A_809 = arith.cmpi sgt, %min3A_805, %sign3A_808 : i32
    %sign3A_810 = arith.extui %sign3A_809 : i1 to i32
    %sign3A_811 = arith.constant 0 : i32
    %sign3A_812 = arith.cmpi slt, %min3A_805, %sign3A_811 : i32
    %sign3A_813 = arith.extui %sign3A_812 : i1 to i32
    %sign3A_814 = arith.subi %sign3A_810, %sign3A_813 : i32
    %sign3A_815 = arith.constant 0 : i32
    %sign3A_816 = arith.cmpi sgt, %jit3A_806, %sign3A_815 : i32
    %sign3A_817 = arith.extui %sign3A_816 : i1 to i32
    %sign3A_818 = arith.constant 0 : i32
    %sign3A_819 = arith.cmpi slt, %jit3A_806, %sign3A_818 : i32
    %sign3A_820 = arith.extui %sign3A_819 : i1 to i32
    %sign3A_821 = arith.subi %sign3A_817, %sign3A_820 : i32
    %ne3A_822 = arith.cmpi ne, %sign3A_814, %sign3A_821 : i32
    %rem3A_823 = arith.remsi %min3A_805, %jit3A_806 : i32
    %ne3A_824 = arith.constant 0 : i32
    %ne3A_825 = arith.cmpi ne, %rem3A_823, %ne3A_824 : i32
    %and3A_826 = arith.andi %ne3A_822, %ne3A_825 : i1
    %sub3A_827 = arith.constant 1 : i32
    %sub3A_828 = arith.subi %div3A_807, %sub3A_827 : i32
    %select_n3A_829 = arith.select %and3A_826, %sub3A_828, %div3A_807 : i32
    %jit3A_830 = arith.constant 2 : i32
    %eq3A_831 = arith.constant 0 : i32
    %eq3A_832 = arith.cmpi eq, %jit3A_830, %eq3A_831 : i32
    %jit3A_833 = arith.constant 1 : i32
    %select_n3A_834 = arith.select %eq3A_832, %jit3A_833, %jit3A_830 : i32
    %rem3A_835 = arith.remsi %min3A_805, %select_n3A_834 : i32
    %ne3A_836 = arith.constant 0 : i32
    %ne3A_837 = arith.cmpi ne, %rem3A_835, %ne3A_836 : i32
    %lt3A_838 = arith.constant 0 : i32
    %lt3A_839 = arith.cmpi slt, %rem3A_835, %lt3A_838 : i32
    %lt3A_840 = arith.constant 0 : i32
    %lt3A_841 = arith.cmpi slt, %select_n3A_834, %lt3A_840 : i32
    %ne3A_842 = arith.xori %lt3A_839, %lt3A_841 : i1
    %and3A_843 = arith.andi %ne3A_842, %ne3A_837 : i1
    %add3A_844 = arith.addi %rem3A_835, %select_n3A_834 : i32
    %select_n3A_845 = arith.select %and3A_843, %add3A_844, %rem3A_835 : i32
    %jit3A_846 = arith.constant 4 : i32
    %div3A_847 = arith.divsi %select_n3A_829, %jit3A_846 : i32
    %sign3A_848 = arith.constant 0 : i32
    %sign3A_849 = arith.cmpi sgt, %select_n3A_829, %sign3A_848 : i32
    %sign3A_850 = arith.extui %sign3A_849 : i1 to i32
    %sign3A_851 = arith.constant 0 : i32
    %sign3A_852 = arith.cmpi slt, %select_n3A_829, %sign3A_851 : i32
    %sign3A_853 = arith.extui %sign3A_852 : i1 to i32
    %sign3A_854 = arith.subi %sign3A_850, %sign3A_853 : i32
    %sign3A_855 = arith.constant 0 : i32
    %sign3A_856 = arith.cmpi sgt, %jit3A_846, %sign3A_855 : i32
    %sign3A_857 = arith.extui %sign3A_856 : i1 to i32
    %sign3A_858 = arith.constant 0 : i32
    %sign3A_859 = arith.cmpi slt, %jit3A_846, %sign3A_858 : i32
    %sign3A_860 = arith.extui %sign3A_859 : i1 to i32
    %sign3A_861 = arith.subi %sign3A_857, %sign3A_860 : i32
    %ne3A_862 = arith.cmpi ne, %sign3A_854, %sign3A_861 : i32
    %rem3A_863 = arith.remsi %select_n3A_829, %jit3A_846 : i32
    %ne3A_864 = arith.constant 0 : i32
    %ne3A_865 = arith.cmpi ne, %rem3A_863, %ne3A_864 : i32
    %and3A_866 = arith.andi %ne3A_862, %ne3A_865 : i1
    %sub3A_867 = arith.constant 1 : i32
    %sub3A_868 = arith.subi %div3A_847, %sub3A_867 : i32
    %select_n3A_869 = arith.select %and3A_866, %sub3A_868, %div3A_847 : i32
    %jit3A_870 = arith.constant 4 : i32
    %eq3A_871 = arith.constant 0 : i32
    %eq3A_872 = arith.cmpi eq, %jit3A_870, %eq3A_871 : i32
    %jit3A_873 = arith.constant 1 : i32
    %select_n3A_874 = arith.select %eq3A_872, %jit3A_873, %jit3A_870 : i32
    %rem3A_875 = arith.remsi %select_n3A_829, %select_n3A_874 : i32
    %ne3A_876 = arith.constant 0 : i32
    %ne3A_877 = arith.cmpi ne, %rem3A_875, %ne3A_876 : i32
    %lt3A_878 = arith.constant 0 : i32
    %lt3A_879 = arith.cmpi slt, %rem3A_875, %lt3A_878 : i32
    %lt3A_880 = arith.constant 0 : i32
    %lt3A_881 = arith.cmpi slt, %select_n3A_874, %lt3A_880 : i32
    %ne3A_882 = arith.xori %lt3A_879, %lt3A_881 : i1
    %and3A_883 = arith.andi %ne3A_882, %ne3A_877 : i1
    %add3A_884 = arith.addi %rem3A_875, %select_n3A_874 : i32
    %select_n3A_885 = arith.select %and3A_883, %add3A_884, %rem3A_875 : i32
    %mul3A_886 = arith.constant 8 : i32
    %mul3A_887 = arith.muli %select_n3A_885, %mul3A_886 : i32
    %dma_start3A_888 = arith.constant 0 : i32
    %dma_start3A_889 = tpu.memref_slice %arg2[%select_n3A_869, %mul3A_887, %dma_start3A_888] : memref<26x32x1000xf32, #tpu.memory_space<hbm>> -> memref<1x8x1000xf32, #tpu.memory_space<hbm>>
    %dma_start3A_890 = tpu.memref_squeeze %dma_start3A_889 : memref<1x8x1000xf32, #tpu.memory_space<hbm>> -> memref<8x1000xf32, #tpu.memory_space<hbm>>
    %dma_start3A_891 = arith.constant 0 : i32
    %dma_start3A_892 = tpu.memref_slice %arg2[%select_n3A_869, %mul3A_887, %dma_start3A_891] : memref<26x32x1000xf32, #tpu.memory_space<hbm>> -> memref<1x8x1000xf32, #tpu.memory_space<hbm>>
    %dma_start3A_893 = tpu.memref_squeeze %dma_start3A_892 : memref<1x8x1000xf32, #tpu.memory_space<hbm>> -> memref<8x1000xf32, #tpu.memory_space<hbm>>
    tpu.enqueue_dma source(%dma_start3A_893 : memref<8x1000xf32, #tpu.memory_space<hbm>>) target(%arg6 : memref<8x1000xf32, #tpu.memory_space<vmem>>) target_semaphore(%arg12 : memref<!tpu.dma_semaphore, #tpu.memory_space<semaphore_mem>>)
    %mul3A_894 = arith.constant 2048 : i32
    %mul3A_895 = arith.muli %select_n3A_845, %mul3A_894 : i32
    %dma_start3A_896 = tpu.memref_slice %arg3[%select_n3A_869, %mul3A_895] : memref<26x4096xi32, #tpu.memory_space<hbm>> -> memref<1x2048xi32, #tpu.memory_space<hbm>>
    %dma_start3A_897 = tpu.memref_squeeze %dma_start3A_896 : memref<1x2048xi32, #tpu.memory_space<hbm>> -> memref<2048xi32, #tpu.memory_space<hbm>>
    %dma_start3A_898 = tpu.memref_slice %arg3[%select_n3A_869, %mul3A_895] : memref<26x4096xi32, #tpu.memory_space<hbm>> -> memref<1x2048xi32, #tpu.memory_space<hbm>>
    %dma_start3A_899 = tpu.memref_squeeze %dma_start3A_898 : memref<1x2048xi32, #tpu.memory_space<hbm>> -> memref<2048xi32, #tpu.memory_space<hbm>>
    tpu.enqueue_dma source(%dma_start3A_899 : memref<2048xi32, #tpu.memory_space<hbm>>) target(%arg8 : memref<2048xi32, #tpu.memory_space<vmem>>) target_semaphore(%arg12 : memref<!tpu.dma_semaphore, #tpu.memory_space<semaphore_mem>>)
    %dma_wait3A_900 = tpu.memref_slice %arg4[%mul3A_580, %mul3A_582] : memref<832x4096xf32, #tpu.memory_space<hbm>> -> memref<8x2048xf32, #tpu.memory_space<hbm>>
    %dma_wait3A_901 = tpu.memref_slice %arg4[%mul3A_580, %mul3A_582] : memref<832x4096xf32, #tpu.memory_space<hbm>> -> memref<8x2048xf32, #tpu.memory_space<hbm>>
    tpu.wait_dma2 semaphore(%arg13 : memref<!tpu.dma_semaphore, #tpu.memory_space<semaphore_mem>>) src(%arg9 : memref<8x2048xf32, #tpu.memory_space<vmem>>) dst(%dma_wait3A_901 : memref<8x2048xf32, #tpu.memory_space<hbm>>)
    %parallel_loop3A_902 = arith.constant 0 : i32
    %parallel_loop3A_903 = arith.constant 128 : i32
    %parallel_loop3A_904 = arith.constant 1 : i32
    scf.for %parallel_loop3A_1143 = %parallel_loop3A_902 to %parallel_loop3A_903 step %parallel_loop3A_904  : i32 {
      %parallel_loop3A_1144 = arith.constant 16 : i32
      %parallel_loop3A_1145 = arith.muli %parallel_loop3A_1143, %parallel_loop3A_1144 : i32
      %parallel_loop3A_1146 = arith.index_cast %parallel_loop3A_1145 : i32 to index
      %parallel_loop3A_1147 = tpu.vector_load %arg7[%parallel_loop3A_1146] {strides = array<i32>} : memref<2048xi32, #tpu.memory_space<vmem>>, vector<16xi32>,
      %parallel_loop3A_1148 = tpu.vector_load_idx %arg5[%broadcast_in_dim3A_1, %parallel_loop3A_1147] : memref<8x1000xf32, #tpu.memory_space<vmem>>[vector<16xi32>, vector<16xi32>], vector<16xf32>,
      %parallel_loop3A_1149 = arith.constant 0 : i32
      %parallel_loop3A_1150 = arith.index_cast %parallel_loop3A_1149 : i32 to index
      %parallel_loop3A_1151 = arith.index_cast %parallel_loop3A_1145 : i32 to index
      %parallel_loop3A_1152 = tpu.vector_load %arg9[%parallel_loop3A_1150, %parallel_loop3A_1151] {strides = array<i32>} : memref<8x2048xf32, #tpu.memory_space<vmem>>, vector<16xf32>,
      tpu.vector_store %arg9[%parallel_loop3A_1150, %parallel_loop3A_1151], %parallel_loop3A_1148 {strides = array<i32>} : memref<8x2048xf32, #tpu.memory_space<vmem>>, vector<16xf32>,
      %parallel_loop3A_1153 = tpu.vector_load_idx %arg5[%broadcast_in_dim3A_3, %parallel_loop3A_1147] : memref<8x1000xf32, #tpu.memory_space<vmem>>[vector<16xi32>, vector<16xi32>], vector<16xf32>,
      %parallel_loop3A_1154 = arith.constant 1 : i32
      %parallel_loop3A_1155 = arith.index_cast %parallel_loop3A_1154 : i32 to index
      %parallel_loop3A_1156 = arith.index_cast %parallel_loop3A_1145 : i32 to index
      %parallel_loop3A_1157 = tpu.vector_load %arg9[%parallel_loop3A_1155, %parallel_loop3A_1156] {strides = array<i32>} : memref<8x2048xf32, #tpu.memory_space<vmem>>, vector<16xf32>,
      tpu.vector_store %arg9[%parallel_loop3A_1155, %parallel_loop3A_1156], %parallel_loop3A_1153 {strides = array<i32>} : memref<8x2048xf32, #tpu.memory_space<vmem>>, vector<16xf32>,
      %parallel_loop3A_1158 = tpu.vector_load_idx %arg5[%broadcast_in_dim3A_5, %parallel_loop3A_1147] : memref<8x1000xf32, #tpu.memory_space<vmem>>[vector<16xi32>, vector<16xi32>], vector<16xf32>,
      %parallel_loop3A_1159 = arith.constant 2 : i32
      %parallel_loop3A_1160 = arith.index_cast %parallel_loop3A_1159 : i32 to index
      %parallel_loop3A_1161 = arith.index_cast %parallel_loop3A_1145 : i32 to index
      %parallel_loop3A_1162 = tpu.vector_load %arg9[%parallel_loop3A_1160, %parallel_loop3A_1161] {strides = array<i32>} : memref<8x2048xf32, #tpu.memory_space<vmem>>, vector<16xf32>,
      tpu.vector_store %arg9[%parallel_loop3A_1160, %parallel_loop3A_1161], %parallel_loop3A_1158 {strides = array<i32>} : memref<8x2048xf32, #tpu.memory_space<vmem>>, vector<16xf32>,
      %parallel_loop3A_1163 = tpu.vector_load_idx %arg5[%broadcast_in_dim3A_7, %parallel_loop3A_1147] : memref<8x1000xf32, #tpu.memory_space<vmem>>[vector<16xi32>, vector<16xi32>], vector<16xf32>,
      %parallel_loop3A_1164 = arith.constant 3 : i32
      %parallel_loop3A_1165 = arith.index_cast %parallel_loop3A_1164 : i32 to index
      %parallel_loop3A_1166 = arith.index_cast %parallel_loop3A_1145 : i32 to index
      %parallel_loop3A_1167 = tpu.vector_load %arg9[%parallel_loop3A_1165, %parallel_loop3A_1166] {strides = array<i32>} : memref<8x2048xf32, #tpu.memory_space<vmem>>, vector<16xf32>,
      tpu.vector_store %arg9[%parallel_loop3A_1165, %parallel_loop3A_1166], %parallel_loop3A_1163 {strides = array<i32>} : memref<8x2048xf32, #tpu.memory_space<vmem>>, vector<16xf32>,
      %parallel_loop3A_1168 = tpu.vector_load_idx %arg5[%broadcast_in_dim3A_9, %parallel_loop3A_1147] : memref<8x1000xf32, #tpu.memory_space<vmem>>[vector<16xi32>, vector<16xi32>], vector<16xf32>,
      %parallel_loop3A_1169 = arith.constant 4 : i32
      %parallel_loop3A_1170 = arith.index_cast %parallel_loop3A_1169 : i32 to index
      %parallel_loop3A_1171 = arith.index_cast %parallel_loop3A_1145 : i32 to index
      %parallel_loop3A_1172 = tpu.vector_load %arg9[%parallel_loop3A_1170, %parallel_loop3A_1171] {strides = array<i32>} : memref<8x2048xf32, #tpu.memory_space<vmem>>, vector<16xf32>,
      tpu.vector_store %arg9[%parallel_loop3A_1170, %parallel_loop3A_1171], %parallel_loop3A_1168 {strides = array<i32>} : memref<8x2048xf32, #tpu.memory_space<vmem>>, vector<16xf32>,
      %parallel_loop3A_1173 = tpu.vector_load_idx %arg5[%broadcast_in_dim3A_11, %parallel_loop3A_1147] : memref<8x1000xf32, #tpu.memory_space<vmem>>[vector<16xi32>, vector<16xi32>], vector<16xf32>,
      %parallel_loop3A_1174 = arith.constant 5 : i32
      %parallel_loop3A_1175 = arith.index_cast %parallel_loop3A_1174 : i32 to index
      %parallel_loop3A_1176 = arith.index_cast %parallel_loop3A_1145 : i32 to index
      %parallel_loop3A_1177 = tpu.vector_load %arg9[%parallel_loop3A_1175, %parallel_loop3A_1176] {strides = array<i32>} : memref<8x2048xf32, #tpu.memory_space<vmem>>, vector<16xf32>,
      tpu.vector_store %arg9[%parallel_loop3A_1175, %parallel_loop3A_1176], %parallel_loop3A_1173 {strides = array<i32>} : memref<8x2048xf32, #tpu.memory_space<vmem>>, vector<16xf32>,
      %parallel_loop3A_1178 = tpu.vector_load_idx %arg5[%broadcast_in_dim3A_13, %parallel_loop3A_1147] : memref<8x1000xf32, #tpu.memory_space<vmem>>[vector<16xi32>, vector<16xi32>], vector<16xf32>,
      %parallel_loop3A_1179 = arith.constant 6 : i32
      %parallel_loop3A_1180 = arith.index_cast %parallel_loop3A_1179 : i32 to index
      %parallel_loop3A_1181 = arith.index_cast %parallel_loop3A_1145 : i32 to index
      %parallel_loop3A_1182 = tpu.vector_load %arg9[%parallel_loop3A_1180, %parallel_loop3A_1181] {strides = array<i32>} : memref<8x2048xf32, #tpu.memory_space<vmem>>, vector<16xf32>,
      tpu.vector_store %arg9[%parallel_loop3A_1180, %parallel_loop3A_1181], %parallel_loop3A_1178 {strides = array<i32>} : memref<8x2048xf32, #tpu.memory_space<vmem>>, vector<16xf32>,
      %parallel_loop3A_1183 = tpu.vector_load_idx %arg5[%broadcast_in_dim3A_15, %parallel_loop3A_1147] : memref<8x1000xf32, #tpu.memory_space<vmem>>[vector<16xi32>, vector<16xi32>], vector<16xf32>,
      %parallel_loop3A_1184 = arith.constant 7 : i32
      %parallel_loop3A_1185 = arith.index_cast %parallel_loop3A_1184 : i32 to index
      %parallel_loop3A_1186 = arith.index_cast %parallel_loop3A_1145 : i32 to index
      %parallel_loop3A_1187 = tpu.vector_load %arg9[%parallel_loop3A_1185, %parallel_loop3A_1186] {strides = array<i32>} : memref<8x2048xf32, #tpu.memory_space<vmem>>, vector<16xf32>,
      tpu.vector_store %arg9[%parallel_loop3A_1185, %parallel_loop3A_1186], %parallel_loop3A_1183 {strides = array<i32>} : memref<8x2048xf32, #tpu.memory_space<vmem>>, vector<16xf32>,
    } {sc.loop_unroll_factor = 8 : i64, sc.parallel_access}
    %mul3A_905 = arith.constant 8 : i32
    %mul3A_906 = arith.muli %select_n3A_775, %mul3A_905 : i32
    %mul3A_907 = arith.constant 2048 : i32
    %mul3A_908 = arith.muli %select_n3A_791, %mul3A_907 : i32
    %dma_start3A_909 = tpu.memref_slice %arg4[%mul3A_906, %mul3A_908] : memref<832x4096xf32, #tpu.memory_space<hbm>> -> memref<8x2048xf32, #tpu.memory_space<hbm>>
    %dma_start3A_910 = tpu.memref_slice %arg4[%mul3A_906, %mul3A_908] : memref<832x4096xf32, #tpu.memory_space<hbm>> -> memref<8x2048xf32, #tpu.memory_space<hbm>>
    tpu.enqueue_dma source(%arg9 : memref<8x2048xf32, #tpu.memory_space<vmem>>) target(%dma_start3A_910 : memref<8x2048xf32, #tpu.memory_space<hbm>>) target_semaphore(%arg13 : memref<!tpu.dma_semaphore, #tpu.memory_space<semaphore_mem>>)
    %add3A_911 = arith.constant 160 : i32
    %add3A_912 = arith.addi %add3A, %add3A_911 : i32
    %min3A_913 = arith.constant 207 : i32
    %min3A_914 = arith.minsi %add3A_912, %min3A_913 : i32
    %jit3A_915 = arith.constant 2 : i32
    %div3A_916 = arith.divsi %min3A_914, %jit3A_915 : i32
    %sign3A_917 = arith.constant 0 : i32
    %sign3A_918 = arith.cmpi sgt, %min3A_914, %sign3A_917 : i32
    %sign3A_919 = arith.extui %sign3A_918 : i1 to i32
    %sign3A_920 = arith.constant 0 : i32
    %sign3A_921 = arith.cmpi slt, %min3A_914, %sign3A_920 : i32
    %sign3A_922 = arith.extui %sign3A_921 : i1 to i32
    %sign3A_923 = arith.subi %sign3A_919, %sign3A_922 : i32
    %sign3A_924 = arith.constant 0 : i32
    %sign3A_925 = arith.cmpi sgt, %jit3A_915, %sign3A_924 : i32
    %sign3A_926 = arith.extui %sign3A_925 : i1 to i32
    %sign3A_927 = arith.constant 0 : i32
    %sign3A_928 = arith.cmpi slt, %jit3A_915, %sign3A_927 : i32
    %sign3A_929 = arith.extui %sign3A_928 : i1 to i32
    %sign3A_930 = arith.subi %sign3A_926, %sign3A_929 : i32
    %ne3A_931 = arith.cmpi ne, %sign3A_923, %sign3A_930 : i32
    %rem3A_932 = arith.remsi %min3A_914, %jit3A_915 : i32
    %ne3A_933 = arith.constant 0 : i32
    %ne3A_934 = arith.cmpi ne, %rem3A_932, %ne3A_933 : i32
    %and3A_935 = arith.andi %ne3A_931, %ne3A_934 : i1
    %sub3A_936 = arith.constant 1 : i32
    %sub3A_937 = arith.subi %div3A_916, %sub3A_936 : i32
    %select_n3A_938 = arith.select %and3A_935, %sub3A_937, %div3A_916 : i32
    %jit3A_939 = arith.constant 2 : i32
    %eq3A_940 = arith.constant 0 : i32
    %eq3A_941 = arith.cmpi eq, %jit3A_939, %eq3A_940 : i32
    %jit3A_942 = arith.constant 1 : i32
    %select_n3A_943 = arith.select %eq3A_941, %jit3A_942, %jit3A_939 : i32
    %rem3A_944 = arith.remsi %min3A_914, %select_n3A_943 : i32
    %ne3A_945 = arith.constant 0 : i32
    %ne3A_946 = arith.cmpi ne, %rem3A_944, %ne3A_945 : i32
    %lt3A_947 = arith.constant 0 : i32
    %lt3A_948 = arith.cmpi slt, %rem3A_944, %lt3A_947 : i32
    %lt3A_949 = arith.constant 0 : i32
    %lt3A_950 = arith.cmpi slt, %select_n3A_943, %lt3A_949 : i32
    %ne3A_951 = arith.xori %lt3A_948, %lt3A_950 : i1
    %and3A_952 = arith.andi %ne3A_951, %ne3A_946 : i1
    %add3A_953 = arith.addi %rem3A_944, %select_n3A_943 : i32
    %select_n3A_954 = arith.select %and3A_952, %add3A_953, %rem3A_944 : i32
    %dma_wait3A_955 = arith.constant 0 : i32
    %dma_wait3A_956 = tpu.memref_slice %arg2[%select_n3A_869, %mul3A_887, %dma_wait3A_955] : memref<26x32x1000xf32, #tpu.memory_space<hbm>> -> memref<1x8x1000xf32, #tpu.memory_space<hbm>>
    %dma_wait3A_957 = tpu.memref_squeeze %dma_wait3A_956 : memref<1x8x1000xf32, #tpu.memory_space<hbm>> -> memref<8x1000xf32, #tpu.memory_space<hbm>>
    %dma_wait3A_958 = arith.constant 0 : i32
    %dma_wait3A_959 = tpu.memref_slice %arg2[%select_n3A_869, %mul3A_887, %dma_wait3A_958] : memref<26x32x1000xf32, #tpu.memory_space<hbm>> -> memref<1x8x1000xf32, #tpu.memory_space<hbm>>
    %dma_wait3A_960 = tpu.memref_squeeze %dma_wait3A_959 : memref<1x8x1000xf32, #tpu.memory_space<hbm>> -> memref<8x1000xf32, #tpu.memory_space<hbm>>
    tpu.wait_dma2 semaphore(%arg12 : memref<!tpu.dma_semaphore, #tpu.memory_space<semaphore_mem>>) src(%dma_wait3A_960 : memref<8x1000xf32, #tpu.memory_space<hbm>>) dst(%arg6 : memref<8x1000xf32, #tpu.memory_space<vmem>>)
    %dma_wait3A_961 = tpu.memref_slice %arg3[%select_n3A_869, %mul3A_895] : memref<26x4096xi32, #tpu.memory_space<hbm>> -> memref<1x2048xi32, #tpu.memory_space<hbm>>
    %dma_wait3A_962 = tpu.memref_squeeze %dma_wait3A_961 : memref<1x2048xi32, #tpu.memory_space<hbm>> -> memref<2048xi32, #tpu.memory_space<hbm>>
    %dma_wait3A_963 = tpu.memref_slice %arg3[%select_n3A_869, %mul3A_895] : memref<26x4096xi32, #tpu.memory_space<hbm>> -> memref<1x2048xi32, #tpu.memory_space<hbm>>
    %dma_wait3A_964 = tpu.memref_squeeze %dma_wait3A_963 : memref<1x2048xi32, #tpu.memory_space<hbm>> -> memref<2048xi32, #tpu.memory_space<hbm>>
    tpu.wait_dma2 semaphore(%arg12 : memref<!tpu.dma_semaphore, #tpu.memory_space<semaphore_mem>>) src(%dma_wait3A_964 : memref<2048xi32, #tpu.memory_space<hbm>>) dst(%arg8 : memref<2048xi32, #tpu.memory_space<vmem>>)
    %add3A_965 = arith.constant 192 : i32
    %add3A_966 = arith.addi %add3A, %add3A_965 : i32
    %min3A_967 = arith.constant 207 : i32
    %min3A_968 = arith.minsi %add3A_966, %min3A_967 : i32
    %jit3A_969 = arith.constant 2 : i32
    %div3A_970 = arith.divsi %min3A_968, %jit3A_969 : i32
    %sign3A_971 = arith.constant 0 : i32
    %sign3A_972 = arith.cmpi sgt, %min3A_968, %sign3A_971 : i32
    %sign3A_973 = arith.extui %sign3A_972 : i1 to i32
    %sign3A_974 = arith.constant 0 : i32
    %sign3A_975 = arith.cmpi slt, %min3A_968, %sign3A_974 : i32
    %sign3A_976 = arith.extui %sign3A_975 : i1 to i32
    %sign3A_977 = arith.subi %sign3A_973, %sign3A_976 : i32
    %sign3A_978 = arith.constant 0 : i32
    %sign3A_979 = arith.cmpi sgt, %jit3A_969, %sign3A_978 : i32
    %sign3A_980 = arith.extui %sign3A_979 : i1 to i32
    %sign3A_981 = arith.constant 0 : i32
    %sign3A_982 = arith.cmpi slt, %jit3A_969, %sign3A_981 : i32
    %sign3A_983 = arith.extui %sign3A_982 : i1 to i32
    %sign3A_984 = arith.subi %sign3A_980, %sign3A_983 : i32
    %ne3A_985 = arith.cmpi ne, %sign3A_977, %sign3A_984 : i32
    %rem3A_986 = arith.remsi %min3A_968, %jit3A_969 : i32
    %ne3A_987 = arith.constant 0 : i32
    %ne3A_988 = arith.cmpi ne, %rem3A_986, %ne3A_987 : i32
    %and3A_989 = arith.andi %ne3A_985, %ne3A_988 : i1
    %sub3A_990 = arith.constant 1 : i32
    %sub3A_991 = arith.subi %div3A_970, %sub3A_990 : i32
    %select_n3A_992 = arith.select %and3A_989, %sub3A_991, %div3A_970 : i32
    %jit3A_993 = arith.constant 2 : i32
    %eq3A_994 = arith.constant 0 : i32
    %eq3A_995 = arith.cmpi eq, %jit3A_993, %eq3A_994 : i32
    %jit3A_996 = arith.constant 1 : i32
    %select_n3A_997 = arith.select %eq3A_995, %jit3A_996, %jit3A_993 : i32
    %rem3A_998 = arith.remsi %min3A_968, %select_n3A_997 : i32
    %ne3A_999 = arith.constant 0 : i32
    %ne3A_1000 = arith.cmpi ne, %rem3A_998, %ne3A_999 : i32
    %lt3A_1001 = arith.constant 0 : i32
    %lt3A_1002 = arith.cmpi slt, %rem3A_998, %lt3A_1001 : i32
    %lt3A_1003 = arith.constant 0 : i32
    %lt3A_1004 = arith.cmpi slt, %select_n3A_997, %lt3A_1003 : i32
    %ne3A_1005 = arith.xori %lt3A_1002, %lt3A_1004 : i1
    %and3A_1006 = arith.andi %ne3A_1005, %ne3A_1000 : i1
    %add3A_1007 = arith.addi %rem3A_998, %select_n3A_997 : i32
    %select_n3A_1008 = arith.select %and3A_1006, %add3A_1007, %rem3A_998 : i32
    %jit3A_1009 = arith.constant 4 : i32
    %div3A_1010 = arith.divsi %select_n3A_992, %jit3A_1009 : i32
    %sign3A_1011 = arith.constant 0 : i32
    %sign3A_1012 = arith.cmpi sgt, %select_n3A_992, %sign3A_1011 : i32
    %sign3A_1013 = arith.extui %sign3A_1012 : i1 to i32
    %sign3A_1014 = arith.constant 0 : i32
    %sign3A_1015 = arith.cmpi slt, %select_n3A_992, %sign3A_1014 : i32
    %sign3A_1016 = arith.extui %sign3A_1015 : i1 to i32
    %sign3A_1017 = arith.subi %sign3A_1013, %sign3A_1016 : i32
    %sign3A_1018 = arith.constant 0 : i32
    %sign3A_1019 = arith.cmpi sgt, %jit3A_1009, %sign3A_1018 : i32
    %sign3A_1020 = arith.extui %sign3A_1019 : i1 to i32
    %sign3A_1021 = arith.constant 0 : i32
    %sign3A_1022 = arith.cmpi slt, %jit3A_1009, %sign3A_1021 : i32
    %sign3A_1023 = arith.extui %sign3A_1022 : i1 to i32
    %sign3A_1024 = arith.subi %sign3A_1020, %sign3A_1023 : i32
    %ne3A_1025 = arith.cmpi ne, %sign3A_1017, %sign3A_1024 : i32
    %rem3A_1026 = arith.remsi %select_n3A_992, %jit3A_1009 : i32
    %ne3A_1027 = arith.constant 0 : i32
    %ne3A_1028 = arith.cmpi ne, %rem3A_1026, %ne3A_1027 : i32
    %and3A_1029 = arith.andi %ne3A_1025, %ne3A_1028 : i1
    %sub3A_1030 = arith.constant 1 : i32
    %sub3A_1031 = arith.subi %div3A_1010, %sub3A_1030 : i32
    %select_n3A_1032 = arith.select %and3A_1029, %sub3A_1031, %div3A_1010 : i32
    %jit3A_1033 = arith.constant 4 : i32
    %eq3A_1034 = arith.constant 0 : i32
    %eq3A_1035 = arith.cmpi eq, %jit3A_1033, %eq3A_1034 : i32
    %jit3A_1036 = arith.constant 1 : i32
    %select_n3A_1037 = arith.select %eq3A_1035, %jit3A_1036, %jit3A_1033 : i32
    %rem3A_1038 = arith.remsi %select_n3A_992, %select_n3A_1037 : i32
    %ne3A_1039 = arith.constant 0 : i32
    %ne3A_1040 = arith.cmpi ne, %rem3A_1038, %ne3A_1039 : i32
    %lt3A_1041 = arith.constant 0 : i32
    %lt3A_1042 = arith.cmpi slt, %rem3A_1038, %lt3A_1041 : i32
    %lt3A_1043 = arith.constant 0 : i32
    %lt3A_1044 = arith.cmpi slt, %select_n3A_1037, %lt3A_1043 : i32
    %ne3A_1045 = arith.xori %lt3A_1042, %lt3A_1044 : i1
    %and3A_1046 = arith.andi %ne3A_1045, %ne3A_1040 : i1
    %add3A_1047 = arith.addi %rem3A_1038, %select_n3A_1037 : i32
    %select_n3A_1048 = arith.select %and3A_1046, %add3A_1047, %rem3A_1038 : i32
    %mul3A_1049 = arith.constant 8 : i32
    %mul3A_1050 = arith.muli %select_n3A_1048, %mul3A_1049 : i32
    %dma_start3A_1051 = arith.constant 0 : i32
    %dma_start3A_1052 = tpu.memref_slice %arg2[%select_n3A_1032, %mul3A_1050, %dma_start3A_1051] : memref<26x32x1000xf32, #tpu.memory_space<hbm>> -> memref<1x8x1000xf32, #tpu.memory_space<hbm>>
    %dma_start3A_1053 = tpu.memref_squeeze %dma_start3A_1052 : memref<1x8x1000xf32, #tpu.memory_space<hbm>> -> memref<8x1000xf32, #tpu.memory_space<hbm>>
    %dma_start3A_1054 = arith.constant 0 : i32
    %dma_start3A_1055 = tpu.memref_slice %arg2[%select_n3A_1032, %mul3A_1050, %dma_start3A_1054] : memref<26x32x1000xf32, #tpu.memory_space<hbm>> -> memref<1x8x1000xf32, #tpu.memory_space<hbm>>
    %dma_start3A_1056 = tpu.memref_squeeze %dma_start3A_1055 : memref<1x8x1000xf32, #tpu.memory_space<hbm>> -> memref<8x1000xf32, #tpu.memory_space<hbm>>
    tpu.enqueue_dma source(%dma_start3A_1056 : memref<8x1000xf32, #tpu.memory_space<hbm>>) target(%arg5 : memref<8x1000xf32, #tpu.memory_space<vmem>>) target_semaphore(%arg11 : memref<!tpu.dma_semaphore, #tpu.memory_space<semaphore_mem>>)
    %mul3A_1057 = arith.constant 2048 : i32
    %mul3A_1058 = arith.muli %select_n3A_1008, %mul3A_1057 : i32
    %dma_start3A_1059 = tpu.memref_slice %arg3[%select_n3A_1032, %mul3A_1058] : memref<26x4096xi32, #tpu.memory_space<hbm>> -> memref<1x2048xi32, #tpu.memory_space<hbm>>
    %dma_start3A_1060 = tpu.memref_squeeze %dma_start3A_1059 : memref<1x2048xi32, #tpu.memory_space<hbm>> -> memref<2048xi32, #tpu.memory_space<hbm>>
    %dma_start3A_1061 = tpu.memref_slice %arg3[%select_n3A_1032, %mul3A_1058] : memref<26x4096xi32, #tpu.memory_space<hbm>> -> memref<1x2048xi32, #tpu.memory_space<hbm>>
    %dma_start3A_1062 = tpu.memref_squeeze %dma_start3A_1061 : memref<1x2048xi32, #tpu.memory_space<hbm>> -> memref<2048xi32, #tpu.memory_space<hbm>>
    tpu.enqueue_dma source(%dma_start3A_1062 : memref<2048xi32, #tpu.memory_space<hbm>>) target(%arg7 : memref<2048xi32, #tpu.memory_space<vmem>>) target_semaphore(%arg11 : memref<!tpu.dma_semaphore, #tpu.memory_space<semaphore_mem>>)
    %dma_wait3A_1063 = tpu.memref_slice %arg4[%mul3A_743, %mul3A_745] : memref<832x4096xf32, #tpu.memory_space<hbm>> -> memref<8x2048xf32, #tpu.memory_space<hbm>>
    %dma_wait3A_1064 = tpu.memref_slice %arg4[%mul3A_743, %mul3A_745] : memref<832x4096xf32, #tpu.memory_space<hbm>> -> memref<8x2048xf32, #tpu.memory_space<hbm>>
    tpu.wait_dma2 semaphore(%arg14 : memref<!tpu.dma_semaphore, #tpu.memory_space<semaphore_mem>>) src(%arg10 : memref<8x2048xf32, #tpu.memory_space<vmem>>) dst(%dma_wait3A_1064 : memref<8x2048xf32, #tpu.memory_space<hbm>>)
    %parallel_loop3A_1065 = arith.constant 0 : i32
    %parallel_loop3A_1066 = arith.constant 128 : i32
    %parallel_loop3A_1067 = arith.constant 1 : i32
    scf.for %parallel_loop3A_1143 = %parallel_loop3A_1065 to %parallel_loop3A_1066 step %parallel_loop3A_1067  : i32 {
      %parallel_loop3A_1144 = arith.constant 16 : i32
      %parallel_loop3A_1145 = arith.muli %parallel_loop3A_1143, %parallel_loop3A_1144 : i32
      %parallel_loop3A_1146 = arith.index_cast %parallel_loop3A_1145 : i32 to index
      %parallel_loop3A_1147 = tpu.vector_load %arg8[%parallel_loop3A_1146] {strides = array<i32>} : memref<2048xi32, #tpu.memory_space<vmem>>, vector<16xi32>,
      %parallel_loop3A_1148 = tpu.vector_load_idx %arg6[%broadcast_in_dim3A_1, %parallel_loop3A_1147] : memref<8x1000xf32, #tpu.memory_space<vmem>>[vector<16xi32>, vector<16xi32>], vector<16xf32>,
      %parallel_loop3A_1149 = arith.constant 0 : i32
      %parallel_loop3A_1150 = arith.index_cast %parallel_loop3A_1149 : i32 to index
      %parallel_loop3A_1151 = arith.index_cast %parallel_loop3A_1145 : i32 to index
      %parallel_loop3A_1152 = tpu.vector_load %arg10[%parallel_loop3A_1150, %parallel_loop3A_1151] {strides = array<i32>} : memref<8x2048xf32, #tpu.memory_space<vmem>>, vector<16xf32>,
      tpu.vector_store %arg10[%parallel_loop3A_1150, %parallel_loop3A_1151], %parallel_loop3A_1148 {strides = array<i32>} : memref<8x2048xf32, #tpu.memory_space<vmem>>, vector<16xf32>,
      %parallel_loop3A_1153 = tpu.vector_load_idx %arg6[%broadcast_in_dim3A_3, %parallel_loop3A_1147] : memref<8x1000xf32, #tpu.memory_space<vmem>>[vector<16xi32>, vector<16xi32>], vector<16xf32>,
      %parallel_loop3A_1154 = arith.constant 1 : i32
      %parallel_loop3A_1155 = arith.index_cast %parallel_loop3A_1154 : i32 to index
      %parallel_loop3A_1156 = arith.index_cast %parallel_loop3A_1145 : i32 to index
      %parallel_loop3A_1157 = tpu.vector_load %arg10[%parallel_loop3A_1155, %parallel_loop3A_1156] {strides = array<i32>} : memref<8x2048xf32, #tpu.memory_space<vmem>>, vector<16xf32>,
      tpu.vector_store %arg10[%parallel_loop3A_1155, %parallel_loop3A_1156], %parallel_loop3A_1153 {strides = array<i32>} : memref<8x2048xf32, #tpu.memory_space<vmem>>, vector<16xf32>,
      %parallel_loop3A_1158 = tpu.vector_load_idx %arg6[%broadcast_in_dim3A_5, %parallel_loop3A_1147] : memref<8x1000xf32, #tpu.memory_space<vmem>>[vector<16xi32>, vector<16xi32>], vector<16xf32>,
      %parallel_loop3A_1159 = arith.constant 2 : i32
      %parallel_loop3A_1160 = arith.index_cast %parallel_loop3A_1159 : i32 to index
      %parallel_loop3A_1161 = arith.index_cast %parallel_loop3A_1145 : i32 to index
      %parallel_loop3A_1162 = tpu.vector_load %arg10[%parallel_loop3A_1160, %parallel_loop3A_1161] {strides = array<i32>} : memref<8x2048xf32, #tpu.memory_space<vmem>>, vector<16xf32>,
      tpu.vector_store %arg10[%parallel_loop3A_1160, %parallel_loop3A_1161], %parallel_loop3A_1158 {strides = array<i32>} : memref<8x2048xf32, #tpu.memory_space<vmem>>, vector<16xf32>,
      %parallel_loop3A_1163 = tpu.vector_load_idx %arg6[%broadcast_in_dim3A_7, %parallel_loop3A_1147] : memref<8x1000xf32, #tpu.memory_space<vmem>>[vector<16xi32>, vector<16xi32>], vector<16xf32>,
      %parallel_loop3A_1164 = arith.constant 3 : i32
      %parallel_loop3A_1165 = arith.index_cast %parallel_loop3A_1164 : i32 to index
      %parallel_loop3A_1166 = arith.index_cast %parallel_loop3A_1145 : i32 to index
      %parallel_loop3A_1167 = tpu.vector_load %arg10[%parallel_loop3A_1165, %parallel_loop3A_1166] {strides = array<i32>} : memref<8x2048xf32, #tpu.memory_space<vmem>>, vector<16xf32>,
      tpu.vector_store %arg10[%parallel_loop3A_1165, %parallel_loop3A_1166], %parallel_loop3A_1163 {strides = array<i32>} : memref<8x2048xf32, #tpu.memory_space<vmem>>, vector<16xf32>,
      %parallel_loop3A_1168 = tpu.vector_load_idx %arg6[%broadcast_in_dim3A_9, %parallel_loop3A_1147] : memref<8x1000xf32, #tpu.memory_space<vmem>>[vector<16xi32>, vector<16xi32>], vector<16xf32>,
      %parallel_loop3A_1169 = arith.constant 4 : i32
      %parallel_loop3A_1170 = arith.index_cast %parallel_loop3A_1169 : i32 to index
      %parallel_loop3A_1171 = arith.index_cast %parallel_loop3A_1145 : i32 to index
      %parallel_loop3A_1172 = tpu.vector_load %arg10[%parallel_loop3A_1170, %parallel_loop3A_1171] {strides = array<i32>} : memref<8x2048xf32, #tpu.memory_space<vmem>>, vector<16xf32>,
      tpu.vector_store %arg10[%parallel_loop3A_1170, %parallel_loop3A_1171], %parallel_loop3A_1168 {strides = array<i32>} : memref<8x2048xf32, #tpu.memory_space<vmem>>, vector<16xf32>,
      %parallel_loop3A_1173 = tpu.vector_load_idx %arg6[%broadcast_in_dim3A_11, %parallel_loop3A_1147] : memref<8x1000xf32, #tpu.memory_space<vmem>>[vector<16xi32>, vector<16xi32>], vector<16xf32>,
      %parallel_loop3A_1174 = arith.constant 5 : i32
      %parallel_loop3A_1175 = arith.index_cast %parallel_loop3A_1174 : i32 to index
      %parallel_loop3A_1176 = arith.index_cast %parallel_loop3A_1145 : i32 to index
      %parallel_loop3A_1177 = tpu.vector_load %arg10[%parallel_loop3A_1175, %parallel_loop3A_1176] {strides = array<i32>} : memref<8x2048xf32, #tpu.memory_space<vmem>>, vector<16xf32>,
      tpu.vector_store %arg10[%parallel_loop3A_1175, %parallel_loop3A_1176], %parallel_loop3A_1173 {strides = array<i32>} : memref<8x2048xf32, #tpu.memory_space<vmem>>, vector<16xf32>,
      %parallel_loop3A_1178 = tpu.vector_load_idx %arg6[%broadcast_in_dim3A_13, %parallel_loop3A_1147] : memref<8x1000xf32, #tpu.memory_space<vmem>>[vector<16xi32>, vector<16xi32>], vector<16xf32>,
      %parallel_loop3A_1179 = arith.constant 6 : i32
      %parallel_loop3A_1180 = arith.index_cast %parallel_loop3A_1179 : i32 to index
      %parallel_loop3A_1181 = arith.index_cast %parallel_loop3A_1145 : i32 to index
      %parallel_loop3A_1182 = tpu.vector_load %arg10[%parallel_loop3A_1180, %parallel_loop3A_1181] {strides = array<i32>} : memref<8x2048xf32, #tpu.memory_space<vmem>>, vector<16xf32>,
      tpu.vector_store %arg10[%parallel_loop3A_1180, %parallel_loop3A_1181], %parallel_loop3A_1178 {strides = array<i32>} : memref<8x2048xf32, #tpu.memory_space<vmem>>, vector<16xf32>,
      %parallel_loop3A_1183 = tpu.vector_load_idx %arg6[%broadcast_in_dim3A_15, %parallel_loop3A_1147] : memref<8x1000xf32, #tpu.memory_space<vmem>>[vector<16xi32>, vector<16xi32>], vector<16xf32>,
      %parallel_loop3A_1184 = arith.constant 7 : i32
      %parallel_loop3A_1185 = arith.index_cast %parallel_loop3A_1184 : i32 to index
      %parallel_loop3A_1186 = arith.index_cast %parallel_loop3A_1145 : i32 to index
      %parallel_loop3A_1187 = tpu.vector_load %arg10[%parallel_loop3A_1185, %parallel_loop3A_1186] {strides = array<i32>} : memref<8x2048xf32, #tpu.memory_space<vmem>>, vector<16xf32>,
      tpu.vector_store %arg10[%parallel_loop3A_1185, %parallel_loop3A_1186], %parallel_loop3A_1183 {strides = array<i32>} : memref<8x2048xf32, #tpu.memory_space<vmem>>, vector<16xf32>,
    } {sc.loop_unroll_factor = 8 : i64, sc.parallel_access}
    %mul3A_1068 = arith.constant 8 : i32
    %mul3A_1069 = arith.muli %select_n3A_938, %mul3A_1068 : i32
    %mul3A_1070 = arith.constant 2048 : i32
    %mul3A_1071 = arith.muli %select_n3A_954, %mul3A_1070 : i32
    %dma_start3A_1072 = tpu.memref_slice %arg4[%mul3A_1069, %mul3A_1071] : memref<832x4096xf32, #tpu.memory_space<hbm>> -> memref<8x2048xf32, #tpu.memory_space<hbm>>
    %dma_start3A_1073 = tpu.memref_slice %arg4[%mul3A_1069, %mul3A_1071] : memref<832x4096xf32, #tpu.memory_space<hbm>> -> memref<8x2048xf32, #tpu.memory_space<hbm>>
    tpu.enqueue_dma source(%arg10 : memref<8x2048xf32, #tpu.memory_space<vmem>>) target(%dma_start3A_1073 : memref<8x2048xf32, #tpu.memory_space<hbm>>) target_semaphore(%arg14 : memref<!tpu.dma_semaphore, #tpu.memory_space<semaphore_mem>>)
    %add3A_1074 = arith.constant 192 : i32
    %add3A_1075 = arith.addi %add3A, %add3A_1074 : i32
    %min3A_1076 = arith.constant 207 : i32
    %min3A_1077 = arith.minsi %add3A_1075, %min3A_1076 : i32
    %jit3A_1078 = arith.constant 2 : i32
    %div3A_1079 = arith.divsi %min3A_1077, %jit3A_1078 : i32
    %sign3A_1080 = arith.constant 0 : i32
    %sign3A_1081 = arith.cmpi sgt, %min3A_1077, %sign3A_1080 : i32
    %sign3A_1082 = arith.extui %sign3A_1081 : i1 to i32
    %sign3A_1083 = arith.constant 0 : i32
    %sign3A_1084 = arith.cmpi slt, %min3A_1077, %sign3A_1083 : i32
    %sign3A_1085 = arith.extui %sign3A_1084 : i1 to i32
    %sign3A_1086 = arith.subi %sign3A_1082, %sign3A_1085 : i32
    %sign3A_1087 = arith.constant 0 : i32
    %sign3A_1088 = arith.cmpi sgt, %jit3A_1078, %sign3A_1087 : i32
    %sign3A_1089 = arith.extui %sign3A_1088 : i1 to i32
    %sign3A_1090 = arith.constant 0 : i32
    %sign3A_1091 = arith.cmpi slt, %jit3A_1078, %sign3A_1090 : i32
    %sign3A_1092 = arith.extui %sign3A_1091 : i1 to i32
    %sign3A_1093 = arith.subi %sign3A_1089, %sign3A_1092 : i32
    %ne3A_1094 = arith.cmpi ne, %sign3A_1086, %sign3A_1093 : i32
    %rem3A_1095 = arith.remsi %min3A_1077, %jit3A_1078 : i32
    %ne3A_1096 = arith.constant 0 : i32
    %ne3A_1097 = arith.cmpi ne, %rem3A_1095, %ne3A_1096 : i32
    %and3A_1098 = arith.andi %ne3A_1094, %ne3A_1097 : i1
    %sub3A_1099 = arith.constant 1 : i32
    %sub3A_1100 = arith.subi %div3A_1079, %sub3A_1099 : i32
    %select_n3A_1101 = arith.select %and3A_1098, %sub3A_1100, %div3A_1079 : i32
    %jit3A_1102 = arith.constant 2 : i32
    %eq3A_1103 = arith.constant 0 : i32
    %eq3A_1104 = arith.cmpi eq, %jit3A_1102, %eq3A_1103 : i32
    %jit3A_1105 = arith.constant 1 : i32
    %select_n3A_1106 = arith.select %eq3A_1104, %jit3A_1105, %jit3A_1102 : i32
    %rem3A_1107 = arith.remsi %min3A_1077, %select_n3A_1106 : i32
    %ne3A_1108 = arith.constant 0 : i32
    %ne3A_1109 = arith.cmpi ne, %rem3A_1107, %ne3A_1108 : i32
    %lt3A_1110 = arith.constant 0 : i32
    %lt3A_1111 = arith.cmpi slt, %rem3A_1107, %lt3A_1110 : i32
    %lt3A_1112 = arith.constant 0 : i32
    %lt3A_1113 = arith.cmpi slt, %select_n3A_1106, %lt3A_1112 : i32
    %ne3A_1114 = arith.xori %lt3A_1111, %lt3A_1113 : i1
    %and3A_1115 = arith.andi %ne3A_1114, %ne3A_1109 : i1
    %add3A_1116 = arith.addi %rem3A_1107, %select_n3A_1106 : i32
    %select_n3A_1117 = arith.select %and3A_1115, %add3A_1116, %rem3A_1107 : i32
    %dma_wait3A_1118 = arith.constant 0 : i32
    %dma_wait3A_1119 = tpu.memref_slice %arg2[%select_n3A_1032, %mul3A_1050, %dma_wait3A_1118] : memref<26x32x1000xf32, #tpu.memory_space<hbm>> -> memref<1x8x1000xf32, #tpu.memory_space<hbm>>
    %dma_wait3A_1120 = tpu.memref_squeeze %dma_wait3A_1119 : memref<1x8x1000xf32, #tpu.memory_space<hbm>> -> memref<8x1000xf32, #tpu.memory_space<hbm>>
    %dma_wait3A_1121 = arith.constant 0 : i32
    %dma_wait3A_1122 = tpu.memref_slice %arg2[%select_n3A_1032, %mul3A_1050, %dma_wait3A_1121] : memref<26x32x1000xf32, #tpu.memory_space<hbm>> -> memref<1x8x1000xf32, #tpu.memory_space<hbm>>
    %dma_wait3A_1123 = tpu.memref_squeeze %dma_wait3A_1122 : memref<1x8x1000xf32, #tpu.memory_space<hbm>> -> memref<8x1000xf32, #tpu.memory_space<hbm>>
    tpu.wait_dma2 semaphore(%arg11 : memref<!tpu.dma_semaphore, #tpu.memory_space<semaphore_mem>>) src(%dma_wait3A_1123 : memref<8x1000xf32, #tpu.memory_space<hbm>>) dst(%arg5 : memref<8x1000xf32, #tpu.memory_space<vmem>>)
    %dma_wait3A_1124 = tpu.memref_slice %arg3[%select_n3A_1032, %mul3A_1058] : memref<26x4096xi32, #tpu.memory_space<hbm>> -> memref<1x2048xi32, #tpu.memory_space<hbm>>
    %dma_wait3A_1125 = tpu.memref_squeeze %dma_wait3A_1124 : memref<1x2048xi32, #tpu.memory_space<hbm>> -> memref<2048xi32, #tpu.memory_space<hbm>>
    %dma_wait3A_1126 = tpu.memref_slice %arg3[%select_n3A_1032, %mul3A_1058] : memref<26x4096xi32, #tpu.memory_space<hbm>> -> memref<1x2048xi32, #tpu.memory_space<hbm>>
    %dma_wait3A_1127 = tpu.memref_squeeze %dma_wait3A_1126 : memref<1x2048xi32, #tpu.memory_space<hbm>> -> memref<2048xi32, #tpu.memory_space<hbm>>
    tpu.wait_dma2 semaphore(%arg11 : memref<!tpu.dma_semaphore, #tpu.memory_space<semaphore_mem>>) src(%dma_wait3A_1127 : memref<2048xi32, #tpu.memory_space<hbm>>) dst(%arg7 : memref<2048xi32, #tpu.memory_space<vmem>>)
    %dma_wait3A_1128 = tpu.memref_slice %arg4[%mul3A_906, %mul3A_908] : memref<832x4096xf32, #tpu.memory_space<hbm>> -> memref<8x2048xf32, #tpu.memory_space<hbm>>
    %dma_wait3A_1129 = tpu.memref_slice %arg4[%mul3A_906, %mul3A_908] : memref<832x4096xf32, #tpu.memory_space<hbm>> -> memref<8x2048xf32, #tpu.memory_space<hbm>>
    tpu.wait_dma2 semaphore(%arg13 : memref<!tpu.dma_semaphore, #tpu.memory_space<semaphore_mem>>) src(%arg9 : memref<8x2048xf32, #tpu.memory_space<vmem>>) dst(%dma_wait3A_1129 : memref<8x2048xf32, #tpu.memory_space<hbm>>)
    %parallel_loop3A_1130 = arith.constant 0 : i32
    %parallel_loop3A_1131 = arith.constant 128 : i32
    %parallel_loop3A_1132 = arith.constant 1 : i32
    scf.for %parallel_loop3A_1143 = %parallel_loop3A_1130 to %parallel_loop3A_1131 step %parallel_loop3A_1132  : i32 {
      %parallel_loop3A_1144 = arith.constant 16 : i32
      %parallel_loop3A_1145 = arith.muli %parallel_loop3A_1143, %parallel_loop3A_1144 : i32
      %parallel_loop3A_1146 = arith.index_cast %parallel_loop3A_1145 : i32 to index
      %parallel_loop3A_1147 = tpu.vector_load %arg7[%parallel_loop3A_1146] {strides = array<i32>} : memref<2048xi32, #tpu.memory_space<vmem>>, vector<16xi32>,
      %parallel_loop3A_1148 = tpu.vector_load_idx %arg5[%broadcast_in_dim3A_1, %parallel_loop3A_1147] : memref<8x1000xf32, #tpu.memory_space<vmem>>[vector<16xi32>, vector<16xi32>], vector<16xf32>,
      %parallel_loop3A_1149 = arith.constant 0 : i32
      %parallel_loop3A_1150 = arith.index_cast %parallel_loop3A_1149 : i32 to index
      %parallel_loop3A_1151 = arith.index_cast %parallel_loop3A_1145 : i32 to index
      %parallel_loop3A_1152 = tpu.vector_load %arg9[%parallel_loop3A_1150, %parallel_loop3A_1151] {strides = array<i32>} : memref<8x2048xf32, #tpu.memory_space<vmem>>, vector<16xf32>,
      tpu.vector_store %arg9[%parallel_loop3A_1150, %parallel_loop3A_1151], %parallel_loop3A_1148 {strides = array<i32>} : memref<8x2048xf32, #tpu.memory_space<vmem>>, vector<16xf32>,
      %parallel_loop3A_1153 = tpu.vector_load_idx %arg5[%broadcast_in_dim3A_3, %parallel_loop3A_1147] : memref<8x1000xf32, #tpu.memory_space<vmem>>[vector<16xi32>, vector<16xi32>], vector<16xf32>,
      %parallel_loop3A_1154 = arith.constant 1 : i32
      %parallel_loop3A_1155 = arith.index_cast %parallel_loop3A_1154 : i32 to index
      %parallel_loop3A_1156 = arith.index_cast %parallel_loop3A_1145 : i32 to index
      %parallel_loop3A_1157 = tpu.vector_load %arg9[%parallel_loop3A_1155, %parallel_loop3A_1156] {strides = array<i32>} : memref<8x2048xf32, #tpu.memory_space<vmem>>, vector<16xf32>,
      tpu.vector_store %arg9[%parallel_loop3A_1155, %parallel_loop3A_1156], %parallel_loop3A_1153 {strides = array<i32>} : memref<8x2048xf32, #tpu.memory_space<vmem>>, vector<16xf32>,
      %parallel_loop3A_1158 = tpu.vector_load_idx %arg5[%broadcast_in_dim3A_5, %parallel_loop3A_1147] : memref<8x1000xf32, #tpu.memory_space<vmem>>[vector<16xi32>, vector<16xi32>], vector<16xf32>,
      %parallel_loop3A_1159 = arith.constant 2 : i32
      %parallel_loop3A_1160 = arith.index_cast %parallel_loop3A_1159 : i32 to index
      %parallel_loop3A_1161 = arith.index_cast %parallel_loop3A_1145 : i32 to index
      %parallel_loop3A_1162 = tpu.vector_load %arg9[%parallel_loop3A_1160, %parallel_loop3A_1161] {strides = array<i32>} : memref<8x2048xf32, #tpu.memory_space<vmem>>, vector<16xf32>,
      tpu.vector_store %arg9[%parallel_loop3A_1160, %parallel_loop3A_1161], %parallel_loop3A_1158 {strides = array<i32>} : memref<8x2048xf32, #tpu.memory_space<vmem>>, vector<16xf32>,
      %parallel_loop3A_1163 = tpu.vector_load_idx %arg5[%broadcast_in_dim3A_7, %parallel_loop3A_1147] : memref<8x1000xf32, #tpu.memory_space<vmem>>[vector<16xi32>, vector<16xi32>], vector<16xf32>,
      %parallel_loop3A_1164 = arith.constant 3 : i32
      %parallel_loop3A_1165 = arith.index_cast %parallel_loop3A_1164 : i32 to index
      %parallel_loop3A_1166 = arith.index_cast %parallel_loop3A_1145 : i32 to index
      %parallel_loop3A_1167 = tpu.vector_load %arg9[%parallel_loop3A_1165, %parallel_loop3A_1166] {strides = array<i32>} : memref<8x2048xf32, #tpu.memory_space<vmem>>, vector<16xf32>,
      tpu.vector_store %arg9[%parallel_loop3A_1165, %parallel_loop3A_1166], %parallel_loop3A_1163 {strides = array<i32>} : memref<8x2048xf32, #tpu.memory_space<vmem>>, vector<16xf32>,
      %parallel_loop3A_1168 = tpu.vector_load_idx %arg5[%broadcast_in_dim3A_9, %parallel_loop3A_1147] : memref<8x1000xf32, #tpu.memory_space<vmem>>[vector<16xi32>, vector<16xi32>], vector<16xf32>,
      %parallel_loop3A_1169 = arith.constant 4 : i32
      %parallel_loop3A_1170 = arith.index_cast %parallel_loop3A_1169 : i32 to index
      %parallel_loop3A_1171 = arith.index_cast %parallel_loop3A_1145 : i32 to index
      %parallel_loop3A_1172 = tpu.vector_load %arg9[%parallel_loop3A_1170, %parallel_loop3A_1171] {strides = array<i32>} : memref<8x2048xf32, #tpu.memory_space<vmem>>, vector<16xf32>,
      tpu.vector_store %arg9[%parallel_loop3A_1170, %parallel_loop3A_1171], %parallel_loop3A_1168 {strides = array<i32>} : memref<8x2048xf32, #tpu.memory_space<vmem>>, vector<16xf32>,
      %parallel_loop3A_1173 = tpu.vector_load_idx %arg5[%broadcast_in_dim3A_11, %parallel_loop3A_1147] : memref<8x1000xf32, #tpu.memory_space<vmem>>[vector<16xi32>, vector<16xi32>], vector<16xf32>,
      %parallel_loop3A_1174 = arith.constant 5 : i32
      %parallel_loop3A_1175 = arith.index_cast %parallel_loop3A_1174 : i32 to index
      %parallel_loop3A_1176 = arith.index_cast %parallel_loop3A_1145 : i32 to index
      %parallel_loop3A_1177 = tpu.vector_load %arg9[%parallel_loop3A_1175, %parallel_loop3A_1176] {strides = array<i32>} : memref<8x2048xf32, #tpu.memory_space<vmem>>, vector<16xf32>,
      tpu.vector_store %arg9[%parallel_loop3A_1175, %parallel_loop3A_1176], %parallel_loop3A_1173 {strides = array<i32>} : memref<8x2048xf32, #tpu.memory_space<vmem>>, vector<16xf32>,
      %parallel_loop3A_1178 = tpu.vector_load_idx %arg5[%broadcast_in_dim3A_13, %parallel_loop3A_1147] : memref<8x1000xf32, #tpu.memory_space<vmem>>[vector<16xi32>, vector<16xi32>], vector<16xf32>,
      %parallel_loop3A_1179 = arith.constant 6 : i32
      %parallel_loop3A_1180 = arith.index_cast %parallel_loop3A_1179 : i32 to index
      %parallel_loop3A_1181 = arith.index_cast %parallel_loop3A_1145 : i32 to index
      %parallel_loop3A_1182 = tpu.vector_load %arg9[%parallel_loop3A_1180, %parallel_loop3A_1181] {strides = array<i32>} : memref<8x2048xf32, #tpu.memory_space<vmem>>, vector<16xf32>,
      tpu.vector_store %arg9[%parallel_loop3A_1180, %parallel_loop3A_1181], %parallel_loop3A_1178 {strides = array<i32>} : memref<8x2048xf32, #tpu.memory_space<vmem>>, vector<16xf32>,
      %parallel_loop3A_1183 = tpu.vector_load_idx %arg5[%broadcast_in_dim3A_15, %parallel_loop3A_1147] : memref<8x1000xf32, #tpu.memory_space<vmem>>[vector<16xi32>, vector<16xi32>], vector<16xf32>,
      %parallel_loop3A_1184 = arith.constant 7 : i32
      %parallel_loop3A_1185 = arith.index_cast %parallel_loop3A_1184 : i32 to index
      %parallel_loop3A_1186 = arith.index_cast %parallel_loop3A_1145 : i32 to index
      %parallel_loop3A_1187 = tpu.vector_load %arg9[%parallel_loop3A_1185, %parallel_loop3A_1186] {strides = array<i32>} : memref<8x2048xf32, #tpu.memory_space<vmem>>, vector<16xf32>,
      tpu.vector_store %arg9[%parallel_loop3A_1185, %parallel_loop3A_1186], %parallel_loop3A_1183 {strides = array<i32>} : memref<8x2048xf32, #tpu.memory_space<vmem>>, vector<16xf32>,
    } {sc.loop_unroll_factor = 8 : i64, sc.parallel_access}
    %mul3A_1133 = arith.constant 8 : i32
    %mul3A_1134 = arith.muli %select_n3A_1101, %mul3A_1133 : i32
    %mul3A_1135 = arith.constant 2048 : i32
    %mul3A_1136 = arith.muli %select_n3A_1117, %mul3A_1135 : i32
    %dma_start3A_1137 = tpu.memref_slice %arg4[%mul3A_1134, %mul3A_1136] : memref<832x4096xf32, #tpu.memory_space<hbm>> -> memref<8x2048xf32, #tpu.memory_space<hbm>>
    %dma_start3A_1138 = tpu.memref_slice %arg4[%mul3A_1134, %mul3A_1136] : memref<832x4096xf32, #tpu.memory_space<hbm>> -> memref<8x2048xf32, #tpu.memory_space<hbm>>
    tpu.enqueue_dma source(%arg9 : memref<8x2048xf32, #tpu.memory_space<vmem>>) target(%dma_start3A_1138 : memref<8x2048xf32, #tpu.memory_space<hbm>>) target_semaphore(%arg13 : memref<!tpu.dma_semaphore, #tpu.memory_space<semaphore_mem>>)
    %dma_wait3A_1139 = tpu.memref_slice %arg4[%mul3A_1134, %mul3A_1136] : memref<832x4096xf32, #tpu.memory_space<hbm>> -> memref<8x2048xf32, #tpu.memory_space<hbm>>
    %dma_wait3A_1140 = tpu.memref_slice %arg4[%mul3A_1134, %mul3A_1136] : memref<832x4096xf32, #tpu.memory_space<hbm>> -> memref<8x2048xf32, #tpu.memory_space<hbm>>
    tpu.wait_dma2 semaphore(%arg13 : memref<!tpu.dma_semaphore, #tpu.memory_space<semaphore_mem>>) src(%arg9 : memref<8x2048xf32, #tpu.memory_space<vmem>>) dst(%dma_wait3A_1140 : memref<8x2048xf32, #tpu.memory_space<hbm>>)
    %dma_wait3A_1141 = tpu.memref_slice %arg4[%mul3A_1069, %mul3A_1071] : memref<832x4096xf32, #tpu.memory_space<hbm>> -> memref<8x2048xf32, #tpu.memory_space<hbm>>
    %dma_wait3A_1142 = tpu.memref_slice %arg4[%mul3A_1069, %mul3A_1071] : memref<832x4096xf32, #tpu.memory_space<hbm>> -> memref<8x2048xf32, #tpu.memory_space<hbm>>
    tpu.wait_dma2 semaphore(%arg14 : memref<!tpu.dma_semaphore, #tpu.memory_space<semaphore_mem>>) src(%arg10 : memref<8x2048xf32, #tpu.memory_space<vmem>>) dst(%dma_wait3A_1142 : memref<8x2048xf32, #tpu.memory_space<hbm>>)
    return
  }
}

</mosaic_0001>

<sc_bundles>
// kernel: kernel.3.cloned.1.call-start
scs
__scs_entry_jumppad:
0x0: {  	(pc) =	sbr.rel $0x88, $3  }
0x1: {  	(tag) =	ssettag $0x0;
	lr =	simm.s32 $0x1  }
0x2: {  	[smem:$0x3F9F] =	sst lr;
	_ =	strace $0xD0000000  }
0x3: {  	_ = 	snop  }
0x4: {  	_ = 	snop  }
0x5: {  	_ = 	snop  }
0x6: {  	_ = 	snop  }
0x7: {  	_ = 	snop  }
__scs_overlays_trampoline_lowered:
0x8: {  	[smem:$0x3FAE] =	sst s0  }
0x9: {  	[smem:$0x3FAF] =	sst s1  }
0xa: {  	[smem:$0x3FB0] =	sst s2  }
0xb: {  	[smem:$0x3FB1] =	sst s3  }
0xc: {  	[smem:$0x3FB2] =	sst s4  }
0xd: {  	[smem:$0x3FB3] =	sst s5  }
0xe: {  	[smem:$0x3FB4] =	sst s6  }
0xf: {  	[smem:$0x3FB5] =	sst s7  }
0x10: {  	[smem:$0x3FB6] =	sst s8  }
0x11: {  	[smem:$0x3FB7] =	sst s9;
	s0 =	simm.s32 @!p0 $0x0  }
0x12: {  	s1 =	sld [smem:$0x3F9D];
	s0 =	simm.s32 @p0 $0x1  }
0x13: {  	[smem:$0x3FB8] =	sst s0;
	s0 =	simm.s32 @!p1 $0x0  }
0x14: {  	s2 =	sld [smem:$0x3F9C];
	s0 =	simm.s32 @p1 $0x1  }
0x15: {  	[smem:$0x3FB9] =	sst s0;
	s0 =	simm.s32 @!p2 $0x0  }
0x16: {  	s3 =	sld [smem:$0x3FDB];
	s0 =	simm.s32 @p2 $0x1  }
0x17: {  	s4 =	simm.s32 $0x1BF5;
	[smem:$0x3FBB] =	sst s0  }
0x18: {  	s0 =	sld [smem:$0x3F9E];
	_ =	swait.ge [sflag:s4], $0x0  }
0x19: {  	s7 =	sld [smem:$0x3F9F]  }
0x1a: {  	s8 =	sadd.s32 $0xFFFFE003, lr  }
0x1b: {  	s9 =	sadd.s32 $0xFFFFFEF7, lr;
	s5 =	simm.s32 $0xFFFFFFFF;
	p2 =	slt.u32 s8, $0xFFFFF086  }
0x1c: {  	p1 =	slt.u32 s9, $0xF7A;
	s5 =	simm.s32 @!p2 $0x0  }
0x1d: {  	s5 =	simm.s32 @p1 $0x1;
	p0 =	seq.s32 s7, s2  }
0x1e: {  	s7 =	smul.u32 @!p0 $0xF7A, s2;
	p2 =	seq.s32 @!p0 s5, $0x0  }
0x1f: {  	s9 =	smul.u32 $0xF7A, s1;
	s8 =	simm.s32 @!p0 $0x1BF5;
	p2 =	por !p2, p0  }
0x20: {  	[sflag:s8] =	ssyncset.s32 @!p0 $0xFFFFF086;
	s6 =	sadd.s32 @!p0 s3, s7;
	s7 =	simm.s32 @!p0 $0x108  }
0x21: {  	s3 =	sadd.s32 s3, s9;
	s6 =	sadd.s32 @!p0 $0x88, s6;
	s7 =	simm.s32 @p2 $0x1082  }
0x22: {  	[simem:s7], [sflag:s8] =	dma.local @!p0 [hbm:s6], $0xF7A  }
0x23: {  	s9 =	sor.u32 $0xD0000000, s2;
	s6 =	simm.s32 $0x108;
	_ =	swait.ge @!p0 [sflag:s8], $0x0  }
0x24: {  	s3 =	sadd.s32 $0x88, s3;
	s6 =	simm.s32 @!p1 $0x1082;
	[sflag:s4] =	ssyncset.s32 $0xFFFFF086  }
0x25: {  	[simem:s6], [sflag:s4] =	dma.local [hbm:s3], $0xF7A  }
0x26: {  	[smem:$0x3F9F] =	sst s1;
	(tag) =	ssettag s2;
	_ =	strace s9  }
0x27: {  	s1 =	sld [smem:$0x3FAF]  }
0x28: {  	s2 =	sld [smem:$0x3FB0]  }
0x29: {  	s4 =	sld [smem:$0x3FB2]  }
0x2a: {  	p0 =	seq.s32 s5, $0x0;
	s5 =	sld [smem:$0x3FB3]  }
0x2b: {  	s6 =	sld [smem:$0x3FB4]  }
0x2c: {  	s7 =	sld [smem:$0x3FB5]  }
0x2d: {  	s3 =	simm.s32 $0x108;
	s8 =	sld [smem:$0x3FB6]  }
0x2e: {  	s3 =	simm.s32 @!p0 $0x1082;
	s9 =	sld [smem:$0x3FB7]  }
0x2f: {  	lr =	sadd.s32 s0, s3;
	s0 =	sld [smem:$0x3FAE]  }
0x30: {  	s3 =	sld [smem:$0x3FB1]  }
0x31: {  	[smem:$0x3FBA] =	sst s10  }
0x32: {  	s10 =	sld [smem:$0x3FB8];
	_ =	sdelay $0x3  }
0x33: {  	p0 =	seq.s32 s10, $0x1;
	s10 =	sld [smem:$0x3FBA];
	_ =	sdelay $0x3  }
0x34: {  	[smem:$0x3FBA] =	sst s10  }
0x35: {  	s10 =	sld [smem:$0x3FB9];
	_ =	sdelay $0x3  }
0x36: {  	p1 =	seq.s32 s10, $0x1;
	s10 =	sld [smem:$0x3FBA];
	_ =	sdelay $0x3  }
0x37: {  	[smem:$0x3FBA] =	sst s10  }
0x38: {  	s10 =	sld [smem:$0x3FBB]  }
0x39: {  	_ = 	snop;
	(pc) =	sbr.ind lr, $3  }
0x3a: {  	_ = 	snop  }
0x3b: {  	_ = 	snop  }
0x3c: {  	p2 =	seq.s32 s10, $0x1;
	s10 =	sld [smem:$0x3FBA]  }
0x3d: {  	_ =	shalt  }
0x3e: {  	_ =	shalt  }
0x3f: {  	_ =	shalt  }
0x40: {  	_ =	shalt  }
0x41: {  	_ =	shalt  }
0x42: {  	_ =	shalt  }
0x43: {  	_ =	shalt  }
0x44: {  	_ =	shalt  }
0x45: {  	_ =	shalt  }
0x46: {  	_ =	shalt  }
0x47: {  	_ =	shalt  }
0x48: {  	_ =	shalt  }
0x49: {  	_ =	shalt  }
0x4a: {  	_ =	shalt  }
0x4b: {  	_ =	shalt  }
0x4c: {  	_ =	shalt  }
0x4d: {  	_ =	shalt  }
0x4e: {  	_ =	shalt  }
0x4f: {  	_ =	shalt  }
0x50: {  	_ =	shalt  }
0x51: {  	_ =	shalt  }
0x52: {  	_ =	shalt  }
0x53: {  	_ =	shalt  }
0x54: {  	_ =	shalt  }
0x55: {  	_ =	shalt  }
0x56: {  	_ =	shalt  }
0x57: {  	_ =	shalt  }
0x58: {  	_ =	shalt  }
0x59: {  	_ =	shalt  }
0x5a: {  	_ =	shalt  }
0x5b: {  	_ =	shalt  }
0x5c: {  	_ =	shalt  }
0x5d: {  	_ =	shalt  }
0x5e: {  	_ =	shalt  }
0x5f: {  	_ =	shalt  }
0x60: {  	_ =	shalt  }
0x61: {  	_ =	shalt  }
0x62: {  	_ =	shalt  }
0x63: {  	_ =	shalt  }
0x64: {  	_ =	shalt  }
0x65: {  	_ =	shalt  }
0x66: {  	_ =	shalt  }
0x67: {  	_ =	shalt  }
0x68: {  	_ =	shalt  }
0x69: {  	_ =	shalt  }
0x6a: {  	_ =	shalt  }
0x6b: {  	_ =	shalt  }
0x6c: {  	_ =	shalt  }
0x6d: {  	_ =	shalt  }
0x6e: {  	_ =	shalt  }
0x6f: {  	_ =	shalt  }
0x70: {  	_ =	shalt  }
0x71: {  	_ =	shalt  }
0x72: {  	_ =	shalt  }
0x73: {  	_ =	shalt  }
0x74: {  	_ =	shalt  }
0x75: {  	_ =	shalt  }
0x76: {  	_ =	shalt  }
0x77: {  	_ =	shalt  }
0x78: {  	_ =	shalt  }
0x79: {  	_ =	shalt  }
0x7a: {  	_ =	shalt  }
0x7b: {  	_ =	shalt  }
0x7c: {  	_ =	shalt  }
0x7d: {  	_ =	shalt  }
0x7e: {  	_ =	shalt  }
0x7f: {  	_ =	shalt  }
0x80: {  	_ =	shalt  }
0x81: {  	_ =	shalt  }
0x82: {  	_ =	shalt  }
0x83: {  	_ =	shalt  }
0x84: {  	_ =	shalt  }
0x85: {  	_ =	shalt  }
0x86: {  	_ =	shalt  }
0x87: {  	_ =	shalt  }
.Lfunc_end0:
.L_simem_size_0:
called_computation_lowered:
.L_overlay_start_0:
0x88: {  	s2 =	sld [smem:$0x3FD9]  }
0x89: {  	s3 =	sld [smem:$0x3FFE];
	_ =	sdelay $0x1  }
0x8a: {  	s1 =	srdreg.scid  }
0x8b: {  	s0 =	sand.u32 $0x1, s1  }
0x8c: {  	s17 =	sshll.u32 s0, $0xA;
	s2 =	sadd.s32 s3, s2  }
0x8d: {  	s2 =	sadd.s32 s2, s17  }
0x8e: {  	[smem:$0x3FC6] =	sst s2  }
0x8f: {  	_ = 	snop  }
0x90: {  	s2 =	sld [smem:$0x3FD0];
	(tm) =	ssettm $0x1  }
0x91: {  	s18 =	sld [smem:$0x3FFB];
	_ =	sdelay $0x3  }
0x92: {  	_ =	strace s18  }
0x93: {  	s3 =	sld [smem:$0x3FFC];
	_ =	sdelay $0x3  }
0x94: {  	_ =	strace s3  }
0x95: {  	s3 =	sld [smem:$0x3FFD];
	_ =	sdelay $0x3  }
0x96: {  	_ =	strace s3  }
0x97: {  	_ =	strace $0x8FFFFFFF  }
0x98: {  	s19 =	sld [smem:$0x3FDB];
	_ =	sdelay $0x1  }
0x99: {  	s4 =	simm.s32 $_scs_section_size  }
0x9a: {  	s5 =	simm.s32 $_size__tile_overlayer_lowered;
	s6 =	simm.s32 $_tile_overlayer_lowered  }
0x9b: {  	s22 =	simm.s32 $0x1BFF;
	s21 =	sshll.u32 s6, $0x1;
	s3 =	sadd.s32 s4, s19  }
0x9c: {  	s7 =	simm.s32 $0x0;
	s20 =	sshll.u32 s5, $0x1;
	s5 =	sadd.s32 s21, s3  }
0x9d: {  	[timem:s7], [sflag:s22] =	dma.local [hbm:s5], s20  }
0x9e: {  	_ =	swait.ge [sflag:s22], s20  }
0x9f: {  	s4 =	ssub.s32 $0x0, s20;
	[sflag:s22] =	ssyncset.done $0x0  }
0xa0: {  	[sflag:s22] =	ssyncadd.s32 s4;
	_ =	sdelay $0x1  }
0xa1: {  	s23 =	simm.s32 $0x1B8B  }
0xa2: {  	_ =	swait.ge [sflag:s23], $0x1  }
0xa3: {  	[sflag:s23] =	ssyncset.done $0x0  }
0xa4: {  	s25 =	simm.s32 $0x1B8E;
	s24 =	sld [smem:$0x3FFE];
	[sflag:s23] =	ssyncadd.s32 $0xFFFFFFFF  }
0xa5: {  	s26 =	simm.s32 $execute0_lowered;
	[smem:$0x3FD2] =	sst s25  }
0xa6: {  	s5 =	sshll.u32 s26, $0x1;
	_ =	strace $0x80000046;
	[dreg:$0x1] =	wrdreg $0xFFFFFFFF  }
0xa7: {  	s28 =	simm.s32 $_size_execute0_lowered;
	s3 =	sadd.s32 s3, s5;
	[dreg:$0x0] =	wrdreg $0x0  }
0xa8: {  	s5 =	sshll.u32 s28, $0x1;
	[dreg:$0x2] =	wrdreg s3  }
0xa9: {  	[dreg:$0x3] =	wrdreg s5  }
0xaa: {  	[dreg:$0x4] =	wrdreg $0xC0  }
0xab: {  	_ =	task [dreg:s7], $0x5FFFF  }
0xac: {  	[dreg:$0x1] =	wrdreg $0xFFFFFFFF  }
0xad: {  	[dreg:$0x0] =	wrdreg $0x60  }
0xae: {  	[dreg:$0x2] =	wrdreg s2  }
0xaf: {  	[dreg:$0x3] =	wrdreg s24  }
0xb0: {  	[dreg:$0x4] =	wrdreg $0x9  }
0xb1: {  	_ =	task.clear_ibuf [dreg:s7], $0x5FFFF;
	_ =	strace $0x90000046  }
0xb2: {  	s29 =	simm.s32 $0x9;
	_ =	strace $0x80000048  }
0xb3: {  	_ =	swait.ge [sflag:s29], $0x1  }
0xb4: {  	[sflag:s29] =	ssyncadd.s32 $0xFFFFFFFF  }
0xb5: {  	_ =	strace $0x90000048  }
0xb6: {  	_ =	sfence  }
0xb7: {  	s30 =	sld [smem:$0x0];
	_ =	sdelay $0x2  }
0xb8: {  	s31 =	sshll.u32 s1, $0xD;
	s1 =	sshrl.u32 s1, $0x2  }
0xb9: {  	s3 =	sand.u32 $0x4000, s31;
	s1 =	sadd.s32 s1, s30  }
0xba: {  	s0 =	sor.u32 s3, s0;
	s1 =	sshll.u32 s1, $0x11  }
0xbb: {  	s0 =	sor.u32 s1, s0  }
0xbc: {  	s0 =	sadd.s32 $0x8F2B, s0  }
0xbd: {  	[sflag:s0] =	ssyncadd.remote.s32 $0x1  }
0xbe: {  	_ =	sfence.sel $0xFFFF  }
0xbf: {  	[dreg:$0x0] =	wrdreg $0xFFFFFFFF;
	(pc) =	sbr.abs _section_cstart, $3  }
0xc0: {  	[dreg:$0x1] =	wrdreg $0xFFFFFFFF  }
0xc1: {  	_ =	task.clear_ibuf [dreg:s7], $0x2FFFF;
	_ =	strace $0x9FFFFFFF  }
0xc2: {  	(tm) =	ssettm $0x7FFFFFFF  }
0xc3: {  	_ =	shalt  }
tec
execute0_lowered:
.L_overlay_start_1:
0x0: {  	(tag) =	ssettag $0x1  }
0x1: {  	s0 =	srdreg.scid;
	s28 =	stileid.u32;
	s29 =	simm.s32 $0x4680  }
0x2: {  	s30 =	simm.s32 $0x800;
	s31 =	simm.s32 $0x1000;
	s8 =	sand.u32 $0x1, s0  }
0x3: {  	s24 =	sshll.u32 s28, $0x1;
	s9 =	sshrl.u32 s28, $0x2;
	s1 =	sand.u32 $0x3, s28  }
0x4: {  	s25 =	sshll.u32 s28, $0x3;
	s0 =	sor.u32 s8, s24;
	s7 =	smul.u32 $0x7D00, s9  }
0x5: {  	s10 =	smul.u32 $0x1F40, s1;
	s1 =	sand.u32 $0x18, s25;
	s15 =	ssub.s32 $0x2, s8  }
0x6: {  	s6 =	sor.u32 $0x20, s0;
	s2 =	sor.u32 $0x40, s0;
	s13 =	smul.u32 $0x3E8, s1  }
0x7: {  	s1 =	sor.u32 $0x60, s0;
	s18 =	sshrl.u32 s15, $0x1;
	s5 =	sor.u32 $0x80, s0  }
0x8: {  	s3 =	sor.u32 $0xA0, s0;
	s21 =	smin.u32 s0, $0xF;
	s11 =	sshrl.u32 s6, $0x3  }
0x9: {  	s14 =	sshrl.u32 s2, $0x3;
	s17 =	sshrl.u32 s1, $0x3;
	s20 =	sshrl.u32 s5, $0x3  }
0xa: {  	s23 =	sshrl.u32 s3, $0x3;
	s4 =	sor.u32 $0xC0, s21;
	s26 =	sshll.u32 s21, $0x2  }
0xb: {  	s0 =	ssub.s32 s15, s18;
	s10 =	sadd.s32 s10, s7;
	s12 =	smul.u32 $0x7D00, s11  }
0xc: {  	s7 =	rddreg [dreg:$0x1];
	s6 =	sshll.u32 s6, $0xE;
	s16 =	smul.u32 $0x7D00, s14  }
0xd: {  	s2 =	sshll.u32 s2, $0xE;
	s1 =	sshll.u32 s1, $0xE;
	s19 =	smul.u32 $0x7D00, s17  }
0xe: {  	s5 =	sshll.u32 s5, $0xE;
	s3 =	sshll.u32 s3, $0xE;
	s22 =	smul.u32 $0x7D00, s20  }
0xf: {  	s24 =	smul.u32 $0x7D00, s23;
	s25 =	sshrl.u32 s4, $0x3;
	s26 =	sand.u32 $0x18, s26  }
0x10: {  	s10 =	sshrl.u32 s10, $0x3;
	s11 =	sshll.u32 s11, $0xC;
	s6 =	sand.u32 $0xF8000, s6  }
0x11: {  	s2 =	sand.u32 $0x178000, s2;
	s1 =	sand.u32 $0x1F8000, s1;
	s5 =	sand.u32 $0x278000, s5  }
0x12: {  	s3 =	sand.u32 $0x2F8000, s3;
	s4 =	sshll.u32 s4, $0xE;
	s18 =	smul.u32 $0x7D00, s25  }
0x13: {  	s15 =	smul.u32 $0x3E8, s26;
	s12 =	sadd.s32 s12, s13;
	s16 =	sadd.s32 s16, s13  }
0x14: {  	s19 =	sadd.s32 s19, s13;
	s26 =	sadd.s32 s22, s13;
	s13 =	sadd.s32 s24, s13  }
0x15: {  	s22 =	rddreg [dreg:$0x0];
	s18 =	sadd.s32 s18, s15;
	s12 =	sshrl.u32 s12, $0x3  }
0x16: {  	s10 =	sadd.s32 s22, s10;
	s15 =	sshrl.u32 s16, $0x3;
	s24 =	sshrl.u32 s19, $0x3  }
0x17: {  	s26 =	sshrl.u32 s26, $0x3;
	s16 =	sshrl.u32 s13, $0x3;
	s13 =	sshll.u32 s14, $0xC  }
0x18: {  	s14 =	sshll.u32 s17, $0xC;
	s17 =	sshll.u32 s20, $0xC;
	[dreg:$0x3] =	wrdreg s10  }
0x19: {  	s12 =	sadd.s32 s22, s12;
	s10 =	sadd.s32 s22, s15;
	s15 =	sadd.s32 s22, s26  }
0x1a: {  	s19 =	sshrl.u32 s18, $0x3;
	s26 =	sadd.s32 $0x400, s7;
	[dreg:$0x4] =	wrdreg s12  }
0x1b: {  	s7 =	sadd.s32 $0x3800, s7;
	[dreg:$0x5] =	wrdreg s10;
	s10 =	sadd.s32 s22, s24  }
0x1c: {  	[dreg:$0x7] =	wrdreg s15;
	s15 =	sshll.u32 s21, $0xB;
	s24 =	sshll.u32 s8, $0xB  }
0x1d: {  	[dreg:$0x6] =	wrdreg s10;
	s10 =	sadd.s32 s22, s16;
	s21 =	sand.u32 $0x800, s15  }
0x1e: {  	s6 =	sor.u32 s24, s6;
	s2 =	sor.u32 s24, s2;
	s1 =	sor.u32 s24, s1  }
0x1f: {  	s5 =	sor.u32 s24, s5;
	s16 =	simm.s32 $0x0;
	s3 =	sor.u32 s24, s3  }
0x20: {  	s4 =	sor.u32 s15, s4;
	s15 =	simm.s32 $0x4E80;
	[dreg:$0x8] =	wrdreg s10  }
0x21: {  	s10 =	sadd.s32 s22, s19;
	s22 =	sshll.u32 s25, $0xC;
	s25 =	sshll.u32 s9, $0xC  }
0x22: {  	s9 =	sor.u32 s24, s11;
	s11 =	sor.u32 s24, s14;
	s19 =	sshll.u32 s23, $0xC  }
0x23: {  	[smem:$0x7FF] =	sst s16;
	s6 =	sshrl.u32 s6, $0x3;
	s2 =	sshrl.u32 s2, $0x3  }
0x24: {  	s1 =	sshrl.u32 s1, $0x3;
	[dreg:$0x9] =	wrdreg s10;
	s12 =	sor.u32 s21, s22  }
0x25: {  	s8 =	sor.u32 s24, s25;
	s9 =	sshrl.u32 s9, $0x3;
	s10 =	sor.u32 s24, s13  }
0x26: {  	s11 =	sshrl.u32 s11, $0x3;
	s13 =	sor.u32 s24, s17;
	s14 =	sor.u32 s24, s19  }
0x27: {  	s21 =	sshll.u32 s28, $0xF;
	s18 =	sadd.s32 s7, s6;
	s19 =	sadd.s32 s7, s2  }
0x28: {  	s25 =	sand.u32 $0x338800, s4;
	s28 =	simm.s32 $0x1F40;
	s4 =	simm.s32 $0x0  }
0x29: {  	s8 =	sshrl.u32 s8, $0x3;
	s9 =	sadd.s32 s26, s9;
	s10 =	sshrl.u32 s10, $0x3  }
0x2a: {  	s11 =	sadd.s32 s26, s11;
	s13 =	sshrl.u32 s13, $0x3;
	s14 =	sshrl.u32 s14, $0x3  }
0x2b: {  	s20 =	sshrl.u32 s12, $0x3;
	s22 =	sor.u32 s24, s21;
	_ =	strace $0x80000047  }
0x2c: {  	s24 =	sshrl.u32 s5, $0x3;
	s2 =	sshrl.u32 s25, $0x3;
	s25 =	simm.s32 $0x3E80  }
0x2d: {  	s8 =	sadd.s32 s26, s8;
	s10 =	sadd.s32 s26, s10;
	s12 =	sadd.s32 s26, s13  }
0x2e: {  	s13 =	sadd.s32 s26, s14;
	s14 =	sadd.s32 s26, s20;
	s23 =	sshrl.u32 s22, $0x3  }
0x2f: {  	s20 =	sadd.s32 s7, s1;
	s21 =	sadd.s32 s7, s24;
	s26 =	sshrl.u32 s3, $0x3  }
0x30: {  	s24 =	smax.u32 s0, $0x1;
	s0 =	simm.s32 $0x2;
	s1 =	simm.s32 $0x8E80  }
0x31: {  	s3 =	simm.s32 $0x4;
	s17 =	sadd.s32 s7, s23;
	s22 =	sadd.s32 s7, s26  }
0x32: {  	s23 =	sadd.s32 s7, s2;
	s26 =	simm.s32 $0x1;
	s2 =	simm.s32 $0x3  }
.LBB2_1:
0x33: {  	s5 =	rddreg [dreg:$0x3]  }
0x34: {  	[tilespmem:s16], [sflag:$0x1] =	stream.linear.gather [hbm4b:s5+s16], $0x1F40, $0x38;
	[tilespmem:$0xCE80] =	vst v63  }
0x35: {  	_ = 	snop  }
0x36: {  	[tilespmem:s25], [sflag:$0x1] =	stream.linear.gather [hbm4b:s8+s16], $0x800, $0x38;
	[tilespmem:$0xCE80] =	vst v63  }
0x37: {  	_ =	swait.ge [sflag:s26], $0x1F40  }
0x38: {  	[sflag:s26] =	ssyncset.done $0x0  }
0x39: {  	[sflag:s26] =	ssyncadd.s32 $0xFFFFE0C0  }
0x3a: {  	_ =	swait.ge [sflag:s26], $0x800  }
0x3b: {  	[sflag:s26] =	ssyncset.done $0x0  }
0x3c: {  	s6 =	rddreg [dreg:$0x4];
	[sflag:s26] =	ssyncadd.s32 $0xFFFFF800  }
0x3d: {  	[tilespmem:s28], [sflag:$0x2] =	stream.linear.gather [hbm4b:s6+s16], $0x1F40, $0x38;
	[tilespmem:$0xCE80] =	vst v63  }
0x3e: {  	s7 =	simm.s32 $0x3EC0  }
0x3f: {  	[tilespmem:s29], [sflag:$0x2] =	stream.linear.gather [hbm4b:s9+s16], $0x800, $0x38;
	[tilespmem:$0xCE80] =	vst v63  }
0x40: {  	v7 =	vld [tilespmem:s7+$0x30]  }
0x41: {  	v5 =	vld [tilespmem:s7+$0xFFFFFFD0]  }
0x42: {  	v4 =	vld [tilespmem:s7+$0xFFFFFFE0]  }
0x43: {  	v3 =	vld [tilespmem:s7+$0xFFFFFFF0]  }
0x44: {  	v2 =	vld [tilespmem:s7+$0x0]  }
0x45: {  	v1 =	vld [tilespmem:s7+$0x10]  }
0x46: {  	v0 =	vld [tilespmem:s7+$0x20]  }
0x47: {  	v6 =	vld [tilespmem:s7+$0xFFFFFFC0]  }
0x48: {  	v8 =	vld.idx.msk [tilespmem:v7+s16+$0x0], $0xffff  }
0x49: {  	v9 =	vld.idx.msk [tilespmem:v5+s16+$0x0], $0xffff  }
0x4a: {  	v10 =	vld.idx.msk [tilespmem:v4+s16+$0x0], $0xffff  }
0x4b: {  	v11 =	vadd.s32 $0x3E8, v7;
	v12 =	vld.idx.msk [tilespmem:v3+s16+$0x0], $0xffff  }
0x4c: {  	v13 =	vadd.s32 $0x3E8, v5;
	v14 =	vld.idx.msk [tilespmem:v2+s16+$0x0], $0xffff  }
0x4d: {  	s5 =	simm.s32 $0x6E80;
	v15 =	vadd.s32 $0x3E8, v4;
	v16 =	vld.idx.msk [tilespmem:v1+s16+$0x0], $0xffff  }
0x4e: {  	v17 =	vadd.s32 $0x3E8, v3;
	v18 =	vld.idx.msk [tilespmem:v0+s16+$0x0], $0xffff;
	[tilespmem:s5+$0xFFFFE070] =	vst v8  }
0x4f: {  	v55 =	vadd.s32 $0x3E8, v1;
	v19 =	vld.idx.msk [tilespmem:v6+s16+$0x0], $0xffff;
	[tilespmem:s5+$0xFFFFE010] =	vst v9  }
0x50: {  	v58 =	vadd.s32 $0x3E8, v6;
	[tilespmem:s5+$0xFFFFE020] =	vst v10;
	v54 =	vld.idx.msk [tilespmem:v11+s16+$0x0], $0xffff  }
0x51: {  	v59 =	vadd.s32 $0x3E8, v0;
	[tilespmem:s5+$0xFFFFE030] =	vst v12;
	v56 =	vld.idx.msk [tilespmem:v13+s16+$0x0], $0xffff  }
0x52: {  	v8 =	vadd.s32 $0x3E8, v2;
	[tilespmem:s5+$0xFFFFE040] =	vst v14;
	v15 =	vld.idx.msk [tilespmem:v15+s16+$0x0], $0xffff  }
0x53: {  	v57 =	vadd.s32 $0x7D0, v7;
	[tilespmem:s5+$0xFFFFE050] =	vst v16;
	v17 =	vld.idx.msk [tilespmem:v17+s16+$0x0], $0xffff  }
0x54: {  	v60 =	vadd.s32 $0x7D0, v5;
	[tilespmem:s5+$0xFFFFE000] =	vst v19;
	v11 =	vld.idx.msk [tilespmem:v55+s16+$0x0], $0xffff  }
0x55: {  	v61 =	vadd.s32 $0x7D0, v4;
	[tilespmem:s5+$0xFFFFE060] =	vst v18;
	v13 =	vld.idx.msk [tilespmem:v58+s16+$0x0], $0xffff  }
0x56: {  	v62 =	vadd.s32 $0x7D0, v3;
	v21 =	vld.idx.msk [tilespmem:v59+s16+$0x0], $0xffff;
	[tilespmem:s5+$0xFFFFE870] =	vst v54  }
0x57: {  	v23 =	vadd.s32 $0x7D0, v6;
	v8 =	vld.idx.msk [tilespmem:v8+s16+$0x0], $0xffff;
	[tilespmem:s5+$0xFFFFE810] =	vst v56  }
0x58: {  	v24 =	vadd.s32 $0x7D0, v1;
	[tilespmem:s5+$0xFFFFE820] =	vst v15;
	v12 =	vld.idx.msk [tilespmem:v57+s16+$0x0], $0xffff  }
0x59: {  	v63 =	vadd.s32 $0x7D0, v2;
	[tilespmem:s5+$0xFFFFE830] =	vst v17;
	v16 =	vld.idx.msk [tilespmem:v60+s16+$0x0], $0xffff  }
0x5a: {  	v22 =	vadd.s32 $0xBB8, v7;
	[tilespmem:s5+$0xFFFFE850] =	vst v11;
	v18 =	vld.idx.msk [tilespmem:v61+s16+$0x0], $0xffff  }
0x5b: {  	v25 =	vadd.s32 $0xBB8, v5;
	[tilespmem:s5+$0xFFFFE800] =	vst v13;
	v9 =	vld.idx.msk [tilespmem:v62+s16+$0x0], $0xffff  }
0x5c: {  	v26 =	vadd.s32 $0xBB8, v4;
	[tilespmem:s5+$0xFFFFE860] =	vst v21;
	v15 =	vld.idx.msk [tilespmem:v23+s16+$0x0], $0xffff  }
0x5d: {  	v28 =	vadd.s32 $0xBB8, v3;
	v29 =	vld.idx.msk [tilespmem:v24+s16+$0x0], $0xffff;
	[tilespmem:s5+$0xFFFFE840] =	vst v8  }
0x5e: {  	v31 =	vadd.s32 $0xBB8, v6;
	v19 =	vld.idx.msk [tilespmem:v63+s16+$0x0], $0xffff;
	[tilespmem:s5+$0xFFFFF070] =	vst v12  }
0x5f: {  	v33 =	vadd.s32 $0xBB8, v1;
	[tilespmem:s5+$0xFFFFF010] =	vst v16;
	v27 =	vld.idx.msk [tilespmem:v22+s16+$0x0], $0xffff  }
0x60: {  	v8 =	vadd.s32 $0x7D0, v0;
	[tilespmem:s5+$0xFFFFF020] =	vst v18;
	v11 =	vld.idx.msk [tilespmem:v25+s16+$0x0], $0xffff  }
0x61: {  	v32 =	vadd.s32 $0xBB8, v2;
	[tilespmem:s5+$0xFFFFF030] =	vst v9;
	v12 =	vld.idx.msk [tilespmem:v26+s16+$0x0], $0xffff  }
0x62: {  	v30 =	vadd.s32 $0xFA0, v7;
	[tilespmem:s5+$0xFFFFF000] =	vst v15;
	v14 =	vld.idx.msk [tilespmem:v28+s16+$0x0], $0xffff  }
0x63: {  	v35 =	vadd.s32 $0xFA0, v5;
	[tilespmem:s5+$0xFFFFF050] =	vst v29;
	v17 =	vld.idx.msk [tilespmem:v31+s16+$0x0], $0xffff  }
0x64: {  	v37 =	vadd.s32 $0xFA0, v4;
	v9 =	vld.idx.msk [tilespmem:v33+s16+$0x0], $0xffff;
	[tilespmem:s5+$0xFFFFF040] =	vst v19  }
0x65: {  	v39 =	vadd.s32 $0xFA0, v6;
	v8 =	vld.idx.msk [tilespmem:v8+s16+$0x0], $0xffff;
	[tilespmem:s5+$0xFFFFF870] =	vst v27  }
0x66: {  	v40 =	vadd.s32 $0xFA0, v3;
	v38 =	vld.idx.msk [tilespmem:v32+s16+$0x0], $0xffff;
	[tilespmem:s5+$0xFFFFF810] =	vst v11  }
0x67: {  	v43 =	vadd.s32 $0xFA0, v1;
	[tilespmem:s5+$0xFFFFF820] =	vst v12;
	v36 =	vld.idx.msk [tilespmem:v30+s16+$0x0], $0xffff  }
0x68: {  	v34 =	vadd.s32 $0xBB8, v0;
	[tilespmem:s5+$0xFFFFF830] =	vst v14;
	v13 =	vld.idx.msk [tilespmem:v35+s16+$0x0], $0xffff  }
0x69: {  	v42 =	vadd.s32 $0xFA0, v2;
	[tilespmem:s5+$0xFFFFF800] =	vst v17;
	v16 =	vld.idx.msk [tilespmem:v37+s16+$0x0], $0xffff  }
0x6a: {  	v18 =	vld.idx.msk [tilespmem:v39+s16+$0x0], $0xffff;
	[tilespmem:s5+$0xFFFFF060] =	vst v8;
	v8 =	vadd.s32 $0x1388, v7  }
0x6b: {  	v45 =	vadd.s32 $0x1388, v5;
	[tilespmem:s5+$0xFFFFF850] =	vst v9;
	v46 =	vld.idx.msk [tilespmem:v40+s16+$0x0], $0xffff  }
0x6c: {  	v48 =	vadd.s32 $0x1388, v6;
	v50 =	vld.idx.msk [tilespmem:v43+s16+$0x0], $0xffff;
	[tilespmem:s5+$0xFFFFF840] =	vst v38  }
0x6d: {  	v49 =	vadd.s32 $0x1388, v4;
	v41 =	vld.idx.msk [tilespmem:v34+s16+$0x0], $0xffff;
	[tilespmem:s5+$0x70] =	vst v36  }
0x6e: {  	v44 =	vadd.s32 $0xFA0, v0;
	v19 =	vld.idx.msk [tilespmem:v42+s16+$0x0], $0xffff;
	[tilespmem:s5+$0x10] =	vst v13  }
0x6f: {  	v51 =	vadd.s32 $0x1388, v3;
	[tilespmem:s5+$0x20] =	vst v16;
	v8 =	vld.idx.msk [tilespmem:v8+s16+$0x0], $0xffff  }
0x70: {  	v47 =	vadd.s32 $0x1770, v7;
	[tilespmem:s5+$0x0] =	vst v18;
	v17 =	vld.idx.msk [tilespmem:v45+s16+$0x0], $0xffff  }
0x71: {  	v52 =	vadd.s32 $0x1388, v2;
	[tilespmem:s5+$0x30] =	vst v46;
	v11 =	vld.idx.msk [tilespmem:v48+s16+$0x0], $0xffff  }
0x72: {  	v55 =	vadd.s32 $0x1770, v6;
	v54 =	vld.idx.msk [tilespmem:v49+s16+$0x0], $0xffff;
	[tilespmem:s5+$0xFFFFF860] =	vst v41  }
0x73: {  	v56 =	vadd.s32 $0x1770, v5;
	[tilespmem:s5+$0x50] =	vst v50;
	v15 =	vld.idx.msk [tilespmem:v44+s16+$0x0], $0xffff  }
0x74: {  	v53 =	vadd.s32 $0x1388, v0;
	v14 =	vld.idx.msk [tilespmem:v51+s16+$0x0], $0xffff;
	[tilespmem:s5+$0x870] =	vst v8  }
0x75: {  	[tilespmem:s5+$0x40] =	vst v19;
	v8 =	vadd.s32 $0x1388, v1;
	v9 =	vld.idx.msk [tilespmem:v47+s16+$0x0], $0xffff  }
0x76: {  	v7 =	vadd.s32 $0x1B58, v7;
	v16 =	vld.idx.msk [tilespmem:v52+s16+$0x0], $0xffff;
	[tilespmem:s5+$0x800] =	vst v11  }
0x77: {  	v57 =	vadd.s32 $0x1770, v4;
	[tilespmem:s5+$0x810] =	vst v17;
	v12 =	vld.idx.msk [tilespmem:v55+s16+$0x0], $0xffff  }
0x78: {  	v58 =	vadd.s32 $0x1770, v3;
	v13 =	vld.idx.msk [tilespmem:v56+s16+$0x0], $0xffff;
	[tilespmem:s5+$0x60] =	vst v15  }
0x79: {  	v59 =	vadd.s32 $0x1770, v2;
	[tilespmem:s5+$0x820] =	vst v54;
	v18 =	vld.idx.msk [tilespmem:v53+s16+$0x0], $0xffff  }
0x7a: {  	v6 =	vadd.s32 $0x1B58, v6;
	v8 =	vld.idx.msk [tilespmem:v8+s16+$0x0], $0xffff;
	[tilespmem:s5+$0x1070] =	vst v9  }
0x7b: {  	v60 =	vadd.s32 $0x1770, v1;
	[tilespmem:s5+$0x830] =	vst v14;
	v7 =	vld.idx.msk [tilespmem:v7+s16+$0x0], $0xffff  }
0x7c: {  	v61 =	vadd.s32 $0x1770, v0;
	v62 =	vld.idx.msk [tilespmem:v57+s16+$0x0], $0xffff;
	[tilespmem:s5+$0x840] =	vst v16  }
0x7d: {  	v5 =	vadd.s32 $0x1B58, v5;
	v63 =	vld.idx.msk [tilespmem:v58+s16+$0x0], $0xffff;
	[tilespmem:s5+$0x1000] =	vst v12  }
0x7e: {  	v3 =	vadd.s32 $0x1B58, v3;
	v9 =	vld.idx.msk [tilespmem:v59+s16+$0x0], $0xffff;
	[tilespmem:s5+$0x860] =	vst v18  }
0x7f: {  	v12 =	vld.idx.msk [tilespmem:v6+s16+$0x0], $0xffff;
	[tilespmem:s5+$0x850] =	vst v8;
	v8 =	vadd.s32 $0x1B58, v4  }
0x80: {  	v11 =	vld.idx.msk [tilespmem:v60+s16+$0x0], $0xffff;
	[tilespmem:s5+$0x1870] =	vst v7;
	v7 =	vadd.s32 $0x1B58, v2  }
0x81: {  	v1 =	vadd.s32 $0x1B58, v1;
	[tilespmem:s5+$0x1010] =	vst v13;
	v10 =	vld.idx.msk [tilespmem:v61+s16+$0x0], $0xffff  }
0x82: {  	v0 =	vadd.s32 $0x1B58, v0;
	[tilespmem:s5+$0x1030] =	vst v63;
	v4 =	vld.idx.msk [tilespmem:v5+s16+$0x0], $0xffff  }
0x83: {  	[tilespmem:s5+$0x1020] =	vst v62;
	v2 =	vld.idx.msk [tilespmem:v3+s16+$0x0], $0xffff  }
0x84: {  	[tilespmem:s5+$0x1040] =	vst v9;
	v5 =	vld.idx.msk [tilespmem:v8+s16+$0x0], $0xffff  }
0x85: {  	[tilespmem:s5+$0x1050] =	vst v11;
	v6 =	vld.idx.msk [tilespmem:v7+s16+$0x0], $0xffff  }
0x86: {  	[tilespmem:s5+$0x1060] =	vst v10;
	v3 =	vld.idx.msk [tilespmem:v1+s16+$0x0], $0xffff  }
0x87: {  	s6 =	simm.s32 $0x0;
	s7 =	simm.s32 $0x3F40;
	[tilespmem:s5+$0x1800] =	vst v12;
	v1 =	vld.idx.msk [tilespmem:v0+s16+$0x0], $0xffff  }
.LBB2_2:
0x88: {  	v0 =	vld [tilespmem:s7+$0x30];
	s6 =	sadd.s32 $0x8, s6;
	[tilespmem:s5+$0x1810] =	vst v4  }
0x89: {  	v7 =	vld [tilespmem:s7+$0xFFFFFFD0];
	p0 =	slt.u32 s6, $0x78;
	[tilespmem:s5+$0x1820] =	vst v5  }
0x8a: {  	v5 =	vld [tilespmem:s7+$0xFFFFFFE0];
	[tilespmem:s5+$0x1830] =	vst v2  }
0x8b: {  	v2 =	vld [tilespmem:s7+$0xFFFFFFF0];
	[tilespmem:s5+$0x1840] =	vst v6  }
0x8c: {  	v6 =	vld [tilespmem:s7+$0x0];
	[tilespmem:s5+$0x1850] =	vst v3  }
0x8d: {  	v3 =	vld [tilespmem:s7+$0x10];
	[tilespmem:s5+$0x1860] =	vst v1  }
0x8e: {  	v1 =	vadd.s32 $0x3E8, v7;
	v21 =	vadd.s32 $0x7D0, v7;
	v22 =	vadd.s32 $0xBB8, v7;
	v23 =	vld [tilespmem:s7+$0x20]  }
0x8f: {  	v4 =	vld [tilespmem:s7+$0xFFFFFFC0];
	v8 =	vadd.s32 $0x3E8, v5;
	v24 =	vadd.s32 $0x7D0, v5;
	v25 =	vadd.s32 $0xBB8, v5  }
0x90: {  	v9 =	vadd.s32 $0x3E8, v2;
	v26 =	vadd.s32 $0x7D0, v2;
	v27 =	vadd.s32 $0xBB8, v2;
	v10 =	vld.idx.msk [tilespmem:v0+s16+$0x0], $0xffff  }
0x91: {  	v11 =	vld.idx.msk [tilespmem:v7+s16+$0x0], $0xffff;
	v12 =	vadd.s32 $0x3E8, v6;
	v28 =	vadd.s32 $0x7D0, v6;
	v29 =	vadd.s32 $0xBB8, v6  }
0x92: {  	v14 =	vadd.s32 $0x3E8, v0;
	v13 =	vld.idx.msk [tilespmem:v5+s16+$0x0], $0xffff;
	v30 =	vadd.s32 $0x3E8, v3;
	v31 =	vadd.s32 $0x7D0, v3  }
0x93: {  	v32 =	vadd.s32 $0xBB8, v3;
	v16 =	vld.idx.msk [tilespmem:v2+s16+$0x0], $0xffff;
	v33 =	vadd.s32 $0x3E8, v23;
	v34 =	vadd.s32 $0x7D0, v23  }
0x94: {  	v35 =	vadd.s32 $0x3E8, v4;
	v36 =	vadd.s32 $0x7D0, v4;
	v37 =	vadd.s32 $0xBB8, v4;
	v20 =	vld.idx.msk [tilespmem:v6+s16+$0x0], $0xffff  }
0x95: {  	s5 =	sadd.s32 $0x80, s5;
	v39 =	vadd.s32 $0xFA0, v7;
	v41 =	vadd.s32 $0xBB8, v23;
	v38 =	vadd.s32 $0xFA0, v4;
	v40 =	vld.idx.msk [tilespmem:v3+s16+$0x0], $0xffff  }
0x96: {  	v42 =	vadd.s32 $0xFA0, v5;
	v43 =	vadd.s32 $0xFA0, v2;
	v44 =	vadd.s32 $0xFA0, v6;
	v45 =	vld.idx.msk [tilespmem:v23+s16+$0x0], $0xffff;
	[tilespmem:s5+$0xFFFFE070] =	vst v10  }
0x97: {  	v46 =	vadd.s32 $0xFA0, v3;
	v47 =	vadd.s32 $0xFA0, v23;
	v15 =	vadd.s32 $0x1388, v4;
	[tilespmem:s5+$0xFFFFE010] =	vst v11;
	v48 =	vld.idx.msk [tilespmem:v14+s16+$0x0], $0xffff  }
0x98: {  	v50 =	vadd.s32 $0x1388, v7;
	v19 =	vadd.s32 $0x1388, v5;
	v17 =	vadd.s32 $0x1388, v2;
	v49 =	vld.idx.msk [tilespmem:v4+s16+$0x0], $0xffff;
	[tilespmem:s5+$0xFFFFE020] =	vst v13  }
0x99: {  	v52 =	vadd.s32 $0x7D0, v0;
	v18 =	vadd.s32 $0x1388, v6;
	v51 =	vld.idx.msk [tilespmem:v1+s16+$0x0], $0xffff;
	[tilespmem:s5+$0xFFFFE030] =	vst v16;
	v16 =	vadd.s32 $0x1388, v3  }
0x9a: {  	v10 =	vadd.s32 $0x1770, v7;
	v13 =	vadd.s32 $0x1770, v4;
	v53 =	vld.idx.msk [tilespmem:v8+s16+$0x0], $0xffff;
	[tilespmem:s5+$0xFFFFE040] =	vst v20;
	v20 =	vadd.s32 $0x1388, v23  }
0x9b: {  	v14 =	vadd.s32 $0x1770, v5;
	v11 =	vadd.s32 $0x1770, v2;
	v8 =	vadd.s32 $0x1770, v6;
	v54 =	vld.idx.msk [tilespmem:v9+s16+$0x0], $0xffff;
	[tilespmem:s5+$0xFFFFE050] =	vst v40  }
0x9c: {  	v4 =	vadd.s32 $0x1B58, v4;
	v9 =	vadd.s32 $0x1770, v23;
	v40 =	vld.idx.msk [tilespmem:v12+s16+$0x0], $0xffff;
	v12 =	vadd.s32 $0x1770, v3;
	[tilespmem:s5+$0xFFFFE060] =	vst v45  }
0x9d: {  	v7 =	vadd.s32 $0x1B58, v7;
	v5 =	vadd.s32 $0x1B58, v5;
	v2 =	vadd.s32 $0x1B58, v2;
	v30 =	vld.idx.msk [tilespmem:v30+s16+$0x0], $0xffff;
	[tilespmem:s5+$0xFFFFE870] =	vst v48  }
0x9e: {  	v1 =	vadd.s32 $0x1B58, v23;
	v6 =	vadd.s32 $0x1B58, v6;
	v3 =	vadd.s32 $0x1B58, v3;
	[tilespmem:s5+$0xFFFFE000] =	vst v49;
	v23 =	vld.idx.msk [tilespmem:v52+s16+$0x0], $0xffff  }
0x9f: {  	v35 =	vld.idx.msk [tilespmem:v35+s16+$0x0], $0xffff;
	[tilespmem:s5+$0xFFFFE810] =	vst v51  }
0xa0: {  	v45 =	vadd.s32 $0xBB8, v0;
	[tilespmem:s5+$0xFFFFE820] =	vst v53;
	v33 =	vld.idx.msk [tilespmem:v33+s16+$0x0], $0xffff  }
0xa1: {  	v21 =	vld.idx.msk [tilespmem:v21+s16+$0x0], $0xffff;
	[tilespmem:s5+$0xFFFFE830] =	vst v54  }
0xa2: {  	v24 =	vld.idx.msk [tilespmem:v24+s16+$0x0], $0xffff;
	[tilespmem:s5+$0xFFFFE840] =	vst v40  }
0xa3: {  	v26 =	vld.idx.msk [tilespmem:v26+s16+$0x0], $0xffff;
	[tilespmem:s5+$0xFFFFE850] =	vst v30  }
0xa4: {  	v28 =	vld.idx.msk [tilespmem:v28+s16+$0x0], $0xffff;
	[tilespmem:s5+$0xFFFFF070] =	vst v23  }
0xa5: {  	[tilespmem:s5+$0xFFFFE800] =	vst v35;
	v23 =	vld.idx.msk [tilespmem:v45+s16+$0x0], $0xffff  }
0xa6: {  	v30 =	vld.idx.msk [tilespmem:v36+s16+$0x0], $0xffff;
	[tilespmem:s5+$0xFFFFE860] =	vst v33  }
0xa7: {  	[tilespmem:s5+$0xFFFFF010] =	vst v21;
	v21 =	vld.idx.msk [tilespmem:v31+s16+$0x0], $0xffff;
	v31 =	vadd.s32 $0xFA0, v0  }
0xa8: {  	[tilespmem:s5+$0xFFFFF020] =	vst v24;
	v24 =	vld.idx.msk [tilespmem:v34+s16+$0x0], $0xffff  }
0xa9: {  	v22 =	vld.idx.msk [tilespmem:v22+s16+$0x0], $0xffff;
	[tilespmem:s5+$0xFFFFF030] =	vst v26  }
0xaa: {  	v25 =	vld.idx.msk [tilespmem:v25+s16+$0x0], $0xffff;
	[tilespmem:s5+$0xFFFFF040] =	vst v28  }
0xab: {  	v26 =	vld.idx.msk [tilespmem:v27+s16+$0x0], $0xffff;
	[tilespmem:s5+$0xFFFFF870] =	vst v23  }
0xac: {  	[tilespmem:s5+$0xFFFFF000] =	vst v30;
	v23 =	vld.idx.msk [tilespmem:v31+s16+$0x0], $0xffff  }
0xad: {  	v27 =	vld.idx.msk [tilespmem:v37+s16+$0x0], $0xffff;
	[tilespmem:s5+$0xFFFFF050] =	vst v21  }
0xae: {  	v21 =	vld.idx.msk [tilespmem:v29+s16+$0x0], $0xffff;
	[tilespmem:s5+$0xFFFFF060] =	vst v24;
	v24 =	vadd.s32 $0x1388, v0  }
0xaf: {  	[tilespmem:s5+$0xFFFFF810] =	vst v22;
	v22 =	vld.idx.msk [tilespmem:v32+s16+$0x0], $0xffff  }
0xb0: {  	[tilespmem:s5+$0xFFFFF820] =	vst v25;
	v25 =	vld.idx.msk [tilespmem:v41+s16+$0x0], $0xffff  }
0xb1: {  	v28 =	vld.idx.msk [tilespmem:v39+s16+$0x0], $0xffff;
	[tilespmem:s5+$0xFFFFF830] =	vst v26  }
0xb2: {  	v26 =	vld.idx.msk [tilespmem:v42+s16+$0x0], $0xffff;
	[tilespmem:s5+$0x70] =	vst v23  }
0xb3: {  	[tilespmem:s5+$0xFFFFF800] =	vst v27;
	v23 =	vld.idx.msk [tilespmem:v24+s16+$0x0], $0xffff  }
0xb4: {  	v24 =	vld.idx.msk [tilespmem:v38+s16+$0x0], $0xffff;
	[tilespmem:s5+$0xFFFFF840] =	vst v21  }
0xb5: {  	v21 =	vld.idx.msk [tilespmem:v43+s16+$0x0], $0xffff;
	[tilespmem:s5+$0xFFFFF850] =	vst v22;
	v22 =	vadd.s32 $0x1770, v0  }
0xb6: {  	v27 =	vld.idx.msk [tilespmem:v44+s16+$0x0], $0xffff;
	[tilespmem:s5+$0xFFFFF860] =	vst v25  }
0xb7: {  	[tilespmem:s5+$0x10] =	vst v28;
	v25 =	vld.idx.msk [tilespmem:v46+s16+$0x0], $0xffff  }
0xb8: {  	[tilespmem:s5+$0x20] =	vst v26;
	v26 =	vld.idx.msk [tilespmem:v47+s16+$0x0], $0xffff  }
0xb9: {  	v28 =	vld.idx.msk [tilespmem:v50+s16+$0x0], $0xffff;
	[tilespmem:s5+$0x870] =	vst v23  }
0xba: {  	[tilespmem:s5+$0x0] =	vst v24;
	v22 =	vld.idx.msk [tilespmem:v22+s16+$0x0], $0xffff  }
0xbb: {  	v15 =	vld.idx.msk [tilespmem:v15+s16+$0x0], $0xffff;
	[tilespmem:s5+$0x30] =	vst v21  }
0xbc: {  	v0 =	vadd.s32 $0x1B58, v0;
	v19 =	vld.idx.msk [tilespmem:v19+s16+$0x0], $0xffff;
	[tilespmem:s5+$0x40] =	vst v27  }
0xbd: {  	v17 =	vld.idx.msk [tilespmem:v17+s16+$0x0], $0xffff;
	[tilespmem:s5+$0x50] =	vst v25  }
0xbe: {  	v18 =	vld.idx.msk [tilespmem:v18+s16+$0x0], $0xffff;
	[tilespmem:s5+$0x60] =	vst v26  }
0xbf: {  	[tilespmem:s5+$0x810] =	vst v28;
	v16 =	vld.idx.msk [tilespmem:v16+s16+$0x0], $0xffff  }
0xc0: {  	v20 =	vld.idx.msk [tilespmem:v20+s16+$0x0], $0xffff;
	[tilespmem:s5+$0x1070] =	vst v22  }
0xc1: {  	[tilespmem:s5+$0x800] =	vst v15;
	v0 =	vld.idx.msk [tilespmem:v0+s16+$0x0], $0xffff  }
0xc2: {  	v13 =	vld.idx.msk [tilespmem:v13+s16+$0x0], $0xffff;
	[tilespmem:s5+$0x820] =	vst v19  }
0xc3: {  	v10 =	vld.idx.msk [tilespmem:v10+s16+$0x0], $0xffff;
	[tilespmem:s5+$0x830] =	vst v17  }
0xc4: {  	v14 =	vld.idx.msk [tilespmem:v14+s16+$0x0], $0xffff;
	[tilespmem:s5+$0x840] =	vst v18  }
0xc5: {  	v11 =	vld.idx.msk [tilespmem:v11+s16+$0x0], $0xffff;
	[tilespmem:s5+$0x850] =	vst v16  }
0xc6: {  	v8 =	vld.idx.msk [tilespmem:v8+s16+$0x0], $0xffff;
	[tilespmem:s5+$0x860] =	vst v20  }
0xc7: {  	v12 =	vld.idx.msk [tilespmem:v12+s16+$0x0], $0xffff;
	[tilespmem:s5+$0x1870] =	vst v0  }
0xc8: {  	[tilespmem:s5+$0x1000] =	vst v13;
	v0 =	vld.idx.msk [tilespmem:v9+s16+$0x0], $0xffff  }
0xc9: {  	v9 =	vld.idx.msk [tilespmem:v4+s16+$0x0], $0xffff;
	[tilespmem:s5+$0x1010] =	vst v10  }
0xca: {  	v4 =	vld.idx.msk [tilespmem:v7+s16+$0x0], $0xffff;
	[tilespmem:s5+$0x1020] =	vst v14  }
.Ltmp0:
0xcb: {  	v5 =	vld.idx.msk [tilespmem:v5+s16+$0x0], $0xffff;
	[tilespmem:s5+$0x1030] =	vst v11;
	(pc) =	sbr.rel @p0 .LBB2_2-.Ltmp0, $4  }
0xcc: {  	v2 =	vld.idx.msk [tilespmem:v2+s16+$0x0], $0xffff;
	[tilespmem:s5+$0x1040] =	vst v8  }
0xcd: {  	v6 =	vld.idx.msk [tilespmem:v6+s16+$0x0], $0xffff;
	[tilespmem:s5+$0x1050] =	vst v12  }
0xce: {  	v3 =	vld.idx.msk [tilespmem:v3+s16+$0x0], $0xffff;
	[tilespmem:s5+$0x1060] =	vst v0  }
0xcf: {  	s7 =	sadd.s32 $0x80, s7;
	[tilespmem:s5+$0x1800] =	vst v9;
	v1 =	vld.idx.msk [tilespmem:v1+s16+$0x0], $0xffff  }
0xd0: {  	[tilespmem:s5+$0x1810] =	vst v4  }
0xd1: {  	[tilespmem:s5+$0x1820] =	vst v5  }
0xd2: {  	[tilespmem:s5+$0x1830] =	vst v2  }
0xd3: {  	[tilespmem:s5+$0x1840] =	vst v6  }
0xd4: {  	[tilespmem:s5+$0x1850] =	vst v3  }
0xd5: {  	[tilespmem:s5+$0x1860] =	vst v1  }
0xd6: {  	[hbm4b:s17+s30] =	stream.strided.scatter [tilespmem:s15], [sflag:$0x3], $0x4000, s31, s30, $0x38;
	[tilespmem:$0xCE80] =	vst v63  }
0xd7: {  	_ =	swait.ge [sflag:s0], $0x1F40  }
0xd8: {  	[sflag:s0] =	ssyncset.done $0x0  }
0xd9: {  	[sflag:s0] =	ssyncadd.s32 $0xFFFFE0C0  }
0xda: {  	_ =	swait.ge [sflag:s0], $0x800  }
0xdb: {  	[sflag:s0] =	ssyncset.done $0x0  }
0xdc: {  	s6 =	rddreg [dreg:$0x5];
	[sflag:s0] =	ssyncadd.s32 $0xFFFFF800  }
0xdd: {  	[tilespmem:s16], [sflag:$0x1] =	stream.linear.gather [hbm4b:s6+s16], $0x1F40, $0x38;
	[tilespmem:$0xCE80] =	vst v63  }
0xde: {  	s7 =	simm.s32 $0x46C0  }
0xdf: {  	[tilespmem:s25], [sflag:$0x1] =	stream.linear.gather [hbm4b:s10+s16], $0x800, $0x38;
	[tilespmem:$0xCE80] =	vst v63  }
0xe0: {  	v7 =	vld [tilespmem:s7+$0x30]  }
0xe1: {  	v5 =	vld [tilespmem:s7+$0xFFFFFFD0]  }
0xe2: {  	v4 =	vld [tilespmem:s7+$0xFFFFFFE0]  }
0xe3: {  	v3 =	vld [tilespmem:s7+$0xFFFFFFF0]  }
0xe4: {  	v2 =	vld [tilespmem:s7+$0x0]  }
0xe5: {  	v1 =	vld [tilespmem:s7+$0x10]  }
0xe6: {  	v0 =	vld [tilespmem:s7+$0x20]  }
0xe7: {  	v6 =	vld [tilespmem:s7+$0xFFFFFFC0]  }
0xe8: {  	v8 =	vld.idx.msk [tilespmem:v7+s28+$0x0], $0xffff  }
0xe9: {  	v9 =	vld.idx.msk [tilespmem:v5+s28+$0x0], $0xffff  }
0xea: {  	v10 =	vld.idx.msk [tilespmem:v4+s28+$0x0], $0xffff  }
0xeb: {  	v11 =	vadd.s32 $0x3E8, v7;
	v12 =	vld.idx.msk [tilespmem:v3+s28+$0x0], $0xffff  }
0xec: {  	v13 =	vadd.s32 $0x3E8, v5;
	v14 =	vld.idx.msk [tilespmem:v2+s28+$0x0], $0xffff  }
0xed: {  	s5 =	simm.s32 $0xAE80;
	v15 =	vadd.s32 $0x3E8, v4;
	v16 =	vld.idx.msk [tilespmem:v1+s28+$0x0], $0xffff  }
0xee: {  	v17 =	vadd.s32 $0x3E8, v3;
	v18 =	vld.idx.msk [tilespmem:v0+s28+$0x0], $0xffff;
	[tilespmem:s5+$0xFFFFE070] =	vst v8  }
0xef: {  	v55 =	vadd.s32 $0x3E8, v1;
	v19 =	vld.idx.msk [tilespmem:v6+s28+$0x0], $0xffff;
	[tilespmem:s5+$0xFFFFE010] =	vst v9  }
0xf0: {  	v58 =	vadd.s32 $0x3E8, v6;
	[tilespmem:s5+$0xFFFFE020] =	vst v10;
	v54 =	vld.idx.msk [tilespmem:v11+s28+$0x0], $0xffff  }
0xf1: {  	v59 =	vadd.s32 $0x3E8, v0;
	[tilespmem:s5+$0xFFFFE030] =	vst v12;
	v56 =	vld.idx.msk [tilespmem:v13+s28+$0x0], $0xffff  }
0xf2: {  	v8 =	vadd.s32 $0x3E8, v2;
	[tilespmem:s5+$0xFFFFE040] =	vst v14;
	v15 =	vld.idx.msk [tilespmem:v15+s28+$0x0], $0xffff  }
0xf3: {  	v57 =	vadd.s32 $0x7D0, v7;
	[tilespmem:s5+$0xFFFFE050] =	vst v16;
	v17 =	vld.idx.msk [tilespmem:v17+s28+$0x0], $0xffff  }
0xf4: {  	v60 =	vadd.s32 $0x7D0, v5;
	[tilespmem:s5+$0xFFFFE000] =	vst v19;
	v11 =	vld.idx.msk [tilespmem:v55+s28+$0x0], $0xffff  }
0xf5: {  	v61 =	vadd.s32 $0x7D0, v4;
	[tilespmem:s5+$0xFFFFE060] =	vst v18;
	v13 =	vld.idx.msk [tilespmem:v58+s28+$0x0], $0xffff  }
0xf6: {  	v62 =	vadd.s32 $0x7D0, v3;
	v21 =	vld.idx.msk [tilespmem:v59+s28+$0x0], $0xffff;
	[tilespmem:s5+$0xFFFFE870] =	vst v54  }
0xf7: {  	v23 =	vadd.s32 $0x7D0, v6;
	v8 =	vld.idx.msk [tilespmem:v8+s28+$0x0], $0xffff;
	[tilespmem:s5+$0xFFFFE810] =	vst v56  }
0xf8: {  	v24 =	vadd.s32 $0x7D0, v1;
	[tilespmem:s5+$0xFFFFE820] =	vst v15;
	v12 =	vld.idx.msk [tilespmem:v57+s28+$0x0], $0xffff  }
0xf9: {  	v63 =	vadd.s32 $0x7D0, v2;
	[tilespmem:s5+$0xFFFFE830] =	vst v17;
	v16 =	vld.idx.msk [tilespmem:v60+s28+$0x0], $0xffff  }
0xfa: {  	v22 =	vadd.s32 $0xBB8, v7;
	[tilespmem:s5+$0xFFFFE850] =	vst v11;
	v18 =	vld.idx.msk [tilespmem:v61+s28+$0x0], $0xffff  }
0xfb: {  	v25 =	vadd.s32 $0xBB8, v5;
	[tilespmem:s5+$0xFFFFE800] =	vst v13;
	v9 =	vld.idx.msk [tilespmem:v62+s28+$0x0], $0xffff  }
0xfc: {  	v26 =	vadd.s32 $0xBB8, v4;
	[tilespmem:s5+$0xFFFFE860] =	vst v21;
	v15 =	vld.idx.msk [tilespmem:v23+s28+$0x0], $0xffff  }
0xfd: {  	v28 =	vadd.s32 $0xBB8, v3;
	v29 =	vld.idx.msk [tilespmem:v24+s28+$0x0], $0xffff;
	[tilespmem:s5+$0xFFFFE840] =	vst v8  }
0xfe: {  	v31 =	vadd.s32 $0xBB8, v6;
	v19 =	vld.idx.msk [tilespmem:v63+s28+$0x0], $0xffff;
	[tilespmem:s5+$0xFFFFF070] =	vst v12  }
0xff: {  	v33 =	vadd.s32 $0xBB8, v1;
	[tilespmem:s5+$0xFFFFF010] =	vst v16;
	v27 =	vld.idx.msk [tilespmem:v22+s28+$0x0], $0xffff  }
0x100: {  	v8 =	vadd.s32 $0x7D0, v0;
	[tilespmem:s5+$0xFFFFF020] =	vst v18;
	v11 =	vld.idx.msk [tilespmem:v25+s28+$0x0], $0xffff  }
0x101: {  	v32 =	vadd.s32 $0xBB8, v2;
	[tilespmem:s5+$0xFFFFF030] =	vst v9;
	v12 =	vld.idx.msk [tilespmem:v26+s28+$0x0], $0xffff  }
0x102: {  	v30 =	vadd.s32 $0xFA0, v7;
	[tilespmem:s5+$0xFFFFF000] =	vst v15;
	v14 =	vld.idx.msk [tilespmem:v28+s28+$0x0], $0xffff  }
0x103: {  	v35 =	vadd.s32 $0xFA0, v5;
	[tilespmem:s5+$0xFFFFF050] =	vst v29;
	v17 =	vld.idx.msk [tilespmem:v31+s28+$0x0], $0xffff  }
0x104: {  	v37 =	vadd.s32 $0xFA0, v4;
	v9 =	vld.idx.msk [tilespmem:v33+s28+$0x0], $0xffff;
	[tilespmem:s5+$0xFFFFF040] =	vst v19  }
0x105: {  	v39 =	vadd.s32 $0xFA0, v6;
	v8 =	vld.idx.msk [tilespmem:v8+s28+$0x0], $0xffff;
	[tilespmem:s5+$0xFFFFF870] =	vst v27  }
0x106: {  	v40 =	vadd.s32 $0xFA0, v3;
	v38 =	vld.idx.msk [tilespmem:v32+s28+$0x0], $0xffff;
	[tilespmem:s5+$0xFFFFF810] =	vst v11  }
0x107: {  	v43 =	vadd.s32 $0xFA0, v1;
	[tilespmem:s5+$0xFFFFF820] =	vst v12;
	v36 =	vld.idx.msk [tilespmem:v30+s28+$0x0], $0xffff  }
0x108: {  	v34 =	vadd.s32 $0xBB8, v0;
	[tilespmem:s5+$0xFFFFF830] =	vst v14;
	v13 =	vld.idx.msk [tilespmem:v35+s28+$0x0], $0xffff  }
0x109: {  	v42 =	vadd.s32 $0xFA0, v2;
	[tilespmem:s5+$0xFFFFF800] =	vst v17;
	v16 =	vld.idx.msk [tilespmem:v37+s28+$0x0], $0xffff  }
0x10a: {  	v18 =	vld.idx.msk [tilespmem:v39+s28+$0x0], $0xffff;
	[tilespmem:s5+$0xFFFFF060] =	vst v8;
	v8 =	vadd.s32 $0x1388, v7  }
0x10b: {  	v45 =	vadd.s32 $0x1388, v5;
	[tilespmem:s5+$0xFFFFF850] =	vst v9;
	v46 =	vld.idx.msk [tilespmem:v40+s28+$0x0], $0xffff  }
0x10c: {  	v48 =	vadd.s32 $0x1388, v6;
	v50 =	vld.idx.msk [tilespmem:v43+s28+$0x0], $0xffff;
	[tilespmem:s5+$0xFFFFF840] =	vst v38  }
0x10d: {  	v49 =	vadd.s32 $0x1388, v4;
	v41 =	vld.idx.msk [tilespmem:v34+s28+$0x0], $0xffff;
	[tilespmem:s5+$0x70] =	vst v36  }
0x10e: {  	v44 =	vadd.s32 $0xFA0, v0;
	v19 =	vld.idx.msk [tilespmem:v42+s28+$0x0], $0xffff;
	[tilespmem:s5+$0x10] =	vst v13  }
0x10f: {  	v51 =	vadd.s32 $0x1388, v3;
	[tilespmem:s5+$0x20] =	vst v16;
	v8 =	vld.idx.msk [tilespmem:v8+s28+$0x0], $0xffff  }
0x110: {  	v47 =	vadd.s32 $0x1770, v7;
	[tilespmem:s5+$0x0] =	vst v18;
	v17 =	vld.idx.msk [tilespmem:v45+s28+$0x0], $0xffff  }
0x111: {  	v52 =	vadd.s32 $0x1388, v2;
	[tilespmem:s5+$0x30] =	vst v46;
	v11 =	vld.idx.msk [tilespmem:v48+s28+$0x0], $0xffff  }
0x112: {  	v55 =	vadd.s32 $0x1770, v6;
	v54 =	vld.idx.msk [tilespmem:v49+s28+$0x0], $0xffff;
	[tilespmem:s5+$0xFFFFF860] =	vst v41  }
0x113: {  	v56 =	vadd.s32 $0x1770, v5;
	[tilespmem:s5+$0x50] =	vst v50;
	v15 =	vld.idx.msk [tilespmem:v44+s28+$0x0], $0xffff  }
0x114: {  	v53 =	vadd.s32 $0x1388, v0;
	v14 =	vld.idx.msk [tilespmem:v51+s28+$0x0], $0xffff;
	[tilespmem:s5+$0x870] =	vst v8  }
0x115: {  	[tilespmem:s5+$0x40] =	vst v19;
	v8 =	vadd.s32 $0x1388, v1;
	v9 =	vld.idx.msk [tilespmem:v47+s28+$0x0], $0xffff  }
0x116: {  	v7 =	vadd.s32 $0x1B58, v7;
	v16 =	vld.idx.msk [tilespmem:v52+s28+$0x0], $0xffff;
	[tilespmem:s5+$0x800] =	vst v11  }
0x117: {  	v57 =	vadd.s32 $0x1770, v4;
	[tilespmem:s5+$0x810] =	vst v17;
	v12 =	vld.idx.msk [tilespmem:v55+s28+$0x0], $0xffff  }
0x118: {  	v58 =	vadd.s32 $0x1770, v3;
	v13 =	vld.idx.msk [tilespmem:v56+s28+$0x0], $0xffff;
	[tilespmem:s5+$0x60] =	vst v15  }
0x119: {  	v59 =	vadd.s32 $0x1770, v2;
	[tilespmem:s5+$0x820] =	vst v54;
	v18 =	vld.idx.msk [tilespmem:v53+s28+$0x0], $0xffff  }
0x11a: {  	v6 =	vadd.s32 $0x1B58, v6;
	v8 =	vld.idx.msk [tilespmem:v8+s28+$0x0], $0xffff;
	[tilespmem:s5+$0x1070] =	vst v9  }
0x11b: {  	v60 =	vadd.s32 $0x1770, v1;
	[tilespmem:s5+$0x830] =	vst v14;
	v7 =	vld.idx.msk [tilespmem:v7+s28+$0x0], $0xffff  }
0x11c: {  	v61 =	vadd.s32 $0x1770, v0;
	v62 =	vld.idx.msk [tilespmem:v57+s28+$0x0], $0xffff;
	[tilespmem:s5+$0x840] =	vst v16  }
0x11d: {  	v5 =	vadd.s32 $0x1B58, v5;
	v63 =	vld.idx.msk [tilespmem:v58+s28+$0x0], $0xffff;
	[tilespmem:s5+$0x1000] =	vst v12  }
0x11e: {  	v3 =	vadd.s32 $0x1B58, v3;
	v9 =	vld.idx.msk [tilespmem:v59+s28+$0x0], $0xffff;
	[tilespmem:s5+$0x860] =	vst v18  }
0x11f: {  	v12 =	vld.idx.msk [tilespmem:v6+s28+$0x0], $0xffff;
	[tilespmem:s5+$0x850] =	vst v8;
	v8 =	vadd.s32 $0x1B58, v4  }
0x120: {  	v11 =	vld.idx.msk [tilespmem:v60+s28+$0x0], $0xffff;
	[tilespmem:s5+$0x1870] =	vst v7;
	v7 =	vadd.s32 $0x1B58, v2  }
0x121: {  	v1 =	vadd.s32 $0x1B58, v1;
	[tilespmem:s5+$0x1010] =	vst v13;
	v10 =	vld.idx.msk [tilespmem:v61+s28+$0x0], $0xffff  }
0x122: {  	v0 =	vadd.s32 $0x1B58, v0;
	[tilespmem:s5+$0x1030] =	vst v63;
	v4 =	vld.idx.msk [tilespmem:v5+s28+$0x0], $0xffff  }
0x123: {  	[tilespmem:s5+$0x1020] =	vst v62;
	v2 =	vld.idx.msk [tilespmem:v3+s28+$0x0], $0xffff  }
0x124: {  	[tilespmem:s5+$0x1040] =	vst v9;
	v5 =	vld.idx.msk [tilespmem:v8+s28+$0x0], $0xffff  }
0x125: {  	[tilespmem:s5+$0x1050] =	vst v11;
	v6 =	vld.idx.msk [tilespmem:v7+s28+$0x0], $0xffff  }
0x126: {  	[tilespmem:s5+$0x1060] =	vst v10;
	v3 =	vld.idx.msk [tilespmem:v1+s28+$0x0], $0xffff  }
0x127: {  	s6 =	simm.s32 $0x0;
	s7 =	simm.s32 $0x4740;
	[tilespmem:s5+$0x1800] =	vst v12;
	v1 =	vld.idx.msk [tilespmem:v0+s28+$0x0], $0xffff  }
.LBB2_4:
0x128: {  	v0 =	vld [tilespmem:s7+$0x30];
	s6 =	sadd.s32 $0x8, s6;
	[tilespmem:s5+$0x1810] =	vst v4  }
0x129: {  	v7 =	vld [tilespmem:s7+$0xFFFFFFD0];
	p0 =	slt.u32 s6, $0x78;
	[tilespmem:s5+$0x1820] =	vst v5  }
0x12a: {  	v5 =	vld [tilespmem:s7+$0xFFFFFFE0];
	[tilespmem:s5+$0x1830] =	vst v2  }
0x12b: {  	v2 =	vld [tilespmem:s7+$0xFFFFFFF0];
	[tilespmem:s5+$0x1840] =	vst v6  }
0x12c: {  	v6 =	vld [tilespmem:s7+$0x0];
	[tilespmem:s5+$0x1850] =	vst v3  }
0x12d: {  	v3 =	vld [tilespmem:s7+$0x10];
	[tilespmem:s5+$0x1860] =	vst v1  }
0x12e: {  	v1 =	vadd.s32 $0x3E8, v7;
	v21 =	vadd.s32 $0x7D0, v7;
	v22 =	vadd.s32 $0xBB8, v7;
	v23 =	vld [tilespmem:s7+$0x20]  }
0x12f: {  	v4 =	vld [tilespmem:s7+$0xFFFFFFC0];
	v8 =	vadd.s32 $0x3E8, v5;
	v24 =	vadd.s32 $0x7D0, v5;
	v25 =	vadd.s32 $0xBB8, v5  }
0x130: {  	v9 =	vadd.s32 $0x3E8, v2;
	v26 =	vadd.s32 $0x7D0, v2;
	v27 =	vadd.s32 $0xBB8, v2;
	v10 =	vld.idx.msk [tilespmem:v0+s28+$0x0], $0xffff  }
0x131: {  	v11 =	vld.idx.msk [tilespmem:v7+s28+$0x0], $0xffff;
	v12 =	vadd.s32 $0x3E8, v6;
	v28 =	vadd.s32 $0x7D0, v6;
	v29 =	vadd.s32 $0xBB8, v6  }
0x132: {  	v14 =	vadd.s32 $0x3E8, v0;
	v13 =	vld.idx.msk [tilespmem:v5+s28+$0x0], $0xffff;
	v30 =	vadd.s32 $0x3E8, v3;
	v31 =	vadd.s32 $0x7D0, v3  }
0x133: {  	v32 =	vadd.s32 $0xBB8, v3;
	v16 =	vld.idx.msk [tilespmem:v2+s28+$0x0], $0xffff;
	v33 =	vadd.s32 $0x3E8, v23;
	v34 =	vadd.s32 $0x7D0, v23  }
0x134: {  	v35 =	vadd.s32 $0x3E8, v4;
	v36 =	vadd.s32 $0x7D0, v4;
	v37 =	vadd.s32 $0xBB8, v4;
	v20 =	vld.idx.msk [tilespmem:v6+s28+$0x0], $0xffff  }
0x135: {  	s5 =	sadd.s32 $0x80, s5;
	v39 =	vadd.s32 $0xFA0, v7;
	v41 =	vadd.s32 $0xBB8, v23;
	v38 =	vadd.s32 $0xFA0, v4;
	v40 =	vld.idx.msk [tilespmem:v3+s28+$0x0], $0xffff  }
0x136: {  	v42 =	vadd.s32 $0xFA0, v5;
	v43 =	vadd.s32 $0xFA0, v2;
	v44 =	vadd.s32 $0xFA0, v6;
	v45 =	vld.idx.msk [tilespmem:v23+s28+$0x0], $0xffff;
	[tilespmem:s5+$0xFFFFE070] =	vst v10  }
0x137: {  	v46 =	vadd.s32 $0xFA0, v3;
	v47 =	vadd.s32 $0xFA0, v23;
	v15 =	vadd.s32 $0x1388, v4;
	[tilespmem:s5+$0xFFFFE010] =	vst v11;
	v48 =	vld.idx.msk [tilespmem:v14+s28+$0x0], $0xffff  }
0x138: {  	v50 =	vadd.s32 $0x1388, v7;
	v19 =	vadd.s32 $0x1388, v5;
	v17 =	vadd.s32 $0x1388, v2;
	v49 =	vld.idx.msk [tilespmem:v4+s28+$0x0], $0xffff;
	[tilespmem:s5+$0xFFFFE020] =	vst v13  }
0x139: {  	v52 =	vadd.s32 $0x7D0, v0;
	v18 =	vadd.s32 $0x1388, v6;
	v51 =	vld.idx.msk [tilespmem:v1+s28+$0x0], $0xffff;
	[tilespmem:s5+$0xFFFFE030] =	vst v16;
	v16 =	vadd.s32 $0x1388, v3  }
0x13a: {  	v10 =	vadd.s32 $0x1770, v7;
	v13 =	vadd.s32 $0x1770, v4;
	v53 =	vld.idx.msk [tilespmem:v8+s28+$0x0], $0xffff;
	[tilespmem:s5+$0xFFFFE040] =	vst v20;
	v20 =	vadd.s32 $0x1388, v23  }
0x13b: {  	v14 =	vadd.s32 $0x1770, v5;
	v11 =	vadd.s32 $0x1770, v2;
	v8 =	vadd.s32 $0x1770, v6;
	v54 =	vld.idx.msk [tilespmem:v9+s28+$0x0], $0xffff;
	[tilespmem:s5+$0xFFFFE050] =	vst v40  }
0x13c: {  	v4 =	vadd.s32 $0x1B58, v4;
	v9 =	vadd.s32 $0x1770, v23;
	v40 =	vld.idx.msk [tilespmem:v12+s28+$0x0], $0xffff;
	v12 =	vadd.s32 $0x1770, v3;
	[tilespmem:s5+$0xFFFFE060] =	vst v45  }
0x13d: {  	v7 =	vadd.s32 $0x1B58, v7;
	v5 =	vadd.s32 $0x1B58, v5;
	v2 =	vadd.s32 $0x1B58, v2;
	v30 =	vld.idx.msk [tilespmem:v30+s28+$0x0], $0xffff;
	[tilespmem:s5+$0xFFFFE870] =	vst v48  }
0x13e: {  	v1 =	vadd.s32 $0x1B58, v23;
	v6 =	vadd.s32 $0x1B58, v6;
	v3 =	vadd.s32 $0x1B58, v3;
	[tilespmem:s5+$0xFFFFE000] =	vst v49;
	v23 =	vld.idx.msk [tilespmem:v52+s28+$0x0], $0xffff  }
0x13f: {  	v35 =	vld.idx.msk [tilespmem:v35+s28+$0x0], $0xffff;
	[tilespmem:s5+$0xFFFFE810] =	vst v51  }
0x140: {  	v45 =	vadd.s32 $0xBB8, v0;
	[tilespmem:s5+$0xFFFFE820] =	vst v53;
	v33 =	vld.idx.msk [tilespmem:v33+s28+$0x0], $0xffff  }
0x141: {  	v21 =	vld.idx.msk [tilespmem:v21+s28+$0x0], $0xffff;
	[tilespmem:s5+$0xFFFFE830] =	vst v54  }
0x142: {  	v24 =	vld.idx.msk [tilespmem:v24+s28+$0x0], $0xffff;
	[tilespmem:s5+$0xFFFFE840] =	vst v40  }
0x143: {  	v26 =	vld.idx.msk [tilespmem:v26+s28+$0x0], $0xffff;
	[tilespmem:s5+$0xFFFFE850] =	vst v30  }
0x144: {  	v28 =	vld.idx.msk [tilespmem:v28+s28+$0x0], $0xffff;
	[tilespmem:s5+$0xFFFFF070] =	vst v23  }
0x145: {  	[tilespmem:s5+$0xFFFFE800] =	vst v35;
	v23 =	vld.idx.msk [tilespmem:v45+s28+$0x0], $0xffff  }
0x146: {  	v30 =	vld.idx.msk [tilespmem:v36+s28+$0x0], $0xffff;
	[tilespmem:s5+$0xFFFFE860] =	vst v33  }
0x147: {  	[tilespmem:s5+$0xFFFFF010] =	vst v21;
	v21 =	vld.idx.msk [tilespmem:v31+s28+$0x0], $0xffff;
	v31 =	vadd.s32 $0xFA0, v0  }
0x148: {  	[tilespmem:s5+$0xFFFFF020] =	vst v24;
	v24 =	vld.idx.msk [tilespmem:v34+s28+$0x0], $0xffff  }
0x149: {  	v22 =	vld.idx.msk [tilespmem:v22+s28+$0x0], $0xffff;
	[tilespmem:s5+$0xFFFFF030] =	vst v26  }
0x14a: {  	v25 =	vld.idx.msk [tilespmem:v25+s28+$0x0], $0xffff;
	[tilespmem:s5+$0xFFFFF040] =	vst v28  }
0x14b: {  	v26 =	vld.idx.msk [tilespmem:v27+s28+$0x0], $0xffff;
	[tilespmem:s5+$0xFFFFF870] =	vst v23  }
0x14c: {  	[tilespmem:s5+$0xFFFFF000] =	vst v30;
	v23 =	vld.idx.msk [tilespmem:v31+s28+$0x0], $0xffff  }
0x14d: {  	v27 =	vld.idx.msk [tilespmem:v37+s28+$0x0], $0xffff;
	[tilespmem:s5+$0xFFFFF050] =	vst v21  }
0x14e: {  	v21 =	vld.idx.msk [tilespmem:v29+s28+$0x0], $0xffff;
	[tilespmem:s5+$0xFFFFF060] =	vst v24;
	v24 =	vadd.s32 $0x1388, v0  }
0x14f: {  	[tilespmem:s5+$0xFFFFF810] =	vst v22;
	v22 =	vld.idx.msk [tilespmem:v32+s28+$0x0], $0xffff  }
0x150: {  	[tilespmem:s5+$0xFFFFF820] =	vst v25;
	v25 =	vld.idx.msk [tilespmem:v41+s28+$0x0], $0xffff  }
0x151: {  	v28 =	vld.idx.msk [tilespmem:v39+s28+$0x0], $0xffff;
	[tilespmem:s5+$0xFFFFF830] =	vst v26  }
0x152: {  	v26 =	vld.idx.msk [tilespmem:v42+s28+$0x0], $0xffff;
	[tilespmem:s5+$0x70] =	vst v23  }
0x153: {  	[tilespmem:s5+$0xFFFFF800] =	vst v27;
	v23 =	vld.idx.msk [tilespmem:v24+s28+$0x0], $0xffff  }
0x154: {  	v24 =	vld.idx.msk [tilespmem:v38+s28+$0x0], $0xffff;
	[tilespmem:s5+$0xFFFFF840] =	vst v21  }
0x155: {  	v21 =	vld.idx.msk [tilespmem:v43+s28+$0x0], $0xffff;
	[tilespmem:s5+$0xFFFFF850] =	vst v22;
	v22 =	vadd.s32 $0x1770, v0  }
0x156: {  	v27 =	vld.idx.msk [tilespmem:v44+s28+$0x0], $0xffff;
	[tilespmem:s5+$0xFFFFF860] =	vst v25  }
0x157: {  	[tilespmem:s5+$0x10] =	vst v28;
	v25 =	vld.idx.msk [tilespmem:v46+s28+$0x0], $0xffff  }
0x158: {  	[tilespmem:s5+$0x20] =	vst v26;
	v26 =	vld.idx.msk [tilespmem:v47+s28+$0x0], $0xffff  }
0x159: {  	v28 =	vld.idx.msk [tilespmem:v50+s28+$0x0], $0xffff;
	[tilespmem:s5+$0x870] =	vst v23  }
0x15a: {  	[tilespmem:s5+$0x0] =	vst v24;
	v22 =	vld.idx.msk [tilespmem:v22+s28+$0x0], $0xffff  }
0x15b: {  	v15 =	vld.idx.msk [tilespmem:v15+s28+$0x0], $0xffff;
	[tilespmem:s5+$0x30] =	vst v21  }
0x15c: {  	v0 =	vadd.s32 $0x1B58, v0;
	v19 =	vld.idx.msk [tilespmem:v19+s28+$0x0], $0xffff;
	[tilespmem:s5+$0x40] =	vst v27  }
0x15d: {  	v17 =	vld.idx.msk [tilespmem:v17+s28+$0x0], $0xffff;
	[tilespmem:s5+$0x50] =	vst v25  }
0x15e: {  	v18 =	vld.idx.msk [tilespmem:v18+s28+$0x0], $0xffff;
	[tilespmem:s5+$0x60] =	vst v26  }
0x15f: {  	[tilespmem:s5+$0x810] =	vst v28;
	v16 =	vld.idx.msk [tilespmem:v16+s28+$0x0], $0xffff  }
0x160: {  	v20 =	vld.idx.msk [tilespmem:v20+s28+$0x0], $0xffff;
	[tilespmem:s5+$0x1070] =	vst v22  }
0x161: {  	[tilespmem:s5+$0x800] =	vst v15;
	v0 =	vld.idx.msk [tilespmem:v0+s28+$0x0], $0xffff  }
0x162: {  	v13 =	vld.idx.msk [tilespmem:v13+s28+$0x0], $0xffff;
	[tilespmem:s5+$0x820] =	vst v19  }
0x163: {  	v10 =	vld.idx.msk [tilespmem:v10+s28+$0x0], $0xffff;
	[tilespmem:s5+$0x830] =	vst v17  }
0x164: {  	v14 =	vld.idx.msk [tilespmem:v14+s28+$0x0], $0xffff;
	[tilespmem:s5+$0x840] =	vst v18  }
0x165: {  	v11 =	vld.idx.msk [tilespmem:v11+s28+$0x0], $0xffff;
	[tilespmem:s5+$0x850] =	vst v16  }
0x166: {  	v8 =	vld.idx.msk [tilespmem:v8+s28+$0x0], $0xffff;
	[tilespmem:s5+$0x860] =	vst v20  }
0x167: {  	v12 =	vld.idx.msk [tilespmem:v12+s28+$0x0], $0xffff;
	[tilespmem:s5+$0x1870] =	vst v0  }
0x168: {  	[tilespmem:s5+$0x1000] =	vst v13;
	v0 =	vld.idx.msk [tilespmem:v9+s28+$0x0], $0xffff  }
0x169: {  	v9 =	vld.idx.msk [tilespmem:v4+s28+$0x0], $0xffff;
	[tilespmem:s5+$0x1010] =	vst v10  }
0x16a: {  	v4 =	vld.idx.msk [tilespmem:v7+s28+$0x0], $0xffff;
	[tilespmem:s5+$0x1020] =	vst v14  }
.Ltmp1:
0x16b: {  	v5 =	vld.idx.msk [tilespmem:v5+s28+$0x0], $0xffff;
	[tilespmem:s5+$0x1030] =	vst v11;
	(pc) =	sbr.rel @p0 .LBB2_4-.Ltmp1, $4  }
0x16c: {  	v2 =	vld.idx.msk [tilespmem:v2+s28+$0x0], $0xffff;
	[tilespmem:s5+$0x1040] =	vst v8  }
0x16d: {  	v6 =	vld.idx.msk [tilespmem:v6+s28+$0x0], $0xffff;
	[tilespmem:s5+$0x1050] =	vst v12  }
0x16e: {  	v3 =	vld.idx.msk [tilespmem:v3+s28+$0x0], $0xffff;
	[tilespmem:s5+$0x1060] =	vst v0  }
0x16f: {  	s7 =	sadd.s32 $0x80, s7;
	[tilespmem:s5+$0x1800] =	vst v9;
	v1 =	vld.idx.msk [tilespmem:v1+s28+$0x0], $0xffff  }
0x170: {  	[tilespmem:s5+$0x1810] =	vst v4  }
0x171: {  	[tilespmem:s5+$0x1820] =	vst v5  }
0x172: {  	[tilespmem:s5+$0x1830] =	vst v2  }
0x173: {  	[tilespmem:s5+$0x1840] =	vst v6  }
0x174: {  	[tilespmem:s5+$0x1850] =	vst v3  }
0x175: {  	[tilespmem:s5+$0x1860] =	vst v1  }
0x176: {  	[hbm4b:s18+s30] =	stream.strided.scatter [tilespmem:s1], [sflag:$0x4], $0x4000, s31, s30, $0x38;
	[tilespmem:$0xCE80] =	vst v63  }
0x177: {  	_ =	swait.ge [sflag:s26], $0x1F40  }
0x178: {  	[sflag:s26] =	ssyncset.done $0x0  }
0x179: {  	[sflag:s26] =	ssyncadd.s32 $0xFFFFE0C0  }
0x17a: {  	_ =	swait.ge [sflag:s26], $0x800  }
0x17b: {  	[sflag:s26] =	ssyncset.done $0x0  }
0x17c: {  	s6 =	rddreg [dreg:$0x6];
	[sflag:s26] =	ssyncadd.s32 $0xFFFFF800  }
0x17d: {  	[tilespmem:s28], [sflag:$0x2] =	stream.linear.gather [hbm4b:s6+s16], $0x1F40, $0x38;
	[tilespmem:$0xCE80] =	vst v63  }
0x17e: {  	_ = 	snop  }
0x17f: {  	[tilespmem:s29], [sflag:$0x2] =	stream.linear.gather [hbm4b:s11+s16], $0x800, $0x38;
	[tilespmem:$0xCE80] =	vst v63  }
0x180: {  	_ =	swait.ge [sflag:s2], $0x4000  }
0x181: {  	[sflag:s2] =	ssyncset.done $0x0  }
0x182: {  	s7 =	simm.s32 $0x3EC0;
	[sflag:s2] =	ssyncadd.s32 $0xFFFFC000  }
0x183: {  	v7 =	vld [tilespmem:s7+$0x30]  }
0x184: {  	v5 =	vld [tilespmem:s7+$0xFFFFFFD0]  }
0x185: {  	v4 =	vld [tilespmem:s7+$0xFFFFFFE0]  }
0x186: {  	v3 =	vld [tilespmem:s7+$0xFFFFFFF0]  }
0x187: {  	v2 =	vld [tilespmem:s7+$0x0]  }
0x188: {  	v1 =	vld [tilespmem:s7+$0x10]  }
0x189: {  	v0 =	vld [tilespmem:s7+$0x20]  }
0x18a: {  	v6 =	vld [tilespmem:s7+$0xFFFFFFC0]  }
0x18b: {  	v8 =	vld.idx.msk [tilespmem:v7+s16+$0x0], $0xffff  }
0x18c: {  	v9 =	vld.idx.msk [tilespmem:v5+s16+$0x0], $0xffff  }
0x18d: {  	v10 =	vld.idx.msk [tilespmem:v4+s16+$0x0], $0xffff  }
0x18e: {  	v11 =	vadd.s32 $0x3E8, v7;
	v12 =	vld.idx.msk [tilespmem:v3+s16+$0x0], $0xffff  }
0x18f: {  	v13 =	vadd.s32 $0x3E8, v5;
	v14 =	vld.idx.msk [tilespmem:v2+s16+$0x0], $0xffff  }
0x190: {  	s5 =	simm.s32 $0x6E80;
	v15 =	vadd.s32 $0x3E8, v4;
	v16 =	vld.idx.msk [tilespmem:v1+s16+$0x0], $0xffff  }
0x191: {  	v17 =	vadd.s32 $0x3E8, v3;
	v18 =	vld.idx.msk [tilespmem:v0+s16+$0x0], $0xffff;
	[tilespmem:s5+$0xFFFFE070] =	vst v8  }
0x192: {  	v55 =	vadd.s32 $0x3E8, v1;
	v19 =	vld.idx.msk [tilespmem:v6+s16+$0x0], $0xffff;
	[tilespmem:s5+$0xFFFFE010] =	vst v9  }
0x193: {  	v58 =	vadd.s32 $0x3E8, v6;
	[tilespmem:s5+$0xFFFFE020] =	vst v10;
	v54 =	vld.idx.msk [tilespmem:v11+s16+$0x0], $0xffff  }
0x194: {  	v59 =	vadd.s32 $0x3E8, v0;
	[tilespmem:s5+$0xFFFFE030] =	vst v12;
	v56 =	vld.idx.msk [tilespmem:v13+s16+$0x0], $0xffff  }
0x195: {  	v8 =	vadd.s32 $0x3E8, v2;
	[tilespmem:s5+$0xFFFFE040] =	vst v14;
	v15 =	vld.idx.msk [tilespmem:v15+s16+$0x0], $0xffff  }
0x196: {  	v57 =	vadd.s32 $0x7D0, v7;
	[tilespmem:s5+$0xFFFFE050] =	vst v16;
	v17 =	vld.idx.msk [tilespmem:v17+s16+$0x0], $0xffff  }
0x197: {  	v60 =	vadd.s32 $0x7D0, v5;
	[tilespmem:s5+$0xFFFFE000] =	vst v19;
	v11 =	vld.idx.msk [tilespmem:v55+s16+$0x0], $0xffff  }
0x198: {  	v61 =	vadd.s32 $0x7D0, v4;
	[tilespmem:s5+$0xFFFFE060] =	vst v18;
	v13 =	vld.idx.msk [tilespmem:v58+s16+$0x0], $0xffff  }
0x199: {  	v62 =	vadd.s32 $0x7D0, v3;
	v21 =	vld.idx.msk [tilespmem:v59+s16+$0x0], $0xffff;
	[tilespmem:s5+$0xFFFFE870] =	vst v54  }
0x19a: {  	v23 =	vadd.s32 $0x7D0, v6;
	v8 =	vld.idx.msk [tilespmem:v8+s16+$0x0], $0xffff;
	[tilespmem:s5+$0xFFFFE810] =	vst v56  }
0x19b: {  	v24 =	vadd.s32 $0x7D0, v1;
	[tilespmem:s5+$0xFFFFE820] =	vst v15;
	v12 =	vld.idx.msk [tilespmem:v57+s16+$0x0], $0xffff  }
0x19c: {  	v63 =	vadd.s32 $0x7D0, v2;
	[tilespmem:s5+$0xFFFFE830] =	vst v17;
	v16 =	vld.idx.msk [tilespmem:v60+s16+$0x0], $0xffff  }
0x19d: {  	v22 =	vadd.s32 $0xBB8, v7;
	[tilespmem:s5+$0xFFFFE850] =	vst v11;
	v18 =	vld.idx.msk [tilespmem:v61+s16+$0x0], $0xffff  }
0x19e: {  	v25 =	vadd.s32 $0xBB8, v5;
	[tilespmem:s5+$0xFFFFE800] =	vst v13;
	v9 =	vld.idx.msk [tilespmem:v62+s16+$0x0], $0xffff  }
0x19f: {  	v26 =	vadd.s32 $0xBB8, v4;
	[tilespmem:s5+$0xFFFFE860] =	vst v21;
	v15 =	vld.idx.msk [tilespmem:v23+s16+$0x0], $0xffff  }
0x1a0: {  	v28 =	vadd.s32 $0xBB8, v3;
	v29 =	vld.idx.msk [tilespmem:v24+s16+$0x0], $0xffff;
	[tilespmem:s5+$0xFFFFE840] =	vst v8  }
0x1a1: {  	v31 =	vadd.s32 $0xBB8, v6;
	v19 =	vld.idx.msk [tilespmem:v63+s16+$0x0], $0xffff;
	[tilespmem:s5+$0xFFFFF070] =	vst v12  }
0x1a2: {  	v33 =	vadd.s32 $0xBB8, v1;
	[tilespmem:s5+$0xFFFFF010] =	vst v16;
	v27 =	vld.idx.msk [tilespmem:v22+s16+$0x0], $0xffff  }
0x1a3: {  	v8 =	vadd.s32 $0x7D0, v0;
	[tilespmem:s5+$0xFFFFF020] =	vst v18;
	v11 =	vld.idx.msk [tilespmem:v25+s16+$0x0], $0xffff  }
0x1a4: {  	v32 =	vadd.s32 $0xBB8, v2;
	[tilespmem:s5+$0xFFFFF030] =	vst v9;
	v12 =	vld.idx.msk [tilespmem:v26+s16+$0x0], $0xffff  }
0x1a5: {  	v30 =	vadd.s32 $0xFA0, v7;
	[tilespmem:s5+$0xFFFFF000] =	vst v15;
	v14 =	vld.idx.msk [tilespmem:v28+s16+$0x0], $0xffff  }
0x1a6: {  	v35 =	vadd.s32 $0xFA0, v5;
	[tilespmem:s5+$0xFFFFF050] =	vst v29;
	v17 =	vld.idx.msk [tilespmem:v31+s16+$0x0], $0xffff  }
0x1a7: {  	v37 =	vadd.s32 $0xFA0, v4;
	v9 =	vld.idx.msk [tilespmem:v33+s16+$0x0], $0xffff;
	[tilespmem:s5+$0xFFFFF040] =	vst v19  }
0x1a8: {  	v39 =	vadd.s32 $0xFA0, v6;
	v8 =	vld.idx.msk [tilespmem:v8+s16+$0x0], $0xffff;
	[tilespmem:s5+$0xFFFFF870] =	vst v27  }
0x1a9: {  	v40 =	vadd.s32 $0xFA0, v3;
	v38 =	vld.idx.msk [tilespmem:v32+s16+$0x0], $0xffff;
	[tilespmem:s5+$0xFFFFF810] =	vst v11  }
0x1aa: {  	v43 =	vadd.s32 $0xFA0, v1;
	[tilespmem:s5+$0xFFFFF820] =	vst v12;
	v36 =	vld.idx.msk [tilespmem:v30+s16+$0x0], $0xffff  }
0x1ab: {  	v34 =	vadd.s32 $0xBB8, v0;
	[tilespmem:s5+$0xFFFFF830] =	vst v14;
	v13 =	vld.idx.msk [tilespmem:v35+s16+$0x0], $0xffff  }
0x1ac: {  	v42 =	vadd.s32 $0xFA0, v2;
	[tilespmem:s5+$0xFFFFF800] =	vst v17;
	v16 =	vld.idx.msk [tilespmem:v37+s16+$0x0], $0xffff  }
0x1ad: {  	v18 =	vld.idx.msk [tilespmem:v39+s16+$0x0], $0xffff;
	[tilespmem:s5+$0xFFFFF060] =	vst v8;
	v8 =	vadd.s32 $0x1388, v7  }
0x1ae: {  	v45 =	vadd.s32 $0x1388, v5;
	[tilespmem:s5+$0xFFFFF850] =	vst v9;
	v46 =	vld.idx.msk [tilespmem:v40+s16+$0x0], $0xffff  }
0x1af: {  	v48 =	vadd.s32 $0x1388, v6;
	v50 =	vld.idx.msk [tilespmem:v43+s16+$0x0], $0xffff;
	[tilespmem:s5+$0xFFFFF840] =	vst v38  }
0x1b0: {  	v49 =	vadd.s32 $0x1388, v4;
	v41 =	vld.idx.msk [tilespmem:v34+s16+$0x0], $0xffff;
	[tilespmem:s5+$0x70] =	vst v36  }
0x1b1: {  	v44 =	vadd.s32 $0xFA0, v0;
	v19 =	vld.idx.msk [tilespmem:v42+s16+$0x0], $0xffff;
	[tilespmem:s5+$0x10] =	vst v13  }
0x1b2: {  	v51 =	vadd.s32 $0x1388, v3;
	[tilespmem:s5+$0x20] =	vst v16;
	v8 =	vld.idx.msk [tilespmem:v8+s16+$0x0], $0xffff  }
0x1b3: {  	v47 =	vadd.s32 $0x1770, v7;
	[tilespmem:s5+$0x0] =	vst v18;
	v17 =	vld.idx.msk [tilespmem:v45+s16+$0x0], $0xffff  }
0x1b4: {  	v52 =	vadd.s32 $0x1388, v2;
	[tilespmem:s5+$0x30] =	vst v46;
	v11 =	vld.idx.msk [tilespmem:v48+s16+$0x0], $0xffff  }
0x1b5: {  	v55 =	vadd.s32 $0x1770, v6;
	v54 =	vld.idx.msk [tilespmem:v49+s16+$0x0], $0xffff;
	[tilespmem:s5+$0xFFFFF860] =	vst v41  }
0x1b6: {  	v56 =	vadd.s32 $0x1770, v5;
	[tilespmem:s5+$0x50] =	vst v50;
	v15 =	vld.idx.msk [tilespmem:v44+s16+$0x0], $0xffff  }
0x1b7: {  	v53 =	vadd.s32 $0x1388, v0;
	v14 =	vld.idx.msk [tilespmem:v51+s16+$0x0], $0xffff;
	[tilespmem:s5+$0x870] =	vst v8  }
0x1b8: {  	[tilespmem:s5+$0x40] =	vst v19;
	v8 =	vadd.s32 $0x1388, v1;
	v9 =	vld.idx.msk [tilespmem:v47+s16+$0x0], $0xffff  }
0x1b9: {  	v7 =	vadd.s32 $0x1B58, v7;
	v16 =	vld.idx.msk [tilespmem:v52+s16+$0x0], $0xffff;
	[tilespmem:s5+$0x800] =	vst v11  }
0x1ba: {  	v57 =	vadd.s32 $0x1770, v4;
	[tilespmem:s5+$0x810] =	vst v17;
	v12 =	vld.idx.msk [tilespmem:v55+s16+$0x0], $0xffff  }
0x1bb: {  	v58 =	vadd.s32 $0x1770, v3;
	v13 =	vld.idx.msk [tilespmem:v56+s16+$0x0], $0xffff;
	[tilespmem:s5+$0x60] =	vst v15  }
0x1bc: {  	v59 =	vadd.s32 $0x1770, v2;
	[tilespmem:s5+$0x820] =	vst v54;
	v18 =	vld.idx.msk [tilespmem:v53+s16+$0x0], $0xffff  }
0x1bd: {  	v6 =	vadd.s32 $0x1B58, v6;
	v8 =	vld.idx.msk [tilespmem:v8+s16+$0x0], $0xffff;
	[tilespmem:s5+$0x1070] =	vst v9  }
0x1be: {  	v60 =	vadd.s32 $0x1770, v1;
	[tilespmem:s5+$0x830] =	vst v14;
	v7 =	vld.idx.msk [tilespmem:v7+s16+$0x0], $0xffff  }
0x1bf: {  	v61 =	vadd.s32 $0x1770, v0;
	v62 =	vld.idx.msk [tilespmem:v57+s16+$0x0], $0xffff;
	[tilespmem:s5+$0x840] =	vst v16  }
0x1c0: {  	v5 =	vadd.s32 $0x1B58, v5;
	v63 =	vld.idx.msk [tilespmem:v58+s16+$0x0], $0xffff;
	[tilespmem:s5+$0x1000] =	vst v12  }
0x1c1: {  	v3 =	vadd.s32 $0x1B58, v3;
	v9 =	vld.idx.msk [tilespmem:v59+s16+$0x0], $0xffff;
	[tilespmem:s5+$0x860] =	vst v18  }
0x1c2: {  	v12 =	vld.idx.msk [tilespmem:v6+s16+$0x0], $0xffff;
	[tilespmem:s5+$0x850] =	vst v8;
	v8 =	vadd.s32 $0x1B58, v4  }
0x1c3: {  	v11 =	vld.idx.msk [tilespmem:v60+s16+$0x0], $0xffff;
	[tilespmem:s5+$0x1870] =	vst v7;
	v7 =	vadd.s32 $0x1B58, v2  }
0x1c4: {  	v1 =	vadd.s32 $0x1B58, v1;
	[tilespmem:s5+$0x1010] =	vst v13;
	v10 =	vld.idx.msk [tilespmem:v61+s16+$0x0], $0xffff  }
0x1c5: {  	v0 =	vadd.s32 $0x1B58, v0;
	[tilespmem:s5+$0x1030] =	vst v63;
	v4 =	vld.idx.msk [tilespmem:v5+s16+$0x0], $0xffff  }
0x1c6: {  	[tilespmem:s5+$0x1020] =	vst v62;
	v2 =	vld.idx.msk [tilespmem:v3+s16+$0x0], $0xffff  }
0x1c7: {  	[tilespmem:s5+$0x1040] =	vst v9;
	v5 =	vld.idx.msk [tilespmem:v8+s16+$0x0], $0xffff  }
0x1c8: {  	[tilespmem:s5+$0x1050] =	vst v11;
	v6 =	vld.idx.msk [tilespmem:v7+s16+$0x0], $0xffff  }
0x1c9: {  	[tilespmem:s5+$0x1060] =	vst v10;
	v3 =	vld.idx.msk [tilespmem:v1+s16+$0x0], $0xffff  }
0x1ca: {  	s6 =	simm.s32 $0x0;
	s7 =	simm.s32 $0x3F40;
	[tilespmem:s5+$0x1800] =	vst v12;
	v1 =	vld.idx.msk [tilespmem:v0+s16+$0x0], $0xffff  }
.LBB2_6:
0x1cb: {  	v0 =	vld [tilespmem:s7+$0x30];
	s6 =	sadd.s32 $0x8, s6;
	[tilespmem:s5+$0x1810] =	vst v4  }
0x1cc: {  	v7 =	vld [tilespmem:s7+$0xFFFFFFD0];
	p0 =	slt.u32 s6, $0x78;
	[tilespmem:s5+$0x1820] =	vst v5  }
0x1cd: {  	v5 =	vld [tilespmem:s7+$0xFFFFFFE0];
	[tilespmem:s5+$0x1830] =	vst v2  }
0x1ce: {  	v2 =	vld [tilespmem:s7+$0xFFFFFFF0];
	[tilespmem:s5+$0x1840] =	vst v6  }
0x1cf: {  	v6 =	vld [tilespmem:s7+$0x0];
	[tilespmem:s5+$0x1850] =	vst v3  }
0x1d0: {  	v3 =	vld [tilespmem:s7+$0x10];
	[tilespmem:s5+$0x1860] =	vst v1  }
0x1d1: {  	v1 =	vadd.s32 $0x3E8, v7;
	v21 =	vadd.s32 $0x7D0, v7;
	v22 =	vadd.s32 $0xBB8, v7;
	v23 =	vld [tilespmem:s7+$0x20]  }
0x1d2: {  	v4 =	vld [tilespmem:s7+$0xFFFFFFC0];
	v8 =	vadd.s32 $0x3E8, v5;
	v24 =	vadd.s32 $0x7D0, v5;
	v25 =	vadd.s32 $0xBB8, v5  }
0x1d3: {  	v9 =	vadd.s32 $0x3E8, v2;
	v26 =	vadd.s32 $0x7D0, v2;
	v27 =	vadd.s32 $0xBB8, v2;
	v10 =	vld.idx.msk [tilespmem:v0+s16+$0x0], $0xffff  }
0x1d4: {  	v11 =	vld.idx.msk [tilespmem:v7+s16+$0x0], $0xffff;
	v12 =	vadd.s32 $0x3E8, v6;
	v28 =	vadd.s32 $0x7D0, v6;
	v29 =	vadd.s32 $0xBB8, v6  }
0x1d5: {  	v14 =	vadd.s32 $0x3E8, v0;
	v13 =	vld.idx.msk [tilespmem:v5+s16+$0x0], $0xffff;
	v30 =	vadd.s32 $0x3E8, v3;
	v31 =	vadd.s32 $0x7D0, v3  }
0x1d6: {  	v32 =	vadd.s32 $0xBB8, v3;
	v16 =	vld.idx.msk [tilespmem:v2+s16+$0x0], $0xffff;
	v33 =	vadd.s32 $0x3E8, v23;
	v34 =	vadd.s32 $0x7D0, v23  }
0x1d7: {  	v35 =	vadd.s32 $0x3E8, v4;
	v36 =	vadd.s32 $0x7D0, v4;
	v37 =	vadd.s32 $0xBB8, v4;
	v20 =	vld.idx.msk [tilespmem:v6+s16+$0x0], $0xffff  }
0x1d8: {  	s5 =	sadd.s32 $0x80, s5;
	v39 =	vadd.s32 $0xFA0, v7;
	v41 =	vadd.s32 $0xBB8, v23;
	v38 =	vadd.s32 $0xFA0, v4;
	v40 =	vld.idx.msk [tilespmem:v3+s16+$0x0], $0xffff  }
0x1d9: {  	v42 =	vadd.s32 $0xFA0, v5;
	v43 =	vadd.s32 $0xFA0, v2;
	v44 =	vadd.s32 $0xFA0, v6;
	v45 =	vld.idx.msk [tilespmem:v23+s16+$0x0], $0xffff;
	[tilespmem:s5+$0xFFFFE070] =	vst v10  }
0x1da: {  	v46 =	vadd.s32 $0xFA0, v3;
	v47 =	vadd.s32 $0xFA0, v23;
	v15 =	vadd.s32 $0x1388, v4;
	[tilespmem:s5+$0xFFFFE010] =	vst v11;
	v48 =	vld.idx.msk [tilespmem:v14+s16+$0x0], $0xffff  }
0x1db: {  	v50 =	vadd.s32 $0x1388, v7;
	v19 =	vadd.s32 $0x1388, v5;
	v17 =	vadd.s32 $0x1388, v2;
	v49 =	vld.idx.msk [tilespmem:v4+s16+$0x0], $0xffff;
	[tilespmem:s5+$0xFFFFE020] =	vst v13  }
0x1dc: {  	v52 =	vadd.s32 $0x7D0, v0;
	v18 =	vadd.s32 $0x1388, v6;
	v51 =	vld.idx.msk [tilespmem:v1+s16+$0x0], $0xffff;
	[tilespmem:s5+$0xFFFFE030] =	vst v16;
	v16 =	vadd.s32 $0x1388, v3  }
0x1dd: {  	v10 =	vadd.s32 $0x1770, v7;
	v13 =	vadd.s32 $0x1770, v4;
	v53 =	vld.idx.msk [tilespmem:v8+s16+$0x0], $0xffff;
	[tilespmem:s5+$0xFFFFE040] =	vst v20;
	v20 =	vadd.s32 $0x1388, v23  }
0x1de: {  	v14 =	vadd.s32 $0x1770, v5;
	v11 =	vadd.s32 $0x1770, v2;
	v8 =	vadd.s32 $0x1770, v6;
	v54 =	vld.idx.msk [tilespmem:v9+s16+$0x0], $0xffff;
	[tilespmem:s5+$0xFFFFE050] =	vst v40  }
0x1df: {  	v4 =	vadd.s32 $0x1B58, v4;
	v9 =	vadd.s32 $0x1770, v23;
	v40 =	vld.idx.msk [tilespmem:v12+s16+$0x0], $0xffff;
	v12 =	vadd.s32 $0x1770, v3;
	[tilespmem:s5+$0xFFFFE060] =	vst v45  }
0x1e0: {  	v7 =	vadd.s32 $0x1B58, v7;
	v5 =	vadd.s32 $0x1B58, v5;
	v2 =	vadd.s32 $0x1B58, v2;
	v30 =	vld.idx.msk [tilespmem:v30+s16+$0x0], $0xffff;
	[tilespmem:s5+$0xFFFFE870] =	vst v48  }
0x1e1: {  	v1 =	vadd.s32 $0x1B58, v23;
	v6 =	vadd.s32 $0x1B58, v6;
	v3 =	vadd.s32 $0x1B58, v3;
	[tilespmem:s5+$0xFFFFE000] =	vst v49;
	v23 =	vld.idx.msk [tilespmem:v52+s16+$0x0], $0xffff  }
0x1e2: {  	v35 =	vld.idx.msk [tilespmem:v35+s16+$0x0], $0xffff;
	[tilespmem:s5+$0xFFFFE810] =	vst v51  }
0x1e3: {  	v45 =	vadd.s32 $0xBB8, v0;
	[tilespmem:s5+$0xFFFFE820] =	vst v53;
	v33 =	vld.idx.msk [tilespmem:v33+s16+$0x0], $0xffff  }
0x1e4: {  	v21 =	vld.idx.msk [tilespmem:v21+s16+$0x0], $0xffff;
	[tilespmem:s5+$0xFFFFE830] =	vst v54  }
0x1e5: {  	v24 =	vld.idx.msk [tilespmem:v24+s16+$0x0], $0xffff;
	[tilespmem:s5+$0xFFFFE840] =	vst v40  }
0x1e6: {  	v26 =	vld.idx.msk [tilespmem:v26+s16+$0x0], $0xffff;
	[tilespmem:s5+$0xFFFFE850] =	vst v30  }
0x1e7: {  	v28 =	vld.idx.msk [tilespmem:v28+s16+$0x0], $0xffff;
	[tilespmem:s5+$0xFFFFF070] =	vst v23  }
0x1e8: {  	[tilespmem:s5+$0xFFFFE800] =	vst v35;
	v23 =	vld.idx.msk [tilespmem:v45+s16+$0x0], $0xffff  }
0x1e9: {  	v30 =	vld.idx.msk [tilespmem:v36+s16+$0x0], $0xffff;
	[tilespmem:s5+$0xFFFFE860] =	vst v33  }
0x1ea: {  	[tilespmem:s5+$0xFFFFF010] =	vst v21;
	v21 =	vld.idx.msk [tilespmem:v31+s16+$0x0], $0xffff;
	v31 =	vadd.s32 $0xFA0, v0  }
0x1eb: {  	[tilespmem:s5+$0xFFFFF020] =	vst v24;
	v24 =	vld.idx.msk [tilespmem:v34+s16+$0x0], $0xffff  }
0x1ec: {  	v22 =	vld.idx.msk [tilespmem:v22+s16+$0x0], $0xffff;
	[tilespmem:s5+$0xFFFFF030] =	vst v26  }
0x1ed: {  	v25 =	vld.idx.msk [tilespmem:v25+s16+$0x0], $0xffff;
	[tilespmem:s5+$0xFFFFF040] =	vst v28  }
0x1ee: {  	v26 =	vld.idx.msk [tilespmem:v27+s16+$0x0], $0xffff;
	[tilespmem:s5+$0xFFFFF870] =	vst v23  }
0x1ef: {  	[tilespmem:s5+$0xFFFFF000] =	vst v30;
	v23 =	vld.idx.msk [tilespmem:v31+s16+$0x0], $0xffff  }
0x1f0: {  	v27 =	vld.idx.msk [tilespmem:v37+s16+$0x0], $0xffff;
	[tilespmem:s5+$0xFFFFF050] =	vst v21  }
0x1f1: {  	v21 =	vld.idx.msk [tilespmem:v29+s16+$0x0], $0xffff;
	[tilespmem:s5+$0xFFFFF060] =	vst v24;
	v24 =	vadd.s32 $0x1388, v0  }
0x1f2: {  	[tilespmem:s5+$0xFFFFF810] =	vst v22;
	v22 =	vld.idx.msk [tilespmem:v32+s16+$0x0], $0xffff  }
0x1f3: {  	[tilespmem:s5+$0xFFFFF820] =	vst v25;
	v25 =	vld.idx.msk [tilespmem:v41+s16+$0x0], $0xffff  }
0x1f4: {  	v28 =	vld.idx.msk [tilespmem:v39+s16+$0x0], $0xffff;
	[tilespmem:s5+$0xFFFFF830] =	vst v26  }
0x1f5: {  	v26 =	vld.idx.msk [tilespmem:v42+s16+$0x0], $0xffff;
	[tilespmem:s5+$0x70] =	vst v23  }
0x1f6: {  	[tilespmem:s5+$0xFFFFF800] =	vst v27;
	v23 =	vld.idx.msk [tilespmem:v24+s16+$0x0], $0xffff  }
0x1f7: {  	v24 =	vld.idx.msk [tilespmem:v38+s16+$0x0], $0xffff;
	[tilespmem:s5+$0xFFFFF840] =	vst v21  }
0x1f8: {  	v21 =	vld.idx.msk [tilespmem:v43+s16+$0x0], $0xffff;
	[tilespmem:s5+$0xFFFFF850] =	vst v22;
	v22 =	vadd.s32 $0x1770, v0  }
0x1f9: {  	v27 =	vld.idx.msk [tilespmem:v44+s16+$0x0], $0xffff;
	[tilespmem:s5+$0xFFFFF860] =	vst v25  }
0x1fa: {  	[tilespmem:s5+$0x10] =	vst v28;
	v25 =	vld.idx.msk [tilespmem:v46+s16+$0x0], $0xffff  }
0x1fb: {  	[tilespmem:s5+$0x20] =	vst v26;
	v26 =	vld.idx.msk [tilespmem:v47+s16+$0x0], $0xffff  }
0x1fc: {  	v28 =	vld.idx.msk [tilespmem:v50+s16+$0x0], $0xffff;
	[tilespmem:s5+$0x870] =	vst v23  }
0x1fd: {  	[tilespmem:s5+$0x0] =	vst v24;
	v22 =	vld.idx.msk [tilespmem:v22+s16+$0x0], $0xffff  }
0x1fe: {  	v15 =	vld.idx.msk [tilespmem:v15+s16+$0x0], $0xffff;
	[tilespmem:s5+$0x30] =	vst v21  }
0x1ff: {  	v0 =	vadd.s32 $0x1B58, v0;
	v19 =	vld.idx.msk [tilespmem:v19+s16+$0x0], $0xffff;
	[tilespmem:s5+$0x40] =	vst v27  }
0x200: {  	v17 =	vld.idx.msk [tilespmem:v17+s16+$0x0], $0xffff;
	[tilespmem:s5+$0x50] =	vst v25  }
0x201: {  	v18 =	vld.idx.msk [tilespmem:v18+s16+$0x0], $0xffff;
	[tilespmem:s5+$0x60] =	vst v26  }
0x202: {  	[tilespmem:s5+$0x810] =	vst v28;
	v16 =	vld.idx.msk [tilespmem:v16+s16+$0x0], $0xffff  }
0x203: {  	v20 =	vld.idx.msk [tilespmem:v20+s16+$0x0], $0xffff;
	[tilespmem:s5+$0x1070] =	vst v22  }
0x204: {  	[tilespmem:s5+$0x800] =	vst v15;
	v0 =	vld.idx.msk [tilespmem:v0+s16+$0x0], $0xffff  }
0x205: {  	v13 =	vld.idx.msk [tilespmem:v13+s16+$0x0], $0xffff;
	[tilespmem:s5+$0x820] =	vst v19  }
0x206: {  	v10 =	vld.idx.msk [tilespmem:v10+s16+$0x0], $0xffff;
	[tilespmem:s5+$0x830] =	vst v17  }
0x207: {  	v14 =	vld.idx.msk [tilespmem:v14+s16+$0x0], $0xffff;
	[tilespmem:s5+$0x840] =	vst v18  }
0x208: {  	v11 =	vld.idx.msk [tilespmem:v11+s16+$0x0], $0xffff;
	[tilespmem:s5+$0x850] =	vst v16  }
0x209: {  	v8 =	vld.idx.msk [tilespmem:v8+s16+$0x0], $0xffff;
	[tilespmem:s5+$0x860] =	vst v20  }
0x20a: {  	v12 =	vld.idx.msk [tilespmem:v12+s16+$0x0], $0xffff;
	[tilespmem:s5+$0x1870] =	vst v0  }
0x20b: {  	[tilespmem:s5+$0x1000] =	vst v13;
	v0 =	vld.idx.msk [tilespmem:v9+s16+$0x0], $0xffff  }
0x20c: {  	v9 =	vld.idx.msk [tilespmem:v4+s16+$0x0], $0xffff;
	[tilespmem:s5+$0x1010] =	vst v10  }
0x20d: {  	v4 =	vld.idx.msk [tilespmem:v7+s16+$0x0], $0xffff;
	[tilespmem:s5+$0x1020] =	vst v14  }
.Ltmp2:
0x20e: {  	v5 =	vld.idx.msk [tilespmem:v5+s16+$0x0], $0xffff;
	[tilespmem:s5+$0x1030] =	vst v11;
	(pc) =	sbr.rel @p0 .LBB2_6-.Ltmp2, $4  }
0x20f: {  	v2 =	vld.idx.msk [tilespmem:v2+s16+$0x0], $0xffff;
	[tilespmem:s5+$0x1040] =	vst v8  }
0x210: {  	v6 =	vld.idx.msk [tilespmem:v6+s16+$0x0], $0xffff;
	[tilespmem:s5+$0x1050] =	vst v12  }
0x211: {  	v3 =	vld.idx.msk [tilespmem:v3+s16+$0x0], $0xffff;
	[tilespmem:s5+$0x1060] =	vst v0  }
0x212: {  	s7 =	sadd.s32 $0x80, s7;
	[tilespmem:s5+$0x1800] =	vst v9;
	v1 =	vld.idx.msk [tilespmem:v1+s16+$0x0], $0xffff  }
0x213: {  	[tilespmem:s5+$0x1810] =	vst v4  }
0x214: {  	[tilespmem:s5+$0x1820] =	vst v5  }
0x215: {  	[tilespmem:s5+$0x1830] =	vst v2  }
0x216: {  	[tilespmem:s5+$0x1840] =	vst v6  }
0x217: {  	[tilespmem:s5+$0x1850] =	vst v3  }
0x218: {  	[tilespmem:s5+$0x1860] =	vst v1  }
0x219: {  	[hbm4b:s19+s30] =	stream.strided.scatter [tilespmem:s15], [sflag:$0x3], $0x4000, s31, s30, $0x38;
	[tilespmem:$0xCE80] =	vst v63  }
0x21a: {  	_ =	swait.ge [sflag:s0], $0x1F40  }
0x21b: {  	[sflag:s0] =	ssyncset.done $0x0  }
0x21c: {  	[sflag:s0] =	ssyncadd.s32 $0xFFFFE0C0  }
0x21d: {  	_ =	swait.ge [sflag:s0], $0x800  }
0x21e: {  	[sflag:s0] =	ssyncset.done $0x0  }
0x21f: {  	s6 =	rddreg [dreg:$0x7];
	[sflag:s0] =	ssyncadd.s32 $0xFFFFF800  }
0x220: {  	[tilespmem:s16], [sflag:$0x1] =	stream.linear.gather [hbm4b:s6+s16], $0x1F40, $0x38;
	[tilespmem:$0xCE80] =	vst v63  }
0x221: {  	_ = 	snop  }
0x222: {  	[tilespmem:s25], [sflag:$0x1] =	stream.linear.gather [hbm4b:s12+s16], $0x800, $0x38;
	[tilespmem:$0xCE80] =	vst v63  }
0x223: {  	_ =	swait.ge [sflag:s3], $0x4000  }
0x224: {  	[sflag:s3] =	ssyncset.done $0x0  }
0x225: {  	s7 =	simm.s32 $0x46C0;
	[sflag:s3] =	ssyncadd.s32 $0xFFFFC000  }
0x226: {  	v7 =	vld [tilespmem:s7+$0x30]  }
0x227: {  	v5 =	vld [tilespmem:s7+$0xFFFFFFD0]  }
0x228: {  	v4 =	vld [tilespmem:s7+$0xFFFFFFE0]  }
0x229: {  	v3 =	vld [tilespmem:s7+$0xFFFFFFF0]  }
0x22a: {  	v2 =	vld [tilespmem:s7+$0x0]  }
0x22b: {  	v1 =	vld [tilespmem:s7+$0x10]  }
0x22c: {  	v0 =	vld [tilespmem:s7+$0x20]  }
0x22d: {  	v6 =	vld [tilespmem:s7+$0xFFFFFFC0]  }
0x22e: {  	v8 =	vld.idx.msk [tilespmem:v7+s28+$0x0], $0xffff  }
0x22f: {  	v9 =	vld.idx.msk [tilespmem:v5+s28+$0x0], $0xffff  }
0x230: {  	v10 =	vld.idx.msk [tilespmem:v4+s28+$0x0], $0xffff  }
0x231: {  	v11 =	vadd.s32 $0x3E8, v7;
	v12 =	vld.idx.msk [tilespmem:v3+s28+$0x0], $0xffff  }
0x232: {  	v13 =	vadd.s32 $0x3E8, v5;
	v14 =	vld.idx.msk [tilespmem:v2+s28+$0x0], $0xffff  }
0x233: {  	s5 =	simm.s32 $0xAE80;
	v15 =	vadd.s32 $0x3E8, v4;
	v16 =	vld.idx.msk [tilespmem:v1+s28+$0x0], $0xffff  }
0x234: {  	v17 =	vadd.s32 $0x3E8, v3;
	v18 =	vld.idx.msk [tilespmem:v0+s28+$0x0], $0xffff;
	[tilespmem:s5+$0xFFFFE070] =	vst v8  }
0x235: {  	v55 =	vadd.s32 $0x3E8, v1;
	v19 =	vld.idx.msk [tilespmem:v6+s28+$0x0], $0xffff;
	[tilespmem:s5+$0xFFFFE010] =	vst v9  }
0x236: {  	v58 =	vadd.s32 $0x3E8, v6;
	[tilespmem:s5+$0xFFFFE020] =	vst v10;
	v54 =	vld.idx.msk [tilespmem:v11+s28+$0x0], $0xffff  }
0x237: {  	v59 =	vadd.s32 $0x3E8, v0;
	[tilespmem:s5+$0xFFFFE030] =	vst v12;
	v56 =	vld.idx.msk [tilespmem:v13+s28+$0x0], $0xffff  }
0x238: {  	v8 =	vadd.s32 $0x3E8, v2;
	[tilespmem:s5+$0xFFFFE040] =	vst v14;
	v15 =	vld.idx.msk [tilespmem:v15+s28+$0x0], $0xffff  }
0x239: {  	v57 =	vadd.s32 $0x7D0, v7;
	[tilespmem:s5+$0xFFFFE050] =	vst v16;
	v17 =	vld.idx.msk [tilespmem:v17+s28+$0x0], $0xffff  }
0x23a: {  	v60 =	vadd.s32 $0x7D0, v5;
	[tilespmem:s5+$0xFFFFE000] =	vst v19;
	v11 =	vld.idx.msk [tilespmem:v55+s28+$0x0], $0xffff  }
0x23b: {  	v61 =	vadd.s32 $0x7D0, v4;
	[tilespmem:s5+$0xFFFFE060] =	vst v18;
	v13 =	vld.idx.msk [tilespmem:v58+s28+$0x0], $0xffff  }
0x23c: {  	v62 =	vadd.s32 $0x7D0, v3;
	v21 =	vld.idx.msk [tilespmem:v59+s28+$0x0], $0xffff;
	[tilespmem:s5+$0xFFFFE870] =	vst v54  }
0x23d: {  	v23 =	vadd.s32 $0x7D0, v6;
	v8 =	vld.idx.msk [tilespmem:v8+s28+$0x0], $0xffff;
	[tilespmem:s5+$0xFFFFE810] =	vst v56  }
0x23e: {  	v24 =	vadd.s32 $0x7D0, v1;
	[tilespmem:s5+$0xFFFFE820] =	vst v15;
	v12 =	vld.idx.msk [tilespmem:v57+s28+$0x0], $0xffff  }
0x23f: {  	v63 =	vadd.s32 $0x7D0, v2;
	[tilespmem:s5+$0xFFFFE830] =	vst v17;
	v16 =	vld.idx.msk [tilespmem:v60+s28+$0x0], $0xffff  }
0x240: {  	v22 =	vadd.s32 $0xBB8, v7;
	[tilespmem:s5+$0xFFFFE850] =	vst v11;
	v18 =	vld.idx.msk [tilespmem:v61+s28+$0x0], $0xffff  }
0x241: {  	v25 =	vadd.s32 $0xBB8, v5;
	[tilespmem:s5+$0xFFFFE800] =	vst v13;
	v9 =	vld.idx.msk [tilespmem:v62+s28+$0x0], $0xffff  }
0x242: {  	v26 =	vadd.s32 $0xBB8, v4;
	[tilespmem:s5+$0xFFFFE860] =	vst v21;
	v15 =	vld.idx.msk [tilespmem:v23+s28+$0x0], $0xffff  }
0x243: {  	v28 =	vadd.s32 $0xBB8, v3;
	v29 =	vld.idx.msk [tilespmem:v24+s28+$0x0], $0xffff;
	[tilespmem:s5+$0xFFFFE840] =	vst v8  }
0x244: {  	v31 =	vadd.s32 $0xBB8, v6;
	v19 =	vld.idx.msk [tilespmem:v63+s28+$0x0], $0xffff;
	[tilespmem:s5+$0xFFFFF070] =	vst v12  }
0x245: {  	v33 =	vadd.s32 $0xBB8, v1;
	[tilespmem:s5+$0xFFFFF010] =	vst v16;
	v27 =	vld.idx.msk [tilespmem:v22+s28+$0x0], $0xffff  }
0x246: {  	v8 =	vadd.s32 $0x7D0, v0;
	[tilespmem:s5+$0xFFFFF020] =	vst v18;
	v11 =	vld.idx.msk [tilespmem:v25+s28+$0x0], $0xffff  }
0x247: {  	v32 =	vadd.s32 $0xBB8, v2;
	[tilespmem:s5+$0xFFFFF030] =	vst v9;
	v12 =	vld.idx.msk [tilespmem:v26+s28+$0x0], $0xffff  }
0x248: {  	v30 =	vadd.s32 $0xFA0, v7;
	[tilespmem:s5+$0xFFFFF000] =	vst v15;
	v14 =	vld.idx.msk [tilespmem:v28+s28+$0x0], $0xffff  }
0x249: {  	v35 =	vadd.s32 $0xFA0, v5;
	[tilespmem:s5+$0xFFFFF050] =	vst v29;
	v17 =	vld.idx.msk [tilespmem:v31+s28+$0x0], $0xffff  }
0x24a: {  	v37 =	vadd.s32 $0xFA0, v4;
	v9 =	vld.idx.msk [tilespmem:v33+s28+$0x0], $0xffff;
	[tilespmem:s5+$0xFFFFF040] =	vst v19  }
0x24b: {  	v39 =	vadd.s32 $0xFA0, v6;
	v8 =	vld.idx.msk [tilespmem:v8+s28+$0x0], $0xffff;
	[tilespmem:s5+$0xFFFFF870] =	vst v27  }
0x24c: {  	v40 =	vadd.s32 $0xFA0, v3;
	v38 =	vld.idx.msk [tilespmem:v32+s28+$0x0], $0xffff;
	[tilespmem:s5+$0xFFFFF810] =	vst v11  }
0x24d: {  	v43 =	vadd.s32 $0xFA0, v1;
	[tilespmem:s5+$0xFFFFF820] =	vst v12;
	v36 =	vld.idx.msk [tilespmem:v30+s28+$0x0], $0xffff  }
0x24e: {  	v34 =	vadd.s32 $0xBB8, v0;
	[tilespmem:s5+$0xFFFFF830] =	vst v14;
	v13 =	vld.idx.msk [tilespmem:v35+s28+$0x0], $0xffff  }
0x24f: {  	v42 =	vadd.s32 $0xFA0, v2;
	[tilespmem:s5+$0xFFFFF800] =	vst v17;
	v16 =	vld.idx.msk [tilespmem:v37+s28+$0x0], $0xffff  }
0x250: {  	v18 =	vld.idx.msk [tilespmem:v39+s28+$0x0], $0xffff;
	[tilespmem:s5+$0xFFFFF060] =	vst v8;
	v8 =	vadd.s32 $0x1388, v7  }
0x251: {  	v45 =	vadd.s32 $0x1388, v5;
	[tilespmem:s5+$0xFFFFF850] =	vst v9;
	v46 =	vld.idx.msk [tilespmem:v40+s28+$0x0], $0xffff  }
0x252: {  	v48 =	vadd.s32 $0x1388, v6;
	v50 =	vld.idx.msk [tilespmem:v43+s28+$0x0], $0xffff;
	[tilespmem:s5+$0xFFFFF840] =	vst v38  }
0x253: {  	v49 =	vadd.s32 $0x1388, v4;
	v41 =	vld.idx.msk [tilespmem:v34+s28+$0x0], $0xffff;
	[tilespmem:s5+$0x70] =	vst v36  }
0x254: {  	v44 =	vadd.s32 $0xFA0, v0;
	v19 =	vld.idx.msk [tilespmem:v42+s28+$0x0], $0xffff;
	[tilespmem:s5+$0x10] =	vst v13  }
0x255: {  	v51 =	vadd.s32 $0x1388, v3;
	[tilespmem:s5+$0x20] =	vst v16;
	v8 =	vld.idx.msk [tilespmem:v8+s28+$0x0], $0xffff  }
0x256: {  	v47 =	vadd.s32 $0x1770, v7;
	[tilespmem:s5+$0x0] =	vst v18;
	v17 =	vld.idx.msk [tilespmem:v45+s28+$0x0], $0xffff  }
0x257: {  	v52 =	vadd.s32 $0x1388, v2;
	[tilespmem:s5+$0x30] =	vst v46;
	v11 =	vld.idx.msk [tilespmem:v48+s28+$0x0], $0xffff  }
0x258: {  	v55 =	vadd.s32 $0x1770, v6;
	v54 =	vld.idx.msk [tilespmem:v49+s28+$0x0], $0xffff;
	[tilespmem:s5+$0xFFFFF860] =	vst v41  }
0x259: {  	v56 =	vadd.s32 $0x1770, v5;
	[tilespmem:s5+$0x50] =	vst v50;
	v15 =	vld.idx.msk [tilespmem:v44+s28+$0x0], $0xffff  }
0x25a: {  	v53 =	vadd.s32 $0x1388, v0;
	v14 =	vld.idx.msk [tilespmem:v51+s28+$0x0], $0xffff;
	[tilespmem:s5+$0x870] =	vst v8  }
0x25b: {  	[tilespmem:s5+$0x40] =	vst v19;
	v8 =	vadd.s32 $0x1388, v1;
	v9 =	vld.idx.msk [tilespmem:v47+s28+$0x0], $0xffff  }
0x25c: {  	v7 =	vadd.s32 $0x1B58, v7;
	v16 =	vld.idx.msk [tilespmem:v52+s28+$0x0], $0xffff;
	[tilespmem:s5+$0x800] =	vst v11  }
0x25d: {  	v57 =	vadd.s32 $0x1770, v4;
	[tilespmem:s5+$0x810] =	vst v17;
	v12 =	vld.idx.msk [tilespmem:v55+s28+$0x0], $0xffff  }
0x25e: {  	v58 =	vadd.s32 $0x1770, v3;
	v13 =	vld.idx.msk [tilespmem:v56+s28+$0x0], $0xffff;
	[tilespmem:s5+$0x60] =	vst v15  }
0x25f: {  	v59 =	vadd.s32 $0x1770, v2;
	[tilespmem:s5+$0x820] =	vst v54;
	v18 =	vld.idx.msk [tilespmem:v53+s28+$0x0], $0xffff  }
0x260: {  	v6 =	vadd.s32 $0x1B58, v6;
	v8 =	vld.idx.msk [tilespmem:v8+s28+$0x0], $0xffff;
	[tilespmem:s5+$0x1070] =	vst v9  }
0x261: {  	v60 =	vadd.s32 $0x1770, v1;
	[tilespmem:s5+$0x830] =	vst v14;
	v7 =	vld.idx.msk [tilespmem:v7+s28+$0x0], $0xffff  }
0x262: {  	v61 =	vadd.s32 $0x1770, v0;
	v62 =	vld.idx.msk [tilespmem:v57+s28+$0x0], $0xffff;
	[tilespmem:s5+$0x840] =	vst v16  }
0x263: {  	v5 =	vadd.s32 $0x1B58, v5;
	v63 =	vld.idx.msk [tilespmem:v58+s28+$0x0], $0xffff;
	[tilespmem:s5+$0x1000] =	vst v12  }
0x264: {  	v3 =	vadd.s32 $0x1B58, v3;
	v9 =	vld.idx.msk [tilespmem:v59+s28+$0x0], $0xffff;
	[tilespmem:s5+$0x860] =	vst v18  }
0x265: {  	v12 =	vld.idx.msk [tilespmem:v6+s28+$0x0], $0xffff;
	[tilespmem:s5+$0x850] =	vst v8;
	v8 =	vadd.s32 $0x1B58, v4  }
0x266: {  	v11 =	vld.idx.msk [tilespmem:v60+s28+$0x0], $0xffff;
	[tilespmem:s5+$0x1870] =	vst v7;
	v7 =	vadd.s32 $0x1B58, v2  }
0x267: {  	v1 =	vadd.s32 $0x1B58, v1;
	[tilespmem:s5+$0x1010] =	vst v13;
	v10 =	vld.idx.msk [tilespmem:v61+s28+$0x0], $0xffff  }
0x268: {  	v0 =	vadd.s32 $0x1B58, v0;
	[tilespmem:s5+$0x1030] =	vst v63;
	v4 =	vld.idx.msk [tilespmem:v5+s28+$0x0], $0xffff  }
0x269: {  	[tilespmem:s5+$0x1020] =	vst v62;
	v2 =	vld.idx.msk [tilespmem:v3+s28+$0x0], $0xffff  }
0x26a: {  	[tilespmem:s5+$0x1040] =	vst v9;
	v5 =	vld.idx.msk [tilespmem:v8+s28+$0x0], $0xffff  }
0x26b: {  	[tilespmem:s5+$0x1050] =	vst v11;
	v6 =	vld.idx.msk [tilespmem:v7+s28+$0x0], $0xffff  }
0x26c: {  	[tilespmem:s5+$0x1060] =	vst v10;
	v3 =	vld.idx.msk [tilespmem:v1+s28+$0x0], $0xffff  }
0x26d: {  	s6 =	simm.s32 $0x0;
	s7 =	simm.s32 $0x4740;
	[tilespmem:s5+$0x1800] =	vst v12;
	v1 =	vld.idx.msk [tilespmem:v0+s28+$0x0], $0xffff  }
.LBB2_8:
0x26e: {  	v0 =	vld [tilespmem:s7+$0x30];
	s6 =	sadd.s32 $0x8, s6;
	[tilespmem:s5+$0x1810] =	vst v4  }
0x26f: {  	v7 =	vld [tilespmem:s7+$0xFFFFFFD0];
	p0 =	slt.u32 s6, $0x78;
	[tilespmem:s5+$0x1820] =	vst v5  }
0x270: {  	v5 =	vld [tilespmem:s7+$0xFFFFFFE0];
	[tilespmem:s5+$0x1830] =	vst v2  }
0x271: {  	v2 =	vld [tilespmem:s7+$0xFFFFFFF0];
	[tilespmem:s5+$0x1840] =	vst v6  }
0x272: {  	v6 =	vld [tilespmem:s7+$0x0];
	[tilespmem:s5+$0x1850] =	vst v3  }
0x273: {  	v3 =	vld [tilespmem:s7+$0x10];
	[tilespmem:s5+$0x1860] =	vst v1  }
0x274: {  	v1 =	vadd.s32 $0x3E8, v7;
	v21 =	vadd.s32 $0x7D0, v7;
	v22 =	vadd.s32 $0xBB8, v7;
	v23 =	vld [tilespmem:s7+$0x20]  }
0x275: {  	v4 =	vld [tilespmem:s7+$0xFFFFFFC0];
	v8 =	vadd.s32 $0x3E8, v5;
	v24 =	vadd.s32 $0x7D0, v5;
	v25 =	vadd.s32 $0xBB8, v5  }
0x276: {  	v9 =	vadd.s32 $0x3E8, v2;
	v26 =	vadd.s32 $0x7D0, v2;
	v27 =	vadd.s32 $0xBB8, v2;
	v10 =	vld.idx.msk [tilespmem:v0+s28+$0x0], $0xffff  }
0x277: {  	v11 =	vld.idx.msk [tilespmem:v7+s28+$0x0], $0xffff;
	v12 =	vadd.s32 $0x3E8, v6;
	v28 =	vadd.s32 $0x7D0, v6;
	v29 =	vadd.s32 $0xBB8, v6  }
0x278: {  	v14 =	vadd.s32 $0x3E8, v0;
	v13 =	vld.idx.msk [tilespmem:v5+s28+$0x0], $0xffff;
	v30 =	vadd.s32 $0x3E8, v3;
	v31 =	vadd.s32 $0x7D0, v3  }
0x279: {  	v32 =	vadd.s32 $0xBB8, v3;
	v16 =	vld.idx.msk [tilespmem:v2+s28+$0x0], $0xffff;
	v33 =	vadd.s32 $0x3E8, v23;
	v34 =	vadd.s32 $0x7D0, v23  }
0x27a: {  	v35 =	vadd.s32 $0x3E8, v4;
	v36 =	vadd.s32 $0x7D0, v4;
	v37 =	vadd.s32 $0xBB8, v4;
	v20 =	vld.idx.msk [tilespmem:v6+s28+$0x0], $0xffff  }
0x27b: {  	s5 =	sadd.s32 $0x80, s5;
	v39 =	vadd.s32 $0xFA0, v7;
	v41 =	vadd.s32 $0xBB8, v23;
	v38 =	vadd.s32 $0xFA0, v4;
	v40 =	vld.idx.msk [tilespmem:v3+s28+$0x0], $0xffff  }
0x27c: {  	v42 =	vadd.s32 $0xFA0, v5;
	v43 =	vadd.s32 $0xFA0, v2;
	v44 =	vadd.s32 $0xFA0, v6;
	v45 =	vld.idx.msk [tilespmem:v23+s28+$0x0], $0xffff;
	[tilespmem:s5+$0xFFFFE070] =	vst v10  }
0x27d: {  	v46 =	vadd.s32 $0xFA0, v3;
	v47 =	vadd.s32 $0xFA0, v23;
	v15 =	vadd.s32 $0x1388, v4;
	[tilespmem:s5+$0xFFFFE010] =	vst v11;
	v48 =	vld.idx.msk [tilespmem:v14+s28+$0x0], $0xffff  }
0x27e: {  	v50 =	vadd.s32 $0x1388, v7;
	v19 =	vadd.s32 $0x1388, v5;
	v17 =	vadd.s32 $0x1388, v2;
	v49 =	vld.idx.msk [tilespmem:v4+s28+$0x0], $0xffff;
	[tilespmem:s5+$0xFFFFE020] =	vst v13  }
0x27f: {  	v52 =	vadd.s32 $0x7D0, v0;
	v18 =	vadd.s32 $0x1388, v6;
	v51 =	vld.idx.msk [tilespmem:v1+s28+$0x0], $0xffff;
	[tilespmem:s5+$0xFFFFE030] =	vst v16;
	v16 =	vadd.s32 $0x1388, v3  }
0x280: {  	v10 =	vadd.s32 $0x1770, v7;
	v13 =	vadd.s32 $0x1770, v4;
	v53 =	vld.idx.msk [tilespmem:v8+s28+$0x0], $0xffff;
	[tilespmem:s5+$0xFFFFE040] =	vst v20;
	v20 =	vadd.s32 $0x1388, v23  }
0x281: {  	v14 =	vadd.s32 $0x1770, v5;
	v11 =	vadd.s32 $0x1770, v2;
	v8 =	vadd.s32 $0x1770, v6;
	v54 =	vld.idx.msk [tilespmem:v9+s28+$0x0], $0xffff;
	[tilespmem:s5+$0xFFFFE050] =	vst v40  }
0x282: {  	v4 =	vadd.s32 $0x1B58, v4;
	v9 =	vadd.s32 $0x1770, v23;
	v40 =	vld.idx.msk [tilespmem:v12+s28+$0x0], $0xffff;
	v12 =	vadd.s32 $0x1770, v3;
	[tilespmem:s5+$0xFFFFE060] =	vst v45  }
0x283: {  	v7 =	vadd.s32 $0x1B58, v7;
	v5 =	vadd.s32 $0x1B58, v5;
	v2 =	vadd.s32 $0x1B58, v2;
	v30 =	vld.idx.msk [tilespmem:v30+s28+$0x0], $0xffff;
	[tilespmem:s5+$0xFFFFE870] =	vst v48  }
0x284: {  	v1 =	vadd.s32 $0x1B58, v23;
	v6 =	vadd.s32 $0x1B58, v6;
	v3 =	vadd.s32 $0x1B58, v3;
	[tilespmem:s5+$0xFFFFE000] =	vst v49;
	v23 =	vld.idx.msk [tilespmem:v52+s28+$0x0], $0xffff  }
0x285: {  	v35 =	vld.idx.msk [tilespmem:v35+s28+$0x0], $0xffff;
	[tilespmem:s5+$0xFFFFE810] =	vst v51  }
0x286: {  	v45 =	vadd.s32 $0xBB8, v0;
	[tilespmem:s5+$0xFFFFE820] =	vst v53;
	v33 =	vld.idx.msk [tilespmem:v33+s28+$0x0], $0xffff  }
0x287: {  	v21 =	vld.idx.msk [tilespmem:v21+s28+$0x0], $0xffff;
	[tilespmem:s5+$0xFFFFE830] =	vst v54  }
0x288: {  	v24 =	vld.idx.msk [tilespmem:v24+s28+$0x0], $0xffff;
	[tilespmem:s5+$0xFFFFE840] =	vst v40  }
0x289: {  	v26 =	vld.idx.msk [tilespmem:v26+s28+$0x0], $0xffff;
	[tilespmem:s5+$0xFFFFE850] =	vst v30  }
0x28a: {  	v28 =	vld.idx.msk [tilespmem:v28+s28+$0x0], $0xffff;
	[tilespmem:s5+$0xFFFFF070] =	vst v23  }
0x28b: {  	[tilespmem:s5+$0xFFFFE800] =	vst v35;
	v23 =	vld.idx.msk [tilespmem:v45+s28+$0x0], $0xffff  }
0x28c: {  	v30 =	vld.idx.msk [tilespmem:v36+s28+$0x0], $0xffff;
	[tilespmem:s5+$0xFFFFE860] =	vst v33  }
0x28d: {  	[tilespmem:s5+$0xFFFFF010] =	vst v21;
	v21 =	vld.idx.msk [tilespmem:v31+s28+$0x0], $0xffff;
	v31 =	vadd.s32 $0xFA0, v0  }
0x28e: {  	[tilespmem:s5+$0xFFFFF020] =	vst v24;
	v24 =	vld.idx.msk [tilespmem:v34+s28+$0x0], $0xffff  }
0x28f: {  	v22 =	vld.idx.msk [tilespmem:v22+s28+$0x0], $0xffff;
	[tilespmem:s5+$0xFFFFF030] =	vst v26  }
0x290: {  	v25 =	vld.idx.msk [tilespmem:v25+s28+$0x0], $0xffff;
	[tilespmem:s5+$0xFFFFF040] =	vst v28  }
0x291: {  	v26 =	vld.idx.msk [tilespmem:v27+s28+$0x0], $0xffff;
	[tilespmem:s5+$0xFFFFF870] =	vst v23  }
0x292: {  	[tilespmem:s5+$0xFFFFF000] =	vst v30;
	v23 =	vld.idx.msk [tilespmem:v31+s28+$0x0], $0xffff  }
0x293: {  	v27 =	vld.idx.msk [tilespmem:v37+s28+$0x0], $0xffff;
	[tilespmem:s5+$0xFFFFF050] =	vst v21  }
0x294: {  	v21 =	vld.idx.msk [tilespmem:v29+s28+$0x0], $0xffff;
	[tilespmem:s5+$0xFFFFF060] =	vst v24;
	v24 =	vadd.s32 $0x1388, v0  }
0x295: {  	[tilespmem:s5+$0xFFFFF810] =	vst v22;
	v22 =	vld.idx.msk [tilespmem:v32+s28+$0x0], $0xffff  }
0x296: {  	[tilespmem:s5+$0xFFFFF820] =	vst v25;
	v25 =	vld.idx.msk [tilespmem:v41+s28+$0x0], $0xffff  }
0x297: {  	v28 =	vld.idx.msk [tilespmem:v39+s28+$0x0], $0xffff;
	[tilespmem:s5+$0xFFFFF830] =	vst v26  }
0x298: {  	v26 =	vld.idx.msk [tilespmem:v42+s28+$0x0], $0xffff;
	[tilespmem:s5+$0x70] =	vst v23  }
0x299: {  	[tilespmem:s5+$0xFFFFF800] =	vst v27;
	v23 =	vld.idx.msk [tilespmem:v24+s28+$0x0], $0xffff  }
0x29a: {  	v24 =	vld.idx.msk [tilespmem:v38+s28+$0x0], $0xffff;
	[tilespmem:s5+$0xFFFFF840] =	vst v21  }
0x29b: {  	v21 =	vld.idx.msk [tilespmem:v43+s28+$0x0], $0xffff;
	[tilespmem:s5+$0xFFFFF850] =	vst v22;
	v22 =	vadd.s32 $0x1770, v0  }
0x29c: {  	v27 =	vld.idx.msk [tilespmem:v44+s28+$0x0], $0xffff;
	[tilespmem:s5+$0xFFFFF860] =	vst v25  }
0x29d: {  	[tilespmem:s5+$0x10] =	vst v28;
	v25 =	vld.idx.msk [tilespmem:v46+s28+$0x0], $0xffff  }
0x29e: {  	[tilespmem:s5+$0x20] =	vst v26;
	v26 =	vld.idx.msk [tilespmem:v47+s28+$0x0], $0xffff  }
0x29f: {  	v28 =	vld.idx.msk [tilespmem:v50+s28+$0x0], $0xffff;
	[tilespmem:s5+$0x870] =	vst v23  }
0x2a0: {  	[tilespmem:s5+$0x0] =	vst v24;
	v22 =	vld.idx.msk [tilespmem:v22+s28+$0x0], $0xffff  }
0x2a1: {  	v15 =	vld.idx.msk [tilespmem:v15+s28+$0x0], $0xffff;
	[tilespmem:s5+$0x30] =	vst v21  }
0x2a2: {  	v0 =	vadd.s32 $0x1B58, v0;
	v19 =	vld.idx.msk [tilespmem:v19+s28+$0x0], $0xffff;
	[tilespmem:s5+$0x40] =	vst v27  }
0x2a3: {  	v17 =	vld.idx.msk [tilespmem:v17+s28+$0x0], $0xffff;
	[tilespmem:s5+$0x50] =	vst v25  }
0x2a4: {  	v18 =	vld.idx.msk [tilespmem:v18+s28+$0x0], $0xffff;
	[tilespmem:s5+$0x60] =	vst v26  }
0x2a5: {  	[tilespmem:s5+$0x810] =	vst v28;
	v16 =	vld.idx.msk [tilespmem:v16+s28+$0x0], $0xffff  }
0x2a6: {  	v20 =	vld.idx.msk [tilespmem:v20+s28+$0x0], $0xffff;
	[tilespmem:s5+$0x1070] =	vst v22  }
0x2a7: {  	[tilespmem:s5+$0x800] =	vst v15;
	v0 =	vld.idx.msk [tilespmem:v0+s28+$0x0], $0xffff  }
0x2a8: {  	v13 =	vld.idx.msk [tilespmem:v13+s28+$0x0], $0xffff;
	[tilespmem:s5+$0x820] =	vst v19  }
0x2a9: {  	v10 =	vld.idx.msk [tilespmem:v10+s28+$0x0], $0xffff;
	[tilespmem:s5+$0x830] =	vst v17  }
0x2aa: {  	v14 =	vld.idx.msk [tilespmem:v14+s28+$0x0], $0xffff;
	[tilespmem:s5+$0x840] =	vst v18  }
0x2ab: {  	v11 =	vld.idx.msk [tilespmem:v11+s28+$0x0], $0xffff;
	[tilespmem:s5+$0x850] =	vst v16  }
0x2ac: {  	v8 =	vld.idx.msk [tilespmem:v8+s28+$0x0], $0xffff;
	[tilespmem:s5+$0x860] =	vst v20  }
0x2ad: {  	v12 =	vld.idx.msk [tilespmem:v12+s28+$0x0], $0xffff;
	[tilespmem:s5+$0x1870] =	vst v0  }
0x2ae: {  	[tilespmem:s5+$0x1000] =	vst v13;
	v0 =	vld.idx.msk [tilespmem:v9+s28+$0x0], $0xffff  }
0x2af: {  	v9 =	vld.idx.msk [tilespmem:v4+s28+$0x0], $0xffff;
	[tilespmem:s5+$0x1010] =	vst v10  }
0x2b0: {  	v4 =	vld.idx.msk [tilespmem:v7+s28+$0x0], $0xffff;
	[tilespmem:s5+$0x1020] =	vst v14  }
.Ltmp3:
0x2b1: {  	v5 =	vld.idx.msk [tilespmem:v5+s28+$0x0], $0xffff;
	[tilespmem:s5+$0x1030] =	vst v11;
	(pc) =	sbr.rel @p0 .LBB2_8-.Ltmp3, $4  }
0x2b2: {  	v2 =	vld.idx.msk [tilespmem:v2+s28+$0x0], $0xffff;
	[tilespmem:s5+$0x1040] =	vst v8  }
0x2b3: {  	v6 =	vld.idx.msk [tilespmem:v6+s28+$0x0], $0xffff;
	[tilespmem:s5+$0x1050] =	vst v12  }
0x2b4: {  	v3 =	vld.idx.msk [tilespmem:v3+s28+$0x0], $0xffff;
	[tilespmem:s5+$0x1060] =	vst v0  }
0x2b5: {  	s7 =	sadd.s32 $0x80, s7;
	[tilespmem:s5+$0x1800] =	vst v9;
	v1 =	vld.idx.msk [tilespmem:v1+s28+$0x0], $0xffff  }
0x2b6: {  	[tilespmem:s5+$0x1810] =	vst v4  }
0x2b7: {  	[tilespmem:s5+$0x1820] =	vst v5  }
0x2b8: {  	[tilespmem:s5+$0x1830] =	vst v2  }
0x2b9: {  	[tilespmem:s5+$0x1840] =	vst v6  }
0x2ba: {  	[tilespmem:s5+$0x1850] =	vst v3  }
0x2bb: {  	[tilespmem:s5+$0x1860] =	vst v1  }
0x2bc: {  	[hbm4b:s20+s30] =	stream.strided.scatter [tilespmem:s1], [sflag:$0x4], $0x4000, s31, s30, $0x38;
	[tilespmem:$0xCE80] =	vst v63  }
0x2bd: {  	_ =	swait.ge [sflag:s26], $0x1F40  }
0x2be: {  	[sflag:s26] =	ssyncset.done $0x0  }
0x2bf: {  	[sflag:s26] =	ssyncadd.s32 $0xFFFFE0C0  }
0x2c0: {  	_ =	swait.ge [sflag:s26], $0x800  }
0x2c1: {  	[sflag:s26] =	ssyncset.done $0x0  }
0x2c2: {  	s6 =	rddreg [dreg:$0x8];
	[sflag:s26] =	ssyncadd.s32 $0xFFFFF800  }
0x2c3: {  	[tilespmem:s28], [sflag:$0x2] =	stream.linear.gather [hbm4b:s6+s16], $0x1F40, $0x38;
	[tilespmem:$0xCE80] =	vst v63  }
0x2c4: {  	_ = 	snop  }
0x2c5: {  	[tilespmem:s29], [sflag:$0x2] =	stream.linear.gather [hbm4b:s13+s16], $0x800, $0x38;
	[tilespmem:$0xCE80] =	vst v63  }
0x2c6: {  	_ =	swait.ge [sflag:s2], $0x4000  }
0x2c7: {  	[sflag:s2] =	ssyncset.done $0x0  }
0x2c8: {  	s7 =	simm.s32 $0x3EC0;
	[sflag:s2] =	ssyncadd.s32 $0xFFFFC000  }
0x2c9: {  	v7 =	vld [tilespmem:s7+$0x30]  }
0x2ca: {  	v5 =	vld [tilespmem:s7+$0xFFFFFFD0]  }
0x2cb: {  	v4 =	vld [tilespmem:s7+$0xFFFFFFE0]  }
0x2cc: {  	v3 =	vld [tilespmem:s7+$0xFFFFFFF0]  }
0x2cd: {  	v2 =	vld [tilespmem:s7+$0x0]  }
0x2ce: {  	v1 =	vld [tilespmem:s7+$0x10]  }
0x2cf: {  	v0 =	vld [tilespmem:s7+$0x20]  }
0x2d0: {  	v6 =	vld [tilespmem:s7+$0xFFFFFFC0]  }
0x2d1: {  	v8 =	vld.idx.msk [tilespmem:v7+s16+$0x0], $0xffff  }
0x2d2: {  	v9 =	vld.idx.msk [tilespmem:v5+s16+$0x0], $0xffff  }
0x2d3: {  	v10 =	vld.idx.msk [tilespmem:v4+s16+$0x0], $0xffff  }
0x2d4: {  	v11 =	vadd.s32 $0x3E8, v7;
	v12 =	vld.idx.msk [tilespmem:v3+s16+$0x0], $0xffff  }
0x2d5: {  	v13 =	vadd.s32 $0x3E8, v5;
	v14 =	vld.idx.msk [tilespmem:v2+s16+$0x0], $0xffff  }
0x2d6: {  	s5 =	simm.s32 $0x6E80;
	v15 =	vadd.s32 $0x3E8, v4;
	v16 =	vld.idx.msk [tilespmem:v1+s16+$0x0], $0xffff  }
0x2d7: {  	v17 =	vadd.s32 $0x3E8, v3;
	v18 =	vld.idx.msk [tilespmem:v0+s16+$0x0], $0xffff;
	[tilespmem:s5+$0xFFFFE070] =	vst v8  }
0x2d8: {  	v55 =	vadd.s32 $0x3E8, v1;
	v19 =	vld.idx.msk [tilespmem:v6+s16+$0x0], $0xffff;
	[tilespmem:s5+$0xFFFFE010] =	vst v9  }
0x2d9: {  	v58 =	vadd.s32 $0x3E8, v6;
	[tilespmem:s5+$0xFFFFE020] =	vst v10;
	v54 =	vld.idx.msk [tilespmem:v11+s16+$0x0], $0xffff  }
0x2da: {  	v59 =	vadd.s32 $0x3E8, v0;
	[tilespmem:s5+$0xFFFFE030] =	vst v12;
	v56 =	vld.idx.msk [tilespmem:v13+s16+$0x0], $0xffff  }
0x2db: {  	v8 =	vadd.s32 $0x3E8, v2;
	[tilespmem:s5+$0xFFFFE040] =	vst v14;
	v15 =	vld.idx.msk [tilespmem:v15+s16+$0x0], $0xffff  }
0x2dc: {  	v57 =	vadd.s32 $0x7D0, v7;
	[tilespmem:s5+$0xFFFFE050] =	vst v16;
	v17 =	vld.idx.msk [tilespmem:v17+s16+$0x0], $0xffff  }
0x2dd: {  	v60 =	vadd.s32 $0x7D0, v5;
	[tilespmem:s5+$0xFFFFE000] =	vst v19;
	v11 =	vld.idx.msk [tilespmem:v55+s16+$0x0], $0xffff  }
0x2de: {  	v61 =	vadd.s32 $0x7D0, v4;
	[tilespmem:s5+$0xFFFFE060] =	vst v18;
	v13 =	vld.idx.msk [tilespmem:v58+s16+$0x0], $0xffff  }
0x2df: {  	v62 =	vadd.s32 $0x7D0, v3;
	v21 =	vld.idx.msk [tilespmem:v59+s16+$0x0], $0xffff;
	[tilespmem:s5+$0xFFFFE870] =	vst v54  }
0x2e0: {  	v23 =	vadd.s32 $0x7D0, v6;
	v8 =	vld.idx.msk [tilespmem:v8+s16+$0x0], $0xffff;
	[tilespmem:s5+$0xFFFFE810] =	vst v56  }
0x2e1: {  	v24 =	vadd.s32 $0x7D0, v1;
	[tilespmem:s5+$0xFFFFE820] =	vst v15;
	v12 =	vld.idx.msk [tilespmem:v57+s16+$0x0], $0xffff  }
0x2e2: {  	v63 =	vadd.s32 $0x7D0, v2;
	[tilespmem:s5+$0xFFFFE830] =	vst v17;
	v16 =	vld.idx.msk [tilespmem:v60+s16+$0x0], $0xffff  }
0x2e3: {  	v22 =	vadd.s32 $0xBB8, v7;
	[tilespmem:s5+$0xFFFFE850] =	vst v11;
	v18 =	vld.idx.msk [tilespmem:v61+s16+$0x0], $0xffff  }
0x2e4: {  	v25 =	vadd.s32 $0xBB8, v5;
	[tilespmem:s5+$0xFFFFE800] =	vst v13;
	v9 =	vld.idx.msk [tilespmem:v62+s16+$0x0], $0xffff  }
0x2e5: {  	v26 =	vadd.s32 $0xBB8, v4;
	[tilespmem:s5+$0xFFFFE860] =	vst v21;
	v15 =	vld.idx.msk [tilespmem:v23+s16+$0x0], $0xffff  }
0x2e6: {  	v28 =	vadd.s32 $0xBB8, v3;
	v29 =	vld.idx.msk [tilespmem:v24+s16+$0x0], $0xffff;
	[tilespmem:s5+$0xFFFFE840] =	vst v8  }
0x2e7: {  	v31 =	vadd.s32 $0xBB8, v6;
	v19 =	vld.idx.msk [tilespmem:v63+s16+$0x0], $0xffff;
	[tilespmem:s5+$0xFFFFF070] =	vst v12  }
0x2e8: {  	v33 =	vadd.s32 $0xBB8, v1;
	[tilespmem:s5+$0xFFFFF010] =	vst v16;
	v27 =	vld.idx.msk [tilespmem:v22+s16+$0x0], $0xffff  }
0x2e9: {  	v8 =	vadd.s32 $0x7D0, v0;
	[tilespmem:s5+$0xFFFFF020] =	vst v18;
	v11 =	vld.idx.msk [tilespmem:v25+s16+$0x0], $0xffff  }
0x2ea: {  	v32 =	vadd.s32 $0xBB8, v2;
	[tilespmem:s5+$0xFFFFF030] =	vst v9;
	v12 =	vld.idx.msk [tilespmem:v26+s16+$0x0], $0xffff  }
0x2eb: {  	v30 =	vadd.s32 $0xFA0, v7;
	[tilespmem:s5+$0xFFFFF000] =	vst v15;
	v14 =	vld.idx.msk [tilespmem:v28+s16+$0x0], $0xffff  }
0x2ec: {  	v35 =	vadd.s32 $0xFA0, v5;
	[tilespmem:s5+$0xFFFFF050] =	vst v29;
	v17 =	vld.idx.msk [tilespmem:v31+s16+$0x0], $0xffff  }
0x2ed: {  	v37 =	vadd.s32 $0xFA0, v4;
	v9 =	vld.idx.msk [tilespmem:v33+s16+$0x0], $0xffff;
	[tilespmem:s5+$0xFFFFF040] =	vst v19  }
0x2ee: {  	v39 =	vadd.s32 $0xFA0, v6;
	v8 =	vld.idx.msk [tilespmem:v8+s16+$0x0], $0xffff;
	[tilespmem:s5+$0xFFFFF870] =	vst v27  }
0x2ef: {  	v40 =	vadd.s32 $0xFA0, v3;
	v38 =	vld.idx.msk [tilespmem:v32+s16+$0x0], $0xffff;
	[tilespmem:s5+$0xFFFFF810] =	vst v11  }
0x2f0: {  	v43 =	vadd.s32 $0xFA0, v1;
	[tilespmem:s5+$0xFFFFF820] =	vst v12;
	v36 =	vld.idx.msk [tilespmem:v30+s16+$0x0], $0xffff  }
0x2f1: {  	v34 =	vadd.s32 $0xBB8, v0;
	[tilespmem:s5+$0xFFFFF830] =	vst v14;
	v13 =	vld.idx.msk [tilespmem:v35+s16+$0x0], $0xffff  }
0x2f2: {  	v42 =	vadd.s32 $0xFA0, v2;
	[tilespmem:s5+$0xFFFFF800] =	vst v17;
	v16 =	vld.idx.msk [tilespmem:v37+s16+$0x0], $0xffff  }
0x2f3: {  	v18 =	vld.idx.msk [tilespmem:v39+s16+$0x0], $0xffff;
	[tilespmem:s5+$0xFFFFF060] =	vst v8;
	v8 =	vadd.s32 $0x1388, v7  }
0x2f4: {  	v45 =	vadd.s32 $0x1388, v5;
	[tilespmem:s5+$0xFFFFF850] =	vst v9;
	v46 =	vld.idx.msk [tilespmem:v40+s16+$0x0], $0xffff  }
0x2f5: {  	v48 =	vadd.s32 $0x1388, v6;
	v50 =	vld.idx.msk [tilespmem:v43+s16+$0x0], $0xffff;
	[tilespmem:s5+$0xFFFFF840] =	vst v38  }
0x2f6: {  	v49 =	vadd.s32 $0x1388, v4;
	v41 =	vld.idx.msk [tilespmem:v34+s16+$0x0], $0xffff;
	[tilespmem:s5+$0x70] =	vst v36  }
0x2f7: {  	v44 =	vadd.s32 $0xFA0, v0;
	v19 =	vld.idx.msk [tilespmem:v42+s16+$0x0], $0xffff;
	[tilespmem:s5+$0x10] =	vst v13  }
0x2f8: {  	v51 =	vadd.s32 $0x1388, v3;
	[tilespmem:s5+$0x20] =	vst v16;
	v8 =	vld.idx.msk [tilespmem:v8+s16+$0x0], $0xffff  }
0x2f9: {  	v47 =	vadd.s32 $0x1770, v7;
	[tilespmem:s5+$0x0] =	vst v18;
	v17 =	vld.idx.msk [tilespmem:v45+s16+$0x0], $0xffff  }
0x2fa: {  	v52 =	vadd.s32 $0x1388, v2;
	[tilespmem:s5+$0x30] =	vst v46;
	v11 =	vld.idx.msk [tilespmem:v48+s16+$0x0], $0xffff  }
0x2fb: {  	v55 =	vadd.s32 $0x1770, v6;
	v54 =	vld.idx.msk [tilespmem:v49+s16+$0x0], $0xffff;
	[tilespmem:s5+$0xFFFFF860] =	vst v41  }
0x2fc: {  	v56 =	vadd.s32 $0x1770, v5;
	[tilespmem:s5+$0x50] =	vst v50;
	v15 =	vld.idx.msk [tilespmem:v44+s16+$0x0], $0xffff  }
0x2fd: {  	v53 =	vadd.s32 $0x1388, v0;
	v14 =	vld.idx.msk [tilespmem:v51+s16+$0x0], $0xffff;
	[tilespmem:s5+$0x870] =	vst v8  }
0x2fe: {  	[tilespmem:s5+$0x40] =	vst v19;
	v8 =	vadd.s32 $0x1388, v1;
	v9 =	vld.idx.msk [tilespmem:v47+s16+$0x0], $0xffff  }
0x2ff: {  	v7 =	vadd.s32 $0x1B58, v7;
	v16 =	vld.idx.msk [tilespmem:v52+s16+$0x0], $0xffff;
	[tilespmem:s5+$0x800] =	vst v11  }
0x300: {  	v57 =	vadd.s32 $0x1770, v4;
	[tilespmem:s5+$0x810] =	vst v17;
	v12 =	vld.idx.msk [tilespmem:v55+s16+$0x0], $0xffff  }
0x301: {  	v58 =	vadd.s32 $0x1770, v3;
	v13 =	vld.idx.msk [tilespmem:v56+s16+$0x0], $0xffff;
	[tilespmem:s5+$0x60] =	vst v15  }
0x302: {  	v59 =	vadd.s32 $0x1770, v2;
	[tilespmem:s5+$0x820] =	vst v54;
	v18 =	vld.idx.msk [tilespmem:v53+s16+$0x0], $0xffff  }
0x303: {  	v6 =	vadd.s32 $0x1B58, v6;
	v8 =	vld.idx.msk [tilespmem:v8+s16+$0x0], $0xffff;
	[tilespmem:s5+$0x1070] =	vst v9  }
0x304: {  	v60 =	vadd.s32 $0x1770, v1;
	[tilespmem:s5+$0x830] =	vst v14;
	v7 =	vld.idx.msk [tilespmem:v7+s16+$0x0], $0xffff  }
0x305: {  	v61 =	vadd.s32 $0x1770, v0;
	v62 =	vld.idx.msk [tilespmem:v57+s16+$0x0], $0xffff;
	[tilespmem:s5+$0x840] =	vst v16  }
0x306: {  	v5 =	vadd.s32 $0x1B58, v5;
	v63 =	vld.idx.msk [tilespmem:v58+s16+$0x0], $0xffff;
	[tilespmem:s5+$0x1000] =	vst v12  }
0x307: {  	v3 =	vadd.s32 $0x1B58, v3;
	v9 =	vld.idx.msk [tilespmem:v59+s16+$0x0], $0xffff;
	[tilespmem:s5+$0x860] =	vst v18  }
0x308: {  	v12 =	vld.idx.msk [tilespmem:v6+s16+$0x0], $0xffff;
	[tilespmem:s5+$0x850] =	vst v8;
	v8 =	vadd.s32 $0x1B58, v4  }
0x309: {  	v11 =	vld.idx.msk [tilespmem:v60+s16+$0x0], $0xffff;
	[tilespmem:s5+$0x1870] =	vst v7;
	v7 =	vadd.s32 $0x1B58, v2  }
0x30a: {  	v1 =	vadd.s32 $0x1B58, v1;
	[tilespmem:s5+$0x1010] =	vst v13;
	v10 =	vld.idx.msk [tilespmem:v61+s16+$0x0], $0xffff  }
0x30b: {  	v0 =	vadd.s32 $0x1B58, v0;
	[tilespmem:s5+$0x1030] =	vst v63;
	v4 =	vld.idx.msk [tilespmem:v5+s16+$0x0], $0xffff  }
0x30c: {  	[tilespmem:s5+$0x1020] =	vst v62;
	v2 =	vld.idx.msk [tilespmem:v3+s16+$0x0], $0xffff  }
0x30d: {  	[tilespmem:s5+$0x1040] =	vst v9;
	v5 =	vld.idx.msk [tilespmem:v8+s16+$0x0], $0xffff  }
0x30e: {  	[tilespmem:s5+$0x1050] =	vst v11;
	v6 =	vld.idx.msk [tilespmem:v7+s16+$0x0], $0xffff  }
0x30f: {  	[tilespmem:s5+$0x1060] =	vst v10;
	v3 =	vld.idx.msk [tilespmem:v1+s16+$0x0], $0xffff  }
0x310: {  	s6 =	simm.s32 $0x0;
	s7 =	simm.s32 $0x3F40;
	[tilespmem:s5+$0x1800] =	vst v12;
	v1 =	vld.idx.msk [tilespmem:v0+s16+$0x0], $0xffff  }
.LBB2_10:
0x311: {  	v0 =	vld [tilespmem:s7+$0x30];
	s6 =	sadd.s32 $0x8, s6;
	[tilespmem:s5+$0x1810] =	vst v4  }
0x312: {  	v7 =	vld [tilespmem:s7+$0xFFFFFFD0];
	p0 =	slt.u32 s6, $0x78;
	[tilespmem:s5+$0x1820] =	vst v5  }
0x313: {  	v5 =	vld [tilespmem:s7+$0xFFFFFFE0];
	[tilespmem:s5+$0x1830] =	vst v2  }
0x314: {  	v2 =	vld [tilespmem:s7+$0xFFFFFFF0];
	[tilespmem:s5+$0x1840] =	vst v6  }
0x315: {  	v6 =	vld [tilespmem:s7+$0x0];
	[tilespmem:s5+$0x1850] =	vst v3  }
0x316: {  	v3 =	vld [tilespmem:s7+$0x10];
	[tilespmem:s5+$0x1860] =	vst v1  }
0x317: {  	v1 =	vadd.s32 $0x3E8, v7;
	v21 =	vadd.s32 $0x7D0, v7;
	v22 =	vadd.s32 $0xBB8, v7;
	v23 =	vld [tilespmem:s7+$0x20]  }
0x318: {  	v4 =	vld [tilespmem:s7+$0xFFFFFFC0];
	v8 =	vadd.s32 $0x3E8, v5;
	v24 =	vadd.s32 $0x7D0, v5;
	v25 =	vadd.s32 $0xBB8, v5  }
0x319: {  	v9 =	vadd.s32 $0x3E8, v2;
	v26 =	vadd.s32 $0x7D0, v2;
	v27 =	vadd.s32 $0xBB8, v2;
	v10 =	vld.idx.msk [tilespmem:v0+s16+$0x0], $0xffff  }
0x31a: {  	v11 =	vld.idx.msk [tilespmem:v7+s16+$0x0], $0xffff;
	v12 =	vadd.s32 $0x3E8, v6;
	v28 =	vadd.s32 $0x7D0, v6;
	v29 =	vadd.s32 $0xBB8, v6  }
0x31b: {  	v14 =	vadd.s32 $0x3E8, v0;
	v13 =	vld.idx.msk [tilespmem:v5+s16+$0x0], $0xffff;
	v30 =	vadd.s32 $0x3E8, v3;
	v31 =	vadd.s32 $0x7D0, v3  }
0x31c: {  	v32 =	vadd.s32 $0xBB8, v3;
	v16 =	vld.idx.msk [tilespmem:v2+s16+$0x0], $0xffff;
	v33 =	vadd.s32 $0x3E8, v23;
	v34 =	vadd.s32 $0x7D0, v23  }
0x31d: {  	v35 =	vadd.s32 $0x3E8, v4;
	v36 =	vadd.s32 $0x7D0, v4;
	v37 =	vadd.s32 $0xBB8, v4;
	v20 =	vld.idx.msk [tilespmem:v6+s16+$0x0], $0xffff  }
0x31e: {  	s5 =	sadd.s32 $0x80, s5;
	v39 =	vadd.s32 $0xFA0, v7;
	v41 =	vadd.s32 $0xBB8, v23;
	v38 =	vadd.s32 $0xFA0, v4;
	v40 =	vld.idx.msk [tilespmem:v3+s16+$0x0], $0xffff  }
0x31f: {  	v42 =	vadd.s32 $0xFA0, v5;
	v43 =	vadd.s32 $0xFA0, v2;
	v44 =	vadd.s32 $0xFA0, v6;
	v45 =	vld.idx.msk [tilespmem:v23+s16+$0x0], $0xffff;
	[tilespmem:s5+$0xFFFFE070] =	vst v10  }
0x320: {  	v46 =	vadd.s32 $0xFA0, v3;
	v47 =	vadd.s32 $0xFA0, v23;
	v15 =	vadd.s32 $0x1388, v4;
	[tilespmem:s5+$0xFFFFE010] =	vst v11;
	v48 =	vld.idx.msk [tilespmem:v14+s16+$0x0], $0xffff  }
0x321: {  	v50 =	vadd.s32 $0x1388, v7;
	v19 =	vadd.s32 $0x1388, v5;
	v17 =	vadd.s32 $0x1388, v2;
	v49 =	vld.idx.msk [tilespmem:v4+s16+$0x0], $0xffff;
	[tilespmem:s5+$0xFFFFE020] =	vst v13  }
0x322: {  	v52 =	vadd.s32 $0x7D0, v0;
	v18 =	vadd.s32 $0x1388, v6;
	v51 =	vld.idx.msk [tilespmem:v1+s16+$0x0], $0xffff;
	[tilespmem:s5+$0xFFFFE030] =	vst v16;
	v16 =	vadd.s32 $0x1388, v3  }
0x323: {  	v10 =	vadd.s32 $0x1770, v7;
	v13 =	vadd.s32 $0x1770, v4;
	v53 =	vld.idx.msk [tilespmem:v8+s16+$0x0], $0xffff;
	[tilespmem:s5+$0xFFFFE040] =	vst v20;
	v20 =	vadd.s32 $0x1388, v23  }
0x324: {  	v14 =	vadd.s32 $0x1770, v5;
	v11 =	vadd.s32 $0x1770, v2;
	v8 =	vadd.s32 $0x1770, v6;
	v54 =	vld.idx.msk [tilespmem:v9+s16+$0x0], $0xffff;
	[tilespmem:s5+$0xFFFFE050] =	vst v40  }
0x325: {  	v4 =	vadd.s32 $0x1B58, v4;
	v9 =	vadd.s32 $0x1770, v23;
	v40 =	vld.idx.msk [tilespmem:v12+s16+$0x0], $0xffff;
	v12 =	vadd.s32 $0x1770, v3;
	[tilespmem:s5+$0xFFFFE060] =	vst v45  }
0x326: {  	v7 =	vadd.s32 $0x1B58, v7;
	v5 =	vadd.s32 $0x1B58, v5;
	v2 =	vadd.s32 $0x1B58, v2;
	v30 =	vld.idx.msk [tilespmem:v30+s16+$0x0], $0xffff;
	[tilespmem:s5+$0xFFFFE870] =	vst v48  }
0x327: {  	v1 =	vadd.s32 $0x1B58, v23;
	v6 =	vadd.s32 $0x1B58, v6;
	v3 =	vadd.s32 $0x1B58, v3;
	[tilespmem:s5+$0xFFFFE000] =	vst v49;
	v23 =	vld.idx.msk [tilespmem:v52+s16+$0x0], $0xffff  }
0x328: {  	v35 =	vld.idx.msk [tilespmem:v35+s16+$0x0], $0xffff;
	[tilespmem:s5+$0xFFFFE810] =	vst v51  }
0x329: {  	v45 =	vadd.s32 $0xBB8, v0;
	[tilespmem:s5+$0xFFFFE820] =	vst v53;
	v33 =	vld.idx.msk [tilespmem:v33+s16+$0x0], $0xffff  }
0x32a: {  	v21 =	vld.idx.msk [tilespmem:v21+s16+$0x0], $0xffff;
	[tilespmem:s5+$0xFFFFE830] =	vst v54  }
0x32b: {  	v24 =	vld.idx.msk [tilespmem:v24+s16+$0x0], $0xffff;
	[tilespmem:s5+$0xFFFFE840] =	vst v40  }
0x32c: {  	v26 =	vld.idx.msk [tilespmem:v26+s16+$0x0], $0xffff;
	[tilespmem:s5+$0xFFFFE850] =	vst v30  }
0x32d: {  	v28 =	vld.idx.msk [tilespmem:v28+s16+$0x0], $0xffff;
	[tilespmem:s5+$0xFFFFF070] =	vst v23  }
0x32e: {  	[tilespmem:s5+$0xFFFFE800] =	vst v35;
	v23 =	vld.idx.msk [tilespmem:v45+s16+$0x0], $0xffff  }
0x32f: {  	v30 =	vld.idx.msk [tilespmem:v36+s16+$0x0], $0xffff;
	[tilespmem:s5+$0xFFFFE860] =	vst v33  }
0x330: {  	[tilespmem:s5+$0xFFFFF010] =	vst v21;
	v21 =	vld.idx.msk [tilespmem:v31+s16+$0x0], $0xffff;
	v31 =	vadd.s32 $0xFA0, v0  }
0x331: {  	[tilespmem:s5+$0xFFFFF020] =	vst v24;
	v24 =	vld.idx.msk [tilespmem:v34+s16+$0x0], $0xffff  }
0x332: {  	v22 =	vld.idx.msk [tilespmem:v22+s16+$0x0], $0xffff;
	[tilespmem:s5+$0xFFFFF030] =	vst v26  }
0x333: {  	v25 =	vld.idx.msk [tilespmem:v25+s16+$0x0], $0xffff;
	[tilespmem:s5+$0xFFFFF040] =	vst v28  }
0x334: {  	v26 =	vld.idx.msk [tilespmem:v27+s16+$0x0], $0xffff;
	[tilespmem:s5+$0xFFFFF870] =	vst v23  }
0x335: {  	[tilespmem:s5+$0xFFFFF000] =	vst v30;
	v23 =	vld.idx.msk [tilespmem:v31+s16+$0x0], $0xffff  }
0x336: {  	v27 =	vld.idx.msk [tilespmem:v37+s16+$0x0], $0xffff;
	[tilespmem:s5+$0xFFFFF050] =	vst v21  }
0x337: {  	v21 =	vld.idx.msk [tilespmem:v29+s16+$0x0], $0xffff;
	[tilespmem:s5+$0xFFFFF060] =	vst v24;
	v24 =	vadd.s32 $0x1388, v0  }
0x338: {  	[tilespmem:s5+$0xFFFFF810] =	vst v22;
	v22 =	vld.idx.msk [tilespmem:v32+s16+$0x0], $0xffff  }
0x339: {  	[tilespmem:s5+$0xFFFFF820] =	vst v25;
	v25 =	vld.idx.msk [tilespmem:v41+s16+$0x0], $0xffff  }
0x33a: {  	v28 =	vld.idx.msk [tilespmem:v39+s16+$0x0], $0xffff;
	[tilespmem:s5+$0xFFFFF830] =	vst v26  }
0x33b: {  	v26 =	vld.idx.msk [tilespmem:v42+s16+$0x0], $0xffff;
	[tilespmem:s5+$0x70] =	vst v23  }
0x33c: {  	[tilespmem:s5+$0xFFFFF800] =	vst v27;
	v23 =	vld.idx.msk [tilespmem:v24+s16+$0x0], $0xffff  }
0x33d: {  	v24 =	vld.idx.msk [tilespmem:v38+s16+$0x0], $0xffff;
	[tilespmem:s5+$0xFFFFF840] =	vst v21  }
0x33e: {  	v21 =	vld.idx.msk [tilespmem:v43+s16+$0x0], $0xffff;
	[tilespmem:s5+$0xFFFFF850] =	vst v22;
	v22 =	vadd.s32 $0x1770, v0  }
0x33f: {  	v27 =	vld.idx.msk [tilespmem:v44+s16+$0x0], $0xffff;
	[tilespmem:s5+$0xFFFFF860] =	vst v25  }
0x340: {  	[tilespmem:s5+$0x10] =	vst v28;
	v25 =	vld.idx.msk [tilespmem:v46+s16+$0x0], $0xffff  }
0x341: {  	[tilespmem:s5+$0x20] =	vst v26;
	v26 =	vld.idx.msk [tilespmem:v47+s16+$0x0], $0xffff  }
0x342: {  	v28 =	vld.idx.msk [tilespmem:v50+s16+$0x0], $0xffff;
	[tilespmem:s5+$0x870] =	vst v23  }
0x343: {  	[tilespmem:s5+$0x0] =	vst v24;
	v22 =	vld.idx.msk [tilespmem:v22+s16+$0x0], $0xffff  }
0x344: {  	v15 =	vld.idx.msk [tilespmem:v15+s16+$0x0], $0xffff;
	[tilespmem:s5+$0x30] =	vst v21  }
0x345: {  	v0 =	vadd.s32 $0x1B58, v0;
	v19 =	vld.idx.msk [tilespmem:v19+s16+$0x0], $0xffff;
	[tilespmem:s5+$0x40] =	vst v27  }
0x346: {  	v17 =	vld.idx.msk [tilespmem:v17+s16+$0x0], $0xffff;
	[tilespmem:s5+$0x50] =	vst v25  }
0x347: {  	v18 =	vld.idx.msk [tilespmem:v18+s16+$0x0], $0xffff;
	[tilespmem:s5+$0x60] =	vst v26  }
0x348: {  	[tilespmem:s5+$0x810] =	vst v28;
	v16 =	vld.idx.msk [tilespmem:v16+s16+$0x0], $0xffff  }
0x349: {  	v20 =	vld.idx.msk [tilespmem:v20+s16+$0x0], $0xffff;
	[tilespmem:s5+$0x1070] =	vst v22  }
0x34a: {  	[tilespmem:s5+$0x800] =	vst v15;
	v0 =	vld.idx.msk [tilespmem:v0+s16+$0x0], $0xffff  }
0x34b: {  	v13 =	vld.idx.msk [tilespmem:v13+s16+$0x0], $0xffff;
	[tilespmem:s5+$0x820] =	vst v19  }
0x34c: {  	v10 =	vld.idx.msk [tilespmem:v10+s16+$0x0], $0xffff;
	[tilespmem:s5+$0x830] =	vst v17  }
0x34d: {  	v14 =	vld.idx.msk [tilespmem:v14+s16+$0x0], $0xffff;
	[tilespmem:s5+$0x840] =	vst v18  }
0x34e: {  	v11 =	vld.idx.msk [tilespmem:v11+s16+$0x0], $0xffff;
	[tilespmem:s5+$0x850] =	vst v16  }
0x34f: {  	v8 =	vld.idx.msk [tilespmem:v8+s16+$0x0], $0xffff;
	[tilespmem:s5+$0x860] =	vst v20  }
0x350: {  	v12 =	vld.idx.msk [tilespmem:v12+s16+$0x0], $0xffff;
	[tilespmem:s5+$0x1870] =	vst v0  }
0x351: {  	[tilespmem:s5+$0x1000] =	vst v13;
	v0 =	vld.idx.msk [tilespmem:v9+s16+$0x0], $0xffff  }
0x352: {  	v9 =	vld.idx.msk [tilespmem:v4+s16+$0x0], $0xffff;
	[tilespmem:s5+$0x1010] =	vst v10  }
0x353: {  	v4 =	vld.idx.msk [tilespmem:v7+s16+$0x0], $0xffff;
	[tilespmem:s5+$0x1020] =	vst v14  }
.Ltmp4:
0x354: {  	v5 =	vld.idx.msk [tilespmem:v5+s16+$0x0], $0xffff;
	[tilespmem:s5+$0x1030] =	vst v11;
	(pc) =	sbr.rel @p0 .LBB2_10-.Ltmp4, $4  }
0x355: {  	v2 =	vld.idx.msk [tilespmem:v2+s16+$0x0], $0xffff;
	[tilespmem:s5+$0x1040] =	vst v8  }
0x356: {  	v6 =	vld.idx.msk [tilespmem:v6+s16+$0x0], $0xffff;
	[tilespmem:s5+$0x1050] =	vst v12  }
0x357: {  	v3 =	vld.idx.msk [tilespmem:v3+s16+$0x0], $0xffff;
	[tilespmem:s5+$0x1060] =	vst v0  }
0x358: {  	s7 =	sadd.s32 $0x80, s7;
	[tilespmem:s5+$0x1800] =	vst v9;
	v1 =	vld.idx.msk [tilespmem:v1+s16+$0x0], $0xffff  }
0x359: {  	[tilespmem:s5+$0x1810] =	vst v4  }
0x35a: {  	[tilespmem:s5+$0x1820] =	vst v5  }
0x35b: {  	[tilespmem:s5+$0x1830] =	vst v2  }
0x35c: {  	[tilespmem:s5+$0x1840] =	vst v6  }
0x35d: {  	[tilespmem:s5+$0x1850] =	vst v3  }
0x35e: {  	[tilespmem:s5+$0x1860] =	vst v1  }
0x35f: {  	[hbm4b:s21+s30] =	stream.strided.scatter [tilespmem:s15], [sflag:$0x3], $0x4000, s31, s30, $0x38;
	[tilespmem:$0xCE80] =	vst v63  }
0x360: {  	_ =	swait.ge [sflag:s0], $0x1F40  }
0x361: {  	[sflag:s0] =	ssyncset.done $0x0  }
0x362: {  	[sflag:s0] =	ssyncadd.s32 $0xFFFFE0C0  }
0x363: {  	_ =	swait.ge [sflag:s0], $0x800  }
0x364: {  	[sflag:s0] =	ssyncset.done $0x0  }
0x365: {  	s6 =	rddreg [dreg:$0x9];
	[sflag:s0] =	ssyncadd.s32 $0xFFFFF800  }
0x366: {  	[tilespmem:s16], [sflag:$0x1] =	stream.linear.gather [hbm4b:s6+s16], $0x1F40, $0x38;
	[tilespmem:$0xCE80] =	vst v63  }
0x367: {  	_ = 	snop  }
0x368: {  	[tilespmem:s25], [sflag:$0x1] =	stream.linear.gather [hbm4b:s14+s16], $0x800, $0x38;
	[tilespmem:$0xCE80] =	vst v63  }
0x369: {  	_ =	swait.ge [sflag:s3], $0x4000  }
0x36a: {  	[sflag:s3] =	ssyncset.done $0x0  }
0x36b: {  	s7 =	simm.s32 $0x46C0;
	[sflag:s3] =	ssyncadd.s32 $0xFFFFC000  }
0x36c: {  	v7 =	vld [tilespmem:s7+$0x30]  }
0x36d: {  	v5 =	vld [tilespmem:s7+$0xFFFFFFD0]  }
0x36e: {  	v4 =	vld [tilespmem:s7+$0xFFFFFFE0]  }
0x36f: {  	v3 =	vld [tilespmem:s7+$0xFFFFFFF0]  }
0x370: {  	v2 =	vld [tilespmem:s7+$0x0]  }
0x371: {  	v1 =	vld [tilespmem:s7+$0x10]  }
0x372: {  	v0 =	vld [tilespmem:s7+$0x20]  }
0x373: {  	v6 =	vld [tilespmem:s7+$0xFFFFFFC0]  }
0x374: {  	v8 =	vld.idx.msk [tilespmem:v7+s28+$0x0], $0xffff  }
0x375: {  	v9 =	vld.idx.msk [tilespmem:v5+s28+$0x0], $0xffff  }
0x376: {  	v10 =	vld.idx.msk [tilespmem:v4+s28+$0x0], $0xffff  }
0x377: {  	v11 =	vadd.s32 $0x3E8, v7;
	v12 =	vld.idx.msk [tilespmem:v3+s28+$0x0], $0xffff  }
0x378: {  	v13 =	vadd.s32 $0x3E8, v5;
	v14 =	vld.idx.msk [tilespmem:v2+s28+$0x0], $0xffff  }
0x379: {  	s5 =	simm.s32 $0xAE80;
	v15 =	vadd.s32 $0x3E8, v4;
	v16 =	vld.idx.msk [tilespmem:v1+s28+$0x0], $0xffff  }
0x37a: {  	v17 =	vadd.s32 $0x3E8, v3;
	v18 =	vld.idx.msk [tilespmem:v0+s28+$0x0], $0xffff;
	[tilespmem:s5+$0xFFFFE070] =	vst v8  }
0x37b: {  	v55 =	vadd.s32 $0x3E8, v1;
	v19 =	vld.idx.msk [tilespmem:v6+s28+$0x0], $0xffff;
	[tilespmem:s5+$0xFFFFE010] =	vst v9  }
0x37c: {  	v58 =	vadd.s32 $0x3E8, v6;
	[tilespmem:s5+$0xFFFFE020] =	vst v10;
	v54 =	vld.idx.msk [tilespmem:v11+s28+$0x0], $0xffff  }
0x37d: {  	v59 =	vadd.s32 $0x3E8, v0;
	[tilespmem:s5+$0xFFFFE030] =	vst v12;
	v56 =	vld.idx.msk [tilespmem:v13+s28+$0x0], $0xffff  }
0x37e: {  	v8 =	vadd.s32 $0x3E8, v2;
	[tilespmem:s5+$0xFFFFE040] =	vst v14;
	v15 =	vld.idx.msk [tilespmem:v15+s28+$0x0], $0xffff  }
0x37f: {  	v57 =	vadd.s32 $0x7D0, v7;
	[tilespmem:s5+$0xFFFFE050] =	vst v16;
	v17 =	vld.idx.msk [tilespmem:v17+s28+$0x0], $0xffff  }
0x380: {  	v60 =	vadd.s32 $0x7D0, v5;
	[tilespmem:s5+$0xFFFFE000] =	vst v19;
	v11 =	vld.idx.msk [tilespmem:v55+s28+$0x0], $0xffff  }
0x381: {  	v61 =	vadd.s32 $0x7D0, v4;
	[tilespmem:s5+$0xFFFFE060] =	vst v18;
	v13 =	vld.idx.msk [tilespmem:v58+s28+$0x0], $0xffff  }
0x382: {  	v62 =	vadd.s32 $0x7D0, v3;
	v21 =	vld.idx.msk [tilespmem:v59+s28+$0x0], $0xffff;
	[tilespmem:s5+$0xFFFFE870] =	vst v54  }
0x383: {  	v23 =	vadd.s32 $0x7D0, v6;
	v8 =	vld.idx.msk [tilespmem:v8+s28+$0x0], $0xffff;
	[tilespmem:s5+$0xFFFFE810] =	vst v56  }
0x384: {  	v24 =	vadd.s32 $0x7D0, v1;
	[tilespmem:s5+$0xFFFFE820] =	vst v15;
	v12 =	vld.idx.msk [tilespmem:v57+s28+$0x0], $0xffff  }
0x385: {  	v63 =	vadd.s32 $0x7D0, v2;
	[tilespmem:s5+$0xFFFFE830] =	vst v17;
	v16 =	vld.idx.msk [tilespmem:v60+s28+$0x0], $0xffff  }
0x386: {  	v22 =	vadd.s32 $0xBB8, v7;
	[tilespmem:s5+$0xFFFFE850] =	vst v11;
	v18 =	vld.idx.msk [tilespmem:v61+s28+$0x0], $0xffff  }
0x387: {  	v25 =	vadd.s32 $0xBB8, v5;
	[tilespmem:s5+$0xFFFFE800] =	vst v13;
	v9 =	vld.idx.msk [tilespmem:v62+s28+$0x0], $0xffff  }
0x388: {  	v26 =	vadd.s32 $0xBB8, v4;
	[tilespmem:s5+$0xFFFFE860] =	vst v21;
	v15 =	vld.idx.msk [tilespmem:v23+s28+$0x0], $0xffff  }
0x389: {  	v28 =	vadd.s32 $0xBB8, v3;
	v29 =	vld.idx.msk [tilespmem:v24+s28+$0x0], $0xffff;
	[tilespmem:s5+$0xFFFFE840] =	vst v8  }
0x38a: {  	v31 =	vadd.s32 $0xBB8, v6;
	v19 =	vld.idx.msk [tilespmem:v63+s28+$0x0], $0xffff;
	[tilespmem:s5+$0xFFFFF070] =	vst v12  }
0x38b: {  	v33 =	vadd.s32 $0xBB8, v1;
	[tilespmem:s5+$0xFFFFF010] =	vst v16;
	v27 =	vld.idx.msk [tilespmem:v22+s28+$0x0], $0xffff  }
0x38c: {  	v8 =	vadd.s32 $0x7D0, v0;
	[tilespmem:s5+$0xFFFFF020] =	vst v18;
	v11 =	vld.idx.msk [tilespmem:v25+s28+$0x0], $0xffff  }
0x38d: {  	v32 =	vadd.s32 $0xBB8, v2;
	[tilespmem:s5+$0xFFFFF030] =	vst v9;
	v12 =	vld.idx.msk [tilespmem:v26+s28+$0x0], $0xffff  }
0x38e: {  	v30 =	vadd.s32 $0xFA0, v7;
	[tilespmem:s5+$0xFFFFF000] =	vst v15;
	v14 =	vld.idx.msk [tilespmem:v28+s28+$0x0], $0xffff  }
0x38f: {  	v35 =	vadd.s32 $0xFA0, v5;
	[tilespmem:s5+$0xFFFFF050] =	vst v29;
	v17 =	vld.idx.msk [tilespmem:v31+s28+$0x0], $0xffff  }
0x390: {  	v37 =	vadd.s32 $0xFA0, v4;
	v9 =	vld.idx.msk [tilespmem:v33+s28+$0x0], $0xffff;
	[tilespmem:s5+$0xFFFFF040] =	vst v19  }
0x391: {  	v39 =	vadd.s32 $0xFA0, v6;
	v8 =	vld.idx.msk [tilespmem:v8+s28+$0x0], $0xffff;
	[tilespmem:s5+$0xFFFFF870] =	vst v27  }
0x392: {  	v40 =	vadd.s32 $0xFA0, v3;
	v38 =	vld.idx.msk [tilespmem:v32+s28+$0x0], $0xffff;
	[tilespmem:s5+$0xFFFFF810] =	vst v11  }
0x393: {  	v43 =	vadd.s32 $0xFA0, v1;
	[tilespmem:s5+$0xFFFFF820] =	vst v12;
	v36 =	vld.idx.msk [tilespmem:v30+s28+$0x0], $0xffff  }
0x394: {  	v34 =	vadd.s32 $0xBB8, v0;
	[tilespmem:s5+$0xFFFFF830] =	vst v14;
	v13 =	vld.idx.msk [tilespmem:v35+s28+$0x0], $0xffff  }
0x395: {  	v42 =	vadd.s32 $0xFA0, v2;
	[tilespmem:s5+$0xFFFFF800] =	vst v17;
	v16 =	vld.idx.msk [tilespmem:v37+s28+$0x0], $0xffff  }
0x396: {  	v18 =	vld.idx.msk [tilespmem:v39+s28+$0x0], $0xffff;
	[tilespmem:s5+$0xFFFFF060] =	vst v8;
	v8 =	vadd.s32 $0x1388, v7  }
0x397: {  	v45 =	vadd.s32 $0x1388, v5;
	[tilespmem:s5+$0xFFFFF850] =	vst v9;
	v46 =	vld.idx.msk [tilespmem:v40+s28+$0x0], $0xffff  }
0x398: {  	v48 =	vadd.s32 $0x1388, v6;
	v50 =	vld.idx.msk [tilespmem:v43+s28+$0x0], $0xffff;
	[tilespmem:s5+$0xFFFFF840] =	vst v38  }
0x399: {  	v49 =	vadd.s32 $0x1388, v4;
	v41 =	vld.idx.msk [tilespmem:v34+s28+$0x0], $0xffff;
	[tilespmem:s5+$0x70] =	vst v36  }
0x39a: {  	v44 =	vadd.s32 $0xFA0, v0;
	v19 =	vld.idx.msk [tilespmem:v42+s28+$0x0], $0xffff;
	[tilespmem:s5+$0x10] =	vst v13  }
0x39b: {  	v51 =	vadd.s32 $0x1388, v3;
	[tilespmem:s5+$0x20] =	vst v16;
	v8 =	vld.idx.msk [tilespmem:v8+s28+$0x0], $0xffff  }
0x39c: {  	v47 =	vadd.s32 $0x1770, v7;
	[tilespmem:s5+$0x0] =	vst v18;
	v17 =	vld.idx.msk [tilespmem:v45+s28+$0x0], $0xffff  }
0x39d: {  	v52 =	vadd.s32 $0x1388, v2;
	[tilespmem:s5+$0x30] =	vst v46;
	v11 =	vld.idx.msk [tilespmem:v48+s28+$0x0], $0xffff  }
0x39e: {  	v55 =	vadd.s32 $0x1770, v6;
	v54 =	vld.idx.msk [tilespmem:v49+s28+$0x0], $0xffff;
	[tilespmem:s5+$0xFFFFF860] =	vst v41  }
0x39f: {  	v56 =	vadd.s32 $0x1770, v5;
	[tilespmem:s5+$0x50] =	vst v50;
	v15 =	vld.idx.msk [tilespmem:v44+s28+$0x0], $0xffff  }
0x3a0: {  	v53 =	vadd.s32 $0x1388, v0;
	v14 =	vld.idx.msk [tilespmem:v51+s28+$0x0], $0xffff;
	[tilespmem:s5+$0x870] =	vst v8  }
0x3a1: {  	[tilespmem:s5+$0x40] =	vst v19;
	v8 =	vadd.s32 $0x1388, v1;
	v9 =	vld.idx.msk [tilespmem:v47+s28+$0x0], $0xffff  }
0x3a2: {  	v7 =	vadd.s32 $0x1B58, v7;
	v16 =	vld.idx.msk [tilespmem:v52+s28+$0x0], $0xffff;
	[tilespmem:s5+$0x800] =	vst v11  }
0x3a3: {  	v57 =	vadd.s32 $0x1770, v4;
	[tilespmem:s5+$0x810] =	vst v17;
	v12 =	vld.idx.msk [tilespmem:v55+s28+$0x0], $0xffff  }
0x3a4: {  	v58 =	vadd.s32 $0x1770, v3;
	v13 =	vld.idx.msk [tilespmem:v56+s28+$0x0], $0xffff;
	[tilespmem:s5+$0x60] =	vst v15  }
0x3a5: {  	v59 =	vadd.s32 $0x1770, v2;
	[tilespmem:s5+$0x820] =	vst v54;
	v18 =	vld.idx.msk [tilespmem:v53+s28+$0x0], $0xffff  }
0x3a6: {  	v6 =	vadd.s32 $0x1B58, v6;
	v8 =	vld.idx.msk [tilespmem:v8+s28+$0x0], $0xffff;
	[tilespmem:s5+$0x1070] =	vst v9  }
0x3a7: {  	v60 =	vadd.s32 $0x1770, v1;
	[tilespmem:s5+$0x830] =	vst v14;
	v7 =	vld.idx.msk [tilespmem:v7+s28+$0x0], $0xffff  }
0x3a8: {  	v61 =	vadd.s32 $0x1770, v0;
	v62 =	vld.idx.msk [tilespmem:v57+s28+$0x0], $0xffff;
	[tilespmem:s5+$0x840] =	vst v16  }
0x3a9: {  	v5 =	vadd.s32 $0x1B58, v5;
	v63 =	vld.idx.msk [tilespmem:v58+s28+$0x0], $0xffff;
	[tilespmem:s5+$0x1000] =	vst v12  }
0x3aa: {  	v3 =	vadd.s32 $0x1B58, v3;
	v9 =	vld.idx.msk [tilespmem:v59+s28+$0x0], $0xffff;
	[tilespmem:s5+$0x860] =	vst v18  }
0x3ab: {  	v12 =	vld.idx.msk [tilespmem:v6+s28+$0x0], $0xffff;
	[tilespmem:s5+$0x850] =	vst v8;
	v8 =	vadd.s32 $0x1B58, v4  }
0x3ac: {  	v11 =	vld.idx.msk [tilespmem:v60+s28+$0x0], $0xffff;
	[tilespmem:s5+$0x1870] =	vst v7;
	v7 =	vadd.s32 $0x1B58, v2  }
0x3ad: {  	v1 =	vadd.s32 $0x1B58, v1;
	[tilespmem:s5+$0x1010] =	vst v13;
	v10 =	vld.idx.msk [tilespmem:v61+s28+$0x0], $0xffff  }
0x3ae: {  	v0 =	vadd.s32 $0x1B58, v0;
	[tilespmem:s5+$0x1030] =	vst v63;
	v4 =	vld.idx.msk [tilespmem:v5+s28+$0x0], $0xffff  }
0x3af: {  	[tilespmem:s5+$0x1020] =	vst v62;
	v2 =	vld.idx.msk [tilespmem:v3+s28+$0x0], $0xffff  }
0x3b0: {  	[tilespmem:s5+$0x1040] =	vst v9;
	v5 =	vld.idx.msk [tilespmem:v8+s28+$0x0], $0xffff  }
0x3b1: {  	[tilespmem:s5+$0x1050] =	vst v11;
	v6 =	vld.idx.msk [tilespmem:v7+s28+$0x0], $0xffff  }
0x3b2: {  	[tilespmem:s5+$0x1060] =	vst v10;
	v3 =	vld.idx.msk [tilespmem:v1+s28+$0x0], $0xffff  }
0x3b3: {  	s6 =	simm.s32 $0x0;
	s7 =	simm.s32 $0x4740;
	[tilespmem:s5+$0x1800] =	vst v12;
	v1 =	vld.idx.msk [tilespmem:v0+s28+$0x0], $0xffff  }
.LBB2_12:
0x3b4: {  	v0 =	vld [tilespmem:s7+$0x30];
	s6 =	sadd.s32 $0x8, s6;
	[tilespmem:s5+$0x1810] =	vst v4  }
0x3b5: {  	v7 =	vld [tilespmem:s7+$0xFFFFFFD0];
	p0 =	slt.u32 s6, $0x78;
	[tilespmem:s5+$0x1820] =	vst v5  }
0x3b6: {  	v5 =	vld [tilespmem:s7+$0xFFFFFFE0];
	[tilespmem:s5+$0x1830] =	vst v2  }
0x3b7: {  	v2 =	vld [tilespmem:s7+$0xFFFFFFF0];
	[tilespmem:s5+$0x1840] =	vst v6  }
0x3b8: {  	v6 =	vld [tilespmem:s7+$0x0];
	[tilespmem:s5+$0x1850] =	vst v3  }
0x3b9: {  	v3 =	vld [tilespmem:s7+$0x10];
	[tilespmem:s5+$0x1860] =	vst v1  }
0x3ba: {  	v1 =	vadd.s32 $0x3E8, v7;
	v21 =	vadd.s32 $0x7D0, v7;
	v22 =	vadd.s32 $0xBB8, v7;
	v23 =	vld [tilespmem:s7+$0x20]  }
0x3bb: {  	v4 =	vld [tilespmem:s7+$0xFFFFFFC0];
	v8 =	vadd.s32 $0x3E8, v5;
	v24 =	vadd.s32 $0x7D0, v5;
	v25 =	vadd.s32 $0xBB8, v5  }
0x3bc: {  	v9 =	vadd.s32 $0x3E8, v2;
	v26 =	vadd.s32 $0x7D0, v2;
	v27 =	vadd.s32 $0xBB8, v2;
	v10 =	vld.idx.msk [tilespmem:v0+s28+$0x0], $0xffff  }
0x3bd: {  	v11 =	vld.idx.msk [tilespmem:v7+s28+$0x0], $0xffff;
	v12 =	vadd.s32 $0x3E8, v6;
	v28 =	vadd.s32 $0x7D0, v6;
	v29 =	vadd.s32 $0xBB8, v6  }
0x3be: {  	v14 =	vadd.s32 $0x3E8, v0;
	v13 =	vld.idx.msk [tilespmem:v5+s28+$0x0], $0xffff;
	v30 =	vadd.s32 $0x3E8, v3;
	v31 =	vadd.s32 $0x7D0, v3  }
0x3bf: {  	v32 =	vadd.s32 $0xBB8, v3;
	v16 =	vld.idx.msk [tilespmem:v2+s28+$0x0], $0xffff;
	v33 =	vadd.s32 $0x3E8, v23;
	v34 =	vadd.s32 $0x7D0, v23  }
0x3c0: {  	v35 =	vadd.s32 $0x3E8, v4;
	v36 =	vadd.s32 $0x7D0, v4;
	v37 =	vadd.s32 $0xBB8, v4;
	v20 =	vld.idx.msk [tilespmem:v6+s28+$0x0], $0xffff  }
0x3c1: {  	s5 =	sadd.s32 $0x80, s5;
	v39 =	vadd.s32 $0xFA0, v7;
	v41 =	vadd.s32 $0xBB8, v23;
	v38 =	vadd.s32 $0xFA0, v4;
	v40 =	vld.idx.msk [tilespmem:v3+s28+$0x0], $0xffff  }
0x3c2: {  	v42 =	vadd.s32 $0xFA0, v5;
	v43 =	vadd.s32 $0xFA0, v2;
	v44 =	vadd.s32 $0xFA0, v6;
	v45 =	vld.idx.msk [tilespmem:v23+s28+$0x0], $0xffff;
	[tilespmem:s5+$0xFFFFE070] =	vst v10  }
0x3c3: {  	v46 =	vadd.s32 $0xFA0, v3;
	v47 =	vadd.s32 $0xFA0, v23;
	v15 =	vadd.s32 $0x1388, v4;
	[tilespmem:s5+$0xFFFFE010] =	vst v11;
	v48 =	vld.idx.msk [tilespmem:v14+s28+$0x0], $0xffff  }
0x3c4: {  	v50 =	vadd.s32 $0x1388, v7;
	v19 =	vadd.s32 $0x1388, v5;
	v17 =	vadd.s32 $0x1388, v2;
	v49 =	vld.idx.msk [tilespmem:v4+s28+$0x0], $0xffff;
	[tilespmem:s5+$0xFFFFE020] =	vst v13  }
0x3c5: {  	v52 =	vadd.s32 $0x7D0, v0;
	v18 =	vadd.s32 $0x1388, v6;
	v51 =	vld.idx.msk [tilespmem:v1+s28+$0x0], $0xffff;
	[tilespmem:s5+$0xFFFFE030] =	vst v16;
	v16 =	vadd.s32 $0x1388, v3  }
0x3c6: {  	v10 =	vadd.s32 $0x1770, v7;
	v13 =	vadd.s32 $0x1770, v4;
	v53 =	vld.idx.msk [tilespmem:v8+s28+$0x0], $0xffff;
	[tilespmem:s5+$0xFFFFE040] =	vst v20;
	v20 =	vadd.s32 $0x1388, v23  }
0x3c7: {  	v14 =	vadd.s32 $0x1770, v5;
	v11 =	vadd.s32 $0x1770, v2;
	v8 =	vadd.s32 $0x1770, v6;
	v54 =	vld.idx.msk [tilespmem:v9+s28+$0x0], $0xffff;
	[tilespmem:s5+$0xFFFFE050] =	vst v40  }
0x3c8: {  	v4 =	vadd.s32 $0x1B58, v4;
	v9 =	vadd.s32 $0x1770, v23;
	v40 =	vld.idx.msk [tilespmem:v12+s28+$0x0], $0xffff;
	v12 =	vadd.s32 $0x1770, v3;
	[tilespmem:s5+$0xFFFFE060] =	vst v45  }
0x3c9: {  	v7 =	vadd.s32 $0x1B58, v7;
	v5 =	vadd.s32 $0x1B58, v5;
	v2 =	vadd.s32 $0x1B58, v2;
	v30 =	vld.idx.msk [tilespmem:v30+s28+$0x0], $0xffff;
	[tilespmem:s5+$0xFFFFE870] =	vst v48  }
0x3ca: {  	v1 =	vadd.s32 $0x1B58, v23;
	v6 =	vadd.s32 $0x1B58, v6;
	v3 =	vadd.s32 $0x1B58, v3;
	[tilespmem:s5+$0xFFFFE000] =	vst v49;
	v23 =	vld.idx.msk [tilespmem:v52+s28+$0x0], $0xffff  }
0x3cb: {  	v35 =	vld.idx.msk [tilespmem:v35+s28+$0x0], $0xffff;
	[tilespmem:s5+$0xFFFFE810] =	vst v51  }
0x3cc: {  	v45 =	vadd.s32 $0xBB8, v0;
	[tilespmem:s5+$0xFFFFE820] =	vst v53;
	v33 =	vld.idx.msk [tilespmem:v33+s28+$0x0], $0xffff  }
0x3cd: {  	v21 =	vld.idx.msk [tilespmem:v21+s28+$0x0], $0xffff;
	[tilespmem:s5+$0xFFFFE830] =	vst v54  }
0x3ce: {  	v24 =	vld.idx.msk [tilespmem:v24+s28+$0x0], $0xffff;
	[tilespmem:s5+$0xFFFFE840] =	vst v40  }
0x3cf: {  	v26 =	vld.idx.msk [tilespmem:v26+s28+$0x0], $0xffff;
	[tilespmem:s5+$0xFFFFE850] =	vst v30  }
0x3d0: {  	v28 =	vld.idx.msk [tilespmem:v28+s28+$0x0], $0xffff;
	[tilespmem:s5+$0xFFFFF070] =	vst v23  }
0x3d1: {  	[tilespmem:s5+$0xFFFFE800] =	vst v35;
	v23 =	vld.idx.msk [tilespmem:v45+s28+$0x0], $0xffff  }
0x3d2: {  	v30 =	vld.idx.msk [tilespmem:v36+s28+$0x0], $0xffff;
	[tilespmem:s5+$0xFFFFE860] =	vst v33  }
0x3d3: {  	[tilespmem:s5+$0xFFFFF010] =	vst v21;
	v21 =	vld.idx.msk [tilespmem:v31+s28+$0x0], $0xffff;
	v31 =	vadd.s32 $0xFA0, v0  }
0x3d4: {  	[tilespmem:s5+$0xFFFFF020] =	vst v24;
	v24 =	vld.idx.msk [tilespmem:v34+s28+$0x0], $0xffff  }
0x3d5: {  	v22 =	vld.idx.msk [tilespmem:v22+s28+$0x0], $0xffff;
	[tilespmem:s5+$0xFFFFF030] =	vst v26  }
0x3d6: {  	v25 =	vld.idx.msk [tilespmem:v25+s28+$0x0], $0xffff;
	[tilespmem:s5+$0xFFFFF040] =	vst v28  }
0x3d7: {  	v26 =	vld.idx.msk [tilespmem:v27+s28+$0x0], $0xffff;
	[tilespmem:s5+$0xFFFFF870] =	vst v23  }
0x3d8: {  	[tilespmem:s5+$0xFFFFF000] =	vst v30;
	v23 =	vld.idx.msk [tilespmem:v31+s28+$0x0], $0xffff  }
0x3d9: {  	v27 =	vld.idx.msk [tilespmem:v37+s28+$0x0], $0xffff;
	[tilespmem:s5+$0xFFFFF050] =	vst v21  }
0x3da: {  	v21 =	vld.idx.msk [tilespmem:v29+s28+$0x0], $0xffff;
	[tilespmem:s5+$0xFFFFF060] =	vst v24;
	v24 =	vadd.s32 $0x1388, v0  }
0x3db: {  	[tilespmem:s5+$0xFFFFF810] =	vst v22;
	v22 =	vld.idx.msk [tilespmem:v32+s28+$0x0], $0xffff  }
0x3dc: {  	[tilespmem:s5+$0xFFFFF820] =	vst v25;
	v25 =	vld.idx.msk [tilespmem:v41+s28+$0x0], $0xffff  }
0x3dd: {  	v28 =	vld.idx.msk [tilespmem:v39+s28+$0x0], $0xffff;
	[tilespmem:s5+$0xFFFFF830] =	vst v26  }
0x3de: {  	v26 =	vld.idx.msk [tilespmem:v42+s28+$0x0], $0xffff;
	[tilespmem:s5+$0x70] =	vst v23  }
0x3df: {  	[tilespmem:s5+$0xFFFFF800] =	vst v27;
	v23 =	vld.idx.msk [tilespmem:v24+s28+$0x0], $0xffff  }
0x3e0: {  	v24 =	vld.idx.msk [tilespmem:v38+s28+$0x0], $0xffff;
	[tilespmem:s5+$0xFFFFF840] =	vst v21  }
0x3e1: {  	v21 =	vld.idx.msk [tilespmem:v43+s28+$0x0], $0xffff;
	[tilespmem:s5+$0xFFFFF850] =	vst v22;
	v22 =	vadd.s32 $0x1770, v0  }
0x3e2: {  	v27 =	vld.idx.msk [tilespmem:v44+s28+$0x0], $0xffff;
	[tilespmem:s5+$0xFFFFF860] =	vst v25  }
0x3e3: {  	[tilespmem:s5+$0x10] =	vst v28;
	v25 =	vld.idx.msk [tilespmem:v46+s28+$0x0], $0xffff  }
0x3e4: {  	[tilespmem:s5+$0x20] =	vst v26;
	v26 =	vld.idx.msk [tilespmem:v47+s28+$0x0], $0xffff  }
0x3e5: {  	v28 =	vld.idx.msk [tilespmem:v50+s28+$0x0], $0xffff;
	[tilespmem:s5+$0x870] =	vst v23  }
0x3e6: {  	[tilespmem:s5+$0x0] =	vst v24;
	v22 =	vld.idx.msk [tilespmem:v22+s28+$0x0], $0xffff  }
0x3e7: {  	v15 =	vld.idx.msk [tilespmem:v15+s28+$0x0], $0xffff;
	[tilespmem:s5+$0x30] =	vst v21  }
0x3e8: {  	v0 =	vadd.s32 $0x1B58, v0;
	v19 =	vld.idx.msk [tilespmem:v19+s28+$0x0], $0xffff;
	[tilespmem:s5+$0x40] =	vst v27  }
0x3e9: {  	v17 =	vld.idx.msk [tilespmem:v17+s28+$0x0], $0xffff;
	[tilespmem:s5+$0x50] =	vst v25  }
0x3ea: {  	v18 =	vld.idx.msk [tilespmem:v18+s28+$0x0], $0xffff;
	[tilespmem:s5+$0x60] =	vst v26  }
0x3eb: {  	[tilespmem:s5+$0x810] =	vst v28;
	v16 =	vld.idx.msk [tilespmem:v16+s28+$0x0], $0xffff  }
0x3ec: {  	v20 =	vld.idx.msk [tilespmem:v20+s28+$0x0], $0xffff;
	[tilespmem:s5+$0x1070] =	vst v22  }
0x3ed: {  	[tilespmem:s5+$0x800] =	vst v15;
	v0 =	vld.idx.msk [tilespmem:v0+s28+$0x0], $0xffff  }
0x3ee: {  	v13 =	vld.idx.msk [tilespmem:v13+s28+$0x0], $0xffff;
	[tilespmem:s5+$0x820] =	vst v19  }
0x3ef: {  	v10 =	vld.idx.msk [tilespmem:v10+s28+$0x0], $0xffff;
	[tilespmem:s5+$0x830] =	vst v17  }
0x3f0: {  	v14 =	vld.idx.msk [tilespmem:v14+s28+$0x0], $0xffff;
	[tilespmem:s5+$0x840] =	vst v18  }
0x3f1: {  	v11 =	vld.idx.msk [tilespmem:v11+s28+$0x0], $0xffff;
	[tilespmem:s5+$0x850] =	vst v16  }
0x3f2: {  	v8 =	vld.idx.msk [tilespmem:v8+s28+$0x0], $0xffff;
	[tilespmem:s5+$0x860] =	vst v20  }
0x3f3: {  	v12 =	vld.idx.msk [tilespmem:v12+s28+$0x0], $0xffff;
	[tilespmem:s5+$0x1870] =	vst v0  }
0x3f4: {  	[tilespmem:s5+$0x1000] =	vst v13;
	v0 =	vld.idx.msk [tilespmem:v9+s28+$0x0], $0xffff  }
0x3f5: {  	v9 =	vld.idx.msk [tilespmem:v4+s28+$0x0], $0xffff;
	[tilespmem:s5+$0x1010] =	vst v10  }
0x3f6: {  	v4 =	vld.idx.msk [tilespmem:v7+s28+$0x0], $0xffff;
	[tilespmem:s5+$0x1020] =	vst v14  }
.Ltmp5:
0x3f7: {  	v5 =	vld.idx.msk [tilespmem:v5+s28+$0x0], $0xffff;
	[tilespmem:s5+$0x1030] =	vst v11;
	(pc) =	sbr.rel @p0 .LBB2_12-.Ltmp5, $4  }
0x3f8: {  	v2 =	vld.idx.msk [tilespmem:v2+s28+$0x0], $0xffff;
	[tilespmem:s5+$0x1040] =	vst v8  }
0x3f9: {  	v6 =	vld.idx.msk [tilespmem:v6+s28+$0x0], $0xffff;
	[tilespmem:s5+$0x1050] =	vst v12  }
0x3fa: {  	v3 =	vld.idx.msk [tilespmem:v3+s28+$0x0], $0xffff;
	[tilespmem:s5+$0x1060] =	vst v0  }
0x3fb: {  	s7 =	sadd.s32 $0x80, s7;
	[tilespmem:s5+$0x1800] =	vst v9;
	v1 =	vld.idx.msk [tilespmem:v1+s28+$0x0], $0xffff  }
0x3fc: {  	[tilespmem:s5+$0x1810] =	vst v4  }
0x3fd: {  	[tilespmem:s5+$0x1820] =	vst v5  }
0x3fe: {  	[tilespmem:s5+$0x1830] =	vst v2  }
0x3ff: {  	[tilespmem:s5+$0x1840] =	vst v6  }
0x400: {  	[tilespmem:s5+$0x1850] =	vst v3  }
0x401: {  	[tilespmem:s5+$0x1860] =	vst v1  }
0x402: {  	[hbm4b:s22+s30] =	stream.strided.scatter [tilespmem:s1], [sflag:$0x4], $0x4000, s31, s30, $0x38;
	[tilespmem:$0xCE80] =	vst v63  }
0x403: {  	_ =	swait.ge [sflag:s26], $0x1F40  }
0x404: {  	[sflag:s26] =	ssyncset.done $0x0  }
0x405: {  	[sflag:s26] =	ssyncadd.s32 $0xFFFFE0C0  }
0x406: {  	_ =	swait.ge [sflag:s26], $0x800  }
0x407: {  	[sflag:s26] =	ssyncset.done $0x0  }
0x408: {  	[sflag:s26] =	ssyncadd.s32 $0xFFFFF800  }
0x409: {  	_ =	swait.ge [sflag:s2], $0x4000  }
0x40a: {  	[sflag:s2] =	ssyncset.done $0x0  }
0x40b: {  	s7 =	simm.s32 $0x3EC0;
	[sflag:s2] =	ssyncadd.s32 $0xFFFFC000  }
0x40c: {  	v7 =	vld [tilespmem:s7+$0x30]  }
0x40d: {  	v5 =	vld [tilespmem:s7+$0xFFFFFFD0]  }
0x40e: {  	v4 =	vld [tilespmem:s7+$0xFFFFFFE0]  }
0x40f: {  	v3 =	vld [tilespmem:s7+$0xFFFFFFF0]  }
0x410: {  	v2 =	vld [tilespmem:s7+$0x0]  }
0x411: {  	v1 =	vld [tilespmem:s7+$0x10]  }
0x412: {  	v0 =	vld [tilespmem:s7+$0x20]  }
0x413: {  	v6 =	vld [tilespmem:s7+$0xFFFFFFC0]  }
0x414: {  	v8 =	vld.idx.msk [tilespmem:v7+s16+$0x0], $0xffff  }
0x415: {  	v9 =	vld.idx.msk [tilespmem:v5+s16+$0x0], $0xffff  }
0x416: {  	v10 =	vld.idx.msk [tilespmem:v4+s16+$0x0], $0xffff  }
0x417: {  	v11 =	vadd.s32 $0x3E8, v7;
	v12 =	vld.idx.msk [tilespmem:v3+s16+$0x0], $0xffff  }
0x418: {  	v13 =	vadd.s32 $0x3E8, v5;
	v14 =	vld.idx.msk [tilespmem:v2+s16+$0x0], $0xffff  }
0x419: {  	s5 =	simm.s32 $0x6E80;
	v15 =	vadd.s32 $0x3E8, v4;
	v16 =	vld.idx.msk [tilespmem:v1+s16+$0x0], $0xffff  }
0x41a: {  	v17 =	vadd.s32 $0x3E8, v3;
	v18 =	vld.idx.msk [tilespmem:v0+s16+$0x0], $0xffff;
	[tilespmem:s5+$0xFFFFE070] =	vst v8  }
0x41b: {  	v55 =	vadd.s32 $0x3E8, v1;
	v19 =	vld.idx.msk [tilespmem:v6+s16+$0x0], $0xffff;
	[tilespmem:s5+$0xFFFFE010] =	vst v9  }
0x41c: {  	v58 =	vadd.s32 $0x3E8, v6;
	[tilespmem:s5+$0xFFFFE020] =	vst v10;
	v54 =	vld.idx.msk [tilespmem:v11+s16+$0x0], $0xffff  }
0x41d: {  	v59 =	vadd.s32 $0x3E8, v0;
	[tilespmem:s5+$0xFFFFE030] =	vst v12;
	v56 =	vld.idx.msk [tilespmem:v13+s16+$0x0], $0xffff  }
0x41e: {  	v8 =	vadd.s32 $0x3E8, v2;
	[tilespmem:s5+$0xFFFFE040] =	vst v14;
	v15 =	vld.idx.msk [tilespmem:v15+s16+$0x0], $0xffff  }
0x41f: {  	v57 =	vadd.s32 $0x7D0, v7;
	[tilespmem:s5+$0xFFFFE050] =	vst v16;
	v17 =	vld.idx.msk [tilespmem:v17+s16+$0x0], $0xffff  }
0x420: {  	v60 =	vadd.s32 $0x7D0, v5;
	[tilespmem:s5+$0xFFFFE000] =	vst v19;
	v11 =	vld.idx.msk [tilespmem:v55+s16+$0x0], $0xffff  }
0x421: {  	v61 =	vadd.s32 $0x7D0, v4;
	[tilespmem:s5+$0xFFFFE060] =	vst v18;
	v13 =	vld.idx.msk [tilespmem:v58+s16+$0x0], $0xffff  }
0x422: {  	v62 =	vadd.s32 $0x7D0, v3;
	v21 =	vld.idx.msk [tilespmem:v59+s16+$0x0], $0xffff;
	[tilespmem:s5+$0xFFFFE870] =	vst v54  }
0x423: {  	v23 =	vadd.s32 $0x7D0, v6;
	v8 =	vld.idx.msk [tilespmem:v8+s16+$0x0], $0xffff;
	[tilespmem:s5+$0xFFFFE810] =	vst v56  }
0x424: {  	v24 =	vadd.s32 $0x7D0, v1;
	[tilespmem:s5+$0xFFFFE820] =	vst v15;
	v12 =	vld.idx.msk [tilespmem:v57+s16+$0x0], $0xffff  }
0x425: {  	v63 =	vadd.s32 $0x7D0, v2;
	[tilespmem:s5+$0xFFFFE830] =	vst v17;
	v16 =	vld.idx.msk [tilespmem:v60+s16+$0x0], $0xffff  }
0x426: {  	v22 =	vadd.s32 $0xBB8, v7;
	[tilespmem:s5+$0xFFFFE850] =	vst v11;
	v18 =	vld.idx.msk [tilespmem:v61+s16+$0x0], $0xffff  }
0x427: {  	v25 =	vadd.s32 $0xBB8, v5;
	[tilespmem:s5+$0xFFFFE800] =	vst v13;
	v9 =	vld.idx.msk [tilespmem:v62+s16+$0x0], $0xffff  }
0x428: {  	v26 =	vadd.s32 $0xBB8, v4;
	[tilespmem:s5+$0xFFFFE860] =	vst v21;
	v15 =	vld.idx.msk [tilespmem:v23+s16+$0x0], $0xffff  }
0x429: {  	v28 =	vadd.s32 $0xBB8, v3;
	v29 =	vld.idx.msk [tilespmem:v24+s16+$0x0], $0xffff;
	[tilespmem:s5+$0xFFFFE840] =	vst v8  }
0x42a: {  	v31 =	vadd.s32 $0xBB8, v6;
	v19 =	vld.idx.msk [tilespmem:v63+s16+$0x0], $0xffff;
	[tilespmem:s5+$0xFFFFF070] =	vst v12  }
0x42b: {  	v33 =	vadd.s32 $0xBB8, v1;
	[tilespmem:s5+$0xFFFFF010] =	vst v16;
	v27 =	vld.idx.msk [tilespmem:v22+s16+$0x0], $0xffff  }
0x42c: {  	v8 =	vadd.s32 $0x7D0, v0;
	[tilespmem:s5+$0xFFFFF020] =	vst v18;
	v11 =	vld.idx.msk [tilespmem:v25+s16+$0x0], $0xffff  }
0x42d: {  	v32 =	vadd.s32 $0xBB8, v2;
	[tilespmem:s5+$0xFFFFF030] =	vst v9;
	v12 =	vld.idx.msk [tilespmem:v26+s16+$0x0], $0xffff  }
0x42e: {  	v30 =	vadd.s32 $0xFA0, v7;
	[tilespmem:s5+$0xFFFFF000] =	vst v15;
	v14 =	vld.idx.msk [tilespmem:v28+s16+$0x0], $0xffff  }
0x42f: {  	v35 =	vadd.s32 $0xFA0, v5;
	[tilespmem:s5+$0xFFFFF050] =	vst v29;
	v17 =	vld.idx.msk [tilespmem:v31+s16+$0x0], $0xffff  }
0x430: {  	v37 =	vadd.s32 $0xFA0, v4;
	v9 =	vld.idx.msk [tilespmem:v33+s16+$0x0], $0xffff;
	[tilespmem:s5+$0xFFFFF040] =	vst v19  }
0x431: {  	v39 =	vadd.s32 $0xFA0, v6;
	v8 =	vld.idx.msk [tilespmem:v8+s16+$0x0], $0xffff;
	[tilespmem:s5+$0xFFFFF870] =	vst v27  }
0x432: {  	v40 =	vadd.s32 $0xFA0, v3;
	v38 =	vld.idx.msk [tilespmem:v32+s16+$0x0], $0xffff;
	[tilespmem:s5+$0xFFFFF810] =	vst v11  }
0x433: {  	v43 =	vadd.s32 $0xFA0, v1;
	[tilespmem:s5+$0xFFFFF820] =	vst v12;
	v36 =	vld.idx.msk [tilespmem:v30+s16+$0x0], $0xffff  }
0x434: {  	v34 =	vadd.s32 $0xBB8, v0;
	[tilespmem:s5+$0xFFFFF830] =	vst v14;
	v13 =	vld.idx.msk [tilespmem:v35+s16+$0x0], $0xffff  }
0x435: {  	v42 =	vadd.s32 $0xFA0, v2;
	[tilespmem:s5+$0xFFFFF800] =	vst v17;
	v16 =	vld.idx.msk [tilespmem:v37+s16+$0x0], $0xffff  }
0x436: {  	v18 =	vld.idx.msk [tilespmem:v39+s16+$0x0], $0xffff;
	[tilespmem:s5+$0xFFFFF060] =	vst v8;
	v8 =	vadd.s32 $0x1388, v7  }
0x437: {  	v45 =	vadd.s32 $0x1388, v5;
	[tilespmem:s5+$0xFFFFF850] =	vst v9;
	v46 =	vld.idx.msk [tilespmem:v40+s16+$0x0], $0xffff  }
0x438: {  	v48 =	vadd.s32 $0x1388, v6;
	v50 =	vld.idx.msk [tilespmem:v43+s16+$0x0], $0xffff;
	[tilespmem:s5+$0xFFFFF840] =	vst v38  }
0x439: {  	v49 =	vadd.s32 $0x1388, v4;
	v41 =	vld.idx.msk [tilespmem:v34+s16+$0x0], $0xffff;
	[tilespmem:s5+$0x70] =	vst v36  }
0x43a: {  	v44 =	vadd.s32 $0xFA0, v0;
	v19 =	vld.idx.msk [tilespmem:v42+s16+$0x0], $0xffff;
	[tilespmem:s5+$0x10] =	vst v13  }
0x43b: {  	v51 =	vadd.s32 $0x1388, v3;
	[tilespmem:s5+$0x20] =	vst v16;
	v8 =	vld.idx.msk [tilespmem:v8+s16+$0x0], $0xffff  }
0x43c: {  	v47 =	vadd.s32 $0x1770, v7;
	[tilespmem:s5+$0x0] =	vst v18;
	v17 =	vld.idx.msk [tilespmem:v45+s16+$0x0], $0xffff  }
0x43d: {  	v52 =	vadd.s32 $0x1388, v2;
	[tilespmem:s5+$0x30] =	vst v46;
	v11 =	vld.idx.msk [tilespmem:v48+s16+$0x0], $0xffff  }
0x43e: {  	v55 =	vadd.s32 $0x1770, v6;
	v54 =	vld.idx.msk [tilespmem:v49+s16+$0x0], $0xffff;
	[tilespmem:s5+$0xFFFFF860] =	vst v41  }
0x43f: {  	v56 =	vadd.s32 $0x1770, v5;
	[tilespmem:s5+$0x50] =	vst v50;
	v15 =	vld.idx.msk [tilespmem:v44+s16+$0x0], $0xffff  }
0x440: {  	v53 =	vadd.s32 $0x1388, v0;
	v14 =	vld.idx.msk [tilespmem:v51+s16+$0x0], $0xffff;
	[tilespmem:s5+$0x870] =	vst v8  }
0x441: {  	[tilespmem:s5+$0x40] =	vst v19;
	v8 =	vadd.s32 $0x1388, v1;
	v9 =	vld.idx.msk [tilespmem:v47+s16+$0x0], $0xffff  }
0x442: {  	v7 =	vadd.s32 $0x1B58, v7;
	v16 =	vld.idx.msk [tilespmem:v52+s16+$0x0], $0xffff;
	[tilespmem:s5+$0x800] =	vst v11  }
0x443: {  	v57 =	vadd.s32 $0x1770, v4;
	[tilespmem:s5+$0x810] =	vst v17;
	v12 =	vld.idx.msk [tilespmem:v55+s16+$0x0], $0xffff  }
0x444: {  	v58 =	vadd.s32 $0x1770, v3;
	v13 =	vld.idx.msk [tilespmem:v56+s16+$0x0], $0xffff;
	[tilespmem:s5+$0x60] =	vst v15  }
0x445: {  	v59 =	vadd.s32 $0x1770, v2;
	[tilespmem:s5+$0x820] =	vst v54;
	v18 =	vld.idx.msk [tilespmem:v53+s16+$0x0], $0xffff  }
0x446: {  	v6 =	vadd.s32 $0x1B58, v6;
	v8 =	vld.idx.msk [tilespmem:v8+s16+$0x0], $0xffff;
	[tilespmem:s5+$0x1070] =	vst v9  }
0x447: {  	v60 =	vadd.s32 $0x1770, v1;
	[tilespmem:s5+$0x830] =	vst v14;
	v7 =	vld.idx.msk [tilespmem:v7+s16+$0x0], $0xffff  }
0x448: {  	v61 =	vadd.s32 $0x1770, v0;
	v62 =	vld.idx.msk [tilespmem:v57+s16+$0x0], $0xffff;
	[tilespmem:s5+$0x840] =	vst v16  }
0x449: {  	v5 =	vadd.s32 $0x1B58, v5;
	v63 =	vld.idx.msk [tilespmem:v58+s16+$0x0], $0xffff;
	[tilespmem:s5+$0x1000] =	vst v12  }
0x44a: {  	v3 =	vadd.s32 $0x1B58, v3;
	v9 =	vld.idx.msk [tilespmem:v59+s16+$0x0], $0xffff;
	[tilespmem:s5+$0x860] =	vst v18  }
0x44b: {  	v12 =	vld.idx.msk [tilespmem:v6+s16+$0x0], $0xffff;
	[tilespmem:s5+$0x850] =	vst v8;
	v8 =	vadd.s32 $0x1B58, v4  }
0x44c: {  	v11 =	vld.idx.msk [tilespmem:v60+s16+$0x0], $0xffff;
	[tilespmem:s5+$0x1870] =	vst v7;
	v7 =	vadd.s32 $0x1B58, v2  }
0x44d: {  	v1 =	vadd.s32 $0x1B58, v1;
	[tilespmem:s5+$0x1010] =	vst v13;
	v10 =	vld.idx.msk [tilespmem:v61+s16+$0x0], $0xffff  }
0x44e: {  	v0 =	vadd.s32 $0x1B58, v0;
	[tilespmem:s5+$0x1030] =	vst v63;
	v4 =	vld.idx.msk [tilespmem:v5+s16+$0x0], $0xffff  }
0x44f: {  	[tilespmem:s5+$0x1020] =	vst v62;
	v2 =	vld.idx.msk [tilespmem:v3+s16+$0x0], $0xffff  }
0x450: {  	[tilespmem:s5+$0x1040] =	vst v9;
	v5 =	vld.idx.msk [tilespmem:v8+s16+$0x0], $0xffff  }
0x451: {  	[tilespmem:s5+$0x1050] =	vst v11;
	v6 =	vld.idx.msk [tilespmem:v7+s16+$0x0], $0xffff  }
0x452: {  	[tilespmem:s5+$0x1060] =	vst v10;
	v3 =	vld.idx.msk [tilespmem:v1+s16+$0x0], $0xffff  }
0x453: {  	s6 =	simm.s32 $0x0;
	s7 =	simm.s32 $0x3F40;
	[tilespmem:s5+$0x1800] =	vst v12;
	v1 =	vld.idx.msk [tilespmem:v0+s16+$0x0], $0xffff  }
.LBB2_14:
0x454: {  	v0 =	vld [tilespmem:s7+$0x30];
	s6 =	sadd.s32 $0x8, s6;
	[tilespmem:s5+$0x1810] =	vst v4  }
0x455: {  	v7 =	vld [tilespmem:s7+$0xFFFFFFD0];
	p0 =	slt.u32 s6, $0x78;
	[tilespmem:s5+$0x1820] =	vst v5  }
0x456: {  	v5 =	vld [tilespmem:s7+$0xFFFFFFE0];
	[tilespmem:s5+$0x1830] =	vst v2  }
0x457: {  	v2 =	vld [tilespmem:s7+$0xFFFFFFF0];
	[tilespmem:s5+$0x1840] =	vst v6  }
0x458: {  	v6 =	vld [tilespmem:s7+$0x0];
	[tilespmem:s5+$0x1850] =	vst v3  }
0x459: {  	v3 =	vld [tilespmem:s7+$0x10];
	[tilespmem:s5+$0x1860] =	vst v1  }
0x45a: {  	v1 =	vadd.s32 $0x3E8, v7;
	v21 =	vadd.s32 $0x7D0, v7;
	v22 =	vadd.s32 $0xBB8, v7;
	v23 =	vld [tilespmem:s7+$0x20]  }
0x45b: {  	v4 =	vld [tilespmem:s7+$0xFFFFFFC0];
	v8 =	vadd.s32 $0x3E8, v5;
	v24 =	vadd.s32 $0x7D0, v5;
	v25 =	vadd.s32 $0xBB8, v5  }
0x45c: {  	v9 =	vadd.s32 $0x3E8, v2;
	v26 =	vadd.s32 $0x7D0, v2;
	v27 =	vadd.s32 $0xBB8, v2;
	v10 =	vld.idx.msk [tilespmem:v0+s16+$0x0], $0xffff  }
0x45d: {  	v11 =	vld.idx.msk [tilespmem:v7+s16+$0x0], $0xffff;
	v12 =	vadd.s32 $0x3E8, v6;
	v28 =	vadd.s32 $0x7D0, v6;
	v29 =	vadd.s32 $0xBB8, v6  }
0x45e: {  	v14 =	vadd.s32 $0x3E8, v0;
	v13 =	vld.idx.msk [tilespmem:v5+s16+$0x0], $0xffff;
	v30 =	vadd.s32 $0x3E8, v3;
	v31 =	vadd.s32 $0x7D0, v3  }
0x45f: {  	v32 =	vadd.s32 $0xBB8, v3;
	v16 =	vld.idx.msk [tilespmem:v2+s16+$0x0], $0xffff;
	v33 =	vadd.s32 $0x3E8, v23;
	v34 =	vadd.s32 $0x7D0, v23  }
0x460: {  	v35 =	vadd.s32 $0x3E8, v4;
	v36 =	vadd.s32 $0x7D0, v4;
	v37 =	vadd.s32 $0xBB8, v4;
	v20 =	vld.idx.msk [tilespmem:v6+s16+$0x0], $0xffff  }
0x461: {  	s5 =	sadd.s32 $0x80, s5;
	v39 =	vadd.s32 $0xFA0, v7;
	v41 =	vadd.s32 $0xBB8, v23;
	v38 =	vadd.s32 $0xFA0, v4;
	v40 =	vld.idx.msk [tilespmem:v3+s16+$0x0], $0xffff  }
0x462: {  	v42 =	vadd.s32 $0xFA0, v5;
	v43 =	vadd.s32 $0xFA0, v2;
	v44 =	vadd.s32 $0xFA0, v6;
	v45 =	vld.idx.msk [tilespmem:v23+s16+$0x0], $0xffff;
	[tilespmem:s5+$0xFFFFE070] =	vst v10  }
0x463: {  	v46 =	vadd.s32 $0xFA0, v3;
	v47 =	vadd.s32 $0xFA0, v23;
	v15 =	vadd.s32 $0x1388, v4;
	[tilespmem:s5+$0xFFFFE010] =	vst v11;
	v48 =	vld.idx.msk [tilespmem:v14+s16+$0x0], $0xffff  }
0x464: {  	v50 =	vadd.s32 $0x1388, v7;
	v19 =	vadd.s32 $0x1388, v5;
	v17 =	vadd.s32 $0x1388, v2;
	v49 =	vld.idx.msk [tilespmem:v4+s16+$0x0], $0xffff;
	[tilespmem:s5+$0xFFFFE020] =	vst v13  }
0x465: {  	v52 =	vadd.s32 $0x7D0, v0;
	v18 =	vadd.s32 $0x1388, v6;
	v51 =	vld.idx.msk [tilespmem:v1+s16+$0x0], $0xffff;
	[tilespmem:s5+$0xFFFFE030] =	vst v16;
	v16 =	vadd.s32 $0x1388, v3  }
0x466: {  	v10 =	vadd.s32 $0x1770, v7;
	v13 =	vadd.s32 $0x1770, v4;
	v53 =	vld.idx.msk [tilespmem:v8+s16+$0x0], $0xffff;
	[tilespmem:s5+$0xFFFFE040] =	vst v20;
	v20 =	vadd.s32 $0x1388, v23  }
0x467: {  	v14 =	vadd.s32 $0x1770, v5;
	v11 =	vadd.s32 $0x1770, v2;
	v8 =	vadd.s32 $0x1770, v6;
	v54 =	vld.idx.msk [tilespmem:v9+s16+$0x0], $0xffff;
	[tilespmem:s5+$0xFFFFE050] =	vst v40  }
0x468: {  	v4 =	vadd.s32 $0x1B58, v4;
	v9 =	vadd.s32 $0x1770, v23;
	v40 =	vld.idx.msk [tilespmem:v12+s16+$0x0], $0xffff;
	v12 =	vadd.s32 $0x1770, v3;
	[tilespmem:s5+$0xFFFFE060] =	vst v45  }
0x469: {  	v7 =	vadd.s32 $0x1B58, v7;
	v5 =	vadd.s32 $0x1B58, v5;
	v2 =	vadd.s32 $0x1B58, v2;
	v30 =	vld.idx.msk [tilespmem:v30+s16+$0x0], $0xffff;
	[tilespmem:s5+$0xFFFFE870] =	vst v48  }
0x46a: {  	v1 =	vadd.s32 $0x1B58, v23;
	v6 =	vadd.s32 $0x1B58, v6;
	v3 =	vadd.s32 $0x1B58, v3;
	[tilespmem:s5+$0xFFFFE000] =	vst v49;
	v23 =	vld.idx.msk [tilespmem:v52+s16+$0x0], $0xffff  }
0x46b: {  	v35 =	vld.idx.msk [tilespmem:v35+s16+$0x0], $0xffff;
	[tilespmem:s5+$0xFFFFE810] =	vst v51  }
0x46c: {  	v45 =	vadd.s32 $0xBB8, v0;
	[tilespmem:s5+$0xFFFFE820] =	vst v53;
	v33 =	vld.idx.msk [tilespmem:v33+s16+$0x0], $0xffff  }
0x46d: {  	v21 =	vld.idx.msk [tilespmem:v21+s16+$0x0], $0xffff;
	[tilespmem:s5+$0xFFFFE830] =	vst v54  }
0x46e: {  	v24 =	vld.idx.msk [tilespmem:v24+s16+$0x0], $0xffff;
	[tilespmem:s5+$0xFFFFE840] =	vst v40  }
0x46f: {  	v26 =	vld.idx.msk [tilespmem:v26+s16+$0x0], $0xffff;
	[tilespmem:s5+$0xFFFFE850] =	vst v30  }
0x470: {  	v28 =	vld.idx.msk [tilespmem:v28+s16+$0x0], $0xffff;
	[tilespmem:s5+$0xFFFFF070] =	vst v23  }
0x471: {  	[tilespmem:s5+$0xFFFFE800] =	vst v35;
	v23 =	vld.idx.msk [tilespmem:v45+s16+$0x0], $0xffff  }
0x472: {  	v30 =	vld.idx.msk [tilespmem:v36+s16+$0x0], $0xffff;
	[tilespmem:s5+$0xFFFFE860] =	vst v33  }
0x473: {  	[tilespmem:s5+$0xFFFFF010] =	vst v21;
	v21 =	vld.idx.msk [tilespmem:v31+s16+$0x0], $0xffff;
	v31 =	vadd.s32 $0xFA0, v0  }
0x474: {  	[tilespmem:s5+$0xFFFFF020] =	vst v24;
	v24 =	vld.idx.msk [tilespmem:v34+s16+$0x0], $0xffff  }
0x475: {  	v22 =	vld.idx.msk [tilespmem:v22+s16+$0x0], $0xffff;
	[tilespmem:s5+$0xFFFFF030] =	vst v26  }
0x476: {  	v25 =	vld.idx.msk [tilespmem:v25+s16+$0x0], $0xffff;
	[tilespmem:s5+$0xFFFFF040] =	vst v28  }
0x477: {  	v26 =	vld.idx.msk [tilespmem:v27+s16+$0x0], $0xffff;
	[tilespmem:s5+$0xFFFFF870] =	vst v23  }
0x478: {  	[tilespmem:s5+$0xFFFFF000] =	vst v30;
	v23 =	vld.idx.msk [tilespmem:v31+s16+$0x0], $0xffff  }
0x479: {  	v27 =	vld.idx.msk [tilespmem:v37+s16+$0x0], $0xffff;
	[tilespmem:s5+$0xFFFFF050] =	vst v21  }
0x47a: {  	v21 =	vld.idx.msk [tilespmem:v29+s16+$0x0], $0xffff;
	[tilespmem:s5+$0xFFFFF060] =	vst v24;
	v24 =	vadd.s32 $0x1388, v0  }
0x47b: {  	[tilespmem:s5+$0xFFFFF810] =	vst v22;
	v22 =	vld.idx.msk [tilespmem:v32+s16+$0x0], $0xffff  }
0x47c: {  	[tilespmem:s5+$0xFFFFF820] =	vst v25;
	v25 =	vld.idx.msk [tilespmem:v41+s16+$0x0], $0xffff  }
0x47d: {  	v28 =	vld.idx.msk [tilespmem:v39+s16+$0x0], $0xffff;
	[tilespmem:s5+$0xFFFFF830] =	vst v26  }
0x47e: {  	v26 =	vld.idx.msk [tilespmem:v42+s16+$0x0], $0xffff;
	[tilespmem:s5+$0x70] =	vst v23  }
0x47f: {  	[tilespmem:s5+$0xFFFFF800] =	vst v27;
	v23 =	vld.idx.msk [tilespmem:v24+s16+$0x0], $0xffff  }
0x480: {  	v24 =	vld.idx.msk [tilespmem:v38+s16+$0x0], $0xffff;
	[tilespmem:s5+$0xFFFFF840] =	vst v21  }
0x481: {  	v21 =	vld.idx.msk [tilespmem:v43+s16+$0x0], $0xffff;
	[tilespmem:s5+$0xFFFFF850] =	vst v22;
	v22 =	vadd.s32 $0x1770, v0  }
0x482: {  	v27 =	vld.idx.msk [tilespmem:v44+s16+$0x0], $0xffff;
	[tilespmem:s5+$0xFFFFF860] =	vst v25  }
0x483: {  	[tilespmem:s5+$0x10] =	vst v28;
	v25 =	vld.idx.msk [tilespmem:v46+s16+$0x0], $0xffff  }
0x484: {  	[tilespmem:s5+$0x20] =	vst v26;
	v26 =	vld.idx.msk [tilespmem:v47+s16+$0x0], $0xffff  }
0x485: {  	v28 =	vld.idx.msk [tilespmem:v50+s16+$0x0], $0xffff;
	[tilespmem:s5+$0x870] =	vst v23  }
0x486: {  	[tilespmem:s5+$0x0] =	vst v24;
	v22 =	vld.idx.msk [tilespmem:v22+s16+$0x0], $0xffff  }
0x487: {  	v15 =	vld.idx.msk [tilespmem:v15+s16+$0x0], $0xffff;
	[tilespmem:s5+$0x30] =	vst v21  }
0x488: {  	v0 =	vadd.s32 $0x1B58, v0;
	v19 =	vld.idx.msk [tilespmem:v19+s16+$0x0], $0xffff;
	[tilespmem:s5+$0x40] =	vst v27  }
0x489: {  	v17 =	vld.idx.msk [tilespmem:v17+s16+$0x0], $0xffff;
	[tilespmem:s5+$0x50] =	vst v25  }
0x48a: {  	v18 =	vld.idx.msk [tilespmem:v18+s16+$0x0], $0xffff;
	[tilespmem:s5+$0x60] =	vst v26  }
0x48b: {  	[tilespmem:s5+$0x810] =	vst v28;
	v16 =	vld.idx.msk [tilespmem:v16+s16+$0x0], $0xffff  }
0x48c: {  	v20 =	vld.idx.msk [tilespmem:v20+s16+$0x0], $0xffff;
	[tilespmem:s5+$0x1070] =	vst v22  }
0x48d: {  	[tilespmem:s5+$0x800] =	vst v15;
	v0 =	vld.idx.msk [tilespmem:v0+s16+$0x0], $0xffff  }
0x48e: {  	v13 =	vld.idx.msk [tilespmem:v13+s16+$0x0], $0xffff;
	[tilespmem:s5+$0x820] =	vst v19  }
0x48f: {  	v10 =	vld.idx.msk [tilespmem:v10+s16+$0x0], $0xffff;
	[tilespmem:s5+$0x830] =	vst v17  }
0x490: {  	v14 =	vld.idx.msk [tilespmem:v14+s16+$0x0], $0xffff;
	[tilespmem:s5+$0x840] =	vst v18  }
0x491: {  	v11 =	vld.idx.msk [tilespmem:v11+s16+$0x0], $0xffff;
	[tilespmem:s5+$0x850] =	vst v16  }
0x492: {  	v8 =	vld.idx.msk [tilespmem:v8+s16+$0x0], $0xffff;
	[tilespmem:s5+$0x860] =	vst v20  }
0x493: {  	v12 =	vld.idx.msk [tilespmem:v12+s16+$0x0], $0xffff;
	[tilespmem:s5+$0x1870] =	vst v0  }
0x494: {  	[tilespmem:s5+$0x1000] =	vst v13;
	v0 =	vld.idx.msk [tilespmem:v9+s16+$0x0], $0xffff  }
0x495: {  	v9 =	vld.idx.msk [tilespmem:v4+s16+$0x0], $0xffff;
	[tilespmem:s5+$0x1010] =	vst v10  }
0x496: {  	v4 =	vld.idx.msk [tilespmem:v7+s16+$0x0], $0xffff;
	[tilespmem:s5+$0x1020] =	vst v14  }
.Ltmp6:
0x497: {  	v5 =	vld.idx.msk [tilespmem:v5+s16+$0x0], $0xffff;
	[tilespmem:s5+$0x1030] =	vst v11;
	(pc) =	sbr.rel @p0 .LBB2_14-.Ltmp6, $4  }
0x498: {  	v2 =	vld.idx.msk [tilespmem:v2+s16+$0x0], $0xffff;
	[tilespmem:s5+$0x1040] =	vst v8  }
0x499: {  	v6 =	vld.idx.msk [tilespmem:v6+s16+$0x0], $0xffff;
	[tilespmem:s5+$0x1050] =	vst v12  }
0x49a: {  	v3 =	vld.idx.msk [tilespmem:v3+s16+$0x0], $0xffff;
	[tilespmem:s5+$0x1060] =	vst v0  }
0x49b: {  	s7 =	sadd.s32 $0x80, s7;
	[tilespmem:s5+$0x1800] =	vst v9;
	v1 =	vld.idx.msk [tilespmem:v1+s16+$0x0], $0xffff  }
0x49c: {  	[tilespmem:s5+$0x1810] =	vst v4  }
0x49d: {  	[tilespmem:s5+$0x1820] =	vst v5  }
0x49e: {  	[tilespmem:s5+$0x1830] =	vst v2  }
0x49f: {  	[tilespmem:s5+$0x1840] =	vst v6  }
0x4a0: {  	[tilespmem:s5+$0x1850] =	vst v3  }
0x4a1: {  	s4 =	sadd.s32 $0x1, s4;
	[tilespmem:s5+$0x1860] =	vst v1  }
0x4a2: {  	[hbm4b:s23+s30] =	stream.strided.scatter [tilespmem:s15], [sflag:$0x3], $0x4000, s31, s30, $0x38;
	[tilespmem:$0xCE80] =	vst v63  }
0x4a3: {  	p0 =	sne.s32 s4, s24;
	_ =	swait.ge [sflag:s2], $0x4000  }
.Ltmp7:
0x4a4: {  	[sflag:s2] =	ssyncset.done $0x0;
	(pc) =	sbr.rel @p0 .LBB2_1-.Ltmp7, $4  }
0x4a5: {  	[sflag:s2] =	ssyncadd.s32 $0xFFFFC000  }
0x4a6: {  	_ =	swait.ge [sflag:s3], $0x4000  }
0x4a7: {  	[sflag:s3] =	ssyncset.done $0x0  }
0x4a8: {  	[sflag:s3] =	ssyncadd.s32 $0xFFFFC000  }
0x4a9: {  	_ =	sfence.sel $0x180000  }
0x4aa: {  	[bflag:$0x0] =	sbarrier.arrive $0xFFFF  }
0x4ab: {  	_ =	strace $0x90000047  }
0x4ac: {  	s0 =	stileid.u32;
	[bflag:$0x2] =	sbarrier.arrive $0xFFFF  }
0x4ad: {  	p0 =	sne.s32 s0, $0x0;
	s0 =	rddreg [dreg:$0x2]  }
0x4ae: {  	s0 =	sadd.s32 @!p0 $0x100000, s0  }
0x4af: {  	[sflag:s0] =	ssyncadd.tile.s32 @!p0 $0x1;
	_ =	shalt  }
.Lfunc_end2:
_tile_overlayer_lowered:
.L_overlay_start_2:
0x4b0: {  	(tag) =	ssettag $0x2  }
0x4b1: {  	s0 =	rddreg [dreg:$0x0];
	s2 =	stileid.u32  }
0x4b2: {  	s1 =	rddreg [dreg:$0x1];
	p0 =	sne.s32 s2, $0x0  }
0x4b3: {  	s3 =	rddreg [dreg:$0x2];
	[bflag:$0x3] =	sbarrier.arrive $0xFFFF;
	s2 =	simm.s32 @!p0 $0x1C05  }
0x4b4: {  	[timem:s3], [sflag:s2] =	dma.local @!p0 [hbm:s0], s1  }
0x4b5: {  	s0 =	simm.s32 @!p0 $0x5  }
0x4b6: {  	_ =	swait.ge @!p0 [sflag:s0], s1  }
0x4b7: {  	s1 =	ssub.s32 @!p0 $0x0, s1;
	[sflag:s0] =	ssyncset.done @!p0 $0x0  }
0x4b8: {  	[sflag:s0] =	ssyncadd.s32 @!p0 s1  }
0x4b9: {  	[bflag:$0x3] =	sbarrier.arrive $0xFFFF  }
0x4ba: {  	_ =	shalt  }

</sc_bundles>
